<compile_context>
chip_gen: v7x
topology: tpu7x:2x2x1
jax: 0.10.2.dev20260603
libtpu: 0.0.44.dev20260713+nightly
codegen_flags: <defaults>
</compile_context>

<pallas_src>
import functools

import jax
import jax.numpy as jnp
from jax import lax
from jax.experimental import pallas as pl
from jax.experimental.pallas import tpu as pltpu
from jax.experimental.pallas import tpu_sc as plsc

N = 10000
NPA = 10240
D = 128
DH = D // 2
E = 320000
NS = 16
CHUNK = 128
NCH = 160
EP = NS * NCH * CHUNK
DEPTH = 4
NR = NCH // DEPTH
TRPT = N // NS
RPA = NPA // NS
ZRA = 128
BN = 1024
PAD_DST = N
PARTIAL = N - (N // ZRA) * ZRA


def _make_double_segsum():
    mesh = plsc.VectorSubcoreMesh(core_axis_name="c", subcore_axis_name="s")

    @functools.partial(
        pl.kernel,
        mesh=mesh,
        compiler_params=pltpu.CompilerParams(use_tc_tiling_on_sc=False),
        out_type=jax.ShapeDtypeStruct((2, NPA, DH), jnp.float32),
        scratch_types=[
            pltpu.VMEM((2, DEPTH, CHUNK), jnp.int32),
            pltpu.VMEM((2, DEPTH, CHUNK), jnp.int32),
            pltpu.VMEM((DH,), jnp.float32),
            pltpu.VMEM_SHARED((N, DH), jnp.float32),
            pltpu.VMEM_SHARED((NPA, DH), jnp.float32),
        ]
        + [pltpu.VMEM((CHUNK, DH), jnp.float32) for _ in range(DEPTH)]
        + [pltpu.SemaphoreType.DMA for _ in range(2 * DEPTH + 2)],
    )
    def seg_kernel(t_hbm, src_hbm, dst_hbm, b_hbm, out_hbm,
                   sbuf, dbuf, b_v, table, acc, *bufs_sems):
        bufs = bufs_sems[:DEPTH]
        gsem = bufs_sems[DEPTH:2 * DEPTH]
        ssem = bufs_sems[2 * DEPTH:3 * DEPTH]
        isem = bufs_sems[3 * DEPTH:]
        c = lax.axis_index("c")
        s = lax.axis_index("s")

        pltpu.sync_copy(b_hbm.at[c], b_v)
        pltpu.sync_copy(t_hbm.at[c, s], table.at[pl.ds(s * TRPT, TRPT)])

        def zfill(buf):
            def zrow(r, carry):
                for j in range(DH // 16):
                    buf[r, pl.ds(j * 16, 16)] = jnp.zeros((16,), jnp.float32)
                return carry
            lax.fori_loop(0, ZRA, zrow, 0)

        def zacc(q, carry):
            pltpu.sync_copy(bufs[0], acc.at[pl.ds(s * RPA + q * ZRA, ZRA)])
            return carry

        zfill(bufs[0])
        lax.fori_loop(0, RPA // ZRA, zacc, 0)
        plsc.subcore_barrier()

        def gathers(slot):
            for b in range(DEPTH):
                pltpu.async_copy(table.at[sbuf.at[slot, b]], bufs[b],
                                 gsem[b])

        def idx_load(r, slot):
            pltpu.async_copy(src_hbm.at[s, r], sbuf.at[slot], isem[slot])
            pltpu.async_copy(dst_hbm.at[s, r], dbuf.at[slot], isem[slot])

        def idx_wait(slot):
            pltpu.make_async_copy(src_hbm.at[s, 0], sbuf.at[slot],
                                  isem[slot]).wait()
            pltpu.make_async_copy(dst_hbm.at[s, 0], dbuf.at[slot],
                                  isem[slot]).wait()

        def scatters_then_gathers(slot, nslot, r_pref):
            for b in range(DEPTH):
                pltpu.make_async_copy(table.at[sbuf.at[slot, b]],
                                      bufs[b], gsem[b]).wait()
                pltpu.async_copy(bufs[b], acc.at[dbuf.at[slot, b]],
                                 ssem[b], add=True)
            idx_wait(nslot)
            for b in range(DEPTH):
                pltpu.make_async_copy(bufs[b], acc.at[dbuf.at[slot, b]],
                                      ssem[b]).wait()
            gathers(nslot)
            idx_load(r_pref, slot)

        def edge_pass():
            pltpu.sync_copy(src_hbm.at[s, 0], sbuf.at[0])
            pltpu.sync_copy(dst_hbm.at[s, 0], dbuf.at[0])
            idx_load(1, 1)
            gathers(0)

            def round_pair(k, carry):
                r0 = 2 * k
                scatters_then_gathers(0, 1, r0 + 2)
                scatters_then_gathers(1, 0, r0 + 3)
                return carry
            lax.fori_loop(0, NR // 2 - 1, round_pair, 0)

            for b in range(DEPTH):
                pltpu.make_async_copy(table.at[sbuf.at[0, b]],
                                      bufs[b], gsem[b]).wait()
                pltpu.async_copy(bufs[b], acc.at[dbuf.at[0, b]],
                                 ssem[b], add=True)
            idx_wait(1)
            for b in range(DEPTH):
                pltpu.make_async_copy(bufs[b], acc.at[dbuf.at[0, b]],
                                      ssem[b]).wait()
            gathers(1)
            for b in range(DEPTH):
                pltpu.make_async_copy(table.at[sbuf.at[1, b]],
                                      bufs[b], gsem[b]).wait()
                pltpu.async_copy(bufs[b], acc.at[dbuf.at[1, b]],
                                 ssem[b], add=True)
            for b in range(DEPTH):
                pltpu.make_async_copy(bufs[b], acc.at[dbuf.at[1, b]],
                                      ssem[b]).wait()

        edge_pass()
        plsc.subcore_barrier()

        zfill(bufs[1])

        def mid(q, carry):
            base = s * RPA + q * ZRA
            pltpu.sync_copy(acc.at[pl.ds(base, ZRA)], bufs[0])

            def hrow(r, carry2):
                for j in range(DH // 16):
                    sl = pl.ds(j * 16, 16)
                    bufs[0][r, sl] = jnp.maximum(bufs[0][r, sl] + b_v[sl],
                                                 0.0)
                return carry2
            lax.fori_loop(0, ZRA, hrow, 0)

            @pl.when(base + ZRA <= N)
            def _():
                pltpu.sync_copy(bufs[0], table.at[pl.ds(base, ZRA)])

            @pl.when(jnp.logical_and(base < N, base + ZRA > N))
            def _():
                pltpu.sync_copy(bufs[0].at[pl.ds(0, PARTIAL)],
                                table.at[pl.ds(N - PARTIAL, PARTIAL)])

            pltpu.sync_copy(bufs[1], acc.at[pl.ds(base, ZRA)])
            return carry
        lax.fori_loop(0, RPA // ZRA, mid, 0)
        plsc.subcore_barrier()

        edge_pass()
        plsc.subcore_barrier()

        pltpu.sync_copy(acc.at[pl.ds(s * RPA, RPA)],
                        out_hbm.at[c, pl.ds(s * RPA, RPA)])

    return seg_kernel


_double_segsum = _make_double_segsum()


def _matmul_pre(x, W):
    BNP = 1000

    def body(x_ref, w_ref, o_ref):
        t = jnp.dot(x_ref[...], w_ref[...],
                    preferred_element_type=jnp.float32)
        o_ref[0] = t[:, :DH]
        o_ref[1] = t[:, DH:]

    return pl.pallas_call(
        body,
        grid=(N // BNP,),
        in_specs=[
            pl.BlockSpec((BNP, D), lambda i: (i, 0)),
            pl.BlockSpec((D, D), lambda i: (0, 0)),
        ],
        out_specs=pl.BlockSpec((2, BNP, DH), lambda i: (0, i, 0)),
        out_shape=jax.ShapeDtypeStruct((2, N, DH), jnp.float32),
    )(x, W)


def _matmul_post(p, W, b):

    def body(p_ref, w_ref, b_ref, o_ref):
        agg = jnp.concatenate([p_ref[0], p_ref[1]], axis=-1)
        h = jnp.dot(agg, w_ref[...], preferred_element_type=jnp.float32)
        h = jnp.maximum(h + b_ref[...], 0.0)
        nrm = jnp.sqrt(jnp.sum(h * h, axis=-1, keepdims=True))
        o_ref[...] = h / jnp.maximum(nrm, 1e-12)

    BNO = 1000
    return pl.pallas_call(
        body,
        grid=(N // BNO,),
        in_specs=[
            pl.BlockSpec((2, BNO, DH), lambda i: (0, i, 0)),
            pl.BlockSpec((D, D), lambda i: (0, 0)),
            pl.BlockSpec((1, D), lambda i: (0, 0)),
        ],
        out_specs=pl.BlockSpec((BNO, D), lambda i: (i, 0)),
        out_shape=jax.ShapeDtypeStruct((N, D), jnp.float32),
    )(p, W, b)


def kernel(x, edge_index, W0, b0, W1, b1):
    pad = EP - E
    fill = jnp.concatenate(
        [jnp.zeros((1, pad), jnp.int32),
         jnp.full((1, pad), PAD_DST, jnp.int32)])
    ei = jnp.concatenate([edge_index, fill], axis=1)
    src_r = ei[0].reshape(NS, NR, DEPTH, CHUNK)
    dst_r = ei[1].reshape(NS, NR, DEPTH, CHUNK)
    b0h = b0.reshape(2, DH)
    b1r = b1.reshape(1, D)

    t0 = _matmul_pre(x, W0)
    t0r = t0.reshape(2, NS, TRPT, DH)
    p1 = _double_segsum(t0r, src_r, dst_r, b0h)
    return _matmul_post(p1, W1, b1r)

# --- scband reference (transcript-rebuilt; emitter-appended) ---
"""Pipeline reference for scband-gnnstack-stage-concat-54537494725195 (READ-ONLY COPY).

The authoritative reference and input builder live on the scoring server;
editing this copy changes nothing except your own understanding.
"""

import jax, jax.numpy as jnp
import numpy as np

N = 10000
E = 320000
D_IN = 128
D_OUT = 128

def setup_inputs(seed: int = 0):
    key = jax.random.key(seed)
    k = jax.random.split(key, 6)
    x = jax.random.normal(k[0], (N, D_IN), dtype=jnp.float32)
    edge_index = jax.random.randint(k[1], (2, E), 0, N, dtype=jnp.int32)
    s0 = 1.0 / np.sqrt(D_IN)
    s1 = 1.0 / np.sqrt(D_OUT)
    W0 = jax.random.uniform(k[2], (D_IN, D_OUT), jnp.float32, -s0, s0)
    b0 = jnp.zeros((D_OUT,), jnp.float32)
    W1 = jax.random.uniform(k[3], (D_OUT, D_OUT), jnp.float32, -s1, s1)
    b1 = jnp.zeros((D_OUT,), jnp.float32)
    return {"x": x, "edge_index": edge_index, "W0": W0, "b0": b0, "W1": W1, "b1": b1}

def _gnn_layer(x, src, dst, W, b):
    # message passing: gather messages from source nodes, scatter-add into dst nodes,
    # then linear transform + ReLU (GraphConv-style GNNLayer)
    msg = jnp.take(x, src, axis=0)
    agg = jax.ops.segment_sum(msg, dst, num_segments=N)
    return jax.nn.relu(agg @ W + b)

def reference(x, edge_index, W0, b0, W1, b1):
    src = edge_index[0]
    dst = edge_index[1]
    # layer 0
    h = _gnn_layer(x, src, dst, W0, b0)
    # layer 1 (stage_type='stack': no skip connections between layers)
    h = _gnn_layer(h, src, dst, W1, b1)
    # cfg.gnn.l2norm = True: F.normalize(x, p=2, dim=-1)
    norm = jnp.linalg.norm(h, axis=-1, keepdims=True)
    h = h / jnp.maximum(norm, 1e-12)
    return h

if __name__ == "__main__":
    import jax
    _d = setup_inputs()
    print(jax.jit(kernel)(*tuple(_d.values())))

</pallas_src>

<mosaic_0001>
#map = affine_map<(d0, d1) -> (0, 0, 0, 0)>
#map1 = affine_map<(d0, d1) -> (0, 0)>
#map2 = affine_map<(d0, d1) -> (0, 0, 0)>
module attributes {stable_mosaic.version = 14 : i64} {
  func.func @seg_kernel(%arg0: i32, %arg1: i32, %arg2: memref<2x16x625x64xf32, #tpu.memory_space<hbm>>, %arg3: memref<16x40x4x128xi32, #tpu.memory_space<hbm>>, %arg4: memref<16x40x4x128xi32, #tpu.memory_space<hbm>>, %arg5: memref<2x64xf32, #tpu.memory_space<hbm>>, %arg6: memref<2x10240x64xf32, #tpu.memory_space<hbm>>, %arg7: memref<2x4x128xi32, #tpu.memory_space<vmem>>, %arg8: memref<2x4x128xi32, #tpu.memory_space<vmem>>, %arg9: memref<64xf32, #tpu.memory_space<vmem>>, %arg10: memref<10000x64xf32, #tpu.memory_space<vmem_shared>>, %arg11: memref<10240x64xf32, #tpu.memory_space<vmem_shared>>, %arg12: memref<128x64xf32, #tpu.memory_space<vmem>>, %arg13: memref<128x64xf32, #tpu.memory_space<vmem>>, %arg14: memref<128x64xf32, #tpu.memory_space<vmem>>, %arg15: memref<128x64xf32, #tpu.memory_space<vmem>>, %arg16: memref<!tpu.dma_semaphore, #tpu.memory_space<semaphore_mem>>, %arg17: memref<!tpu.dma_semaphore, #tpu.memory_space<semaphore_mem>>, %arg18: memref<!tpu.dma_semaphore, #tpu.memory_space<semaphore_mem>>, %arg19: memref<!tpu.dma_semaphore, #tpu.memory_space<semaphore_mem>>, %arg20: memref<!tpu.dma_semaphore, #tpu.memory_space<semaphore_mem>>, %arg21: memref<!tpu.dma_semaphore, #tpu.memory_space<semaphore_mem>>, %arg22: memref<!tpu.dma_semaphore, #tpu.memory_space<semaphore_mem>>, %arg23: memref<!tpu.dma_semaphore, #tpu.memory_space<semaphore_mem>>, %arg24: memref<!tpu.dma_semaphore, #tpu.memory_space<semaphore_mem>>, %arg25: memref<!tpu.dma_semaphore, #tpu.memory_space<semaphore_mem>>) attributes {dimension_semantics = [#tpu.dimension_semantics<core_parallel>, #tpu.dimension_semantics<subcore_parallel>], iteration_bounds = array<i64: 2, 16>, scalar_prefetch = 0 : i64, scratch_operands = 19 : i64, tpu.core_type = #tpu.core_type<sc_vector_subcore>, window_params = [{transform_indices = #map}, {transform_indices = #map}, {transform_indices = #map}, {transform_indices = #map1}, {transform_indices = #map2}]} {
    "tpu.region"() ({
      %run_scoped3A_704 = tpu.sem_alloc : memref<!tpu.dma_semaphore, #tpu.memory_space<semaphore_mem>>
      %dma_start3A_705 = arith.constant 0 : i32
      %dma_start3A_706 = tpu.memref_slice %arg5[%arg0, %dma_start3A_705] : memref<2x64xf32, #tpu.memory_space<hbm>> -> memref<1x64xf32, #tpu.memory_space<hbm>>
      %dma_start3A_707 = tpu.memref_squeeze %dma_start3A_706 : memref<1x64xf32, #tpu.memory_space<hbm>> -> memref<64xf32, #tpu.memory_space<hbm>>
      %dma_start3A_708 = arith.constant 0 : i32
      %dma_start3A_709 = tpu.memref_slice %arg5[%arg0, %dma_start3A_708] : memref<2x64xf32, #tpu.memory_space<hbm>> -> memref<1x64xf32, #tpu.memory_space<hbm>>
      %dma_start3A_710 = tpu.memref_squeeze %dma_start3A_709 : memref<1x64xf32, #tpu.memory_space<hbm>> -> memref<64xf32, #tpu.memory_space<hbm>>
      tpu.enqueue_dma source(%dma_start3A_710 : memref<64xf32, #tpu.memory_space<hbm>>) target(%arg9 : memref<64xf32, #tpu.memory_space<vmem>>) target_semaphore(%run_scoped3A_704 : memref<!tpu.dma_semaphore, #tpu.memory_space<semaphore_mem>>)
      %dma_wait3A_711 = arith.constant 0 : i32
      %dma_wait3A_712 = tpu.memref_slice %arg5[%arg0, %dma_wait3A_711] : memref<2x64xf32, #tpu.memory_space<hbm>> -> memref<1x64xf32, #tpu.memory_space<hbm>>
      %dma_wait3A_713 = tpu.memref_squeeze %dma_wait3A_712 : memref<1x64xf32, #tpu.memory_space<hbm>> -> memref<64xf32, #tpu.memory_space<hbm>>
      %dma_wait3A_714 = arith.constant 0 : i32
      %dma_wait3A_715 = tpu.memref_slice %arg5[%arg0, %dma_wait3A_714] : memref<2x64xf32, #tpu.memory_space<hbm>> -> memref<1x64xf32, #tpu.memory_space<hbm>>
      %dma_wait3A_716 = tpu.memref_squeeze %dma_wait3A_715 : memref<1x64xf32, #tpu.memory_space<hbm>> -> memref<64xf32, #tpu.memory_space<hbm>>
      tpu.wait_dma2 semaphore(%run_scoped3A_704 : memref<!tpu.dma_semaphore, #tpu.memory_space<semaphore_mem>>) src(%dma_wait3A_716 : memref<64xf32, #tpu.memory_space<hbm>>) dst(%arg9 : memref<64xf32, #tpu.memory_space<vmem>>)
      tpu.yield
    }) : () -> ()
    %mul3A = arith.constant 625 : i32
    %mul3A_0 = arith.muli %arg1, %mul3A : i32
    "tpu.region"() ({
      %run_scoped3A_704 = tpu.sem_alloc : memref<!tpu.dma_semaphore, #tpu.memory_space<semaphore_mem>>
      %dma_start3A_705 = arith.constant 0 : i32
      %dma_start3A_706 = tpu.memref_slice %arg10[%mul3A_0, %dma_start3A_705] : memref<10000x64xf32, #tpu.memory_space<vmem_shared>> -> memref<625x64xf32, #tpu.memory_space<vmem_shared>>
      %dma_start3A_707 = arith.constant 0 : i32
      %dma_start3A_708 = arith.constant 0 : i32
      %dma_start3A_709 = tpu.memref_slice %arg2[%arg0, %arg1, %dma_start3A_707, %dma_start3A_708] : memref<2x16x625x64xf32, #tpu.memory_space<hbm>> -> memref<1x1x625x64xf32, #tpu.memory_space<hbm>>
      %dma_start3A_710 = tpu.memref_squeeze %dma_start3A_709 : memref<1x1x625x64xf32, #tpu.memory_space<hbm>> -> memref<625x64xf32, #tpu.memory_space<hbm>>
      tpu.enqueue_dma source(%dma_start3A_710 : memref<625x64xf32, #tpu.memory_space<hbm>>) target(%dma_start3A_706 : memref<625x64xf32, #tpu.memory_space<vmem_shared>>) target_semaphore(%run_scoped3A_704 : memref<!tpu.dma_semaphore, #tpu.memory_space<semaphore_mem>>)
      %dma_wait3A_711 = arith.constant 0 : i32
      %dma_wait3A_712 = tpu.memref_slice %arg10[%mul3A_0, %dma_wait3A_711] : memref<10000x64xf32, #tpu.memory_space<vmem_shared>> -> memref<625x64xf32, #tpu.memory_space<vmem_shared>>
      %dma_wait3A_713 = arith.constant 0 : i32
      %dma_wait3A_714 = arith.constant 0 : i32
      %dma_wait3A_715 = tpu.memref_slice %arg2[%arg0, %arg1, %dma_wait3A_713, %dma_wait3A_714] : memref<2x16x625x64xf32, #tpu.memory_space<hbm>> -> memref<1x1x625x64xf32, #tpu.memory_space<hbm>>
      %dma_wait3A_716 = tpu.memref_squeeze %dma_wait3A_715 : memref<1x1x625x64xf32, #tpu.memory_space<hbm>> -> memref<625x64xf32, #tpu.memory_space<hbm>>
      tpu.wait_dma2 semaphore(%run_scoped3A_704 : memref<!tpu.dma_semaphore, #tpu.memory_space<semaphore_mem>>) src(%dma_wait3A_716 : memref<625x64xf32, #tpu.memory_space<hbm>>) dst(%dma_wait3A_712 : memref<625x64xf32, #tpu.memory_space<vmem_shared>>)
      tpu.yield
    }) : () -> ()
    %scan3A = arith.constant 0 : i32
    %scan3A_1 = arith.constant 0 : i32
    %scan3A_2 = arith.constant 128 : i32
    %scan3A_3 = arith.addi %scan3A_1, %scan3A_2 : i32
    %scan3A_4 = arith.constant 1 : i32
    scf.for %scan3A_704 = %scan3A_1 to %scan3A_3 step %scan3A_4  : i32 {
      %broadcast_in_dim3A = arith.constant 0.000000e+00 : f32
      %broadcast_in_dim3A_705 = vector.broadcast %broadcast_in_dim3A : f32 to vector<16xf32>
      %swap3A = arith.index_cast %scan3A_704 : i32 to index
      %swap3A_706 = arith.constant 0 : index
      %swap3A_707 = tpu.vector_load %arg12[%swap3A, %swap3A_706] {strides = array<i32>} : memref<128x64xf32, #tpu.memory_space<vmem>>, vector<1x16xf32>,
      %swap3A_708 = vector.shape_cast %swap3A_707 : vector<1x16xf32> to vector<16xf32>
      %swap3A_709 = vector.shape_cast %broadcast_in_dim3A_705 : vector<16xf32> to vector<1x16xf32>
      tpu.vector_store %arg12[%swap3A, %swap3A_706], %swap3A_709 {strides = array<i32>} : memref<128x64xf32, #tpu.memory_space<vmem>>, vector<1x16xf32>,
      %broadcast_in_dim3A_710 = arith.constant 0.000000e+00 : f32
      %broadcast_in_dim3A_711 = vector.broadcast %broadcast_in_dim3A_710 : f32 to vector<16xf32>
      %swap3A_712 = arith.index_cast %scan3A_704 : i32 to index
      %swap3A_713 = arith.constant 16 : index
      %swap3A_714 = tpu.vector_load %arg12[%swap3A_712, %swap3A_713] {strides = array<i32>} : memref<128x64xf32, #tpu.memory_space<vmem>>, vector<1x16xf32>,
      %swap3A_715 = vector.shape_cast %swap3A_714 : vector<1x16xf32> to vector<16xf32>
      %swap3A_716 = vector.shape_cast %broadcast_in_dim3A_711 : vector<16xf32> to vector<1x16xf32>
      tpu.vector_store %arg12[%swap3A_712, %swap3A_713], %swap3A_716 {strides = array<i32>} : memref<128x64xf32, #tpu.memory_space<vmem>>, vector<1x16xf32>,
      %broadcast_in_dim3A_717 = arith.constant 0.000000e+00 : f32
      %broadcast_in_dim3A_718 = vector.broadcast %broadcast_in_dim3A_717 : f32 to vector<16xf32>
      %swap3A_719 = arith.index_cast %scan3A_704 : i32 to index
      %swap3A_720 = arith.constant 32 : index
      %swap3A_721 = tpu.vector_load %arg12[%swap3A_719, %swap3A_720] {strides = array<i32>} : memref<128x64xf32, #tpu.memory_space<vmem>>, vector<1x16xf32>,
      %swap3A_722 = vector.shape_cast %swap3A_721 : vector<1x16xf32> to vector<16xf32>
      %swap3A_723 = vector.shape_cast %broadcast_in_dim3A_718 : vector<16xf32> to vector<1x16xf32>
      tpu.vector_store %arg12[%swap3A_719, %swap3A_720], %swap3A_723 {strides = array<i32>} : memref<128x64xf32, #tpu.memory_space<vmem>>, vector<1x16xf32>,
      %broadcast_in_dim3A_724 = arith.constant 0.000000e+00 : f32
      %broadcast_in_dim3A_725 = vector.broadcast %broadcast_in_dim3A_724 : f32 to vector<16xf32>
      %swap3A_726 = arith.index_cast %scan3A_704 : i32 to index
      %swap3A_727 = arith.constant 48 : index
      %swap3A_728 = tpu.vector_load %arg12[%swap3A_726, %swap3A_727] {strides = array<i32>} : memref<128x64xf32, #tpu.memory_space<vmem>>, vector<1x16xf32>,
      %swap3A_729 = vector.shape_cast %swap3A_728 : vector<1x16xf32> to vector<16xf32>
      %swap3A_730 = vector.shape_cast %broadcast_in_dim3A_725 : vector<16xf32> to vector<1x16xf32>
      tpu.vector_store %arg12[%swap3A_726, %swap3A_727], %swap3A_730 {strides = array<i32>} : memref<128x64xf32, #tpu.memory_space<vmem>>, vector<1x16xf32>,
    }
    %scan3A_5 = arith.constant 128 : i32
    %scan3A_6 = arith.constant 0 : i32
    %scan3A_7 = arith.constant 0 : i32
    %scan3A_8 = arith.constant 5 : i32
    %scan3A_9 = arith.addi %scan3A_7, %scan3A_8 : i32
    %scan3A_10 = arith.constant 1 : i32
    scf.for %scan3A_704 = %scan3A_7 to %scan3A_9 step %scan3A_10  : i32 {
      %mul3A_705 = arith.constant 640 : i32
      %mul3A_706 = arith.muli %arg1, %mul3A_705 : i32
      %mul3A_707 = arith.constant 128 : i32
      %mul3A_708 = arith.muli %scan3A_704, %mul3A_707 : i32
      %add3A = arith.addi %mul3A_706, %mul3A_708 : i32
      "tpu.region"() ({
        %run_scoped3A_709 = tpu.sem_alloc : memref<!tpu.dma_semaphore, #tpu.memory_space<semaphore_mem>>
        %dma_start3A_710 = arith.constant 0 : i32
        %dma_start3A_711 = tpu.memref_slice %arg11[%add3A, %dma_start3A_710] : memref<10240x64xf32, #tpu.memory_space<vmem_shared>> -> memref<128x64xf32, #tpu.memory_space<vmem_shared>>
        %dma_start3A_712 = arith.constant 0 : i32
        %dma_start3A_713 = tpu.memref_slice %arg11[%add3A, %dma_start3A_712] : memref<10240x64xf32, #tpu.memory_space<vmem_shared>> -> memref<128x64xf32, #tpu.memory_space<vmem_shared>>
        tpu.enqueue_dma source(%arg12 : memref<128x64xf32, #tpu.memory_space<vmem>>) target(%dma_start3A_713 : memref<128x64xf32, #tpu.memory_space<vmem_shared>>) target_semaphore(%run_scoped3A_709 : memref<!tpu.dma_semaphore, #tpu.memory_space<semaphore_mem>>)
        %dma_wait3A_714 = arith.constant 0 : i32
        %dma_wait3A_715 = tpu.memref_slice %arg11[%add3A, %dma_wait3A_714] : memref<10240x64xf32, #tpu.memory_space<vmem_shared>> -> memref<128x64xf32, #tpu.memory_space<vmem_shared>>
        %dma_wait3A_716 = arith.constant 0 : i32
        %dma_wait3A_717 = tpu.memref_slice %arg11[%add3A, %dma_wait3A_716] : memref<10240x64xf32, #tpu.memory_space<vmem_shared>> -> memref<128x64xf32, #tpu.memory_space<vmem_shared>>
        tpu.wait_dma2 semaphore(%run_scoped3A_709 : memref<!tpu.dma_semaphore, #tpu.memory_space<semaphore_mem>>) src(%arg12 : memref<128x64xf32, #tpu.memory_space<vmem>>) dst(%dma_wait3A_717 : memref<128x64xf32, #tpu.memory_space<vmem_shared>>)
        tpu.yield
      }) : () -> ()
    }
    %scan3A_11 = arith.constant 5 : i32
    %barrier3A = arith.constant 0 : index
    tpu.barrier barrier_id(%barrier3A)
    %run_scoped3A = arith.constant 0 : i32
    %run_scoped3A_12 = arith.constant 0 : i32
    "tpu.region"() ({
      %run_scoped3A_704 = tpu.sem_alloc : memref<!tpu.dma_semaphore, #tpu.memory_space<semaphore_mem>>
      %dma_start3A_705 = arith.constant 0 : i32
      %dma_start3A_706 = arith.constant 0 : i32
      %dma_start3A_707 = tpu.memref_slice %arg7[%run_scoped3A_12, %dma_start3A_705, %dma_start3A_706] : memref<2x4x128xi32, #tpu.memory_space<vmem>> -> memref<1x4x128xi32, #tpu.memory_space<vmem>>
      %dma_start3A_708 = tpu.memref_squeeze %dma_start3A_707 : memref<1x4x128xi32, #tpu.memory_space<vmem>> -> memref<4x128xi32, #tpu.memory_space<vmem>>
      %dma_start3A_709 = arith.constant 0 : i32
      %dma_start3A_710 = arith.constant 0 : i32
      %dma_start3A_711 = tpu.memref_slice %arg3[%arg1, %run_scoped3A, %dma_start3A_709, %dma_start3A_710] : memref<16x40x4x128xi32, #tpu.memory_space<hbm>> -> memref<1x1x4x128xi32, #tpu.memory_space<hbm>>
      %dma_start3A_712 = tpu.memref_squeeze %dma_start3A_711 : memref<1x1x4x128xi32, #tpu.memory_space<hbm>> -> memref<4x128xi32, #tpu.memory_space<hbm>>
      %dma_start3A_713 = arith.constant 0 : i32
      %dma_start3A_714 = arith.constant 0 : i32
      %dma_start3A_715 = tpu.memref_slice %arg7[%run_scoped3A_12, %dma_start3A_713, %dma_start3A_714] : memref<2x4x128xi32, #tpu.memory_space<vmem>> -> memref<1x4x128xi32, #tpu.memory_space<vmem>>
      %dma_start3A_716 = tpu.memref_squeeze %dma_start3A_715 : memref<1x4x128xi32, #tpu.memory_space<vmem>> -> memref<4x128xi32, #tpu.memory_space<vmem>>
      %dma_start3A_717 = arith.constant 0 : i32
      %dma_start3A_718 = arith.constant 0 : i32
      %dma_start3A_719 = tpu.memref_slice %arg3[%arg1, %run_scoped3A, %dma_start3A_717, %dma_start3A_718] : memref<16x40x4x128xi32, #tpu.memory_space<hbm>> -> memref<1x1x4x128xi32, #tpu.memory_space<hbm>>
      %dma_start3A_720 = tpu.memref_squeeze %dma_start3A_719 : memref<1x1x4x128xi32, #tpu.memory_space<hbm>> -> memref<4x128xi32, #tpu.memory_space<hbm>>
      tpu.enqueue_dma source(%dma_start3A_720 : memref<4x128xi32, #tpu.memory_space<hbm>>) target(%dma_start3A_716 : memref<4x128xi32, #tpu.memory_space<vmem>>) target_semaphore(%run_scoped3A_704 : memref<!tpu.dma_semaphore, #tpu.memory_space<semaphore_mem>>)
      %dma_wait3A_721 = arith.constant 0 : i32
      %dma_wait3A_722 = arith.constant 0 : i32
      %dma_wait3A_723 = tpu.memref_slice %arg7[%run_scoped3A_12, %dma_wait3A_721, %dma_wait3A_722] : memref<2x4x128xi32, #tpu.memory_space<vmem>> -> memref<1x4x128xi32, #tpu.memory_space<vmem>>
      %dma_wait3A_724 = tpu.memref_squeeze %dma_wait3A_723 : memref<1x4x128xi32, #tpu.memory_space<vmem>> -> memref<4x128xi32, #tpu.memory_space<vmem>>
      %dma_wait3A_725 = arith.constant 0 : i32
      %dma_wait3A_726 = arith.constant 0 : i32
      %dma_wait3A_727 = tpu.memref_slice %arg3[%arg1, %run_scoped3A, %dma_wait3A_725, %dma_wait3A_726] : memref<16x40x4x128xi32, #tpu.memory_space<hbm>> -> memref<1x1x4x128xi32, #tpu.memory_space<hbm>>
      %dma_wait3A_728 = tpu.memref_squeeze %dma_wait3A_727 : memref<1x1x4x128xi32, #tpu.memory_space<hbm>> -> memref<4x128xi32, #tpu.memory_space<hbm>>
      %dma_wait3A_729 = arith.constant 0 : i32
      %dma_wait3A_730 = arith.constant 0 : i32
      %dma_wait3A_731 = tpu.memref_slice %arg7[%run_scoped3A_12, %dma_wait3A_729, %dma_wait3A_730] : memref<2x4x128xi32, #tpu.memory_space<vmem>> -> memref<1x4x128xi32, #tpu.memory_space<vmem>>
      %dma_wait3A_732 = tpu.memref_squeeze %dma_wait3A_731 : memref<1x4x128xi32, #tpu.memory_space<vmem>> -> memref<4x128xi32, #tpu.memory_space<vmem>>
      %dma_wait3A_733 = arith.constant 0 : i32
      %dma_wait3A_734 = arith.constant 0 : i32
      %dma_wait3A_735 = tpu.memref_slice %arg3[%arg1, %run_scoped3A, %dma_wait3A_733, %dma_wait3A_734] : memref<16x40x4x128xi32, #tpu.memory_space<hbm>> -> memref<1x1x4x128xi32, #tpu.memory_space<hbm>>
      %dma_wait3A_736 = tpu.memref_squeeze %dma_wait3A_735 : memref<1x1x4x128xi32, #tpu.memory_space<hbm>> -> memref<4x128xi32, #tpu.memory_space<hbm>>
      tpu.wait_dma2 semaphore(%run_scoped3A_704 : memref<!tpu.dma_semaphore, #tpu.memory_space<semaphore_mem>>) src(%dma_wait3A_736 : memref<4x128xi32, #tpu.memory_space<hbm>>) dst(%dma_wait3A_732 : memref<4x128xi32, #tpu.memory_space<vmem>>)
      tpu.yield
    }) : () -> ()
    %run_scoped3A_13 = arith.constant 0 : i32
    %run_scoped3A_14 = arith.constant 0 : i32
    "tpu.region"() ({
      %run_scoped3A_704 = tpu.sem_alloc : memref<!tpu.dma_semaphore, #tpu.memory_space<semaphore_mem>>
      %dma_start3A_705 = arith.constant 0 : i32
      %dma_start3A_706 = arith.constant 0 : i32
      %dma_start3A_707 = tpu.memref_slice %arg8[%run_scoped3A_14, %dma_start3A_705, %dma_start3A_706] : memref<2x4x128xi32, #tpu.memory_space<vmem>> -> memref<1x4x128xi32, #tpu.memory_space<vmem>>
      %dma_start3A_708 = tpu.memref_squeeze %dma_start3A_707 : memref<1x4x128xi32, #tpu.memory_space<vmem>> -> memref<4x128xi32, #tpu.memory_space<vmem>>
      %dma_start3A_709 = arith.constant 0 : i32
      %dma_start3A_710 = arith.constant 0 : i32
      %dma_start3A_711 = tpu.memref_slice %arg4[%arg1, %run_scoped3A_13, %dma_start3A_709, %dma_start3A_710] : memref<16x40x4x128xi32, #tpu.memory_space<hbm>> -> memref<1x1x4x128xi32, #tpu.memory_space<hbm>>
      %dma_start3A_712 = tpu.memref_squeeze %dma_start3A_711 : memref<1x1x4x128xi32, #tpu.memory_space<hbm>> -> memref<4x128xi32, #tpu.memory_space<hbm>>
      %dma_start3A_713 = arith.constant 0 : i32
      %dma_start3A_714 = arith.constant 0 : i32
      %dma_start3A_715 = tpu.memref_slice %arg8[%run_scoped3A_14, %dma_start3A_713, %dma_start3A_714] : memref<2x4x128xi32, #tpu.memory_space<vmem>> -> memref<1x4x128xi32, #tpu.memory_space<vmem>>
      %dma_start3A_716 = tpu.memref_squeeze %dma_start3A_715 : memref<1x4x128xi32, #tpu.memory_space<vmem>> -> memref<4x128xi32, #tpu.memory_space<vmem>>
      %dma_start3A_717 = arith.constant 0 : i32
      %dma_start3A_718 = arith.constant 0 : i32
      %dma_start3A_719 = tpu.memref_slice %arg4[%arg1, %run_scoped3A_13, %dma_start3A_717, %dma_start3A_718] : memref<16x40x4x128xi32, #tpu.memory_space<hbm>> -> memref<1x1x4x128xi32, #tpu.memory_space<hbm>>
      %dma_start3A_720 = tpu.memref_squeeze %dma_start3A_719 : memref<1x1x4x128xi32, #tpu.memory_space<hbm>> -> memref<4x128xi32, #tpu.memory_space<hbm>>
      tpu.enqueue_dma source(%dma_start3A_720 : memref<4x128xi32, #tpu.memory_space<hbm>>) target(%dma_start3A_716 : memref<4x128xi32, #tpu.memory_space<vmem>>) target_semaphore(%run_scoped3A_704 : memref<!tpu.dma_semaphore, #tpu.memory_space<semaphore_mem>>)
      %dma_wait3A_721 = arith.constant 0 : i32
      %dma_wait3A_722 = arith.constant 0 : i32
      %dma_wait3A_723 = tpu.memref_slice %arg8[%run_scoped3A_14, %dma_wait3A_721, %dma_wait3A_722] : memref<2x4x128xi32, #tpu.memory_space<vmem>> -> memref<1x4x128xi32, #tpu.memory_space<vmem>>
      %dma_wait3A_724 = tpu.memref_squeeze %dma_wait3A_723 : memref<1x4x128xi32, #tpu.memory_space<vmem>> -> memref<4x128xi32, #tpu.memory_space<vmem>>
      %dma_wait3A_725 = arith.constant 0 : i32
      %dma_wait3A_726 = arith.constant 0 : i32
      %dma_wait3A_727 = tpu.memref_slice %arg4[%arg1, %run_scoped3A_13, %dma_wait3A_725, %dma_wait3A_726] : memref<16x40x4x128xi32, #tpu.memory_space<hbm>> -> memref<1x1x4x128xi32, #tpu.memory_space<hbm>>
      %dma_wait3A_728 = tpu.memref_squeeze %dma_wait3A_727 : memref<1x1x4x128xi32, #tpu.memory_space<hbm>> -> memref<4x128xi32, #tpu.memory_space<hbm>>
      %dma_wait3A_729 = arith.constant 0 : i32
      %dma_wait3A_730 = arith.constant 0 : i32
      %dma_wait3A_731 = tpu.memref_slice %arg8[%run_scoped3A_14, %dma_wait3A_729, %dma_wait3A_730] : memref<2x4x128xi32, #tpu.memory_space<vmem>> -> memref<1x4x128xi32, #tpu.memory_space<vmem>>
      %dma_wait3A_732 = tpu.memref_squeeze %dma_wait3A_731 : memref<1x4x128xi32, #tpu.memory_space<vmem>> -> memref<4x128xi32, #tpu.memory_space<vmem>>
      %dma_wait3A_733 = arith.constant 0 : i32
      %dma_wait3A_734 = arith.constant 0 : i32
      %dma_wait3A_735 = tpu.memref_slice %arg4[%arg1, %run_scoped3A_13, %dma_wait3A_733, %dma_wait3A_734] : memref<16x40x4x128xi32, #tpu.memory_space<hbm>> -> memref<1x1x4x128xi32, #tpu.memory_space<hbm>>
      %dma_wait3A_736 = tpu.memref_squeeze %dma_wait3A_735 : memref<1x1x4x128xi32, #tpu.memory_space<hbm>> -> memref<4x128xi32, #tpu.memory_space<hbm>>
      tpu.wait_dma2 semaphore(%run_scoped3A_704 : memref<!tpu.dma_semaphore, #tpu.memory_space<semaphore_mem>>) src(%dma_wait3A_736 : memref<4x128xi32, #tpu.memory_space<hbm>>) dst(%dma_wait3A_732 : memref<4x128xi32, #tpu.memory_space<vmem>>)
      tpu.yield
    }) : () -> ()
    %dma_start3A = arith.constant 1 : i32
    %dma_start3A_15 = arith.constant 1 : i32
    %dma_start3A_16 = arith.constant 0 : i32
    %dma_start3A_17 = arith.constant 0 : i32
    %dma_start3A_18 = tpu.memref_slice %arg7[%dma_start3A_15, %dma_start3A_16, %dma_start3A_17] : memref<2x4x128xi32, #tpu.memory_space<vmem>> -> memref<1x4x128xi32, #tpu.memory_space<vmem>>
    %dma_start3A_19 = tpu.memref_squeeze %dma_start3A_18 : memref<1x4x128xi32, #tpu.memory_space<vmem>> -> memref<4x128xi32, #tpu.memory_space<vmem>>
    %dma_start3A_20 = arith.constant 0 : i32
    %dma_start3A_21 = arith.constant 0 : i32
    %dma_start3A_22 = tpu.memref_slice %arg3[%arg1, %dma_start3A, %dma_start3A_20, %dma_start3A_21] : memref<16x40x4x128xi32, #tpu.memory_space<hbm>> -> memref<1x1x4x128xi32, #tpu.memory_space<hbm>>
    %dma_start3A_23 = tpu.memref_squeeze %dma_start3A_22 : memref<1x1x4x128xi32, #tpu.memory_space<hbm>> -> memref<4x128xi32, #tpu.memory_space<hbm>>
    %dma_start3A_24 = arith.constant 0 : i32
    %dma_start3A_25 = arith.constant 0 : i32
    %dma_start3A_26 = tpu.memref_slice %arg7[%dma_start3A_15, %dma_start3A_24, %dma_start3A_25] : memref<2x4x128xi32, #tpu.memory_space<vmem>> -> memref<1x4x128xi32, #tpu.memory_space<vmem>>
    %dma_start3A_27 = tpu.memref_squeeze %dma_start3A_26 : memref<1x4x128xi32, #tpu.memory_space<vmem>> -> memref<4x128xi32, #tpu.memory_space<vmem>>
    %dma_start3A_28 = arith.constant 0 : i32
    %dma_start3A_29 = arith.constant 0 : i32
    %dma_start3A_30 = tpu.memref_slice %arg3[%arg1, %dma_start3A, %dma_start3A_28, %dma_start3A_29] : memref<16x40x4x128xi32, #tpu.memory_space<hbm>> -> memref<1x1x4x128xi32, #tpu.memory_space<hbm>>
    %dma_start3A_31 = tpu.memref_squeeze %dma_start3A_30 : memref<1x1x4x128xi32, #tpu.memory_space<hbm>> -> memref<4x128xi32, #tpu.memory_space<hbm>>
    tpu.enqueue_dma source(%dma_start3A_31 : memref<4x128xi32, #tpu.memory_space<hbm>>) target(%dma_start3A_27 : memref<4x128xi32, #tpu.memory_space<vmem>>) target_semaphore(%arg25 : memref<!tpu.dma_semaphore, #tpu.memory_space<semaphore_mem>>)
    %dma_start3A_32 = arith.constant 1 : i32
    %dma_start3A_33 = arith.constant 1 : i32
    %dma_start3A_34 = arith.constant 0 : i32
    %dma_start3A_35 = arith.constant 0 : i32
    %dma_start3A_36 = tpu.memref_slice %arg8[%dma_start3A_33, %dma_start3A_34, %dma_start3A_35] : memref<2x4x128xi32, #tpu.memory_space<vmem>> -> memref<1x4x128xi32, #tpu.memory_space<vmem>>
    %dma_start3A_37 = tpu.memref_squeeze %dma_start3A_36 : memref<1x4x128xi32, #tpu.memory_space<vmem>> -> memref<4x128xi32, #tpu.memory_space<vmem>>
    %dma_start3A_38 = arith.constant 0 : i32
    %dma_start3A_39 = arith.constant 0 : i32
    %dma_start3A_40 = tpu.memref_slice %arg4[%arg1, %dma_start3A_32, %dma_start3A_38, %dma_start3A_39] : memref<16x40x4x128xi32, #tpu.memory_space<hbm>> -> memref<1x1x4x128xi32, #tpu.memory_space<hbm>>
    %dma_start3A_41 = tpu.memref_squeeze %dma_start3A_40 : memref<1x1x4x128xi32, #tpu.memory_space<hbm>> -> memref<4x128xi32, #tpu.memory_space<hbm>>
    %dma_start3A_42 = arith.constant 0 : i32
    %dma_start3A_43 = arith.constant 0 : i32
    %dma_start3A_44 = tpu.memref_slice %arg8[%dma_start3A_33, %dma_start3A_42, %dma_start3A_43] : memref<2x4x128xi32, #tpu.memory_space<vmem>> -> memref<1x4x128xi32, #tpu.memory_space<vmem>>
    %dma_start3A_45 = tpu.memref_squeeze %dma_start3A_44 : memref<1x4x128xi32, #tpu.memory_space<vmem>> -> memref<4x128xi32, #tpu.memory_space<vmem>>
    %dma_start3A_46 = arith.constant 0 : i32
    %dma_start3A_47 = arith.constant 0 : i32
    %dma_start3A_48 = tpu.memref_slice %arg4[%arg1, %dma_start3A_32, %dma_start3A_46, %dma_start3A_47] : memref<16x40x4x128xi32, #tpu.memory_space<hbm>> -> memref<1x1x4x128xi32, #tpu.memory_space<hbm>>
    %dma_start3A_49 = tpu.memref_squeeze %dma_start3A_48 : memref<1x1x4x128xi32, #tpu.memory_space<hbm>> -> memref<4x128xi32, #tpu.memory_space<hbm>>
    tpu.enqueue_dma source(%dma_start3A_49 : memref<4x128xi32, #tpu.memory_space<hbm>>) target(%dma_start3A_45 : memref<4x128xi32, #tpu.memory_space<vmem>>) target_semaphore(%arg25 : memref<!tpu.dma_semaphore, #tpu.memory_space<semaphore_mem>>)
    %dma_start3A_50 = arith.constant 0 : i32
    %dma_start3A_51 = arith.constant 0 : i32
    %dma_start3A_52 = arith.constant 0 : i32
    %dma_start3A_53 = tpu.memref_slice %arg7[%dma_start3A_50, %dma_start3A_51, %dma_start3A_52] : memref<2x4x128xi32, #tpu.memory_space<vmem>> -> memref<1x1x128xi32, #tpu.memory_space<vmem>>
    %dma_start3A_54 = tpu.memref_squeeze %dma_start3A_53 : memref<1x1x128xi32, #tpu.memory_space<vmem>> -> memref<128xi32, #tpu.memory_space<vmem>>
    %dma_start3A_55 = arith.constant 0 : i32
    %dma_start3A_56 = arith.constant 0 : i32
    %dma_start3A_57 = tpu.memref_slice %arg10[%dma_start3A_55, %dma_start3A_56] : memref<10000x64xf32, #tpu.memory_space<vmem_shared>> -> memref<10000x64xf32, #tpu.memory_space<vmem_shared>>
    tpu.enqueue_indirect_dma source(%dma_start3A_57 : memref<10000x64xf32, #tpu.memory_space<vmem_shared>>) target(%arg12 : memref<128x64xf32, #tpu.memory_space<vmem>>) offsets(%dma_start3A_54 : memref<128xi32, #tpu.memory_space<vmem>>) semaphore(%arg16 : memref<!tpu.dma_semaphore, #tpu.memory_space<semaphore_mem>>)
    %dma_start3A_58 = arith.constant 0 : i32
    %dma_start3A_59 = arith.constant 1 : i32
    %dma_start3A_60 = arith.constant 0 : i32
    %dma_start3A_61 = tpu.memref_slice %arg7[%dma_start3A_58, %dma_start3A_59, %dma_start3A_60] : memref<2x4x128xi32, #tpu.memory_space<vmem>> -> memref<1x1x128xi32, #tpu.memory_space<vmem>>
    %dma_start3A_62 = tpu.memref_squeeze %dma_start3A_61 : memref<1x1x128xi32, #tpu.memory_space<vmem>> -> memref<128xi32, #tpu.memory_space<vmem>>
    %dma_start3A_63 = arith.constant 0 : i32
    %dma_start3A_64 = arith.constant 0 : i32
    %dma_start3A_65 = tpu.memref_slice %arg10[%dma_start3A_63, %dma_start3A_64] : memref<10000x64xf32, #tpu.memory_space<vmem_shared>> -> memref<10000x64xf32, #tpu.memory_space<vmem_shared>>
    tpu.enqueue_indirect_dma source(%dma_start3A_65 : memref<10000x64xf32, #tpu.memory_space<vmem_shared>>) target(%arg13 : memref<128x64xf32, #tpu.memory_space<vmem>>) offsets(%dma_start3A_62 : memref<128xi32, #tpu.memory_space<vmem>>) semaphore(%arg17 : memref<!tpu.dma_semaphore, #tpu.memory_space<semaphore_mem>>)
    %dma_start3A_66 = arith.constant 0 : i32
    %dma_start3A_67 = arith.constant 2 : i32
    %dma_start3A_68 = arith.constant 0 : i32
    %dma_start3A_69 = tpu.memref_slice %arg7[%dma_start3A_66, %dma_start3A_67, %dma_start3A_68] : memref<2x4x128xi32, #tpu.memory_space<vmem>> -> memref<1x1x128xi32, #tpu.memory_space<vmem>>
    %dma_start3A_70 = tpu.memref_squeeze %dma_start3A_69 : memref<1x1x128xi32, #tpu.memory_space<vmem>> -> memref<128xi32, #tpu.memory_space<vmem>>
    %dma_start3A_71 = arith.constant 0 : i32
    %dma_start3A_72 = arith.constant 0 : i32
    %dma_start3A_73 = tpu.memref_slice %arg10[%dma_start3A_71, %dma_start3A_72] : memref<10000x64xf32, #tpu.memory_space<vmem_shared>> -> memref<10000x64xf32, #tpu.memory_space<vmem_shared>>
    tpu.enqueue_indirect_dma source(%dma_start3A_73 : memref<10000x64xf32, #tpu.memory_space<vmem_shared>>) target(%arg14 : memref<128x64xf32, #tpu.memory_space<vmem>>) offsets(%dma_start3A_70 : memref<128xi32, #tpu.memory_space<vmem>>) semaphore(%arg18 : memref<!tpu.dma_semaphore, #tpu.memory_space<semaphore_mem>>)
    %dma_start3A_74 = arith.constant 0 : i32
    %dma_start3A_75 = arith.constant 3 : i32
    %dma_start3A_76 = arith.constant 0 : i32
    %dma_start3A_77 = tpu.memref_slice %arg7[%dma_start3A_74, %dma_start3A_75, %dma_start3A_76] : memref<2x4x128xi32, #tpu.memory_space<vmem>> -> memref<1x1x128xi32, #tpu.memory_space<vmem>>
    %dma_start3A_78 = tpu.memref_squeeze %dma_start3A_77 : memref<1x1x128xi32, #tpu.memory_space<vmem>> -> memref<128xi32, #tpu.memory_space<vmem>>
    %dma_start3A_79 = arith.constant 0 : i32
    %dma_start3A_80 = arith.constant 0 : i32
    %dma_start3A_81 = tpu.memref_slice %arg10[%dma_start3A_79, %dma_start3A_80] : memref<10000x64xf32, #tpu.memory_space<vmem_shared>> -> memref<10000x64xf32, #tpu.memory_space<vmem_shared>>
    tpu.enqueue_indirect_dma source(%dma_start3A_81 : memref<10000x64xf32, #tpu.memory_space<vmem_shared>>) target(%arg15 : memref<128x64xf32, #tpu.memory_space<vmem>>) offsets(%dma_start3A_78 : memref<128xi32, #tpu.memory_space<vmem>>) semaphore(%arg19 : memref<!tpu.dma_semaphore, #tpu.memory_space<semaphore_mem>>)
    %scan3A_82 = arith.constant 0 : i32
    %scan3A_83 = arith.constant 0 : i32
    %scan3A_84 = arith.constant 19 : i32
    %scan3A_85 = arith.addi %scan3A_83, %scan3A_84 : i32
    %scan3A_86 = arith.constant 1 : i32
    scf.for %scan3A_704 = %scan3A_83 to %scan3A_85 step %scan3A_86  : i32 {
      %mul3A_705 = arith.constant 2 : i32
      %mul3A_706 = arith.muli %mul3A_705, %scan3A_704 : i32
      %add3A = arith.constant 2 : i32
      %add3A_707 = arith.addi %mul3A_706, %add3A : i32
      %dma_wait3A_708 = arith.constant 0 : i32
      %dma_wait3A_709 = arith.constant 0 : i32
      %dma_wait3A_710 = arith.constant 0 : i32
      %dma_wait3A_711 = tpu.memref_slice %arg7[%dma_wait3A_708, %dma_wait3A_709, %dma_wait3A_710] : memref<2x4x128xi32, #tpu.memory_space<vmem>> -> memref<1x1x128xi32, #tpu.memory_space<vmem>>
      %dma_wait3A_712 = tpu.memref_squeeze %dma_wait3A_711 : memref<1x1x128xi32, #tpu.memory_space<vmem>> -> memref<128xi32, #tpu.memory_space<vmem>>
      %dma_wait3A_713 = arith.constant 0 : i32
      %dma_wait3A_714 = arith.constant 0 : i32
      %dma_wait3A_715 = tpu.memref_slice %arg10[%dma_wait3A_713, %dma_wait3A_714] : memref<10000x64xf32, #tpu.memory_space<vmem_shared>> -> memref<10000x64xf32, #tpu.memory_space<vmem_shared>>
      tpu.wait_indirect_dma semaphore(%arg16 : memref<!tpu.dma_semaphore, #tpu.memory_space<semaphore_mem>>) src(%dma_wait3A_715 : memref<10000x64xf32, #tpu.memory_space<vmem_shared>>) dst(%arg12 : memref<128x64xf32, #tpu.memory_space<vmem>>)
      %dma_start3A_716 = arith.constant 0 : i32
      %dma_start3A_717 = arith.constant 0 : i32
      %dma_start3A_718 = arith.constant 0 : i32
      %dma_start3A_719 = tpu.memref_slice %arg8[%dma_start3A_716, %dma_start3A_717, %dma_start3A_718] : memref<2x4x128xi32, #tpu.memory_space<vmem>> -> memref<1x1x128xi32, #tpu.memory_space<vmem>>
      %dma_start3A_720 = tpu.memref_squeeze %dma_start3A_719 : memref<1x1x128xi32, #tpu.memory_space<vmem>> -> memref<128xi32, #tpu.memory_space<vmem>>
      %dma_start3A_721 = arith.constant 0 : i32
      %dma_start3A_722 = arith.constant 0 : i32
      %dma_start3A_723 = tpu.memref_slice %arg11[%dma_start3A_721, %dma_start3A_722] : memref<10240x64xf32, #tpu.memory_space<vmem_shared>> -> memref<10240x64xf32, #tpu.memory_space<vmem_shared>>
      tpu.enqueue_indirect_dma source(%arg12 : memref<128x64xf32, #tpu.memory_space<vmem>>) target(%dma_start3A_723 : memref<10240x64xf32, #tpu.memory_space<vmem_shared>>) offsets(%dma_start3A_720 : memref<128xi32, #tpu.memory_space<vmem>>) semaphore(%arg20 : memref<!tpu.dma_semaphore, #tpu.memory_space<semaphore_mem>>) {add = true}
      %dma_wait3A_724 = arith.constant 0 : i32
      %dma_wait3A_725 = arith.constant 1 : i32
      %dma_wait3A_726 = arith.constant 0 : i32
      %dma_wait3A_727 = tpu.memref_slice %arg7[%dma_wait3A_724, %dma_wait3A_725, %dma_wait3A_726] : memref<2x4x128xi32, #tpu.memory_space<vmem>> -> memref<1x1x128xi32, #tpu.memory_space<vmem>>
      %dma_wait3A_728 = tpu.memref_squeeze %dma_wait3A_727 : memref<1x1x128xi32, #tpu.memory_space<vmem>> -> memref<128xi32, #tpu.memory_space<vmem>>
      %dma_wait3A_729 = arith.constant 0 : i32
      %dma_wait3A_730 = arith.constant 0 : i32
      %dma_wait3A_731 = tpu.memref_slice %arg10[%dma_wait3A_729, %dma_wait3A_730] : memref<10000x64xf32, #tpu.memory_space<vmem_shared>> -> memref<10000x64xf32, #tpu.memory_space<vmem_shared>>
      tpu.wait_indirect_dma semaphore(%arg17 : memref<!tpu.dma_semaphore, #tpu.memory_space<semaphore_mem>>) src(%dma_wait3A_731 : memref<10000x64xf32, #tpu.memory_space<vmem_shared>>) dst(%arg13 : memref<128x64xf32, #tpu.memory_space<vmem>>)
      %dma_start3A_732 = arith.constant 0 : i32
      %dma_start3A_733 = arith.constant 1 : i32
      %dma_start3A_734 = arith.constant 0 : i32
      %dma_start3A_735 = tpu.memref_slice %arg8[%dma_start3A_732, %dma_start3A_733, %dma_start3A_734] : memref<2x4x128xi32, #tpu.memory_space<vmem>> -> memref<1x1x128xi32, #tpu.memory_space<vmem>>
      %dma_start3A_736 = tpu.memref_squeeze %dma_start3A_735 : memref<1x1x128xi32, #tpu.memory_space<vmem>> -> memref<128xi32, #tpu.memory_space<vmem>>
      %dma_start3A_737 = arith.constant 0 : i32
      %dma_start3A_738 = arith.constant 0 : i32
      %dma_start3A_739 = tpu.memref_slice %arg11[%dma_start3A_737, %dma_start3A_738] : memref<10240x64xf32, #tpu.memory_space<vmem_shared>> -> memref<10240x64xf32, #tpu.memory_space<vmem_shared>>
      tpu.enqueue_indirect_dma source(%arg13 : memref<128x64xf32, #tpu.memory_space<vmem>>) target(%dma_start3A_739 : memref<10240x64xf32, #tpu.memory_space<vmem_shared>>) offsets(%dma_start3A_736 : memref<128xi32, #tpu.memory_space<vmem>>) semaphore(%arg21 : memref<!tpu.dma_semaphore, #tpu.memory_space<semaphore_mem>>) {add = true}
      %dma_wait3A_740 = arith.constant 0 : i32
      %dma_wait3A_741 = arith.constant 2 : i32
      %dma_wait3A_742 = arith.constant 0 : i32
      %dma_wait3A_743 = tpu.memref_slice %arg7[%dma_wait3A_740, %dma_wait3A_741, %dma_wait3A_742] : memref<2x4x128xi32, #tpu.memory_space<vmem>> -> memref<1x1x128xi32, #tpu.memory_space<vmem>>
      %dma_wait3A_744 = tpu.memref_squeeze %dma_wait3A_743 : memref<1x1x128xi32, #tpu.memory_space<vmem>> -> memref<128xi32, #tpu.memory_space<vmem>>
      %dma_wait3A_745 = arith.constant 0 : i32
      %dma_wait3A_746 = arith.constant 0 : i32
      %dma_wait3A_747 = tpu.memref_slice %arg10[%dma_wait3A_745, %dma_wait3A_746] : memref<10000x64xf32, #tpu.memory_space<vmem_shared>> -> memref<10000x64xf32, #tpu.memory_space<vmem_shared>>
      tpu.wait_indirect_dma semaphore(%arg18 : memref<!tpu.dma_semaphore, #tpu.memory_space<semaphore_mem>>) src(%dma_wait3A_747 : memref<10000x64xf32, #tpu.memory_space<vmem_shared>>) dst(%arg14 : memref<128x64xf32, #tpu.memory_space<vmem>>)
      %dma_start3A_748 = arith.constant 0 : i32
      %dma_start3A_749 = arith.constant 2 : i32
      %dma_start3A_750 = arith.constant 0 : i32
      %dma_start3A_751 = tpu.memref_slice %arg8[%dma_start3A_748, %dma_start3A_749, %dma_start3A_750] : memref<2x4x128xi32, #tpu.memory_space<vmem>> -> memref<1x1x128xi32, #tpu.memory_space<vmem>>
      %dma_start3A_752 = tpu.memref_squeeze %dma_start3A_751 : memref<1x1x128xi32, #tpu.memory_space<vmem>> -> memref<128xi32, #tpu.memory_space<vmem>>
      %dma_start3A_753 = arith.constant 0 : i32
      %dma_start3A_754 = arith.constant 0 : i32
      %dma_start3A_755 = tpu.memref_slice %arg11[%dma_start3A_753, %dma_start3A_754] : memref<10240x64xf32, #tpu.memory_space<vmem_shared>> -> memref<10240x64xf32, #tpu.memory_space<vmem_shared>>
      tpu.enqueue_indirect_dma source(%arg14 : memref<128x64xf32, #tpu.memory_space<vmem>>) target(%dma_start3A_755 : memref<10240x64xf32, #tpu.memory_space<vmem_shared>>) offsets(%dma_start3A_752 : memref<128xi32, #tpu.memory_space<vmem>>) semaphore(%arg22 : memref<!tpu.dma_semaphore, #tpu.memory_space<semaphore_mem>>) {add = true}
      %dma_wait3A_756 = arith.constant 0 : i32
      %dma_wait3A_757 = arith.constant 3 : i32
      %dma_wait3A_758 = arith.constant 0 : i32
      %dma_wait3A_759 = tpu.memref_slice %arg7[%dma_wait3A_756, %dma_wait3A_757, %dma_wait3A_758] : memref<2x4x128xi32, #tpu.memory_space<vmem>> -> memref<1x1x128xi32, #tpu.memory_space<vmem>>
      %dma_wait3A_760 = tpu.memref_squeeze %dma_wait3A_759 : memref<1x1x128xi32, #tpu.memory_space<vmem>> -> memref<128xi32, #tpu.memory_space<vmem>>
      %dma_wait3A_761 = arith.constant 0 : i32
      %dma_wait3A_762 = arith.constant 0 : i32
      %dma_wait3A_763 = tpu.memref_slice %arg10[%dma_wait3A_761, %dma_wait3A_762] : memref<10000x64xf32, #tpu.memory_space<vmem_shared>> -> memref<10000x64xf32, #tpu.memory_space<vmem_shared>>
      tpu.wait_indirect_dma semaphore(%arg19 : memref<!tpu.dma_semaphore, #tpu.memory_space<semaphore_mem>>) src(%dma_wait3A_763 : memref<10000x64xf32, #tpu.memory_space<vmem_shared>>) dst(%arg15 : memref<128x64xf32, #tpu.memory_space<vmem>>)
      %dma_start3A_764 = arith.constant 0 : i32
      %dma_start3A_765 = arith.constant 3 : i32
      %dma_start3A_766 = arith.constant 0 : i32
      %dma_start3A_767 = tpu.memref_slice %arg8[%dma_start3A_764, %dma_start3A_765, %dma_start3A_766] : memref<2x4x128xi32, #tpu.memory_space<vmem>> -> memref<1x1x128xi32, #tpu.memory_space<vmem>>
      %dma_start3A_768 = tpu.memref_squeeze %dma_start3A_767 : memref<1x1x128xi32, #tpu.memory_space<vmem>> -> memref<128xi32, #tpu.memory_space<vmem>>
      %dma_start3A_769 = arith.constant 0 : i32
      %dma_start3A_770 = arith.constant 0 : i32
      %dma_start3A_771 = tpu.memref_slice %arg11[%dma_start3A_769, %dma_start3A_770] : memref<10240x64xf32, #tpu.memory_space<vmem_shared>> -> memref<10240x64xf32, #tpu.memory_space<vmem_shared>>
      tpu.enqueue_indirect_dma source(%arg15 : memref<128x64xf32, #tpu.memory_space<vmem>>) target(%dma_start3A_771 : memref<10240x64xf32, #tpu.memory_space<vmem_shared>>) offsets(%dma_start3A_768 : memref<128xi32, #tpu.memory_space<vmem>>) semaphore(%arg23 : memref<!tpu.dma_semaphore, #tpu.memory_space<semaphore_mem>>) {add = true}
      %dma_wait3A_772 = arith.constant 0 : i32
      %dma_wait3A_773 = arith.constant 1 : i32
      %dma_wait3A_774 = arith.constant 0 : i32
      %dma_wait3A_775 = arith.constant 0 : i32
      %dma_wait3A_776 = tpu.memref_slice %arg7[%dma_wait3A_773, %dma_wait3A_774, %dma_wait3A_775] : memref<2x4x128xi32, #tpu.memory_space<vmem>> -> memref<1x4x128xi32, #tpu.memory_space<vmem>>
      %dma_wait3A_777 = tpu.memref_squeeze %dma_wait3A_776 : memref<1x4x128xi32, #tpu.memory_space<vmem>> -> memref<4x128xi32, #tpu.memory_space<vmem>>
      %dma_wait3A_778 = arith.constant 0 : i32
      %dma_wait3A_779 = arith.constant 0 : i32
      %dma_wait3A_780 = tpu.memref_slice %arg3[%arg1, %dma_wait3A_772, %dma_wait3A_778, %dma_wait3A_779] : memref<16x40x4x128xi32, #tpu.memory_space<hbm>> -> memref<1x1x4x128xi32, #tpu.memory_space<hbm>>
      %dma_wait3A_781 = tpu.memref_squeeze %dma_wait3A_780 : memref<1x1x4x128xi32, #tpu.memory_space<hbm>> -> memref<4x128xi32, #tpu.memory_space<hbm>>
      %dma_wait3A_782 = arith.constant 0 : i32
      %dma_wait3A_783 = arith.constant 0 : i32
      %dma_wait3A_784 = tpu.memref_slice %arg7[%dma_wait3A_773, %dma_wait3A_782, %dma_wait3A_783] : memref<2x4x128xi32, #tpu.memory_space<vmem>> -> memref<1x4x128xi32, #tpu.memory_space<vmem>>
      %dma_wait3A_785 = tpu.memref_squeeze %dma_wait3A_784 : memref<1x4x128xi32, #tpu.memory_space<vmem>> -> memref<4x128xi32, #tpu.memory_space<vmem>>
      %dma_wait3A_786 = arith.constant 0 : i32
      %dma_wait3A_787 = arith.constant 0 : i32
      %dma_wait3A_788 = tpu.memref_slice %arg3[%arg1, %dma_wait3A_772, %dma_wait3A_786, %dma_wait3A_787] : memref<16x40x4x128xi32, #tpu.memory_space<hbm>> -> memref<1x1x4x128xi32, #tpu.memory_space<hbm>>
      %dma_wait3A_789 = tpu.memref_squeeze %dma_wait3A_788 : memref<1x1x4x128xi32, #tpu.memory_space<hbm>> -> memref<4x128xi32, #tpu.memory_space<hbm>>
      tpu.wait_dma2 semaphore(%arg25 : memref<!tpu.dma_semaphore, #tpu.memory_space<semaphore_mem>>) src(%dma_wait3A_789 : memref<4x128xi32, #tpu.memory_space<hbm>>) dst(%dma_wait3A_785 : memref<4x128xi32, #tpu.memory_space<vmem>>)
      %dma_wait3A_790 = arith.constant 0 : i32
      %dma_wait3A_791 = arith.constant 1 : i32
      %dma_wait3A_792 = arith.constant 0 : i32
      %dma_wait3A_793 = arith.constant 0 : i32
      %dma_wait3A_794 = tpu.memref_slice %arg8[%dma_wait3A_791, %dma_wait3A_792, %dma_wait3A_793] : memref<2x4x128xi32, #tpu.memory_space<vmem>> -> memref<1x4x128xi32, #tpu.memory_space<vmem>>
      %dma_wait3A_795 = tpu.memref_squeeze %dma_wait3A_794 : memref<1x4x128xi32, #tpu.memory_space<vmem>> -> memref<4x128xi32, #tpu.memory_space<vmem>>
      %dma_wait3A_796 = arith.constant 0 : i32
      %dma_wait3A_797 = arith.constant 0 : i32
      %dma_wait3A_798 = tpu.memref_slice %arg4[%arg1, %dma_wait3A_790, %dma_wait3A_796, %dma_wait3A_797] : memref<16x40x4x128xi32, #tpu.memory_space<hbm>> -> memref<1x1x4x128xi32, #tpu.memory_space<hbm>>
      %dma_wait3A_799 = tpu.memref_squeeze %dma_wait3A_798 : memref<1x1x4x128xi32, #tpu.memory_space<hbm>> -> memref<4x128xi32, #tpu.memory_space<hbm>>
      %dma_wait3A_800 = arith.constant 0 : i32
      %dma_wait3A_801 = arith.constant 0 : i32
      %dma_wait3A_802 = tpu.memref_slice %arg8[%dma_wait3A_791, %dma_wait3A_800, %dma_wait3A_801] : memref<2x4x128xi32, #tpu.memory_space<vmem>> -> memref<1x4x128xi32, #tpu.memory_space<vmem>>
      %dma_wait3A_803 = tpu.memref_squeeze %dma_wait3A_802 : memref<1x4x128xi32, #tpu.memory_space<vmem>> -> memref<4x128xi32, #tpu.memory_space<vmem>>
      %dma_wait3A_804 = arith.constant 0 : i32
      %dma_wait3A_805 = arith.constant 0 : i32
      %dma_wait3A_806 = tpu.memref_slice %arg4[%arg1, %dma_wait3A_790, %dma_wait3A_804, %dma_wait3A_805] : memref<16x40x4x128xi32, #tpu.memory_space<hbm>> -> memref<1x1x4x128xi32, #tpu.memory_space<hbm>>
      %dma_wait3A_807 = tpu.memref_squeeze %dma_wait3A_806 : memref<1x1x4x128xi32, #tpu.memory_space<hbm>> -> memref<4x128xi32, #tpu.memory_space<hbm>>
      tpu.wait_dma2 semaphore(%arg25 : memref<!tpu.dma_semaphore, #tpu.memory_space<semaphore_mem>>) src(%dma_wait3A_807 : memref<4x128xi32, #tpu.memory_space<hbm>>) dst(%dma_wait3A_803 : memref<4x128xi32, #tpu.memory_space<vmem>>)
      %dma_wait3A_808 = arith.constant 0 : i32
      %dma_wait3A_809 = arith.constant 0 : i32
      %dma_wait3A_810 = arith.constant 0 : i32
      %dma_wait3A_811 = tpu.memref_slice %arg8[%dma_wait3A_808, %dma_wait3A_809, %dma_wait3A_810] : memref<2x4x128xi32, #tpu.memory_space<vmem>> -> memref<1x1x128xi32, #tpu.memory_space<vmem>>
      %dma_wait3A_812 = tpu.memref_squeeze %dma_wait3A_811 : memref<1x1x128xi32, #tpu.memory_space<vmem>> -> memref<128xi32, #tpu.memory_space<vmem>>
      %dma_wait3A_813 = arith.constant 0 : i32
      %dma_wait3A_814 = arith.constant 0 : i32
      %dma_wait3A_815 = tpu.memref_slice %arg11[%dma_wait3A_813, %dma_wait3A_814] : memref<10240x64xf32, #tpu.memory_space<vmem_shared>> -> memref<10240x64xf32, #tpu.memory_space<vmem_shared>>
      tpu.wait_indirect_dma semaphore(%arg20 : memref<!tpu.dma_semaphore, #tpu.memory_space<semaphore_mem>>) src(%arg12 : memref<128x64xf32, #tpu.memory_space<vmem>>) dst(%dma_wait3A_815 : memref<10240x64xf32, #tpu.memory_space<vmem_shared>>)
      %dma_wait3A_816 = arith.constant 0 : i32
      %dma_wait3A_817 = arith.constant 1 : i32
      %dma_wait3A_818 = arith.constant 0 : i32
      %dma_wait3A_819 = tpu.memref_slice %arg8[%dma_wait3A_816, %dma_wait3A_817, %dma_wait3A_818] : memref<2x4x128xi32, #tpu.memory_space<vmem>> -> memref<1x1x128xi32, #tpu.memory_space<vmem>>
      %dma_wait3A_820 = tpu.memref_squeeze %dma_wait3A_819 : memref<1x1x128xi32, #tpu.memory_space<vmem>> -> memref<128xi32, #tpu.memory_space<vmem>>
      %dma_wait3A_821 = arith.constant 0 : i32
      %dma_wait3A_822 = arith.constant 0 : i32
      %dma_wait3A_823 = tpu.memref_slice %arg11[%dma_wait3A_821, %dma_wait3A_822] : memref<10240x64xf32, #tpu.memory_space<vmem_shared>> -> memref<10240x64xf32, #tpu.memory_space<vmem_shared>>
      tpu.wait_indirect_dma semaphore(%arg21 : memref<!tpu.dma_semaphore, #tpu.memory_space<semaphore_mem>>) src(%arg13 : memref<128x64xf32, #tpu.memory_space<vmem>>) dst(%dma_wait3A_823 : memref<10240x64xf32, #tpu.memory_space<vmem_shared>>)
      %dma_wait3A_824 = arith.constant 0 : i32
      %dma_wait3A_825 = arith.constant 2 : i32
      %dma_wait3A_826 = arith.constant 0 : i32
      %dma_wait3A_827 = tpu.memref_slice %arg8[%dma_wait3A_824, %dma_wait3A_825, %dma_wait3A_826] : memref<2x4x128xi32, #tpu.memory_space<vmem>> -> memref<1x1x128xi32, #tpu.memory_space<vmem>>
      %dma_wait3A_828 = tpu.memref_squeeze %dma_wait3A_827 : memref<1x1x128xi32, #tpu.memory_space<vmem>> -> memref<128xi32, #tpu.memory_space<vmem>>
      %dma_wait3A_829 = arith.constant 0 : i32
      %dma_wait3A_830 = arith.constant 0 : i32
      %dma_wait3A_831 = tpu.memref_slice %arg11[%dma_wait3A_829, %dma_wait3A_830] : memref<10240x64xf32, #tpu.memory_space<vmem_shared>> -> memref<10240x64xf32, #tpu.memory_space<vmem_shared>>
      tpu.wait_indirect_dma semaphore(%arg22 : memref<!tpu.dma_semaphore, #tpu.memory_space<semaphore_mem>>) src(%arg14 : memref<128x64xf32, #tpu.memory_space<vmem>>) dst(%dma_wait3A_831 : memref<10240x64xf32, #tpu.memory_space<vmem_shared>>)
      %dma_wait3A_832 = arith.constant 0 : i32
      %dma_wait3A_833 = arith.constant 3 : i32
      %dma_wait3A_834 = arith.constant 0 : i32
      %dma_wait3A_835 = tpu.memref_slice %arg8[%dma_wait3A_832, %dma_wait3A_833, %dma_wait3A_834] : memref<2x4x128xi32, #tpu.memory_space<vmem>> -> memref<1x1x128xi32, #tpu.memory_space<vmem>>
      %dma_wait3A_836 = tpu.memref_squeeze %dma_wait3A_835 : memref<1x1x128xi32, #tpu.memory_space<vmem>> -> memref<128xi32, #tpu.memory_space<vmem>>
      %dma_wait3A_837 = arith.constant 0 : i32
      %dma_wait3A_838 = arith.constant 0 : i32
      %dma_wait3A_839 = tpu.memref_slice %arg11[%dma_wait3A_837, %dma_wait3A_838] : memref<10240x64xf32, #tpu.memory_space<vmem_shared>> -> memref<10240x64xf32, #tpu.memory_space<vmem_shared>>
      tpu.wait_indirect_dma semaphore(%arg23 : memref<!tpu.dma_semaphore, #tpu.memory_space<semaphore_mem>>) src(%arg15 : memref<128x64xf32, #tpu.memory_space<vmem>>) dst(%dma_wait3A_839 : memref<10240x64xf32, #tpu.memory_space<vmem_shared>>)
      %dma_start3A_840 = arith.constant 1 : i32
      %dma_start3A_841 = arith.constant 0 : i32
      %dma_start3A_842 = arith.constant 0 : i32
      %dma_start3A_843 = tpu.memref_slice %arg7[%dma_start3A_840, %dma_start3A_841, %dma_start3A_842] : memref<2x4x128xi32, #tpu.memory_space<vmem>> -> memref<1x1x128xi32, #tpu.memory_space<vmem>>
      %dma_start3A_844 = tpu.memref_squeeze %dma_start3A_843 : memref<1x1x128xi32, #tpu.memory_space<vmem>> -> memref<128xi32, #tpu.memory_space<vmem>>
      %dma_start3A_845 = arith.constant 0 : i32
      %dma_start3A_846 = arith.constant 0 : i32
      %dma_start3A_847 = tpu.memref_slice %arg10[%dma_start3A_845, %dma_start3A_846] : memref<10000x64xf32, #tpu.memory_space<vmem_shared>> -> memref<10000x64xf32, #tpu.memory_space<vmem_shared>>
      tpu.enqueue_indirect_dma source(%dma_start3A_847 : memref<10000x64xf32, #tpu.memory_space<vmem_shared>>) target(%arg12 : memref<128x64xf32, #tpu.memory_space<vmem>>) offsets(%dma_start3A_844 : memref<128xi32, #tpu.memory_space<vmem>>) semaphore(%arg16 : memref<!tpu.dma_semaphore, #tpu.memory_space<semaphore_mem>>)
      %dma_start3A_848 = arith.constant 1 : i32
      %dma_start3A_849 = arith.constant 1 : i32
      %dma_start3A_850 = arith.constant 0 : i32
      %dma_start3A_851 = tpu.memref_slice %arg7[%dma_start3A_848, %dma_start3A_849, %dma_start3A_850] : memref<2x4x128xi32, #tpu.memory_space<vmem>> -> memref<1x1x128xi32, #tpu.memory_space<vmem>>
      %dma_start3A_852 = tpu.memref_squeeze %dma_start3A_851 : memref<1x1x128xi32, #tpu.memory_space<vmem>> -> memref<128xi32, #tpu.memory_space<vmem>>
      %dma_start3A_853 = arith.constant 0 : i32
      %dma_start3A_854 = arith.constant 0 : i32
      %dma_start3A_855 = tpu.memref_slice %arg10[%dma_start3A_853, %dma_start3A_854] : memref<10000x64xf32, #tpu.memory_space<vmem_shared>> -> memref<10000x64xf32, #tpu.memory_space<vmem_shared>>
      tpu.enqueue_indirect_dma source(%dma_start3A_855 : memref<10000x64xf32, #tpu.memory_space<vmem_shared>>) target(%arg13 : memref<128x64xf32, #tpu.memory_space<vmem>>) offsets(%dma_start3A_852 : memref<128xi32, #tpu.memory_space<vmem>>) semaphore(%arg17 : memref<!tpu.dma_semaphore, #tpu.memory_space<semaphore_mem>>)
      %dma_start3A_856 = arith.constant 1 : i32
      %dma_start3A_857 = arith.constant 2 : i32
      %dma_start3A_858 = arith.constant 0 : i32
      %dma_start3A_859 = tpu.memref_slice %arg7[%dma_start3A_856, %dma_start3A_857, %dma_start3A_858] : memref<2x4x128xi32, #tpu.memory_space<vmem>> -> memref<1x1x128xi32, #tpu.memory_space<vmem>>
      %dma_start3A_860 = tpu.memref_squeeze %dma_start3A_859 : memref<1x1x128xi32, #tpu.memory_space<vmem>> -> memref<128xi32, #tpu.memory_space<vmem>>
      %dma_start3A_861 = arith.constant 0 : i32
      %dma_start3A_862 = arith.constant 0 : i32
      %dma_start3A_863 = tpu.memref_slice %arg10[%dma_start3A_861, %dma_start3A_862] : memref<10000x64xf32, #tpu.memory_space<vmem_shared>> -> memref<10000x64xf32, #tpu.memory_space<vmem_shared>>
      tpu.enqueue_indirect_dma source(%dma_start3A_863 : memref<10000x64xf32, #tpu.memory_space<vmem_shared>>) target(%arg14 : memref<128x64xf32, #tpu.memory_space<vmem>>) offsets(%dma_start3A_860 : memref<128xi32, #tpu.memory_space<vmem>>) semaphore(%arg18 : memref<!tpu.dma_semaphore, #tpu.memory_space<semaphore_mem>>)
      %dma_start3A_864 = arith.constant 1 : i32
      %dma_start3A_865 = arith.constant 3 : i32
      %dma_start3A_866 = arith.constant 0 : i32
      %dma_start3A_867 = tpu.memref_slice %arg7[%dma_start3A_864, %dma_start3A_865, %dma_start3A_866] : memref<2x4x128xi32, #tpu.memory_space<vmem>> -> memref<1x1x128xi32, #tpu.memory_space<vmem>>
      %dma_start3A_868 = tpu.memref_squeeze %dma_start3A_867 : memref<1x1x128xi32, #tpu.memory_space<vmem>> -> memref<128xi32, #tpu.memory_space<vmem>>
      %dma_start3A_869 = arith.constant 0 : i32
      %dma_start3A_870 = arith.constant 0 : i32
      %dma_start3A_871 = tpu.memref_slice %arg10[%dma_start3A_869, %dma_start3A_870] : memref<10000x64xf32, #tpu.memory_space<vmem_shared>> -> memref<10000x64xf32, #tpu.memory_space<vmem_shared>>
      tpu.enqueue_indirect_dma source(%dma_start3A_871 : memref<10000x64xf32, #tpu.memory_space<vmem_shared>>) target(%arg15 : memref<128x64xf32, #tpu.memory_space<vmem>>) offsets(%dma_start3A_868 : memref<128xi32, #tpu.memory_space<vmem>>) semaphore(%arg19 : memref<!tpu.dma_semaphore, #tpu.memory_space<semaphore_mem>>)
      %dma_start3A_872 = arith.constant 0 : i32
      %dma_start3A_873 = arith.constant 0 : i32
      %dma_start3A_874 = arith.constant 0 : i32
      %dma_start3A_875 = tpu.memref_slice %arg7[%dma_start3A_872, %dma_start3A_873, %dma_start3A_874] : memref<2x4x128xi32, #tpu.memory_space<vmem>> -> memref<1x4x128xi32, #tpu.memory_space<vmem>>
      %dma_start3A_876 = tpu.memref_squeeze %dma_start3A_875 : memref<1x4x128xi32, #tpu.memory_space<vmem>> -> memref<4x128xi32, #tpu.memory_space<vmem>>
      %dma_start3A_877 = arith.constant 0 : i32
      %dma_start3A_878 = arith.constant 0 : i32
      %dma_start3A_879 = tpu.memref_slice %arg3[%arg1, %add3A_707, %dma_start3A_877, %dma_start3A_878] : memref<16x40x4x128xi32, #tpu.memory_space<hbm>> -> memref<1x1x4x128xi32, #tpu.memory_space<hbm>>
      %dma_start3A_880 = tpu.memref_squeeze %dma_start3A_879 : memref<1x1x4x128xi32, #tpu.memory_space<hbm>> -> memref<4x128xi32, #tpu.memory_space<hbm>>
      %dma_start3A_881 = arith.constant 0 : i32
      %dma_start3A_882 = arith.constant 0 : i32
      %dma_start3A_883 = tpu.memref_slice %arg7[%dma_start3A_872, %dma_start3A_881, %dma_start3A_882] : memref<2x4x128xi32, #tpu.memory_space<vmem>> -> memref<1x4x128xi32, #tpu.memory_space<vmem>>
      %dma_start3A_884 = tpu.memref_squeeze %dma_start3A_883 : memref<1x4x128xi32, #tpu.memory_space<vmem>> -> memref<4x128xi32, #tpu.memory_space<vmem>>
      %dma_start3A_885 = arith.constant 0 : i32
      %dma_start3A_886 = arith.constant 0 : i32
      %dma_start3A_887 = tpu.memref_slice %arg3[%arg1, %add3A_707, %dma_start3A_885, %dma_start3A_886] : memref<16x40x4x128xi32, #tpu.memory_space<hbm>> -> memref<1x1x4x128xi32, #tpu.memory_space<hbm>>
      %dma_start3A_888 = tpu.memref_squeeze %dma_start3A_887 : memref<1x1x4x128xi32, #tpu.memory_space<hbm>> -> memref<4x128xi32, #tpu.memory_space<hbm>>
      tpu.enqueue_dma source(%dma_start3A_888 : memref<4x128xi32, #tpu.memory_space<hbm>>) target(%dma_start3A_884 : memref<4x128xi32, #tpu.memory_space<vmem>>) target_semaphore(%arg24 : memref<!tpu.dma_semaphore, #tpu.memory_space<semaphore_mem>>)
      %dma_start3A_889 = arith.constant 0 : i32
      %dma_start3A_890 = arith.constant 0 : i32
      %dma_start3A_891 = arith.constant 0 : i32
      %dma_start3A_892 = tpu.memref_slice %arg8[%dma_start3A_889, %dma_start3A_890, %dma_start3A_891] : memref<2x4x128xi32, #tpu.memory_space<vmem>> -> memref<1x4x128xi32, #tpu.memory_space<vmem>>
      %dma_start3A_893 = tpu.memref_squeeze %dma_start3A_892 : memref<1x4x128xi32, #tpu.memory_space<vmem>> -> memref<4x128xi32, #tpu.memory_space<vmem>>
      %dma_start3A_894 = arith.constant 0 : i32
      %dma_start3A_895 = arith.constant 0 : i32
      %dma_start3A_896 = tpu.memref_slice %arg4[%arg1, %add3A_707, %dma_start3A_894, %dma_start3A_895] : memref<16x40x4x128xi32, #tpu.memory_space<hbm>> -> memref<1x1x4x128xi32, #tpu.memory_space<hbm>>
      %dma_start3A_897 = tpu.memref_squeeze %dma_start3A_896 : memref<1x1x4x128xi32, #tpu.memory_space<hbm>> -> memref<4x128xi32, #tpu.memory_space<hbm>>
      %dma_start3A_898 = arith.constant 0 : i32
      %dma_start3A_899 = arith.constant 0 : i32
      %dma_start3A_900 = tpu.memref_slice %arg8[%dma_start3A_889, %dma_start3A_898, %dma_start3A_899] : memref<2x4x128xi32, #tpu.memory_space<vmem>> -> memref<1x4x128xi32, #tpu.memory_space<vmem>>
      %dma_start3A_901 = tpu.memref_squeeze %dma_start3A_900 : memref<1x4x128xi32, #tpu.memory_space<vmem>> -> memref<4x128xi32, #tpu.memory_space<vmem>>
      %dma_start3A_902 = arith.constant 0 : i32
      %dma_start3A_903 = arith.constant 0 : i32
      %dma_start3A_904 = tpu.memref_slice %arg4[%arg1, %add3A_707, %dma_start3A_902, %dma_start3A_903] : memref<16x40x4x128xi32, #tpu.memory_space<hbm>> -> memref<1x1x4x128xi32, #tpu.memory_space<hbm>>
      %dma_start3A_905 = tpu.memref_squeeze %dma_start3A_904 : memref<1x1x4x128xi32, #tpu.memory_space<hbm>> -> memref<4x128xi32, #tpu.memory_space<hbm>>
      tpu.enqueue_dma source(%dma_start3A_905 : memref<4x128xi32, #tpu.memory_space<hbm>>) target(%dma_start3A_901 : memref<4x128xi32, #tpu.memory_space<vmem>>) target_semaphore(%arg24 : memref<!tpu.dma_semaphore, #tpu.memory_space<semaphore_mem>>)
      %add3A_906 = arith.constant 3 : i32
      %add3A_907 = arith.addi %mul3A_706, %add3A_906 : i32
      %dma_wait3A_908 = arith.constant 1 : i32
      %dma_wait3A_909 = arith.constant 0 : i32
      %dma_wait3A_910 = arith.constant 0 : i32
      %dma_wait3A_911 = tpu.memref_slice %arg7[%dma_wait3A_908, %dma_wait3A_909, %dma_wait3A_910] : memref<2x4x128xi32, #tpu.memory_space<vmem>> -> memref<1x1x128xi32, #tpu.memory_space<vmem>>
      %dma_wait3A_912 = tpu.memref_squeeze %dma_wait3A_911 : memref<1x1x128xi32, #tpu.memory_space<vmem>> -> memref<128xi32, #tpu.memory_space<vmem>>
      %dma_wait3A_913 = arith.constant 0 : i32
      %dma_wait3A_914 = arith.constant 0 : i32
      %dma_wait3A_915 = tpu.memref_slice %arg10[%dma_wait3A_913, %dma_wait3A_914] : memref<10000x64xf32, #tpu.memory_space<vmem_shared>> -> memref<10000x64xf32, #tpu.memory_space<vmem_shared>>
      tpu.wait_indirect_dma semaphore(%arg16 : memref<!tpu.dma_semaphore, #tpu.memory_space<semaphore_mem>>) src(%dma_wait3A_915 : memref<10000x64xf32, #tpu.memory_space<vmem_shared>>) dst(%arg12 : memref<128x64xf32, #tpu.memory_space<vmem>>)
      %dma_start3A_916 = arith.constant 1 : i32
      %dma_start3A_917 = arith.constant 0 : i32
      %dma_start3A_918 = arith.constant 0 : i32
      %dma_start3A_919 = tpu.memref_slice %arg8[%dma_start3A_916, %dma_start3A_917, %dma_start3A_918] : memref<2x4x128xi32, #tpu.memory_space<vmem>> -> memref<1x1x128xi32, #tpu.memory_space<vmem>>
      %dma_start3A_920 = tpu.memref_squeeze %dma_start3A_919 : memref<1x1x128xi32, #tpu.memory_space<vmem>> -> memref<128xi32, #tpu.memory_space<vmem>>
      %dma_start3A_921 = arith.constant 0 : i32
      %dma_start3A_922 = arith.constant 0 : i32
      %dma_start3A_923 = tpu.memref_slice %arg11[%dma_start3A_921, %dma_start3A_922] : memref<10240x64xf32, #tpu.memory_space<vmem_shared>> -> memref<10240x64xf32, #tpu.memory_space<vmem_shared>>
      tpu.enqueue_indirect_dma source(%arg12 : memref<128x64xf32, #tpu.memory_space<vmem>>) target(%dma_start3A_923 : memref<10240x64xf32, #tpu.memory_space<vmem_shared>>) offsets(%dma_start3A_920 : memref<128xi32, #tpu.memory_space<vmem>>) semaphore(%arg20 : memref<!tpu.dma_semaphore, #tpu.memory_space<semaphore_mem>>) {add = true}
      %dma_wait3A_924 = arith.constant 1 : i32
      %dma_wait3A_925 = arith.constant 1 : i32
      %dma_wait3A_926 = arith.constant 0 : i32
      %dma_wait3A_927 = tpu.memref_slice %arg7[%dma_wait3A_924, %dma_wait3A_925, %dma_wait3A_926] : memref<2x4x128xi32, #tpu.memory_space<vmem>> -> memref<1x1x128xi32, #tpu.memory_space<vmem>>
      %dma_wait3A_928 = tpu.memref_squeeze %dma_wait3A_927 : memref<1x1x128xi32, #tpu.memory_space<vmem>> -> memref<128xi32, #tpu.memory_space<vmem>>
      %dma_wait3A_929 = arith.constant 0 : i32
      %dma_wait3A_930 = arith.constant 0 : i32
      %dma_wait3A_931 = tpu.memref_slice %arg10[%dma_wait3A_929, %dma_wait3A_930] : memref<10000x64xf32, #tpu.memory_space<vmem_shared>> -> memref<10000x64xf32, #tpu.memory_space<vmem_shared>>
      tpu.wait_indirect_dma semaphore(%arg17 : memref<!tpu.dma_semaphore, #tpu.memory_space<semaphore_mem>>) src(%dma_wait3A_931 : memref<10000x64xf32, #tpu.memory_space<vmem_shared>>) dst(%arg13 : memref<128x64xf32, #tpu.memory_space<vmem>>)
      %dma_start3A_932 = arith.constant 1 : i32
      %dma_start3A_933 = arith.constant 1 : i32
      %dma_start3A_934 = arith.constant 0 : i32
      %dma_start3A_935 = tpu.memref_slice %arg8[%dma_start3A_932, %dma_start3A_933, %dma_start3A_934] : memref<2x4x128xi32, #tpu.memory_space<vmem>> -> memref<1x1x128xi32, #tpu.memory_space<vmem>>
      %dma_start3A_936 = tpu.memref_squeeze %dma_start3A_935 : memref<1x1x128xi32, #tpu.memory_space<vmem>> -> memref<128xi32, #tpu.memory_space<vmem>>
      %dma_start3A_937 = arith.constant 0 : i32
      %dma_start3A_938 = arith.constant 0 : i32
      %dma_start3A_939 = tpu.memref_slice %arg11[%dma_start3A_937, %dma_start3A_938] : memref<10240x64xf32, #tpu.memory_space<vmem_shared>> -> memref<10240x64xf32, #tpu.memory_space<vmem_shared>>
      tpu.enqueue_indirect_dma source(%arg13 : memref<128x64xf32, #tpu.memory_space<vmem>>) target(%dma_start3A_939 : memref<10240x64xf32, #tpu.memory_space<vmem_shared>>) offsets(%dma_start3A_936 : memref<128xi32, #tpu.memory_space<vmem>>) semaphore(%arg21 : memref<!tpu.dma_semaphore, #tpu.memory_space<semaphore_mem>>) {add = true}
      %dma_wait3A_940 = arith.constant 1 : i32
      %dma_wait3A_941 = arith.constant 2 : i32
      %dma_wait3A_942 = arith.constant 0 : i32
      %dma_wait3A_943 = tpu.memref_slice %arg7[%dma_wait3A_940, %dma_wait3A_941, %dma_wait3A_942] : memref<2x4x128xi32, #tpu.memory_space<vmem>> -> memref<1x1x128xi32, #tpu.memory_space<vmem>>
      %dma_wait3A_944 = tpu.memref_squeeze %dma_wait3A_943 : memref<1x1x128xi32, #tpu.memory_space<vmem>> -> memref<128xi32, #tpu.memory_space<vmem>>
      %dma_wait3A_945 = arith.constant 0 : i32
      %dma_wait3A_946 = arith.constant 0 : i32
      %dma_wait3A_947 = tpu.memref_slice %arg10[%dma_wait3A_945, %dma_wait3A_946] : memref<10000x64xf32, #tpu.memory_space<vmem_shared>> -> memref<10000x64xf32, #tpu.memory_space<vmem_shared>>
      tpu.wait_indirect_dma semaphore(%arg18 : memref<!tpu.dma_semaphore, #tpu.memory_space<semaphore_mem>>) src(%dma_wait3A_947 : memref<10000x64xf32, #tpu.memory_space<vmem_shared>>) dst(%arg14 : memref<128x64xf32, #tpu.memory_space<vmem>>)
      %dma_start3A_948 = arith.constant 1 : i32
      %dma_start3A_949 = arith.constant 2 : i32
      %dma_start3A_950 = arith.constant 0 : i32
      %dma_start3A_951 = tpu.memref_slice %arg8[%dma_start3A_948, %dma_start3A_949, %dma_start3A_950] : memref<2x4x128xi32, #tpu.memory_space<vmem>> -> memref<1x1x128xi32, #tpu.memory_space<vmem>>
      %dma_start3A_952 = tpu.memref_squeeze %dma_start3A_951 : memref<1x1x128xi32, #tpu.memory_space<vmem>> -> memref<128xi32, #tpu.memory_space<vmem>>
      %dma_start3A_953 = arith.constant 0 : i32
      %dma_start3A_954 = arith.constant 0 : i32
      %dma_start3A_955 = tpu.memref_slice %arg11[%dma_start3A_953, %dma_start3A_954] : memref<10240x64xf32, #tpu.memory_space<vmem_shared>> -> memref<10240x64xf32, #tpu.memory_space<vmem_shared>>
      tpu.enqueue_indirect_dma source(%arg14 : memref<128x64xf32, #tpu.memory_space<vmem>>) target(%dma_start3A_955 : memref<10240x64xf32, #tpu.memory_space<vmem_shared>>) offsets(%dma_start3A_952 : memref<128xi32, #tpu.memory_space<vmem>>) semaphore(%arg22 : memref<!tpu.dma_semaphore, #tpu.memory_space<semaphore_mem>>) {add = true}
      %dma_wait3A_956 = arith.constant 1 : i32
      %dma_wait3A_957 = arith.constant 3 : i32
      %dma_wait3A_958 = arith.constant 0 : i32
      %dma_wait3A_959 = tpu.memref_slice %arg7[%dma_wait3A_956, %dma_wait3A_957, %dma_wait3A_958] : memref<2x4x128xi32, #tpu.memory_space<vmem>> -> memref<1x1x128xi32, #tpu.memory_space<vmem>>
      %dma_wait3A_960 = tpu.memref_squeeze %dma_wait3A_959 : memref<1x1x128xi32, #tpu.memory_space<vmem>> -> memref<128xi32, #tpu.memory_space<vmem>>
      %dma_wait3A_961 = arith.constant 0 : i32
      %dma_wait3A_962 = arith.constant 0 : i32
      %dma_wait3A_963 = tpu.memref_slice %arg10[%dma_wait3A_961, %dma_wait3A_962] : memref<10000x64xf32, #tpu.memory_space<vmem_shared>> -> memref<10000x64xf32, #tpu.memory_space<vmem_shared>>
      tpu.wait_indirect_dma semaphore(%arg19 : memref<!tpu.dma_semaphore, #tpu.memory_space<semaphore_mem>>) src(%dma_wait3A_963 : memref<10000x64xf32, #tpu.memory_space<vmem_shared>>) dst(%arg15 : memref<128x64xf32, #tpu.memory_space<vmem>>)
      %dma_start3A_964 = arith.constant 1 : i32
      %dma_start3A_965 = arith.constant 3 : i32
      %dma_start3A_966 = arith.constant 0 : i32
      %dma_start3A_967 = tpu.memref_slice %arg8[%dma_start3A_964, %dma_start3A_965, %dma_start3A_966] : memref<2x4x128xi32, #tpu.memory_space<vmem>> -> memref<1x1x128xi32, #tpu.memory_space<vmem>>
      %dma_start3A_968 = tpu.memref_squeeze %dma_start3A_967 : memref<1x1x128xi32, #tpu.memory_space<vmem>> -> memref<128xi32, #tpu.memory_space<vmem>>
      %dma_start3A_969 = arith.constant 0 : i32
      %dma_start3A_970 = arith.constant 0 : i32
      %dma_start3A_971 = tpu.memref_slice %arg11[%dma_start3A_969, %dma_start3A_970] : memref<10240x64xf32, #tpu.memory_space<vmem_shared>> -> memref<10240x64xf32, #tpu.memory_space<vmem_shared>>
      tpu.enqueue_indirect_dma source(%arg15 : memref<128x64xf32, #tpu.memory_space<vmem>>) target(%dma_start3A_971 : memref<10240x64xf32, #tpu.memory_space<vmem_shared>>) offsets(%dma_start3A_968 : memref<128xi32, #tpu.memory_space<vmem>>) semaphore(%arg23 : memref<!tpu.dma_semaphore, #tpu.memory_space<semaphore_mem>>) {add = true}
      %dma_wait3A_972 = arith.constant 0 : i32
      %dma_wait3A_973 = arith.constant 0 : i32
      %dma_wait3A_974 = arith.constant 0 : i32
      %dma_wait3A_975 = arith.constant 0 : i32
      %dma_wait3A_976 = tpu.memref_slice %arg7[%dma_wait3A_973, %dma_wait3A_974, %dma_wait3A_975] : memref<2x4x128xi32, #tpu.memory_space<vmem>> -> memref<1x4x128xi32, #tpu.memory_space<vmem>>
      %dma_wait3A_977 = tpu.memref_squeeze %dma_wait3A_976 : memref<1x4x128xi32, #tpu.memory_space<vmem>> -> memref<4x128xi32, #tpu.memory_space<vmem>>
      %dma_wait3A_978 = arith.constant 0 : i32
      %dma_wait3A_979 = arith.constant 0 : i32
      %dma_wait3A_980 = tpu.memref_slice %arg3[%arg1, %dma_wait3A_972, %dma_wait3A_978, %dma_wait3A_979] : memref<16x40x4x128xi32, #tpu.memory_space<hbm>> -> memref<1x1x4x128xi32, #tpu.memory_space<hbm>>
      %dma_wait3A_981 = tpu.memref_squeeze %dma_wait3A_980 : memref<1x1x4x128xi32, #tpu.memory_space<hbm>> -> memref<4x128xi32, #tpu.memory_space<hbm>>
      %dma_wait3A_982 = arith.constant 0 : i32
      %dma_wait3A_983 = arith.constant 0 : i32
      %dma_wait3A_984 = tpu.memref_slice %arg7[%dma_wait3A_973, %dma_wait3A_982, %dma_wait3A_983] : memref<2x4x128xi32, #tpu.memory_space<vmem>> -> memref<1x4x128xi32, #tpu.memory_space<vmem>>
      %dma_wait3A_985 = tpu.memref_squeeze %dma_wait3A_984 : memref<1x4x128xi32, #tpu.memory_space<vmem>> -> memref<4x128xi32, #tpu.memory_space<vmem>>
      %dma_wait3A_986 = arith.constant 0 : i32
      %dma_wait3A_987 = arith.constant 0 : i32
      %dma_wait3A_988 = tpu.memref_slice %arg3[%arg1, %dma_wait3A_972, %dma_wait3A_986, %dma_wait3A_987] : memref<16x40x4x128xi32, #tpu.memory_space<hbm>> -> memref<1x1x4x128xi32, #tpu.memory_space<hbm>>
      %dma_wait3A_989 = tpu.memref_squeeze %dma_wait3A_988 : memref<1x1x4x128xi32, #tpu.memory_space<hbm>> -> memref<4x128xi32, #tpu.memory_space<hbm>>
      tpu.wait_dma2 semaphore(%arg24 : memref<!tpu.dma_semaphore, #tpu.memory_space<semaphore_mem>>) src(%dma_wait3A_989 : memref<4x128xi32, #tpu.memory_space<hbm>>) dst(%dma_wait3A_985 : memref<4x128xi32, #tpu.memory_space<vmem>>)
      %dma_wait3A_990 = arith.constant 0 : i32
      %dma_wait3A_991 = arith.constant 0 : i32
      %dma_wait3A_992 = arith.constant 0 : i32
      %dma_wait3A_993 = arith.constant 0 : i32
      %dma_wait3A_994 = tpu.memref_slice %arg8[%dma_wait3A_991, %dma_wait3A_992, %dma_wait3A_993] : memref<2x4x128xi32, #tpu.memory_space<vmem>> -> memref<1x4x128xi32, #tpu.memory_space<vmem>>
      %dma_wait3A_995 = tpu.memref_squeeze %dma_wait3A_994 : memref<1x4x128xi32, #tpu.memory_space<vmem>> -> memref<4x128xi32, #tpu.memory_space<vmem>>
      %dma_wait3A_996 = arith.constant 0 : i32
      %dma_wait3A_997 = arith.constant 0 : i32
      %dma_wait3A_998 = tpu.memref_slice %arg4[%arg1, %dma_wait3A_990, %dma_wait3A_996, %dma_wait3A_997] : memref<16x40x4x128xi32, #tpu.memory_space<hbm>> -> memref<1x1x4x128xi32, #tpu.memory_space<hbm>>
      %dma_wait3A_999 = tpu.memref_squeeze %dma_wait3A_998 : memref<1x1x4x128xi32, #tpu.memory_space<hbm>> -> memref<4x128xi32, #tpu.memory_space<hbm>>
      %dma_wait3A_1000 = arith.constant 0 : i32
      %dma_wait3A_1001 = arith.constant 0 : i32
      %dma_wait3A_1002 = tpu.memref_slice %arg8[%dma_wait3A_991, %dma_wait3A_1000, %dma_wait3A_1001] : memref<2x4x128xi32, #tpu.memory_space<vmem>> -> memref<1x4x128xi32, #tpu.memory_space<vmem>>
      %dma_wait3A_1003 = tpu.memref_squeeze %dma_wait3A_1002 : memref<1x4x128xi32, #tpu.memory_space<vmem>> -> memref<4x128xi32, #tpu.memory_space<vmem>>
      %dma_wait3A_1004 = arith.constant 0 : i32
      %dma_wait3A_1005 = arith.constant 0 : i32
      %dma_wait3A_1006 = tpu.memref_slice %arg4[%arg1, %dma_wait3A_990, %dma_wait3A_1004, %dma_wait3A_1005] : memref<16x40x4x128xi32, #tpu.memory_space<hbm>> -> memref<1x1x4x128xi32, #tpu.memory_space<hbm>>
      %dma_wait3A_1007 = tpu.memref_squeeze %dma_wait3A_1006 : memref<1x1x4x128xi32, #tpu.memory_space<hbm>> -> memref<4x128xi32, #tpu.memory_space<hbm>>
      tpu.wait_dma2 semaphore(%arg24 : memref<!tpu.dma_semaphore, #tpu.memory_space<semaphore_mem>>) src(%dma_wait3A_1007 : memref<4x128xi32, #tpu.memory_space<hbm>>) dst(%dma_wait3A_1003 : memref<4x128xi32, #tpu.memory_space<vmem>>)
      %dma_wait3A_1008 = arith.constant 1 : i32
      %dma_wait3A_1009 = arith.constant 0 : i32
      %dma_wait3A_1010 = arith.constant 0 : i32
      %dma_wait3A_1011 = tpu.memref_slice %arg8[%dma_wait3A_1008, %dma_wait3A_1009, %dma_wait3A_1010] : memref<2x4x128xi32, #tpu.memory_space<vmem>> -> memref<1x1x128xi32, #tpu.memory_space<vmem>>
      %dma_wait3A_1012 = tpu.memref_squeeze %dma_wait3A_1011 : memref<1x1x128xi32, #tpu.memory_space<vmem>> -> memref<128xi32, #tpu.memory_space<vmem>>
      %dma_wait3A_1013 = arith.constant 0 : i32
      %dma_wait3A_1014 = arith.constant 0 : i32
      %dma_wait3A_1015 = tpu.memref_slice %arg11[%dma_wait3A_1013, %dma_wait3A_1014] : memref<10240x64xf32, #tpu.memory_space<vmem_shared>> -> memref<10240x64xf32, #tpu.memory_space<vmem_shared>>
      tpu.wait_indirect_dma semaphore(%arg20 : memref<!tpu.dma_semaphore, #tpu.memory_space<semaphore_mem>>) src(%arg12 : memref<128x64xf32, #tpu.memory_space<vmem>>) dst(%dma_wait3A_1015 : memref<10240x64xf32, #tpu.memory_space<vmem_shared>>)
      %dma_wait3A_1016 = arith.constant 1 : i32
      %dma_wait3A_1017 = arith.constant 1 : i32
      %dma_wait3A_1018 = arith.constant 0 : i32
      %dma_wait3A_1019 = tpu.memref_slice %arg8[%dma_wait3A_1016, %dma_wait3A_1017, %dma_wait3A_1018] : memref<2x4x128xi32, #tpu.memory_space<vmem>> -> memref<1x1x128xi32, #tpu.memory_space<vmem>>
      %dma_wait3A_1020 = tpu.memref_squeeze %dma_wait3A_1019 : memref<1x1x128xi32, #tpu.memory_space<vmem>> -> memref<128xi32, #tpu.memory_space<vmem>>
      %dma_wait3A_1021 = arith.constant 0 : i32
      %dma_wait3A_1022 = arith.constant 0 : i32
      %dma_wait3A_1023 = tpu.memref_slice %arg11[%dma_wait3A_1021, %dma_wait3A_1022] : memref<10240x64xf32, #tpu.memory_space<vmem_shared>> -> memref<10240x64xf32, #tpu.memory_space<vmem_shared>>
      tpu.wait_indirect_dma semaphore(%arg21 : memref<!tpu.dma_semaphore, #tpu.memory_space<semaphore_mem>>) src(%arg13 : memref<128x64xf32, #tpu.memory_space<vmem>>) dst(%dma_wait3A_1023 : memref<10240x64xf32, #tpu.memory_space<vmem_shared>>)
      %dma_wait3A_1024 = arith.constant 1 : i32
      %dma_wait3A_1025 = arith.constant 2 : i32
      %dma_wait3A_1026 = arith.constant 0 : i32
      %dma_wait3A_1027 = tpu.memref_slice %arg8[%dma_wait3A_1024, %dma_wait3A_1025, %dma_wait3A_1026] : memref<2x4x128xi32, #tpu.memory_space<vmem>> -> memref<1x1x128xi32, #tpu.memory_space<vmem>>
      %dma_wait3A_1028 = tpu.memref_squeeze %dma_wait3A_1027 : memref<1x1x128xi32, #tpu.memory_space<vmem>> -> memref<128xi32, #tpu.memory_space<vmem>>
      %dma_wait3A_1029 = arith.constant 0 : i32
      %dma_wait3A_1030 = arith.constant 0 : i32
      %dma_wait3A_1031 = tpu.memref_slice %arg11[%dma_wait3A_1029, %dma_wait3A_1030] : memref<10240x64xf32, #tpu.memory_space<vmem_shared>> -> memref<10240x64xf32, #tpu.memory_space<vmem_shared>>
      tpu.wait_indirect_dma semaphore(%arg22 : memref<!tpu.dma_semaphore, #tpu.memory_space<semaphore_mem>>) src(%arg14 : memref<128x64xf32, #tpu.memory_space<vmem>>) dst(%dma_wait3A_1031 : memref<10240x64xf32, #tpu.memory_space<vmem_shared>>)
      %dma_wait3A_1032 = arith.constant 1 : i32
      %dma_wait3A_1033 = arith.constant 3 : i32
      %dma_wait3A_1034 = arith.constant 0 : i32
      %dma_wait3A_1035 = tpu.memref_slice %arg8[%dma_wait3A_1032, %dma_wait3A_1033, %dma_wait3A_1034] : memref<2x4x128xi32, #tpu.memory_space<vmem>> -> memref<1x1x128xi32, #tpu.memory_space<vmem>>
      %dma_wait3A_1036 = tpu.memref_squeeze %dma_wait3A_1035 : memref<1x1x128xi32, #tpu.memory_space<vmem>> -> memref<128xi32, #tpu.memory_space<vmem>>
      %dma_wait3A_1037 = arith.constant 0 : i32
      %dma_wait3A_1038 = arith.constant 0 : i32
      %dma_wait3A_1039 = tpu.memref_slice %arg11[%dma_wait3A_1037, %dma_wait3A_1038] : memref<10240x64xf32, #tpu.memory_space<vmem_shared>> -> memref<10240x64xf32, #tpu.memory_space<vmem_shared>>
      tpu.wait_indirect_dma semaphore(%arg23 : memref<!tpu.dma_semaphore, #tpu.memory_space<semaphore_mem>>) src(%arg15 : memref<128x64xf32, #tpu.memory_space<vmem>>) dst(%dma_wait3A_1039 : memref<10240x64xf32, #tpu.memory_space<vmem_shared>>)
      %dma_start3A_1040 = arith.constant 0 : i32
      %dma_start3A_1041 = arith.constant 0 : i32
      %dma_start3A_1042 = arith.constant 0 : i32
      %dma_start3A_1043 = tpu.memref_slice %arg7[%dma_start3A_1040, %dma_start3A_1041, %dma_start3A_1042] : memref<2x4x128xi32, #tpu.memory_space<vmem>> -> memref<1x1x128xi32, #tpu.memory_space<vmem>>
      %dma_start3A_1044 = tpu.memref_squeeze %dma_start3A_1043 : memref<1x1x128xi32, #tpu.memory_space<vmem>> -> memref<128xi32, #tpu.memory_space<vmem>>
      %dma_start3A_1045 = arith.constant 0 : i32
      %dma_start3A_1046 = arith.constant 0 : i32
      %dma_start3A_1047 = tpu.memref_slice %arg10[%dma_start3A_1045, %dma_start3A_1046] : memref<10000x64xf32, #tpu.memory_space<vmem_shared>> -> memref<10000x64xf32, #tpu.memory_space<vmem_shared>>
      tpu.enqueue_indirect_dma source(%dma_start3A_1047 : memref<10000x64xf32, #tpu.memory_space<vmem_shared>>) target(%arg12 : memref<128x64xf32, #tpu.memory_space<vmem>>) offsets(%dma_start3A_1044 : memref<128xi32, #tpu.memory_space<vmem>>) semaphore(%arg16 : memref<!tpu.dma_semaphore, #tpu.memory_space<semaphore_mem>>)
      %dma_start3A_1048 = arith.constant 0 : i32
      %dma_start3A_1049 = arith.constant 1 : i32
      %dma_start3A_1050 = arith.constant 0 : i32
      %dma_start3A_1051 = tpu.memref_slice %arg7[%dma_start3A_1048, %dma_start3A_1049, %dma_start3A_1050] : memref<2x4x128xi32, #tpu.memory_space<vmem>> -> memref<1x1x128xi32, #tpu.memory_space<vmem>>
      %dma_start3A_1052 = tpu.memref_squeeze %dma_start3A_1051 : memref<1x1x128xi32, #tpu.memory_space<vmem>> -> memref<128xi32, #tpu.memory_space<vmem>>
      %dma_start3A_1053 = arith.constant 0 : i32
      %dma_start3A_1054 = arith.constant 0 : i32
      %dma_start3A_1055 = tpu.memref_slice %arg10[%dma_start3A_1053, %dma_start3A_1054] : memref<10000x64xf32, #tpu.memory_space<vmem_shared>> -> memref<10000x64xf32, #tpu.memory_space<vmem_shared>>
      tpu.enqueue_indirect_dma source(%dma_start3A_1055 : memref<10000x64xf32, #tpu.memory_space<vmem_shared>>) target(%arg13 : memref<128x64xf32, #tpu.memory_space<vmem>>) offsets(%dma_start3A_1052 : memref<128xi32, #tpu.memory_space<vmem>>) semaphore(%arg17 : memref<!tpu.dma_semaphore, #tpu.memory_space<semaphore_mem>>)
      %dma_start3A_1056 = arith.constant 0 : i32
      %dma_start3A_1057 = arith.constant 2 : i32
      %dma_start3A_1058 = arith.constant 0 : i32
      %dma_start3A_1059 = tpu.memref_slice %arg7[%dma_start3A_1056, %dma_start3A_1057, %dma_start3A_1058] : memref<2x4x128xi32, #tpu.memory_space<vmem>> -> memref<1x1x128xi32, #tpu.memory_space<vmem>>
      %dma_start3A_1060 = tpu.memref_squeeze %dma_start3A_1059 : memref<1x1x128xi32, #tpu.memory_space<vmem>> -> memref<128xi32, #tpu.memory_space<vmem>>
      %dma_start3A_1061 = arith.constant 0 : i32
      %dma_start3A_1062 = arith.constant 0 : i32
      %dma_start3A_1063 = tpu.memref_slice %arg10[%dma_start3A_1061, %dma_start3A_1062] : memref<10000x64xf32, #tpu.memory_space<vmem_shared>> -> memref<10000x64xf32, #tpu.memory_space<vmem_shared>>
      tpu.enqueue_indirect_dma source(%dma_start3A_1063 : memref<10000x64xf32, #tpu.memory_space<vmem_shared>>) target(%arg14 : memref<128x64xf32, #tpu.memory_space<vmem>>) offsets(%dma_start3A_1060 : memref<128xi32, #tpu.memory_space<vmem>>) semaphore(%arg18 : memref<!tpu.dma_semaphore, #tpu.memory_space<semaphore_mem>>)
      %dma_start3A_1064 = arith.constant 0 : i32
      %dma_start3A_1065 = arith.constant 3 : i32
      %dma_start3A_1066 = arith.constant 0 : i32
      %dma_start3A_1067 = tpu.memref_slice %arg7[%dma_start3A_1064, %dma_start3A_1065, %dma_start3A_1066] : memref<2x4x128xi32, #tpu.memory_space<vmem>> -> memref<1x1x128xi32, #tpu.memory_space<vmem>>
      %dma_start3A_1068 = tpu.memref_squeeze %dma_start3A_1067 : memref<1x1x128xi32, #tpu.memory_space<vmem>> -> memref<128xi32, #tpu.memory_space<vmem>>
      %dma_start3A_1069 = arith.constant 0 : i32
      %dma_start3A_1070 = arith.constant 0 : i32
      %dma_start3A_1071 = tpu.memref_slice %arg10[%dma_start3A_1069, %dma_start3A_1070] : memref<10000x64xf32, #tpu.memory_space<vmem_shared>> -> memref<10000x64xf32, #tpu.memory_space<vmem_shared>>
      tpu.enqueue_indirect_dma source(%dma_start3A_1071 : memref<10000x64xf32, #tpu.memory_space<vmem_shared>>) target(%arg15 : memref<128x64xf32, #tpu.memory_space<vmem>>) offsets(%dma_start3A_1068 : memref<128xi32, #tpu.memory_space<vmem>>) semaphore(%arg19 : memref<!tpu.dma_semaphore, #tpu.memory_space<semaphore_mem>>)
      %dma_start3A_1072 = arith.constant 1 : i32
      %dma_start3A_1073 = arith.constant 0 : i32
      %dma_start3A_1074 = arith.constant 0 : i32
      %dma_start3A_1075 = tpu.memref_slice %arg7[%dma_start3A_1072, %dma_start3A_1073, %dma_start3A_1074] : memref<2x4x128xi32, #tpu.memory_space<vmem>> -> memref<1x4x128xi32, #tpu.memory_space<vmem>>
      %dma_start3A_1076 = tpu.memref_squeeze %dma_start3A_1075 : memref<1x4x128xi32, #tpu.memory_space<vmem>> -> memref<4x128xi32, #tpu.memory_space<vmem>>
      %dma_start3A_1077 = arith.constant 0 : i32
      %dma_start3A_1078 = arith.constant 0 : i32
      %dma_start3A_1079 = tpu.memref_slice %arg3[%arg1, %add3A_907, %dma_start3A_1077, %dma_start3A_1078] : memref<16x40x4x128xi32, #tpu.memory_space<hbm>> -> memref<1x1x4x128xi32, #tpu.memory_space<hbm>>
      %dma_start3A_1080 = tpu.memref_squeeze %dma_start3A_1079 : memref<1x1x4x128xi32, #tpu.memory_space<hbm>> -> memref<4x128xi32, #tpu.memory_space<hbm>>
      %dma_start3A_1081 = arith.constant 0 : i32
      %dma_start3A_1082 = arith.constant 0 : i32
      %dma_start3A_1083 = tpu.memref_slice %arg7[%dma_start3A_1072, %dma_start3A_1081, %dma_start3A_1082] : memref<2x4x128xi32, #tpu.memory_space<vmem>> -> memref<1x4x128xi32, #tpu.memory_space<vmem>>
      %dma_start3A_1084 = tpu.memref_squeeze %dma_start3A_1083 : memref<1x4x128xi32, #tpu.memory_space<vmem>> -> memref<4x128xi32, #tpu.memory_space<vmem>>
      %dma_start3A_1085 = arith.constant 0 : i32
      %dma_start3A_1086 = arith.constant 0 : i32
      %dma_start3A_1087 = tpu.memref_slice %arg3[%arg1, %add3A_907, %dma_start3A_1085, %dma_start3A_1086] : memref<16x40x4x128xi32, #tpu.memory_space<hbm>> -> memref<1x1x4x128xi32, #tpu.memory_space<hbm>>
      %dma_start3A_1088 = tpu.memref_squeeze %dma_start3A_1087 : memref<1x1x4x128xi32, #tpu.memory_space<hbm>> -> memref<4x128xi32, #tpu.memory_space<hbm>>
      tpu.enqueue_dma source(%dma_start3A_1088 : memref<4x128xi32, #tpu.memory_space<hbm>>) target(%dma_start3A_1084 : memref<4x128xi32, #tpu.memory_space<vmem>>) target_semaphore(%arg25 : memref<!tpu.dma_semaphore, #tpu.memory_space<semaphore_mem>>)
      %dma_start3A_1089 = arith.constant 1 : i32
      %dma_start3A_1090 = arith.constant 0 : i32
      %dma_start3A_1091 = arith.constant 0 : i32
      %dma_start3A_1092 = tpu.memref_slice %arg8[%dma_start3A_1089, %dma_start3A_1090, %dma_start3A_1091] : memref<2x4x128xi32, #tpu.memory_space<vmem>> -> memref<1x4x128xi32, #tpu.memory_space<vmem>>
      %dma_start3A_1093 = tpu.memref_squeeze %dma_start3A_1092 : memref<1x4x128xi32, #tpu.memory_space<vmem>> -> memref<4x128xi32, #tpu.memory_space<vmem>>
      %dma_start3A_1094 = arith.constant 0 : i32
      %dma_start3A_1095 = arith.constant 0 : i32
      %dma_start3A_1096 = tpu.memref_slice %arg4[%arg1, %add3A_907, %dma_start3A_1094, %dma_start3A_1095] : memref<16x40x4x128xi32, #tpu.memory_space<hbm>> -> memref<1x1x4x128xi32, #tpu.memory_space<hbm>>
      %dma_start3A_1097 = tpu.memref_squeeze %dma_start3A_1096 : memref<1x1x4x128xi32, #tpu.memory_space<hbm>> -> memref<4x128xi32, #tpu.memory_space<hbm>>
      %dma_start3A_1098 = arith.constant 0 : i32
      %dma_start3A_1099 = arith.constant 0 : i32
      %dma_start3A_1100 = tpu.memref_slice %arg8[%dma_start3A_1089, %dma_start3A_1098, %dma_start3A_1099] : memref<2x4x128xi32, #tpu.memory_space<vmem>> -> memref<1x4x128xi32, #tpu.memory_space<vmem>>
      %dma_start3A_1101 = tpu.memref_squeeze %dma_start3A_1100 : memref<1x4x128xi32, #tpu.memory_space<vmem>> -> memref<4x128xi32, #tpu.memory_space<vmem>>
      %dma_start3A_1102 = arith.constant 0 : i32
      %dma_start3A_1103 = arith.constant 0 : i32
      %dma_start3A_1104 = tpu.memref_slice %arg4[%arg1, %add3A_907, %dma_start3A_1102, %dma_start3A_1103] : memref<16x40x4x128xi32, #tpu.memory_space<hbm>> -> memref<1x1x4x128xi32, #tpu.memory_space<hbm>>
      %dma_start3A_1105 = tpu.memref_squeeze %dma_start3A_1104 : memref<1x1x4x128xi32, #tpu.memory_space<hbm>> -> memref<4x128xi32, #tpu.memory_space<hbm>>
      tpu.enqueue_dma source(%dma_start3A_1105 : memref<4x128xi32, #tpu.memory_space<hbm>>) target(%dma_start3A_1101 : memref<4x128xi32, #tpu.memory_space<vmem>>) target_semaphore(%arg25 : memref<!tpu.dma_semaphore, #tpu.memory_space<semaphore_mem>>)
    }
    %scan3A_87 = arith.constant 19 : i32
    %dma_wait3A = arith.constant 0 : i32
    %dma_wait3A_88 = arith.constant 0 : i32
    %dma_wait3A_89 = arith.constant 0 : i32
    %dma_wait3A_90 = tpu.memref_slice %arg7[%dma_wait3A, %dma_wait3A_88, %dma_wait3A_89] : memref<2x4x128xi32, #tpu.memory_space<vmem>> -> memref<1x1x128xi32, #tpu.memory_space<vmem>>
    %dma_wait3A_91 = tpu.memref_squeeze %dma_wait3A_90 : memref<1x1x128xi32, #tpu.memory_space<vmem>> -> memref<128xi32, #tpu.memory_space<vmem>>
    %dma_wait3A_92 = arith.constant 0 : i32
    %dma_wait3A_93 = arith.constant 0 : i32
    %dma_wait3A_94 = tpu.memref_slice %arg10[%dma_wait3A_92, %dma_wait3A_93] : memref<10000x64xf32, #tpu.memory_space<vmem_shared>> -> memref<10000x64xf32, #tpu.memory_space<vmem_shared>>
    tpu.wait_indirect_dma semaphore(%arg16 : memref<!tpu.dma_semaphore, #tpu.memory_space<semaphore_mem>>) src(%dma_wait3A_94 : memref<10000x64xf32, #tpu.memory_space<vmem_shared>>) dst(%arg12 : memref<128x64xf32, #tpu.memory_space<vmem>>)
    %dma_start3A_95 = arith.constant 0 : i32
    %dma_start3A_96 = arith.constant 0 : i32
    %dma_start3A_97 = arith.constant 0 : i32
    %dma_start3A_98 = tpu.memref_slice %arg8[%dma_start3A_95, %dma_start3A_96, %dma_start3A_97] : memref<2x4x128xi32, #tpu.memory_space<vmem>> -> memref<1x1x128xi32, #tpu.memory_space<vmem>>
    %dma_start3A_99 = tpu.memref_squeeze %dma_start3A_98 : memref<1x1x128xi32, #tpu.memory_space<vmem>> -> memref<128xi32, #tpu.memory_space<vmem>>
    %dma_start3A_100 = arith.constant 0 : i32
    %dma_start3A_101 = arith.constant 0 : i32
    %dma_start3A_102 = tpu.memref_slice %arg11[%dma_start3A_100, %dma_start3A_101] : memref<10240x64xf32, #tpu.memory_space<vmem_shared>> -> memref<10240x64xf32, #tpu.memory_space<vmem_shared>>
    tpu.enqueue_indirect_dma source(%arg12 : memref<128x64xf32, #tpu.memory_space<vmem>>) target(%dma_start3A_102 : memref<10240x64xf32, #tpu.memory_space<vmem_shared>>) offsets(%dma_start3A_99 : memref<128xi32, #tpu.memory_space<vmem>>) semaphore(%arg20 : memref<!tpu.dma_semaphore, #tpu.memory_space<semaphore_mem>>) {add = true}
    %dma_wait3A_103 = arith.constant 0 : i32
    %dma_wait3A_104 = arith.constant 1 : i32
    %dma_wait3A_105 = arith.constant 0 : i32
    %dma_wait3A_106 = tpu.memref_slice %arg7[%dma_wait3A_103, %dma_wait3A_104, %dma_wait3A_105] : memref<2x4x128xi32, #tpu.memory_space<vmem>> -> memref<1x1x128xi32, #tpu.memory_space<vmem>>
    %dma_wait3A_107 = tpu.memref_squeeze %dma_wait3A_106 : memref<1x1x128xi32, #tpu.memory_space<vmem>> -> memref<128xi32, #tpu.memory_space<vmem>>
    %dma_wait3A_108 = arith.constant 0 : i32
    %dma_wait3A_109 = arith.constant 0 : i32
    %dma_wait3A_110 = tpu.memref_slice %arg10[%dma_wait3A_108, %dma_wait3A_109] : memref<10000x64xf32, #tpu.memory_space<vmem_shared>> -> memref<10000x64xf32, #tpu.memory_space<vmem_shared>>
    tpu.wait_indirect_dma semaphore(%arg17 : memref<!tpu.dma_semaphore, #tpu.memory_space<semaphore_mem>>) src(%dma_wait3A_110 : memref<10000x64xf32, #tpu.memory_space<vmem_shared>>) dst(%arg13 : memref<128x64xf32, #tpu.memory_space<vmem>>)
    %dma_start3A_111 = arith.constant 0 : i32
    %dma_start3A_112 = arith.constant 1 : i32
    %dma_start3A_113 = arith.constant 0 : i32
    %dma_start3A_114 = tpu.memref_slice %arg8[%dma_start3A_111, %dma_start3A_112, %dma_start3A_113] : memref<2x4x128xi32, #tpu.memory_space<vmem>> -> memref<1x1x128xi32, #tpu.memory_space<vmem>>
    %dma_start3A_115 = tpu.memref_squeeze %dma_start3A_114 : memref<1x1x128xi32, #tpu.memory_space<vmem>> -> memref<128xi32, #tpu.memory_space<vmem>>
    %dma_start3A_116 = arith.constant 0 : i32
    %dma_start3A_117 = arith.constant 0 : i32
    %dma_start3A_118 = tpu.memref_slice %arg11[%dma_start3A_116, %dma_start3A_117] : memref<10240x64xf32, #tpu.memory_space<vmem_shared>> -> memref<10240x64xf32, #tpu.memory_space<vmem_shared>>
    tpu.enqueue_indirect_dma source(%arg13 : memref<128x64xf32, #tpu.memory_space<vmem>>) target(%dma_start3A_118 : memref<10240x64xf32, #tpu.memory_space<vmem_shared>>) offsets(%dma_start3A_115 : memref<128xi32, #tpu.memory_space<vmem>>) semaphore(%arg21 : memref<!tpu.dma_semaphore, #tpu.memory_space<semaphore_mem>>) {add = true}
    %dma_wait3A_119 = arith.constant 0 : i32
    %dma_wait3A_120 = arith.constant 2 : i32
    %dma_wait3A_121 = arith.constant 0 : i32
    %dma_wait3A_122 = tpu.memref_slice %arg7[%dma_wait3A_119, %dma_wait3A_120, %dma_wait3A_121] : memref<2x4x128xi32, #tpu.memory_space<vmem>> -> memref<1x1x128xi32, #tpu.memory_space<vmem>>
    %dma_wait3A_123 = tpu.memref_squeeze %dma_wait3A_122 : memref<1x1x128xi32, #tpu.memory_space<vmem>> -> memref<128xi32, #tpu.memory_space<vmem>>
    %dma_wait3A_124 = arith.constant 0 : i32
    %dma_wait3A_125 = arith.constant 0 : i32
    %dma_wait3A_126 = tpu.memref_slice %arg10[%dma_wait3A_124, %dma_wait3A_125] : memref<10000x64xf32, #tpu.memory_space<vmem_shared>> -> memref<10000x64xf32, #tpu.memory_space<vmem_shared>>
    tpu.wait_indirect_dma semaphore(%arg18 : memref<!tpu.dma_semaphore, #tpu.memory_space<semaphore_mem>>) src(%dma_wait3A_126 : memref<10000x64xf32, #tpu.memory_space<vmem_shared>>) dst(%arg14 : memref<128x64xf32, #tpu.memory_space<vmem>>)
    %dma_start3A_127 = arith.constant 0 : i32
    %dma_start3A_128 = arith.constant 2 : i32
    %dma_start3A_129 = arith.constant 0 : i32
    %dma_start3A_130 = tpu.memref_slice %arg8[%dma_start3A_127, %dma_start3A_128, %dma_start3A_129] : memref<2x4x128xi32, #tpu.memory_space<vmem>> -> memref<1x1x128xi32, #tpu.memory_space<vmem>>
    %dma_start3A_131 = tpu.memref_squeeze %dma_start3A_130 : memref<1x1x128xi32, #tpu.memory_space<vmem>> -> memref<128xi32, #tpu.memory_space<vmem>>
    %dma_start3A_132 = arith.constant 0 : i32
    %dma_start3A_133 = arith.constant 0 : i32
    %dma_start3A_134 = tpu.memref_slice %arg11[%dma_start3A_132, %dma_start3A_133] : memref<10240x64xf32, #tpu.memory_space<vmem_shared>> -> memref<10240x64xf32, #tpu.memory_space<vmem_shared>>
    tpu.enqueue_indirect_dma source(%arg14 : memref<128x64xf32, #tpu.memory_space<vmem>>) target(%dma_start3A_134 : memref<10240x64xf32, #tpu.memory_space<vmem_shared>>) offsets(%dma_start3A_131 : memref<128xi32, #tpu.memory_space<vmem>>) semaphore(%arg22 : memref<!tpu.dma_semaphore, #tpu.memory_space<semaphore_mem>>) {add = true}
    %dma_wait3A_135 = arith.constant 0 : i32
    %dma_wait3A_136 = arith.constant 3 : i32
    %dma_wait3A_137 = arith.constant 0 : i32
    %dma_wait3A_138 = tpu.memref_slice %arg7[%dma_wait3A_135, %dma_wait3A_136, %dma_wait3A_137] : memref<2x4x128xi32, #tpu.memory_space<vmem>> -> memref<1x1x128xi32, #tpu.memory_space<vmem>>
    %dma_wait3A_139 = tpu.memref_squeeze %dma_wait3A_138 : memref<1x1x128xi32, #tpu.memory_space<vmem>> -> memref<128xi32, #tpu.memory_space<vmem>>
    %dma_wait3A_140 = arith.constant 0 : i32
    %dma_wait3A_141 = arith.constant 0 : i32
    %dma_wait3A_142 = tpu.memref_slice %arg10[%dma_wait3A_140, %dma_wait3A_141] : memref<10000x64xf32, #tpu.memory_space<vmem_shared>> -> memref<10000x64xf32, #tpu.memory_space<vmem_shared>>
    tpu.wait_indirect_dma semaphore(%arg19 : memref<!tpu.dma_semaphore, #tpu.memory_space<semaphore_mem>>) src(%dma_wait3A_142 : memref<10000x64xf32, #tpu.memory_space<vmem_shared>>) dst(%arg15 : memref<128x64xf32, #tpu.memory_space<vmem>>)
    %dma_start3A_143 = arith.constant 0 : i32
    %dma_start3A_144 = arith.constant 3 : i32
    %dma_start3A_145 = arith.constant 0 : i32
    %dma_start3A_146 = tpu.memref_slice %arg8[%dma_start3A_143, %dma_start3A_144, %dma_start3A_145] : memref<2x4x128xi32, #tpu.memory_space<vmem>> -> memref<1x1x128xi32, #tpu.memory_space<vmem>>
    %dma_start3A_147 = tpu.memref_squeeze %dma_start3A_146 : memref<1x1x128xi32, #tpu.memory_space<vmem>> -> memref<128xi32, #tpu.memory_space<vmem>>
    %dma_start3A_148 = arith.constant 0 : i32
    %dma_start3A_149 = arith.constant 0 : i32
    %dma_start3A_150 = tpu.memref_slice %arg11[%dma_start3A_148, %dma_start3A_149] : memref<10240x64xf32, #tpu.memory_space<vmem_shared>> -> memref<10240x64xf32, #tpu.memory_space<vmem_shared>>
    tpu.enqueue_indirect_dma source(%arg15 : memref<128x64xf32, #tpu.memory_space<vmem>>) target(%dma_start3A_150 : memref<10240x64xf32, #tpu.memory_space<vmem_shared>>) offsets(%dma_start3A_147 : memref<128xi32, #tpu.memory_space<vmem>>) semaphore(%arg23 : memref<!tpu.dma_semaphore, #tpu.memory_space<semaphore_mem>>) {add = true}
    %dma_wait3A_151 = arith.constant 0 : i32
    %dma_wait3A_152 = arith.constant 1 : i32
    %dma_wait3A_153 = arith.constant 0 : i32
    %dma_wait3A_154 = arith.constant 0 : i32
    %dma_wait3A_155 = tpu.memref_slice %arg7[%dma_wait3A_152, %dma_wait3A_153, %dma_wait3A_154] : memref<2x4x128xi32, #tpu.memory_space<vmem>> -> memref<1x4x128xi32, #tpu.memory_space<vmem>>
    %dma_wait3A_156 = tpu.memref_squeeze %dma_wait3A_155 : memref<1x4x128xi32, #tpu.memory_space<vmem>> -> memref<4x128xi32, #tpu.memory_space<vmem>>
    %dma_wait3A_157 = arith.constant 0 : i32
    %dma_wait3A_158 = arith.constant 0 : i32
    %dma_wait3A_159 = tpu.memref_slice %arg3[%arg1, %dma_wait3A_151, %dma_wait3A_157, %dma_wait3A_158] : memref<16x40x4x128xi32, #tpu.memory_space<hbm>> -> memref<1x1x4x128xi32, #tpu.memory_space<hbm>>
    %dma_wait3A_160 = tpu.memref_squeeze %dma_wait3A_159 : memref<1x1x4x128xi32, #tpu.memory_space<hbm>> -> memref<4x128xi32, #tpu.memory_space<hbm>>
    %dma_wait3A_161 = arith.constant 0 : i32
    %dma_wait3A_162 = arith.constant 0 : i32
    %dma_wait3A_163 = tpu.memref_slice %arg7[%dma_wait3A_152, %dma_wait3A_161, %dma_wait3A_162] : memref<2x4x128xi32, #tpu.memory_space<vmem>> -> memref<1x4x128xi32, #tpu.memory_space<vmem>>
    %dma_wait3A_164 = tpu.memref_squeeze %dma_wait3A_163 : memref<1x4x128xi32, #tpu.memory_space<vmem>> -> memref<4x128xi32, #tpu.memory_space<vmem>>
    %dma_wait3A_165 = arith.constant 0 : i32
    %dma_wait3A_166 = arith.constant 0 : i32
    %dma_wait3A_167 = tpu.memref_slice %arg3[%arg1, %dma_wait3A_151, %dma_wait3A_165, %dma_wait3A_166] : memref<16x40x4x128xi32, #tpu.memory_space<hbm>> -> memref<1x1x4x128xi32, #tpu.memory_space<hbm>>
    %dma_wait3A_168 = tpu.memref_squeeze %dma_wait3A_167 : memref<1x1x4x128xi32, #tpu.memory_space<hbm>> -> memref<4x128xi32, #tpu.memory_space<hbm>>
    tpu.wait_dma2 semaphore(%arg25 : memref<!tpu.dma_semaphore, #tpu.memory_space<semaphore_mem>>) src(%dma_wait3A_168 : memref<4x128xi32, #tpu.memory_space<hbm>>) dst(%dma_wait3A_164 : memref<4x128xi32, #tpu.memory_space<vmem>>)
    %dma_wait3A_169 = arith.constant 0 : i32
    %dma_wait3A_170 = arith.constant 1 : i32
    %dma_wait3A_171 = arith.constant 0 : i32
    %dma_wait3A_172 = arith.constant 0 : i32
    %dma_wait3A_173 = tpu.memref_slice %arg8[%dma_wait3A_170, %dma_wait3A_171, %dma_wait3A_172] : memref<2x4x128xi32, #tpu.memory_space<vmem>> -> memref<1x4x128xi32, #tpu.memory_space<vmem>>
    %dma_wait3A_174 = tpu.memref_squeeze %dma_wait3A_173 : memref<1x4x128xi32, #tpu.memory_space<vmem>> -> memref<4x128xi32, #tpu.memory_space<vmem>>
    %dma_wait3A_175 = arith.constant 0 : i32
    %dma_wait3A_176 = arith.constant 0 : i32
    %dma_wait3A_177 = tpu.memref_slice %arg4[%arg1, %dma_wait3A_169, %dma_wait3A_175, %dma_wait3A_176] : memref<16x40x4x128xi32, #tpu.memory_space<hbm>> -> memref<1x1x4x128xi32, #tpu.memory_space<hbm>>
    %dma_wait3A_178 = tpu.memref_squeeze %dma_wait3A_177 : memref<1x1x4x128xi32, #tpu.memory_space<hbm>> -> memref<4x128xi32, #tpu.memory_space<hbm>>
    %dma_wait3A_179 = arith.constant 0 : i32
    %dma_wait3A_180 = arith.constant 0 : i32
    %dma_wait3A_181 = tpu.memref_slice %arg8[%dma_wait3A_170, %dma_wait3A_179, %dma_wait3A_180] : memref<2x4x128xi32, #tpu.memory_space<vmem>> -> memref<1x4x128xi32, #tpu.memory_space<vmem>>
    %dma_wait3A_182 = tpu.memref_squeeze %dma_wait3A_181 : memref<1x4x128xi32, #tpu.memory_space<vmem>> -> memref<4x128xi32, #tpu.memory_space<vmem>>
    %dma_wait3A_183 = arith.constant 0 : i32
    %dma_wait3A_184 = arith.constant 0 : i32
    %dma_wait3A_185 = tpu.memref_slice %arg4[%arg1, %dma_wait3A_169, %dma_wait3A_183, %dma_wait3A_184] : memref<16x40x4x128xi32, #tpu.memory_space<hbm>> -> memref<1x1x4x128xi32, #tpu.memory_space<hbm>>
    %dma_wait3A_186 = tpu.memref_squeeze %dma_wait3A_185 : memref<1x1x4x128xi32, #tpu.memory_space<hbm>> -> memref<4x128xi32, #tpu.memory_space<hbm>>
    tpu.wait_dma2 semaphore(%arg25 : memref<!tpu.dma_semaphore, #tpu.memory_space<semaphore_mem>>) src(%dma_wait3A_186 : memref<4x128xi32, #tpu.memory_space<hbm>>) dst(%dma_wait3A_182 : memref<4x128xi32, #tpu.memory_space<vmem>>)
    %dma_wait3A_187 = arith.constant 0 : i32
    %dma_wait3A_188 = arith.constant 0 : i32
    %dma_wait3A_189 = arith.constant 0 : i32
    %dma_wait3A_190 = tpu.memref_slice %arg8[%dma_wait3A_187, %dma_wait3A_188, %dma_wait3A_189] : memref<2x4x128xi32, #tpu.memory_space<vmem>> -> memref<1x1x128xi32, #tpu.memory_space<vmem>>
    %dma_wait3A_191 = tpu.memref_squeeze %dma_wait3A_190 : memref<1x1x128xi32, #tpu.memory_space<vmem>> -> memref<128xi32, #tpu.memory_space<vmem>>
    %dma_wait3A_192 = arith.constant 0 : i32
    %dma_wait3A_193 = arith.constant 0 : i32
    %dma_wait3A_194 = tpu.memref_slice %arg11[%dma_wait3A_192, %dma_wait3A_193] : memref<10240x64xf32, #tpu.memory_space<vmem_shared>> -> memref<10240x64xf32, #tpu.memory_space<vmem_shared>>
    tpu.wait_indirect_dma semaphore(%arg20 : memref<!tpu.dma_semaphore, #tpu.memory_space<semaphore_mem>>) src(%arg12 : memref<128x64xf32, #tpu.memory_space<vmem>>) dst(%dma_wait3A_194 : memref<10240x64xf32, #tpu.memory_space<vmem_shared>>)
    %dma_wait3A_195 = arith.constant 0 : i32
    %dma_wait3A_196 = arith.constant 1 : i32
    %dma_wait3A_197 = arith.constant 0 : i32
    %dma_wait3A_198 = tpu.memref_slice %arg8[%dma_wait3A_195, %dma_wait3A_196, %dma_wait3A_197] : memref<2x4x128xi32, #tpu.memory_space<vmem>> -> memref<1x1x128xi32, #tpu.memory_space<vmem>>
    %dma_wait3A_199 = tpu.memref_squeeze %dma_wait3A_198 : memref<1x1x128xi32, #tpu.memory_space<vmem>> -> memref<128xi32, #tpu.memory_space<vmem>>
    %dma_wait3A_200 = arith.constant 0 : i32
    %dma_wait3A_201 = arith.constant 0 : i32
    %dma_wait3A_202 = tpu.memref_slice %arg11[%dma_wait3A_200, %dma_wait3A_201] : memref<10240x64xf32, #tpu.memory_space<vmem_shared>> -> memref<10240x64xf32, #tpu.memory_space<vmem_shared>>
    tpu.wait_indirect_dma semaphore(%arg21 : memref<!tpu.dma_semaphore, #tpu.memory_space<semaphore_mem>>) src(%arg13 : memref<128x64xf32, #tpu.memory_space<vmem>>) dst(%dma_wait3A_202 : memref<10240x64xf32, #tpu.memory_space<vmem_shared>>)
    %dma_wait3A_203 = arith.constant 0 : i32
    %dma_wait3A_204 = arith.constant 2 : i32
    %dma_wait3A_205 = arith.constant 0 : i32
    %dma_wait3A_206 = tpu.memref_slice %arg8[%dma_wait3A_203, %dma_wait3A_204, %dma_wait3A_205] : memref<2x4x128xi32, #tpu.memory_space<vmem>> -> memref<1x1x128xi32, #tpu.memory_space<vmem>>
    %dma_wait3A_207 = tpu.memref_squeeze %dma_wait3A_206 : memref<1x1x128xi32, #tpu.memory_space<vmem>> -> memref<128xi32, #tpu.memory_space<vmem>>
    %dma_wait3A_208 = arith.constant 0 : i32
    %dma_wait3A_209 = arith.constant 0 : i32
    %dma_wait3A_210 = tpu.memref_slice %arg11[%dma_wait3A_208, %dma_wait3A_209] : memref<10240x64xf32, #tpu.memory_space<vmem_shared>> -> memref<10240x64xf32, #tpu.memory_space<vmem_shared>>
    tpu.wait_indirect_dma semaphore(%arg22 : memref<!tpu.dma_semaphore, #tpu.memory_space<semaphore_mem>>) src(%arg14 : memref<128x64xf32, #tpu.memory_space<vmem>>) dst(%dma_wait3A_210 : memref<10240x64xf32, #tpu.memory_space<vmem_shared>>)
    %dma_wait3A_211 = arith.constant 0 : i32
    %dma_wait3A_212 = arith.constant 3 : i32
    %dma_wait3A_213 = arith.constant 0 : i32
    %dma_wait3A_214 = tpu.memref_slice %arg8[%dma_wait3A_211, %dma_wait3A_212, %dma_wait3A_213] : memref<2x4x128xi32, #tpu.memory_space<vmem>> -> memref<1x1x128xi32, #tpu.memory_space<vmem>>
    %dma_wait3A_215 = tpu.memref_squeeze %dma_wait3A_214 : memref<1x1x128xi32, #tpu.memory_space<vmem>> -> memref<128xi32, #tpu.memory_space<vmem>>
    %dma_wait3A_216 = arith.constant 0 : i32
    %dma_wait3A_217 = arith.constant 0 : i32
    %dma_wait3A_218 = tpu.memref_slice %arg11[%dma_wait3A_216, %dma_wait3A_217] : memref<10240x64xf32, #tpu.memory_space<vmem_shared>> -> memref<10240x64xf32, #tpu.memory_space<vmem_shared>>
    tpu.wait_indirect_dma semaphore(%arg23 : memref<!tpu.dma_semaphore, #tpu.memory_space<semaphore_mem>>) src(%arg15 : memref<128x64xf32, #tpu.memory_space<vmem>>) dst(%dma_wait3A_218 : memref<10240x64xf32, #tpu.memory_space<vmem_shared>>)
    %dma_start3A_219 = arith.constant 1 : i32
    %dma_start3A_220 = arith.constant 0 : i32
    %dma_start3A_221 = arith.constant 0 : i32
    %dma_start3A_222 = tpu.memref_slice %arg7[%dma_start3A_219, %dma_start3A_220, %dma_start3A_221] : memref<2x4x128xi32, #tpu.memory_space<vmem>> -> memref<1x1x128xi32, #tpu.memory_space<vmem>>
    %dma_start3A_223 = tpu.memref_squeeze %dma_start3A_222 : memref<1x1x128xi32, #tpu.memory_space<vmem>> -> memref<128xi32, #tpu.memory_space<vmem>>
    %dma_start3A_224 = arith.constant 0 : i32
    %dma_start3A_225 = arith.constant 0 : i32
    %dma_start3A_226 = tpu.memref_slice %arg10[%dma_start3A_224, %dma_start3A_225] : memref<10000x64xf32, #tpu.memory_space<vmem_shared>> -> memref<10000x64xf32, #tpu.memory_space<vmem_shared>>
    tpu.enqueue_indirect_dma source(%dma_start3A_226 : memref<10000x64xf32, #tpu.memory_space<vmem_shared>>) target(%arg12 : memref<128x64xf32, #tpu.memory_space<vmem>>) offsets(%dma_start3A_223 : memref<128xi32, #tpu.memory_space<vmem>>) semaphore(%arg16 : memref<!tpu.dma_semaphore, #tpu.memory_space<semaphore_mem>>)
    %dma_start3A_227 = arith.constant 1 : i32
    %dma_start3A_228 = arith.constant 1 : i32
    %dma_start3A_229 = arith.constant 0 : i32
    %dma_start3A_230 = tpu.memref_slice %arg7[%dma_start3A_227, %dma_start3A_228, %dma_start3A_229] : memref<2x4x128xi32, #tpu.memory_space<vmem>> -> memref<1x1x128xi32, #tpu.memory_space<vmem>>
    %dma_start3A_231 = tpu.memref_squeeze %dma_start3A_230 : memref<1x1x128xi32, #tpu.memory_space<vmem>> -> memref<128xi32, #tpu.memory_space<vmem>>
    %dma_start3A_232 = arith.constant 0 : i32
    %dma_start3A_233 = arith.constant 0 : i32
    %dma_start3A_234 = tpu.memref_slice %arg10[%dma_start3A_232, %dma_start3A_233] : memref<10000x64xf32, #tpu.memory_space<vmem_shared>> -> memref<10000x64xf32, #tpu.memory_space<vmem_shared>>
    tpu.enqueue_indirect_dma source(%dma_start3A_234 : memref<10000x64xf32, #tpu.memory_space<vmem_shared>>) target(%arg13 : memref<128x64xf32, #tpu.memory_space<vmem>>) offsets(%dma_start3A_231 : memref<128xi32, #tpu.memory_space<vmem>>) semaphore(%arg17 : memref<!tpu.dma_semaphore, #tpu.memory_space<semaphore_mem>>)
    %dma_start3A_235 = arith.constant 1 : i32
    %dma_start3A_236 = arith.constant 2 : i32
    %dma_start3A_237 = arith.constant 0 : i32
    %dma_start3A_238 = tpu.memref_slice %arg7[%dma_start3A_235, %dma_start3A_236, %dma_start3A_237] : memref<2x4x128xi32, #tpu.memory_space<vmem>> -> memref<1x1x128xi32, #tpu.memory_space<vmem>>
    %dma_start3A_239 = tpu.memref_squeeze %dma_start3A_238 : memref<1x1x128xi32, #tpu.memory_space<vmem>> -> memref<128xi32, #tpu.memory_space<vmem>>
    %dma_start3A_240 = arith.constant 0 : i32
    %dma_start3A_241 = arith.constant 0 : i32
    %dma_start3A_242 = tpu.memref_slice %arg10[%dma_start3A_240, %dma_start3A_241] : memref<10000x64xf32, #tpu.memory_space<vmem_shared>> -> memref<10000x64xf32, #tpu.memory_space<vmem_shared>>
    tpu.enqueue_indirect_dma source(%dma_start3A_242 : memref<10000x64xf32, #tpu.memory_space<vmem_shared>>) target(%arg14 : memref<128x64xf32, #tpu.memory_space<vmem>>) offsets(%dma_start3A_239 : memref<128xi32, #tpu.memory_space<vmem>>) semaphore(%arg18 : memref<!tpu.dma_semaphore, #tpu.memory_space<semaphore_mem>>)
    %dma_start3A_243 = arith.constant 1 : i32
    %dma_start3A_244 = arith.constant 3 : i32
    %dma_start3A_245 = arith.constant 0 : i32
    %dma_start3A_246 = tpu.memref_slice %arg7[%dma_start3A_243, %dma_start3A_244, %dma_start3A_245] : memref<2x4x128xi32, #tpu.memory_space<vmem>> -> memref<1x1x128xi32, #tpu.memory_space<vmem>>
    %dma_start3A_247 = tpu.memref_squeeze %dma_start3A_246 : memref<1x1x128xi32, #tpu.memory_space<vmem>> -> memref<128xi32, #tpu.memory_space<vmem>>
    %dma_start3A_248 = arith.constant 0 : i32
    %dma_start3A_249 = arith.constant 0 : i32
    %dma_start3A_250 = tpu.memref_slice %arg10[%dma_start3A_248, %dma_start3A_249] : memref<10000x64xf32, #tpu.memory_space<vmem_shared>> -> memref<10000x64xf32, #tpu.memory_space<vmem_shared>>
    tpu.enqueue_indirect_dma source(%dma_start3A_250 : memref<10000x64xf32, #tpu.memory_space<vmem_shared>>) target(%arg15 : memref<128x64xf32, #tpu.memory_space<vmem>>) offsets(%dma_start3A_247 : memref<128xi32, #tpu.memory_space<vmem>>) semaphore(%arg19 : memref<!tpu.dma_semaphore, #tpu.memory_space<semaphore_mem>>)
    %dma_wait3A_251 = arith.constant 1 : i32
    %dma_wait3A_252 = arith.constant 0 : i32
    %dma_wait3A_253 = arith.constant 0 : i32
    %dma_wait3A_254 = tpu.memref_slice %arg7[%dma_wait3A_251, %dma_wait3A_252, %dma_wait3A_253] : memref<2x4x128xi32, #tpu.memory_space<vmem>> -> memref<1x1x128xi32, #tpu.memory_space<vmem>>
    %dma_wait3A_255 = tpu.memref_squeeze %dma_wait3A_254 : memref<1x1x128xi32, #tpu.memory_space<vmem>> -> memref<128xi32, #tpu.memory_space<vmem>>
    %dma_wait3A_256 = arith.constant 0 : i32
    %dma_wait3A_257 = arith.constant 0 : i32
    %dma_wait3A_258 = tpu.memref_slice %arg10[%dma_wait3A_256, %dma_wait3A_257] : memref<10000x64xf32, #tpu.memory_space<vmem_shared>> -> memref<10000x64xf32, #tpu.memory_space<vmem_shared>>
    tpu.wait_indirect_dma semaphore(%arg16 : memref<!tpu.dma_semaphore, #tpu.memory_space<semaphore_mem>>) src(%dma_wait3A_258 : memref<10000x64xf32, #tpu.memory_space<vmem_shared>>) dst(%arg12 : memref<128x64xf32, #tpu.memory_space<vmem>>)
    %dma_start3A_259 = arith.constant 1 : i32
    %dma_start3A_260 = arith.constant 0 : i32
    %dma_start3A_261 = arith.constant 0 : i32
    %dma_start3A_262 = tpu.memref_slice %arg8[%dma_start3A_259, %dma_start3A_260, %dma_start3A_261] : memref<2x4x128xi32, #tpu.memory_space<vmem>> -> memref<1x1x128xi32, #tpu.memory_space<vmem>>
    %dma_start3A_263 = tpu.memref_squeeze %dma_start3A_262 : memref<1x1x128xi32, #tpu.memory_space<vmem>> -> memref<128xi32, #tpu.memory_space<vmem>>
    %dma_start3A_264 = arith.constant 0 : i32
    %dma_start3A_265 = arith.constant 0 : i32
    %dma_start3A_266 = tpu.memref_slice %arg11[%dma_start3A_264, %dma_start3A_265] : memref<10240x64xf32, #tpu.memory_space<vmem_shared>> -> memref<10240x64xf32, #tpu.memory_space<vmem_shared>>
    tpu.enqueue_indirect_dma source(%arg12 : memref<128x64xf32, #tpu.memory_space<vmem>>) target(%dma_start3A_266 : memref<10240x64xf32, #tpu.memory_space<vmem_shared>>) offsets(%dma_start3A_263 : memref<128xi32, #tpu.memory_space<vmem>>) semaphore(%arg20 : memref<!tpu.dma_semaphore, #tpu.memory_space<semaphore_mem>>) {add = true}
    %dma_wait3A_267 = arith.constant 1 : i32
    %dma_wait3A_268 = arith.constant 1 : i32
    %dma_wait3A_269 = arith.constant 0 : i32
    %dma_wait3A_270 = tpu.memref_slice %arg7[%dma_wait3A_267, %dma_wait3A_268, %dma_wait3A_269] : memref<2x4x128xi32, #tpu.memory_space<vmem>> -> memref<1x1x128xi32, #tpu.memory_space<vmem>>
    %dma_wait3A_271 = tpu.memref_squeeze %dma_wait3A_270 : memref<1x1x128xi32, #tpu.memory_space<vmem>> -> memref<128xi32, #tpu.memory_space<vmem>>
    %dma_wait3A_272 = arith.constant 0 : i32
    %dma_wait3A_273 = arith.constant 0 : i32
    %dma_wait3A_274 = tpu.memref_slice %arg10[%dma_wait3A_272, %dma_wait3A_273] : memref<10000x64xf32, #tpu.memory_space<vmem_shared>> -> memref<10000x64xf32, #tpu.memory_space<vmem_shared>>
    tpu.wait_indirect_dma semaphore(%arg17 : memref<!tpu.dma_semaphore, #tpu.memory_space<semaphore_mem>>) src(%dma_wait3A_274 : memref<10000x64xf32, #tpu.memory_space<vmem_shared>>) dst(%arg13 : memref<128x64xf32, #tpu.memory_space<vmem>>)
    %dma_start3A_275 = arith.constant 1 : i32
    %dma_start3A_276 = arith.constant 1 : i32
    %dma_start3A_277 = arith.constant 0 : i32
    %dma_start3A_278 = tpu.memref_slice %arg8[%dma_start3A_275, %dma_start3A_276, %dma_start3A_277] : memref<2x4x128xi32, #tpu.memory_space<vmem>> -> memref<1x1x128xi32, #tpu.memory_space<vmem>>
    %dma_start3A_279 = tpu.memref_squeeze %dma_start3A_278 : memref<1x1x128xi32, #tpu.memory_space<vmem>> -> memref<128xi32, #tpu.memory_space<vmem>>
    %dma_start3A_280 = arith.constant 0 : i32
    %dma_start3A_281 = arith.constant 0 : i32
    %dma_start3A_282 = tpu.memref_slice %arg11[%dma_start3A_280, %dma_start3A_281] : memref<10240x64xf32, #tpu.memory_space<vmem_shared>> -> memref<10240x64xf32, #tpu.memory_space<vmem_shared>>
    tpu.enqueue_indirect_dma source(%arg13 : memref<128x64xf32, #tpu.memory_space<vmem>>) target(%dma_start3A_282 : memref<10240x64xf32, #tpu.memory_space<vmem_shared>>) offsets(%dma_start3A_279 : memref<128xi32, #tpu.memory_space<vmem>>) semaphore(%arg21 : memref<!tpu.dma_semaphore, #tpu.memory_space<semaphore_mem>>) {add = true}
    %dma_wait3A_283 = arith.constant 1 : i32
    %dma_wait3A_284 = arith.constant 2 : i32
    %dma_wait3A_285 = arith.constant 0 : i32
    %dma_wait3A_286 = tpu.memref_slice %arg7[%dma_wait3A_283, %dma_wait3A_284, %dma_wait3A_285] : memref<2x4x128xi32, #tpu.memory_space<vmem>> -> memref<1x1x128xi32, #tpu.memory_space<vmem>>
    %dma_wait3A_287 = tpu.memref_squeeze %dma_wait3A_286 : memref<1x1x128xi32, #tpu.memory_space<vmem>> -> memref<128xi32, #tpu.memory_space<vmem>>
    %dma_wait3A_288 = arith.constant 0 : i32
    %dma_wait3A_289 = arith.constant 0 : i32
    %dma_wait3A_290 = tpu.memref_slice %arg10[%dma_wait3A_288, %dma_wait3A_289] : memref<10000x64xf32, #tpu.memory_space<vmem_shared>> -> memref<10000x64xf32, #tpu.memory_space<vmem_shared>>
    tpu.wait_indirect_dma semaphore(%arg18 : memref<!tpu.dma_semaphore, #tpu.memory_space<semaphore_mem>>) src(%dma_wait3A_290 : memref<10000x64xf32, #tpu.memory_space<vmem_shared>>) dst(%arg14 : memref<128x64xf32, #tpu.memory_space<vmem>>)
    %dma_start3A_291 = arith.constant 1 : i32
    %dma_start3A_292 = arith.constant 2 : i32
    %dma_start3A_293 = arith.constant 0 : i32
    %dma_start3A_294 = tpu.memref_slice %arg8[%dma_start3A_291, %dma_start3A_292, %dma_start3A_293] : memref<2x4x128xi32, #tpu.memory_space<vmem>> -> memref<1x1x128xi32, #tpu.memory_space<vmem>>
    %dma_start3A_295 = tpu.memref_squeeze %dma_start3A_294 : memref<1x1x128xi32, #tpu.memory_space<vmem>> -> memref<128xi32, #tpu.memory_space<vmem>>
    %dma_start3A_296 = arith.constant 0 : i32
    %dma_start3A_297 = arith.constant 0 : i32
    %dma_start3A_298 = tpu.memref_slice %arg11[%dma_start3A_296, %dma_start3A_297] : memref<10240x64xf32, #tpu.memory_space<vmem_shared>> -> memref<10240x64xf32, #tpu.memory_space<vmem_shared>>
    tpu.enqueue_indirect_dma source(%arg14 : memref<128x64xf32, #tpu.memory_space<vmem>>) target(%dma_start3A_298 : memref<10240x64xf32, #tpu.memory_space<vmem_shared>>) offsets(%dma_start3A_295 : memref<128xi32, #tpu.memory_space<vmem>>) semaphore(%arg22 : memref<!tpu.dma_semaphore, #tpu.memory_space<semaphore_mem>>) {add = true}
    %dma_wait3A_299 = arith.constant 1 : i32
    %dma_wait3A_300 = arith.constant 3 : i32
    %dma_wait3A_301 = arith.constant 0 : i32
    %dma_wait3A_302 = tpu.memref_slice %arg7[%dma_wait3A_299, %dma_wait3A_300, %dma_wait3A_301] : memref<2x4x128xi32, #tpu.memory_space<vmem>> -> memref<1x1x128xi32, #tpu.memory_space<vmem>>
    %dma_wait3A_303 = tpu.memref_squeeze %dma_wait3A_302 : memref<1x1x128xi32, #tpu.memory_space<vmem>> -> memref<128xi32, #tpu.memory_space<vmem>>
    %dma_wait3A_304 = arith.constant 0 : i32
    %dma_wait3A_305 = arith.constant 0 : i32
    %dma_wait3A_306 = tpu.memref_slice %arg10[%dma_wait3A_304, %dma_wait3A_305] : memref<10000x64xf32, #tpu.memory_space<vmem_shared>> -> memref<10000x64xf32, #tpu.memory_space<vmem_shared>>
    tpu.wait_indirect_dma semaphore(%arg19 : memref<!tpu.dma_semaphore, #tpu.memory_space<semaphore_mem>>) src(%dma_wait3A_306 : memref<10000x64xf32, #tpu.memory_space<vmem_shared>>) dst(%arg15 : memref<128x64xf32, #tpu.memory_space<vmem>>)
    %dma_start3A_307 = arith.constant 1 : i32
    %dma_start3A_308 = arith.constant 3 : i32
    %dma_start3A_309 = arith.constant 0 : i32
    %dma_start3A_310 = tpu.memref_slice %arg8[%dma_start3A_307, %dma_start3A_308, %dma_start3A_309] : memref<2x4x128xi32, #tpu.memory_space<vmem>> -> memref<1x1x128xi32, #tpu.memory_space<vmem>>
    %dma_start3A_311 = tpu.memref_squeeze %dma_start3A_310 : memref<1x1x128xi32, #tpu.memory_space<vmem>> -> memref<128xi32, #tpu.memory_space<vmem>>
    %dma_start3A_312 = arith.constant 0 : i32
    %dma_start3A_313 = arith.constant 0 : i32
    %dma_start3A_314 = tpu.memref_slice %arg11[%dma_start3A_312, %dma_start3A_313] : memref<10240x64xf32, #tpu.memory_space<vmem_shared>> -> memref<10240x64xf32, #tpu.memory_space<vmem_shared>>
    tpu.enqueue_indirect_dma source(%arg15 : memref<128x64xf32, #tpu.memory_space<vmem>>) target(%dma_start3A_314 : memref<10240x64xf32, #tpu.memory_space<vmem_shared>>) offsets(%dma_start3A_311 : memref<128xi32, #tpu.memory_space<vmem>>) semaphore(%arg23 : memref<!tpu.dma_semaphore, #tpu.memory_space<semaphore_mem>>) {add = true}
    %dma_wait3A_315 = arith.constant 1 : i32
    %dma_wait3A_316 = arith.constant 0 : i32
    %dma_wait3A_317 = arith.constant 0 : i32
    %dma_wait3A_318 = tpu.memref_slice %arg8[%dma_wait3A_315, %dma_wait3A_316, %dma_wait3A_317] : memref<2x4x128xi32, #tpu.memory_space<vmem>> -> memref<1x1x128xi32, #tpu.memory_space<vmem>>
    %dma_wait3A_319 = tpu.memref_squeeze %dma_wait3A_318 : memref<1x1x128xi32, #tpu.memory_space<vmem>> -> memref<128xi32, #tpu.memory_space<vmem>>
    %dma_wait3A_320 = arith.constant 0 : i32
    %dma_wait3A_321 = arith.constant 0 : i32
    %dma_wait3A_322 = tpu.memref_slice %arg11[%dma_wait3A_320, %dma_wait3A_321] : memref<10240x64xf32, #tpu.memory_space<vmem_shared>> -> memref<10240x64xf32, #tpu.memory_space<vmem_shared>>
    tpu.wait_indirect_dma semaphore(%arg20 : memref<!tpu.dma_semaphore, #tpu.memory_space<semaphore_mem>>) src(%arg12 : memref<128x64xf32, #tpu.memory_space<vmem>>) dst(%dma_wait3A_322 : memref<10240x64xf32, #tpu.memory_space<vmem_shared>>)
    %dma_wait3A_323 = arith.constant 1 : i32
    %dma_wait3A_324 = arith.constant 1 : i32
    %dma_wait3A_325 = arith.constant 0 : i32
    %dma_wait3A_326 = tpu.memref_slice %arg8[%dma_wait3A_323, %dma_wait3A_324, %dma_wait3A_325] : memref<2x4x128xi32, #tpu.memory_space<vmem>> -> memref<1x1x128xi32, #tpu.memory_space<vmem>>
    %dma_wait3A_327 = tpu.memref_squeeze %dma_wait3A_326 : memref<1x1x128xi32, #tpu.memory_space<vmem>> -> memref<128xi32, #tpu.memory_space<vmem>>
    %dma_wait3A_328 = arith.constant 0 : i32
    %dma_wait3A_329 = arith.constant 0 : i32
    %dma_wait3A_330 = tpu.memref_slice %arg11[%dma_wait3A_328, %dma_wait3A_329] : memref<10240x64xf32, #tpu.memory_space<vmem_shared>> -> memref<10240x64xf32, #tpu.memory_space<vmem_shared>>
    tpu.wait_indirect_dma semaphore(%arg21 : memref<!tpu.dma_semaphore, #tpu.memory_space<semaphore_mem>>) src(%arg13 : memref<128x64xf32, #tpu.memory_space<vmem>>) dst(%dma_wait3A_330 : memref<10240x64xf32, #tpu.memory_space<vmem_shared>>)
    %dma_wait3A_331 = arith.constant 1 : i32
    %dma_wait3A_332 = arith.constant 2 : i32
    %dma_wait3A_333 = arith.constant 0 : i32
    %dma_wait3A_334 = tpu.memref_slice %arg8[%dma_wait3A_331, %dma_wait3A_332, %dma_wait3A_333] : memref<2x4x128xi32, #tpu.memory_space<vmem>> -> memref<1x1x128xi32, #tpu.memory_space<vmem>>
    %dma_wait3A_335 = tpu.memref_squeeze %dma_wait3A_334 : memref<1x1x128xi32, #tpu.memory_space<vmem>> -> memref<128xi32, #tpu.memory_space<vmem>>
    %dma_wait3A_336 = arith.constant 0 : i32
    %dma_wait3A_337 = arith.constant 0 : i32
    %dma_wait3A_338 = tpu.memref_slice %arg11[%dma_wait3A_336, %dma_wait3A_337] : memref<10240x64xf32, #tpu.memory_space<vmem_shared>> -> memref<10240x64xf32, #tpu.memory_space<vmem_shared>>
    tpu.wait_indirect_dma semaphore(%arg22 : memref<!tpu.dma_semaphore, #tpu.memory_space<semaphore_mem>>) src(%arg14 : memref<128x64xf32, #tpu.memory_space<vmem>>) dst(%dma_wait3A_338 : memref<10240x64xf32, #tpu.memory_space<vmem_shared>>)
    %dma_wait3A_339 = arith.constant 1 : i32
    %dma_wait3A_340 = arith.constant 3 : i32
    %dma_wait3A_341 = arith.constant 0 : i32
    %dma_wait3A_342 = tpu.memref_slice %arg8[%dma_wait3A_339, %dma_wait3A_340, %dma_wait3A_341] : memref<2x4x128xi32, #tpu.memory_space<vmem>> -> memref<1x1x128xi32, #tpu.memory_space<vmem>>
    %dma_wait3A_343 = tpu.memref_squeeze %dma_wait3A_342 : memref<1x1x128xi32, #tpu.memory_space<vmem>> -> memref<128xi32, #tpu.memory_space<vmem>>
    %dma_wait3A_344 = arith.constant 0 : i32
    %dma_wait3A_345 = arith.constant 0 : i32
    %dma_wait3A_346 = tpu.memref_slice %arg11[%dma_wait3A_344, %dma_wait3A_345] : memref<10240x64xf32, #tpu.memory_space<vmem_shared>> -> memref<10240x64xf32, #tpu.memory_space<vmem_shared>>
    tpu.wait_indirect_dma semaphore(%arg23 : memref<!tpu.dma_semaphore, #tpu.memory_space<semaphore_mem>>) src(%arg15 : memref<128x64xf32, #tpu.memory_space<vmem>>) dst(%dma_wait3A_346 : memref<10240x64xf32, #tpu.memory_space<vmem_shared>>)
    %barrier3A_347 = arith.constant 0 : index
    tpu.barrier barrier_id(%barrier3A_347)
    %scan3A_348 = arith.constant 0 : i32
    %scan3A_349 = arith.constant 0 : i32
    %scan3A_350 = arith.constant 128 : i32
    %scan3A_351 = arith.addi %scan3A_349, %scan3A_350 : i32
    %scan3A_352 = arith.constant 1 : i32
    scf.for %scan3A_704 = %scan3A_349 to %scan3A_351 step %scan3A_352  : i32 {
      %broadcast_in_dim3A = arith.constant 0.000000e+00 : f32
      %broadcast_in_dim3A_705 = vector.broadcast %broadcast_in_dim3A : f32 to vector<16xf32>
      %swap3A = arith.index_cast %scan3A_704 : i32 to index
      %swap3A_706 = arith.constant 0 : index
      %swap3A_707 = tpu.vector_load %arg13[%swap3A, %swap3A_706] {strides = array<i32>} : memref<128x64xf32, #tpu.memory_space<vmem>>, vector<1x16xf32>,
      %swap3A_708 = vector.shape_cast %swap3A_707 : vector<1x16xf32> to vector<16xf32>
      %swap3A_709 = vector.shape_cast %broadcast_in_dim3A_705 : vector<16xf32> to vector<1x16xf32>
      tpu.vector_store %arg13[%swap3A, %swap3A_706], %swap3A_709 {strides = array<i32>} : memref<128x64xf32, #tpu.memory_space<vmem>>, vector<1x16xf32>,
      %broadcast_in_dim3A_710 = arith.constant 0.000000e+00 : f32
      %broadcast_in_dim3A_711 = vector.broadcast %broadcast_in_dim3A_710 : f32 to vector<16xf32>
      %swap3A_712 = arith.index_cast %scan3A_704 : i32 to index
      %swap3A_713 = arith.constant 16 : index
      %swap3A_714 = tpu.vector_load %arg13[%swap3A_712, %swap3A_713] {strides = array<i32>} : memref<128x64xf32, #tpu.memory_space<vmem>>, vector<1x16xf32>,
      %swap3A_715 = vector.shape_cast %swap3A_714 : vector<1x16xf32> to vector<16xf32>
      %swap3A_716 = vector.shape_cast %broadcast_in_dim3A_711 : vector<16xf32> to vector<1x16xf32>
      tpu.vector_store %arg13[%swap3A_712, %swap3A_713], %swap3A_716 {strides = array<i32>} : memref<128x64xf32, #tpu.memory_space<vmem>>, vector<1x16xf32>,
      %broadcast_in_dim3A_717 = arith.constant 0.000000e+00 : f32
      %broadcast_in_dim3A_718 = vector.broadcast %broadcast_in_dim3A_717 : f32 to vector<16xf32>
      %swap3A_719 = arith.index_cast %scan3A_704 : i32 to index
      %swap3A_720 = arith.constant 32 : index
      %swap3A_721 = tpu.vector_load %arg13[%swap3A_719, %swap3A_720] {strides = array<i32>} : memref<128x64xf32, #tpu.memory_space<vmem>>, vector<1x16xf32>,
      %swap3A_722 = vector.shape_cast %swap3A_721 : vector<1x16xf32> to vector<16xf32>
      %swap3A_723 = vector.shape_cast %broadcast_in_dim3A_718 : vector<16xf32> to vector<1x16xf32>
      tpu.vector_store %arg13[%swap3A_719, %swap3A_720], %swap3A_723 {strides = array<i32>} : memref<128x64xf32, #tpu.memory_space<vmem>>, vector<1x16xf32>,
      %broadcast_in_dim3A_724 = arith.constant 0.000000e+00 : f32
      %broadcast_in_dim3A_725 = vector.broadcast %broadcast_in_dim3A_724 : f32 to vector<16xf32>
      %swap3A_726 = arith.index_cast %scan3A_704 : i32 to index
      %swap3A_727 = arith.constant 48 : index
      %swap3A_728 = tpu.vector_load %arg13[%swap3A_726, %swap3A_727] {strides = array<i32>} : memref<128x64xf32, #tpu.memory_space<vmem>>, vector<1x16xf32>,
      %swap3A_729 = vector.shape_cast %swap3A_728 : vector<1x16xf32> to vector<16xf32>
      %swap3A_730 = vector.shape_cast %broadcast_in_dim3A_725 : vector<16xf32> to vector<1x16xf32>
      tpu.vector_store %arg13[%swap3A_726, %swap3A_727], %swap3A_730 {strides = array<i32>} : memref<128x64xf32, #tpu.memory_space<vmem>>, vector<1x16xf32>,
    }
    %scan3A_353 = arith.constant 128 : i32
    %scan3A_354 = arith.constant 0 : i32
    %scan3A_355 = arith.constant 0 : i32
    %scan3A_356 = arith.constant 5 : i32
    %scan3A_357 = arith.addi %scan3A_355, %scan3A_356 : i32
    %scan3A_358 = arith.constant 1 : i32
    scf.for %scan3A_704 = %scan3A_355 to %scan3A_357 step %scan3A_358  : i32 {
      %mul3A_705 = arith.constant 640 : i32
      %mul3A_706 = arith.muli %arg1, %mul3A_705 : i32
      %mul3A_707 = arith.constant 128 : i32
      %mul3A_708 = arith.muli %scan3A_704, %mul3A_707 : i32
      %add3A = arith.addi %mul3A_706, %mul3A_708 : i32
      "tpu.region"() ({
        %run_scoped3A_726 = tpu.sem_alloc : memref<!tpu.dma_semaphore, #tpu.memory_space<semaphore_mem>>
        %dma_start3A_727 = arith.constant 0 : i32
        %dma_start3A_728 = tpu.memref_slice %arg11[%add3A, %dma_start3A_727] : memref<10240x64xf32, #tpu.memory_space<vmem_shared>> -> memref<128x64xf32, #tpu.memory_space<vmem_shared>>
        %dma_start3A_729 = arith.constant 0 : i32
        %dma_start3A_730 = tpu.memref_slice %arg11[%add3A, %dma_start3A_729] : memref<10240x64xf32, #tpu.memory_space<vmem_shared>> -> memref<128x64xf32, #tpu.memory_space<vmem_shared>>
        tpu.enqueue_dma source(%dma_start3A_730 : memref<128x64xf32, #tpu.memory_space<vmem_shared>>) target(%arg12 : memref<128x64xf32, #tpu.memory_space<vmem>>) target_semaphore(%run_scoped3A_726 : memref<!tpu.dma_semaphore, #tpu.memory_space<semaphore_mem>>)
        %dma_wait3A_731 = arith.constant 0 : i32
        %dma_wait3A_732 = tpu.memref_slice %arg11[%add3A, %dma_wait3A_731] : memref<10240x64xf32, #tpu.memory_space<vmem_shared>> -> memref<128x64xf32, #tpu.memory_space<vmem_shared>>
        %dma_wait3A_733 = arith.constant 0 : i32
        %dma_wait3A_734 = tpu.memref_slice %arg11[%add3A, %dma_wait3A_733] : memref<10240x64xf32, #tpu.memory_space<vmem_shared>> -> memref<128x64xf32, #tpu.memory_space<vmem_shared>>
        tpu.wait_dma2 semaphore(%run_scoped3A_726 : memref<!tpu.dma_semaphore, #tpu.memory_space<semaphore_mem>>) src(%dma_wait3A_734 : memref<128x64xf32, #tpu.memory_space<vmem_shared>>) dst(%arg12 : memref<128x64xf32, #tpu.memory_space<vmem>>)
        tpu.yield
      }) : () -> ()
      %scan3A_709 = arith.constant 0 : i32
      %scan3A_710 = arith.constant 0 : i32
      %scan3A_711 = arith.constant 128 : i32
      %scan3A_712 = arith.addi %scan3A_710, %scan3A_711 : i32
      %scan3A_713 = arith.constant 1 : i32
      scf.for %scan3A_726 = %scan3A_710 to %scan3A_712 step %scan3A_713  : i32 {
        %get3A = arith.index_cast %scan3A_726 : i32 to index
        %get3A_727 = arith.constant 0 : index
        %get3A_728 = tpu.vector_load %arg12[%get3A, %get3A_727] {strides = array<i32>} : memref<128x64xf32, #tpu.memory_space<vmem>>, vector<1x16xf32>,
        %get3A_729 = vector.shape_cast %get3A_728 : vector<1x16xf32> to vector<16xf32>
        %get3A_730 = arith.constant 0 : index
        %get3A_731 = tpu.vector_load %arg9[%get3A_730] {strides = array<i32>} : memref<64xf32, #tpu.memory_space<vmem>>, vector<16xf32>,
        %get3A_732 = vector.shape_cast %get3A_731 : vector<16xf32> to vector<16xf32>
        %add3A_733 = arith.addf %get3A_729, %get3A_732 : vector<16xf32>
        %max3A = arith.constant 0.000000e+00 : f32
        %max3A_734 = vector.broadcast %max3A : f32 to vector<16xf32>
        %max3A_735 = arith.maximumf %add3A_733, %max3A_734 : vector<16xf32>
        %swap3A = arith.index_cast %scan3A_726 : i32 to index
        %swap3A_736 = arith.constant 0 : index
        %swap3A_737 = tpu.vector_load %arg12[%swap3A, %swap3A_736] {strides = array<i32>} : memref<128x64xf32, #tpu.memory_space<vmem>>, vector<1x16xf32>,
        %swap3A_738 = vector.shape_cast %swap3A_737 : vector<1x16xf32> to vector<16xf32>
        %swap3A_739 = vector.shape_cast %max3A_735 : vector<16xf32> to vector<1x16xf32>
        tpu.vector_store %arg12[%swap3A, %swap3A_736], %swap3A_739 {strides = array<i32>} : memref<128x64xf32, #tpu.memory_space<vmem>>, vector<1x16xf32>,
        %get3A_740 = arith.index_cast %scan3A_726 : i32 to index
        %get3A_741 = arith.constant 16 : index
        %get3A_742 = tpu.vector_load %arg12[%get3A_740, %get3A_741] {strides = array<i32>} : memref<128x64xf32, #tpu.memory_space<vmem>>, vector<1x16xf32>,
        %get3A_743 = vector.shape_cast %get3A_742 : vector<1x16xf32> to vector<16xf32>
        %get3A_744 = arith.constant 16 : index
        %get3A_745 = tpu.vector_load %arg9[%get3A_744] {strides = array<i32>} : memref<64xf32, #tpu.memory_space<vmem>>, vector<16xf32>,
        %get3A_746 = vector.shape_cast %get3A_745 : vector<16xf32> to vector<16xf32>
        %add3A_747 = arith.addf %get3A_743, %get3A_746 : vector<16xf32>
        %max3A_748 = arith.constant 0.000000e+00 : f32
        %max3A_749 = vector.broadcast %max3A_748 : f32 to vector<16xf32>
        %max3A_750 = arith.maximumf %add3A_747, %max3A_749 : vector<16xf32>
        %swap3A_751 = arith.index_cast %scan3A_726 : i32 to index
        %swap3A_752 = arith.constant 16 : index
        %swap3A_753 = tpu.vector_load %arg12[%swap3A_751, %swap3A_752] {strides = array<i32>} : memref<128x64xf32, #tpu.memory_space<vmem>>, vector<1x16xf32>,
        %swap3A_754 = vector.shape_cast %swap3A_753 : vector<1x16xf32> to vector<16xf32>
        %swap3A_755 = vector.shape_cast %max3A_750 : vector<16xf32> to vector<1x16xf32>
        tpu.vector_store %arg12[%swap3A_751, %swap3A_752], %swap3A_755 {strides = array<i32>} : memref<128x64xf32, #tpu.memory_space<vmem>>, vector<1x16xf32>,
        %get3A_756 = arith.index_cast %scan3A_726 : i32 to index
        %get3A_757 = arith.constant 32 : index
        %get3A_758 = tpu.vector_load %arg12[%get3A_756, %get3A_757] {strides = array<i32>} : memref<128x64xf32, #tpu.memory_space<vmem>>, vector<1x16xf32>,
        %get3A_759 = vector.shape_cast %get3A_758 : vector<1x16xf32> to vector<16xf32>
        %get3A_760 = arith.constant 32 : index
        %get3A_761 = tpu.vector_load %arg9[%get3A_760] {strides = array<i32>} : memref<64xf32, #tpu.memory_space<vmem>>, vector<16xf32>,
        %get3A_762 = vector.shape_cast %get3A_761 : vector<16xf32> to vector<16xf32>
        %add3A_763 = arith.addf %get3A_759, %get3A_762 : vector<16xf32>
        %max3A_764 = arith.constant 0.000000e+00 : f32
        %max3A_765 = vector.broadcast %max3A_764 : f32 to vector<16xf32>
        %max3A_766 = arith.maximumf %add3A_763, %max3A_765 : vector<16xf32>
        %swap3A_767 = arith.index_cast %scan3A_726 : i32 to index
        %swap3A_768 = arith.constant 32 : index
        %swap3A_769 = tpu.vector_load %arg12[%swap3A_767, %swap3A_768] {strides = array<i32>} : memref<128x64xf32, #tpu.memory_space<vmem>>, vector<1x16xf32>,
        %swap3A_770 = vector.shape_cast %swap3A_769 : vector<1x16xf32> to vector<16xf32>
        %swap3A_771 = vector.shape_cast %max3A_766 : vector<16xf32> to vector<1x16xf32>
        tpu.vector_store %arg12[%swap3A_767, %swap3A_768], %swap3A_771 {strides = array<i32>} : memref<128x64xf32, #tpu.memory_space<vmem>>, vector<1x16xf32>,
        %get3A_772 = arith.index_cast %scan3A_726 : i32 to index
        %get3A_773 = arith.constant 48 : index
        %get3A_774 = tpu.vector_load %arg12[%get3A_772, %get3A_773] {strides = array<i32>} : memref<128x64xf32, #tpu.memory_space<vmem>>, vector<1x16xf32>,
        %get3A_775 = vector.shape_cast %get3A_774 : vector<1x16xf32> to vector<16xf32>
        %get3A_776 = arith.constant 48 : index
        %get3A_777 = tpu.vector_load %arg9[%get3A_776] {strides = array<i32>} : memref<64xf32, #tpu.memory_space<vmem>>, vector<16xf32>,
        %get3A_778 = vector.shape_cast %get3A_777 : vector<16xf32> to vector<16xf32>
        %add3A_779 = arith.addf %get3A_775, %get3A_778 : vector<16xf32>
        %max3A_780 = arith.constant 0.000000e+00 : f32
        %max3A_781 = vector.broadcast %max3A_780 : f32 to vector<16xf32>
        %max3A_782 = arith.maximumf %add3A_779, %max3A_781 : vector<16xf32>
        %swap3A_783 = arith.index_cast %scan3A_726 : i32 to index
        %swap3A_784 = arith.constant 48 : index
        %swap3A_785 = tpu.vector_load %arg12[%swap3A_783, %swap3A_784] {strides = array<i32>} : memref<128x64xf32, #tpu.memory_space<vmem>>, vector<1x16xf32>,
        %swap3A_786 = vector.shape_cast %swap3A_785 : vector<1x16xf32> to vector<16xf32>
        %swap3A_787 = vector.shape_cast %max3A_782 : vector<16xf32> to vector<1x16xf32>
        tpu.vector_store %arg12[%swap3A_783, %swap3A_784], %swap3A_787 {strides = array<i32>} : memref<128x64xf32, #tpu.memory_space<vmem>>, vector<1x16xf32>,
      }
      %scan3A_714 = arith.constant 128 : i32
      %add3A_715 = arith.constant 128 : i32
      %add3A_716 = arith.addi %add3A, %add3A_715 : i32
      %le3A = arith.constant 10000 : i32
      %le3A_717 = arith.cmpi sle, %add3A_716, %le3A : i32
      %convert_element_type3A = arith.extui %le3A_717 : i1 to i32
      %cond3A = arith.constant 0 : i32
      %cond3A_718 = arith.cmpi ne, %convert_element_type3A, %cond3A : i32
      scf.if %cond3A_718 {
        "tpu.region"() ({
          %run_scoped3A_726 = tpu.sem_alloc : memref<!tpu.dma_semaphore, #tpu.memory_space<semaphore_mem>>
          %dma_start3A_727 = arith.constant 0 : i32
          %dma_start3A_728 = tpu.memref_slice %arg10[%add3A, %dma_start3A_727] : memref<10000x64xf32, #tpu.memory_space<vmem_shared>> -> memref<128x64xf32, #tpu.memory_space<vmem_shared>>
          %dma_start3A_729 = arith.constant 0 : i32
          %dma_start3A_730 = tpu.memref_slice %arg10[%add3A, %dma_start3A_729] : memref<10000x64xf32, #tpu.memory_space<vmem_shared>> -> memref<128x64xf32, #tpu.memory_space<vmem_shared>>
          tpu.enqueue_dma source(%arg12 : memref<128x64xf32, #tpu.memory_space<vmem>>) target(%dma_start3A_730 : memref<128x64xf32, #tpu.memory_space<vmem_shared>>) target_semaphore(%run_scoped3A_726 : memref<!tpu.dma_semaphore, #tpu.memory_space<semaphore_mem>>)
          %dma_wait3A_731 = arith.constant 0 : i32
          %dma_wait3A_732 = tpu.memref_slice %arg10[%add3A, %dma_wait3A_731] : memref<10000x64xf32, #tpu.memory_space<vmem_shared>> -> memref<128x64xf32, #tpu.memory_space<vmem_shared>>
          %dma_wait3A_733 = arith.constant 0 : i32
          %dma_wait3A_734 = tpu.memref_slice %arg10[%add3A, %dma_wait3A_733] : memref<10000x64xf32, #tpu.memory_space<vmem_shared>> -> memref<128x64xf32, #tpu.memory_space<vmem_shared>>
          tpu.wait_dma2 semaphore(%run_scoped3A_726 : memref<!tpu.dma_semaphore, #tpu.memory_space<semaphore_mem>>) src(%arg12 : memref<128x64xf32, #tpu.memory_space<vmem>>) dst(%dma_wait3A_734 : memref<128x64xf32, #tpu.memory_space<vmem_shared>>)
          tpu.yield
        }) : () -> ()
      } else {
      }
      %lt3A = arith.constant 10000 : i32
      %lt3A_719 = arith.cmpi slt, %add3A, %lt3A : i32
      %add3A_720 = arith.constant 128 : i32
      %add3A_721 = arith.addi %add3A, %add3A_720 : i32
      %gt3A = arith.constant 10000 : i32
      %gt3A_722 = arith.cmpi sgt, %add3A_721, %gt3A : i32
      %and3A = arith.andi %lt3A_719, %gt3A_722 : i1
      %convert_element_type3A_723 = arith.extui %and3A : i1 to i32
      %cond3A_724 = arith.constant 0 : i32
      %cond3A_725 = arith.cmpi ne, %convert_element_type3A_723, %cond3A_724 : i32
      scf.if %cond3A_725 {
        "tpu.region"() ({
          %run_scoped3A_726 = tpu.sem_alloc : memref<!tpu.dma_semaphore, #tpu.memory_space<semaphore_mem>>
          %dma_start3A_727 = arith.constant 0 : i32
          %dma_start3A_728 = arith.constant 0 : i32
          %dma_start3A_729 = tpu.memref_slice %arg12[%dma_start3A_727, %dma_start3A_728] : memref<128x64xf32, #tpu.memory_space<vmem>> -> memref<16x64xf32, #tpu.memory_space<vmem>>
          %dma_start3A_730 = arith.constant 9984 : i32
          %dma_start3A_731 = arith.constant 0 : i32
          %dma_start3A_732 = tpu.memref_slice %arg10[%dma_start3A_730, %dma_start3A_731] : memref<10000x64xf32, #tpu.memory_space<vmem_shared>> -> memref<16x64xf32, #tpu.memory_space<vmem_shared>>
          %dma_start3A_733 = arith.constant 9984 : i32
          %dma_start3A_734 = arith.constant 0 : i32
          %dma_start3A_735 = tpu.memref_slice %arg10[%dma_start3A_733, %dma_start3A_734] : memref<10000x64xf32, #tpu.memory_space<vmem_shared>> -> memref<16x64xf32, #tpu.memory_space<vmem_shared>>
          %dma_start3A_736 = arith.constant 0 : i32
          %dma_start3A_737 = arith.constant 0 : i32
          %dma_start3A_738 = tpu.memref_slice %arg12[%dma_start3A_736, %dma_start3A_737] : memref<128x64xf32, #tpu.memory_space<vmem>> -> memref<16x64xf32, #tpu.memory_space<vmem>>
          tpu.enqueue_dma source(%dma_start3A_738 : memref<16x64xf32, #tpu.memory_space<vmem>>) target(%dma_start3A_735 : memref<16x64xf32, #tpu.memory_space<vmem_shared>>) target_semaphore(%run_scoped3A_726 : memref<!tpu.dma_semaphore, #tpu.memory_space<semaphore_mem>>)
          %dma_wait3A_739 = arith.constant 0 : i32
          %dma_wait3A_740 = arith.constant 0 : i32
          %dma_wait3A_741 = tpu.memref_slice %arg12[%dma_wait3A_739, %dma_wait3A_740] : memref<128x64xf32, #tpu.memory_space<vmem>> -> memref<16x64xf32, #tpu.memory_space<vmem>>
          %dma_wait3A_742 = arith.constant 9984 : i32
          %dma_wait3A_743 = arith.constant 0 : i32
          %dma_wait3A_744 = tpu.memref_slice %arg10[%dma_wait3A_742, %dma_wait3A_743] : memref<10000x64xf32, #tpu.memory_space<vmem_shared>> -> memref<16x64xf32, #tpu.memory_space<vmem_shared>>
          %dma_wait3A_745 = arith.constant 9984 : i32
          %dma_wait3A_746 = arith.constant 0 : i32
          %dma_wait3A_747 = tpu.memref_slice %arg10[%dma_wait3A_745, %dma_wait3A_746] : memref<10000x64xf32, #tpu.memory_space<vmem_shared>> -> memref<16x64xf32, #tpu.memory_space<vmem_shared>>
          %dma_wait3A_748 = arith.constant 0 : i32
          %dma_wait3A_749 = arith.constant 0 : i32
          %dma_wait3A_750 = tpu.memref_slice %arg12[%dma_wait3A_748, %dma_wait3A_749] : memref<128x64xf32, #tpu.memory_space<vmem>> -> memref<16x64xf32, #tpu.memory_space<vmem>>
          tpu.wait_dma2 semaphore(%run_scoped3A_726 : memref<!tpu.dma_semaphore, #tpu.memory_space<semaphore_mem>>) src(%dma_wait3A_750 : memref<16x64xf32, #tpu.memory_space<vmem>>) dst(%dma_wait3A_747 : memref<16x64xf32, #tpu.memory_space<vmem_shared>>)
          tpu.yield
        }) : () -> ()
      } else {
      }
      "tpu.region"() ({
        %run_scoped3A_726 = tpu.sem_alloc : memref<!tpu.dma_semaphore, #tpu.memory_space<semaphore_mem>>
        %dma_start3A_727 = arith.constant 0 : i32
        %dma_start3A_728 = tpu.memref_slice %arg11[%add3A, %dma_start3A_727] : memref<10240x64xf32, #tpu.memory_space<vmem_shared>> -> memref<128x64xf32, #tpu.memory_space<vmem_shared>>
        %dma_start3A_729 = arith.constant 0 : i32
        %dma_start3A_730 = tpu.memref_slice %arg11[%add3A, %dma_start3A_729] : memref<10240x64xf32, #tpu.memory_space<vmem_shared>> -> memref<128x64xf32, #tpu.memory_space<vmem_shared>>
        tpu.enqueue_dma source(%arg13 : memref<128x64xf32, #tpu.memory_space<vmem>>) target(%dma_start3A_730 : memref<128x64xf32, #tpu.memory_space<vmem_shared>>) target_semaphore(%run_scoped3A_726 : memref<!tpu.dma_semaphore, #tpu.memory_space<semaphore_mem>>)
        %dma_wait3A_731 = arith.constant 0 : i32
        %dma_wait3A_732 = tpu.memref_slice %arg11[%add3A, %dma_wait3A_731] : memref<10240x64xf32, #tpu.memory_space<vmem_shared>> -> memref<128x64xf32, #tpu.memory_space<vmem_shared>>
        %dma_wait3A_733 = arith.constant 0 : i32
        %dma_wait3A_734 = tpu.memref_slice %arg11[%add3A, %dma_wait3A_733] : memref<10240x64xf32, #tpu.memory_space<vmem_shared>> -> memref<128x64xf32, #tpu.memory_space<vmem_shared>>
        tpu.wait_dma2 semaphore(%run_scoped3A_726 : memref<!tpu.dma_semaphore, #tpu.memory_space<semaphore_mem>>) src(%arg13 : memref<128x64xf32, #tpu.memory_space<vmem>>) dst(%dma_wait3A_734 : memref<128x64xf32, #tpu.memory_space<vmem_shared>>)
        tpu.yield
      }) : () -> ()
    }
    %scan3A_359 = arith.constant 5 : i32
    %barrier3A_360 = arith.constant 0 : index
    tpu.barrier barrier_id(%barrier3A_360)
    %run_scoped3A_361 = arith.constant 0 : i32
    %run_scoped3A_362 = arith.constant 0 : i32
    "tpu.region"() ({
      %run_scoped3A_704 = tpu.sem_alloc : memref<!tpu.dma_semaphore, #tpu.memory_space<semaphore_mem>>
      %dma_start3A_705 = arith.constant 0 : i32
      %dma_start3A_706 = arith.constant 0 : i32
      %dma_start3A_707 = tpu.memref_slice %arg7[%run_scoped3A_362, %dma_start3A_705, %dma_start3A_706] : memref<2x4x128xi32, #tpu.memory_space<vmem>> -> memref<1x4x128xi32, #tpu.memory_space<vmem>>
      %dma_start3A_708 = tpu.memref_squeeze %dma_start3A_707 : memref<1x4x128xi32, #tpu.memory_space<vmem>> -> memref<4x128xi32, #tpu.memory_space<vmem>>
      %dma_start3A_709 = arith.constant 0 : i32
      %dma_start3A_710 = arith.constant 0 : i32
      %dma_start3A_711 = tpu.memref_slice %arg3[%arg1, %run_scoped3A_361, %dma_start3A_709, %dma_start3A_710] : memref<16x40x4x128xi32, #tpu.memory_space<hbm>> -> memref<1x1x4x128xi32, #tpu.memory_space<hbm>>
      %dma_start3A_712 = tpu.memref_squeeze %dma_start3A_711 : memref<1x1x4x128xi32, #tpu.memory_space<hbm>> -> memref<4x128xi32, #tpu.memory_space<hbm>>
      %dma_start3A_713 = arith.constant 0 : i32
      %dma_start3A_714 = arith.constant 0 : i32
      %dma_start3A_715 = tpu.memref_slice %arg7[%run_scoped3A_362, %dma_start3A_713, %dma_start3A_714] : memref<2x4x128xi32, #tpu.memory_space<vmem>> -> memref<1x4x128xi32, #tpu.memory_space<vmem>>
      %dma_start3A_716 = tpu.memref_squeeze %dma_start3A_715 : memref<1x4x128xi32, #tpu.memory_space<vmem>> -> memref<4x128xi32, #tpu.memory_space<vmem>>
      %dma_start3A_717 = arith.constant 0 : i32
      %dma_start3A_718 = arith.constant 0 : i32
      %dma_start3A_719 = tpu.memref_slice %arg3[%arg1, %run_scoped3A_361, %dma_start3A_717, %dma_start3A_718] : memref<16x40x4x128xi32, #tpu.memory_space<hbm>> -> memref<1x1x4x128xi32, #tpu.memory_space<hbm>>
      %dma_start3A_720 = tpu.memref_squeeze %dma_start3A_719 : memref<1x1x4x128xi32, #tpu.memory_space<hbm>> -> memref<4x128xi32, #tpu.memory_space<hbm>>
      tpu.enqueue_dma source(%dma_start3A_720 : memref<4x128xi32, #tpu.memory_space<hbm>>) target(%dma_start3A_716 : memref<4x128xi32, #tpu.memory_space<vmem>>) target_semaphore(%run_scoped3A_704 : memref<!tpu.dma_semaphore, #tpu.memory_space<semaphore_mem>>)
      %dma_wait3A_721 = arith.constant 0 : i32
      %dma_wait3A_722 = arith.constant 0 : i32
      %dma_wait3A_723 = tpu.memref_slice %arg7[%run_scoped3A_362, %dma_wait3A_721, %dma_wait3A_722] : memref<2x4x128xi32, #tpu.memory_space<vmem>> -> memref<1x4x128xi32, #tpu.memory_space<vmem>>
      %dma_wait3A_724 = tpu.memref_squeeze %dma_wait3A_723 : memref<1x4x128xi32, #tpu.memory_space<vmem>> -> memref<4x128xi32, #tpu.memory_space<vmem>>
      %dma_wait3A_725 = arith.constant 0 : i32
      %dma_wait3A_726 = arith.constant 0 : i32
      %dma_wait3A_727 = tpu.memref_slice %arg3[%arg1, %run_scoped3A_361, %dma_wait3A_725, %dma_wait3A_726] : memref<16x40x4x128xi32, #tpu.memory_space<hbm>> -> memref<1x1x4x128xi32, #tpu.memory_space<hbm>>
      %dma_wait3A_728 = tpu.memref_squeeze %dma_wait3A_727 : memref<1x1x4x128xi32, #tpu.memory_space<hbm>> -> memref<4x128xi32, #tpu.memory_space<hbm>>
      %dma_wait3A_729 = arith.constant 0 : i32
      %dma_wait3A_730 = arith.constant 0 : i32
      %dma_wait3A_731 = tpu.memref_slice %arg7[%run_scoped3A_362, %dma_wait3A_729, %dma_wait3A_730] : memref<2x4x128xi32, #tpu.memory_space<vmem>> -> memref<1x4x128xi32, #tpu.memory_space<vmem>>
      %dma_wait3A_732 = tpu.memref_squeeze %dma_wait3A_731 : memref<1x4x128xi32, #tpu.memory_space<vmem>> -> memref<4x128xi32, #tpu.memory_space<vmem>>
      %dma_wait3A_733 = arith.constant 0 : i32
      %dma_wait3A_734 = arith.constant 0 : i32
      %dma_wait3A_735 = tpu.memref_slice %arg3[%arg1, %run_scoped3A_361, %dma_wait3A_733, %dma_wait3A_734] : memref<16x40x4x128xi32, #tpu.memory_space<hbm>> -> memref<1x1x4x128xi32, #tpu.memory_space<hbm>>
      %dma_wait3A_736 = tpu.memref_squeeze %dma_wait3A_735 : memref<1x1x4x128xi32, #tpu.memory_space<hbm>> -> memref<4x128xi32, #tpu.memory_space<hbm>>
      tpu.wait_dma2 semaphore(%run_scoped3A_704 : memref<!tpu.dma_semaphore, #tpu.memory_space<semaphore_mem>>) src(%dma_wait3A_736 : memref<4x128xi32, #tpu.memory_space<hbm>>) dst(%dma_wait3A_732 : memref<4x128xi32, #tpu.memory_space<vmem>>)
      tpu.yield
    }) : () -> ()
    %run_scoped3A_363 = arith.constant 0 : i32
    %run_scoped3A_364 = arith.constant 0 : i32
    "tpu.region"() ({
      %run_scoped3A_704 = tpu.sem_alloc : memref<!tpu.dma_semaphore, #tpu.memory_space<semaphore_mem>>
      %dma_start3A_705 = arith.constant 0 : i32
      %dma_start3A_706 = arith.constant 0 : i32
      %dma_start3A_707 = tpu.memref_slice %arg8[%run_scoped3A_364, %dma_start3A_705, %dma_start3A_706] : memref<2x4x128xi32, #tpu.memory_space<vmem>> -> memref<1x4x128xi32, #tpu.memory_space<vmem>>
      %dma_start3A_708 = tpu.memref_squeeze %dma_start3A_707 : memref<1x4x128xi32, #tpu.memory_space<vmem>> -> memref<4x128xi32, #tpu.memory_space<vmem>>
      %dma_start3A_709 = arith.constant 0 : i32
      %dma_start3A_710 = arith.constant 0 : i32
      %dma_start3A_711 = tpu.memref_slice %arg4[%arg1, %run_scoped3A_363, %dma_start3A_709, %dma_start3A_710] : memref<16x40x4x128xi32, #tpu.memory_space<hbm>> -> memref<1x1x4x128xi32, #tpu.memory_space<hbm>>
      %dma_start3A_712 = tpu.memref_squeeze %dma_start3A_711 : memref<1x1x4x128xi32, #tpu.memory_space<hbm>> -> memref<4x128xi32, #tpu.memory_space<hbm>>
      %dma_start3A_713 = arith.constant 0 : i32
      %dma_start3A_714 = arith.constant 0 : i32
      %dma_start3A_715 = tpu.memref_slice %arg8[%run_scoped3A_364, %dma_start3A_713, %dma_start3A_714] : memref<2x4x128xi32, #tpu.memory_space<vmem>> -> memref<1x4x128xi32, #tpu.memory_space<vmem>>
      %dma_start3A_716 = tpu.memref_squeeze %dma_start3A_715 : memref<1x4x128xi32, #tpu.memory_space<vmem>> -> memref<4x128xi32, #tpu.memory_space<vmem>>
      %dma_start3A_717 = arith.constant 0 : i32
      %dma_start3A_718 = arith.constant 0 : i32
      %dma_start3A_719 = tpu.memref_slice %arg4[%arg1, %run_scoped3A_363, %dma_start3A_717, %dma_start3A_718] : memref<16x40x4x128xi32, #tpu.memory_space<hbm>> -> memref<1x1x4x128xi32, #tpu.memory_space<hbm>>
      %dma_start3A_720 = tpu.memref_squeeze %dma_start3A_719 : memref<1x1x4x128xi32, #tpu.memory_space<hbm>> -> memref<4x128xi32, #tpu.memory_space<hbm>>
      tpu.enqueue_dma source(%dma_start3A_720 : memref<4x128xi32, #tpu.memory_space<hbm>>) target(%dma_start3A_716 : memref<4x128xi32, #tpu.memory_space<vmem>>) target_semaphore(%run_scoped3A_704 : memref<!tpu.dma_semaphore, #tpu.memory_space<semaphore_mem>>)
      %dma_wait3A_721 = arith.constant 0 : i32
      %dma_wait3A_722 = arith.constant 0 : i32
      %dma_wait3A_723 = tpu.memref_slice %arg8[%run_scoped3A_364, %dma_wait3A_721, %dma_wait3A_722] : memref<2x4x128xi32, #tpu.memory_space<vmem>> -> memref<1x4x128xi32, #tpu.memory_space<vmem>>
      %dma_wait3A_724 = tpu.memref_squeeze %dma_wait3A_723 : memref<1x4x128xi32, #tpu.memory_space<vmem>> -> memref<4x128xi32, #tpu.memory_space<vmem>>
      %dma_wait3A_725 = arith.constant 0 : i32
      %dma_wait3A_726 = arith.constant 0 : i32
      %dma_wait3A_727 = tpu.memref_slice %arg4[%arg1, %run_scoped3A_363, %dma_wait3A_725, %dma_wait3A_726] : memref<16x40x4x128xi32, #tpu.memory_space<hbm>> -> memref<1x1x4x128xi32, #tpu.memory_space<hbm>>
      %dma_wait3A_728 = tpu.memref_squeeze %dma_wait3A_727 : memref<1x1x4x128xi32, #tpu.memory_space<hbm>> -> memref<4x128xi32, #tpu.memory_space<hbm>>
      %dma_wait3A_729 = arith.constant 0 : i32
      %dma_wait3A_730 = arith.constant 0 : i32
      %dma_wait3A_731 = tpu.memref_slice %arg8[%run_scoped3A_364, %dma_wait3A_729, %dma_wait3A_730] : memref<2x4x128xi32, #tpu.memory_space<vmem>> -> memref<1x4x128xi32, #tpu.memory_space<vmem>>
      %dma_wait3A_732 = tpu.memref_squeeze %dma_wait3A_731 : memref<1x4x128xi32, #tpu.memory_space<vmem>> -> memref<4x128xi32, #tpu.memory_space<vmem>>
      %dma_wait3A_733 = arith.constant 0 : i32
      %dma_wait3A_734 = arith.constant 0 : i32
      %dma_wait3A_735 = tpu.memref_slice %arg4[%arg1, %run_scoped3A_363, %dma_wait3A_733, %dma_wait3A_734] : memref<16x40x4x128xi32, #tpu.memory_space<hbm>> -> memref<1x1x4x128xi32, #tpu.memory_space<hbm>>
      %dma_wait3A_736 = tpu.memref_squeeze %dma_wait3A_735 : memref<1x1x4x128xi32, #tpu.memory_space<hbm>> -> memref<4x128xi32, #tpu.memory_space<hbm>>
      tpu.wait_dma2 semaphore(%run_scoped3A_704 : memref<!tpu.dma_semaphore, #tpu.memory_space<semaphore_mem>>) src(%dma_wait3A_736 : memref<4x128xi32, #tpu.memory_space<hbm>>) dst(%dma_wait3A_732 : memref<4x128xi32, #tpu.memory_space<vmem>>)
      tpu.yield
    }) : () -> ()
    %dma_start3A_365 = arith.constant 1 : i32
    %dma_start3A_366 = arith.constant 1 : i32
    %dma_start3A_367 = arith.constant 0 : i32
    %dma_start3A_368 = arith.constant 0 : i32
    %dma_start3A_369 = tpu.memref_slice %arg7[%dma_start3A_366, %dma_start3A_367, %dma_start3A_368] : memref<2x4x128xi32, #tpu.memory_space<vmem>> -> memref<1x4x128xi32, #tpu.memory_space<vmem>>
    %dma_start3A_370 = tpu.memref_squeeze %dma_start3A_369 : memref<1x4x128xi32, #tpu.memory_space<vmem>> -> memref<4x128xi32, #tpu.memory_space<vmem>>
    %dma_start3A_371 = arith.constant 0 : i32
    %dma_start3A_372 = arith.constant 0 : i32
    %dma_start3A_373 = tpu.memref_slice %arg3[%arg1, %dma_start3A_365, %dma_start3A_371, %dma_start3A_372] : memref<16x40x4x128xi32, #tpu.memory_space<hbm>> -> memref<1x1x4x128xi32, #tpu.memory_space<hbm>>
    %dma_start3A_374 = tpu.memref_squeeze %dma_start3A_373 : memref<1x1x4x128xi32, #tpu.memory_space<hbm>> -> memref<4x128xi32, #tpu.memory_space<hbm>>
    %dma_start3A_375 = arith.constant 0 : i32
    %dma_start3A_376 = arith.constant 0 : i32
    %dma_start3A_377 = tpu.memref_slice %arg7[%dma_start3A_366, %dma_start3A_375, %dma_start3A_376] : memref<2x4x128xi32, #tpu.memory_space<vmem>> -> memref<1x4x128xi32, #tpu.memory_space<vmem>>
    %dma_start3A_378 = tpu.memref_squeeze %dma_start3A_377 : memref<1x4x128xi32, #tpu.memory_space<vmem>> -> memref<4x128xi32, #tpu.memory_space<vmem>>
    %dma_start3A_379 = arith.constant 0 : i32
    %dma_start3A_380 = arith.constant 0 : i32
    %dma_start3A_381 = tpu.memref_slice %arg3[%arg1, %dma_start3A_365, %dma_start3A_379, %dma_start3A_380] : memref<16x40x4x128xi32, #tpu.memory_space<hbm>> -> memref<1x1x4x128xi32, #tpu.memory_space<hbm>>
    %dma_start3A_382 = tpu.memref_squeeze %dma_start3A_381 : memref<1x1x4x128xi32, #tpu.memory_space<hbm>> -> memref<4x128xi32, #tpu.memory_space<hbm>>
    tpu.enqueue_dma source(%dma_start3A_382 : memref<4x128xi32, #tpu.memory_space<hbm>>) target(%dma_start3A_378 : memref<4x128xi32, #tpu.memory_space<vmem>>) target_semaphore(%arg25 : memref<!tpu.dma_semaphore, #tpu.memory_space<semaphore_mem>>)
    %dma_start3A_383 = arith.constant 1 : i32
    %dma_start3A_384 = arith.constant 1 : i32
    %dma_start3A_385 = arith.constant 0 : i32
    %dma_start3A_386 = arith.constant 0 : i32
    %dma_start3A_387 = tpu.memref_slice %arg8[%dma_start3A_384, %dma_start3A_385, %dma_start3A_386] : memref<2x4x128xi32, #tpu.memory_space<vmem>> -> memref<1x4x128xi32, #tpu.memory_space<vmem>>
    %dma_start3A_388 = tpu.memref_squeeze %dma_start3A_387 : memref<1x4x128xi32, #tpu.memory_space<vmem>> -> memref<4x128xi32, #tpu.memory_space<vmem>>
    %dma_start3A_389 = arith.constant 0 : i32
    %dma_start3A_390 = arith.constant 0 : i32
    %dma_start3A_391 = tpu.memref_slice %arg4[%arg1, %dma_start3A_383, %dma_start3A_389, %dma_start3A_390] : memref<16x40x4x128xi32, #tpu.memory_space<hbm>> -> memref<1x1x4x128xi32, #tpu.memory_space<hbm>>
    %dma_start3A_392 = tpu.memref_squeeze %dma_start3A_391 : memref<1x1x4x128xi32, #tpu.memory_space<hbm>> -> memref<4x128xi32, #tpu.memory_space<hbm>>
    %dma_start3A_393 = arith.constant 0 : i32
    %dma_start3A_394 = arith.constant 0 : i32
    %dma_start3A_395 = tpu.memref_slice %arg8[%dma_start3A_384, %dma_start3A_393, %dma_start3A_394] : memref<2x4x128xi32, #tpu.memory_space<vmem>> -> memref<1x4x128xi32, #tpu.memory_space<vmem>>
    %dma_start3A_396 = tpu.memref_squeeze %dma_start3A_395 : memref<1x4x128xi32, #tpu.memory_space<vmem>> -> memref<4x128xi32, #tpu.memory_space<vmem>>
    %dma_start3A_397 = arith.constant 0 : i32
    %dma_start3A_398 = arith.constant 0 : i32
    %dma_start3A_399 = tpu.memref_slice %arg4[%arg1, %dma_start3A_383, %dma_start3A_397, %dma_start3A_398] : memref<16x40x4x128xi32, #tpu.memory_space<hbm>> -> memref<1x1x4x128xi32, #tpu.memory_space<hbm>>
    %dma_start3A_400 = tpu.memref_squeeze %dma_start3A_399 : memref<1x1x4x128xi32, #tpu.memory_space<hbm>> -> memref<4x128xi32, #tpu.memory_space<hbm>>
    tpu.enqueue_dma source(%dma_start3A_400 : memref<4x128xi32, #tpu.memory_space<hbm>>) target(%dma_start3A_396 : memref<4x128xi32, #tpu.memory_space<vmem>>) target_semaphore(%arg25 : memref<!tpu.dma_semaphore, #tpu.memory_space<semaphore_mem>>)
    %dma_start3A_401 = arith.constant 0 : i32
    %dma_start3A_402 = arith.constant 0 : i32
    %dma_start3A_403 = arith.constant 0 : i32
    %dma_start3A_404 = tpu.memref_slice %arg7[%dma_start3A_401, %dma_start3A_402, %dma_start3A_403] : memref<2x4x128xi32, #tpu.memory_space<vmem>> -> memref<1x1x128xi32, #tpu.memory_space<vmem>>
    %dma_start3A_405 = tpu.memref_squeeze %dma_start3A_404 : memref<1x1x128xi32, #tpu.memory_space<vmem>> -> memref<128xi32, #tpu.memory_space<vmem>>
    %dma_start3A_406 = arith.constant 0 : i32
    %dma_start3A_407 = arith.constant 0 : i32
    %dma_start3A_408 = tpu.memref_slice %arg10[%dma_start3A_406, %dma_start3A_407] : memref<10000x64xf32, #tpu.memory_space<vmem_shared>> -> memref<10000x64xf32, #tpu.memory_space<vmem_shared>>
    tpu.enqueue_indirect_dma source(%dma_start3A_408 : memref<10000x64xf32, #tpu.memory_space<vmem_shared>>) target(%arg12 : memref<128x64xf32, #tpu.memory_space<vmem>>) offsets(%dma_start3A_405 : memref<128xi32, #tpu.memory_space<vmem>>) semaphore(%arg16 : memref<!tpu.dma_semaphore, #tpu.memory_space<semaphore_mem>>)
    %dma_start3A_409 = arith.constant 0 : i32
    %dma_start3A_410 = arith.constant 1 : i32
    %dma_start3A_411 = arith.constant 0 : i32
    %dma_start3A_412 = tpu.memref_slice %arg7[%dma_start3A_409, %dma_start3A_410, %dma_start3A_411] : memref<2x4x128xi32, #tpu.memory_space<vmem>> -> memref<1x1x128xi32, #tpu.memory_space<vmem>>
    %dma_start3A_413 = tpu.memref_squeeze %dma_start3A_412 : memref<1x1x128xi32, #tpu.memory_space<vmem>> -> memref<128xi32, #tpu.memory_space<vmem>>
    %dma_start3A_414 = arith.constant 0 : i32
    %dma_start3A_415 = arith.constant 0 : i32
    %dma_start3A_416 = tpu.memref_slice %arg10[%dma_start3A_414, %dma_start3A_415] : memref<10000x64xf32, #tpu.memory_space<vmem_shared>> -> memref<10000x64xf32, #tpu.memory_space<vmem_shared>>
    tpu.enqueue_indirect_dma source(%dma_start3A_416 : memref<10000x64xf32, #tpu.memory_space<vmem_shared>>) target(%arg13 : memref<128x64xf32, #tpu.memory_space<vmem>>) offsets(%dma_start3A_413 : memref<128xi32, #tpu.memory_space<vmem>>) semaphore(%arg17 : memref<!tpu.dma_semaphore, #tpu.memory_space<semaphore_mem>>)
    %dma_start3A_417 = arith.constant 0 : i32
    %dma_start3A_418 = arith.constant 2 : i32
    %dma_start3A_419 = arith.constant 0 : i32
    %dma_start3A_420 = tpu.memref_slice %arg7[%dma_start3A_417, %dma_start3A_418, %dma_start3A_419] : memref<2x4x128xi32, #tpu.memory_space<vmem>> -> memref<1x1x128xi32, #tpu.memory_space<vmem>>
    %dma_start3A_421 = tpu.memref_squeeze %dma_start3A_420 : memref<1x1x128xi32, #tpu.memory_space<vmem>> -> memref<128xi32, #tpu.memory_space<vmem>>
    %dma_start3A_422 = arith.constant 0 : i32
    %dma_start3A_423 = arith.constant 0 : i32
    %dma_start3A_424 = tpu.memref_slice %arg10[%dma_start3A_422, %dma_start3A_423] : memref<10000x64xf32, #tpu.memory_space<vmem_shared>> -> memref<10000x64xf32, #tpu.memory_space<vmem_shared>>
    tpu.enqueue_indirect_dma source(%dma_start3A_424 : memref<10000x64xf32, #tpu.memory_space<vmem_shared>>) target(%arg14 : memref<128x64xf32, #tpu.memory_space<vmem>>) offsets(%dma_start3A_421 : memref<128xi32, #tpu.memory_space<vmem>>) semaphore(%arg18 : memref<!tpu.dma_semaphore, #tpu.memory_space<semaphore_mem>>)
    %dma_start3A_425 = arith.constant 0 : i32
    %dma_start3A_426 = arith.constant 3 : i32
    %dma_start3A_427 = arith.constant 0 : i32
    %dma_start3A_428 = tpu.memref_slice %arg7[%dma_start3A_425, %dma_start3A_426, %dma_start3A_427] : memref<2x4x128xi32, #tpu.memory_space<vmem>> -> memref<1x1x128xi32, #tpu.memory_space<vmem>>
    %dma_start3A_429 = tpu.memref_squeeze %dma_start3A_428 : memref<1x1x128xi32, #tpu.memory_space<vmem>> -> memref<128xi32, #tpu.memory_space<vmem>>
    %dma_start3A_430 = arith.constant 0 : i32
    %dma_start3A_431 = arith.constant 0 : i32
    %dma_start3A_432 = tpu.memref_slice %arg10[%dma_start3A_430, %dma_start3A_431] : memref<10000x64xf32, #tpu.memory_space<vmem_shared>> -> memref<10000x64xf32, #tpu.memory_space<vmem_shared>>
    tpu.enqueue_indirect_dma source(%dma_start3A_432 : memref<10000x64xf32, #tpu.memory_space<vmem_shared>>) target(%arg15 : memref<128x64xf32, #tpu.memory_space<vmem>>) offsets(%dma_start3A_429 : memref<128xi32, #tpu.memory_space<vmem>>) semaphore(%arg19 : memref<!tpu.dma_semaphore, #tpu.memory_space<semaphore_mem>>)
    %scan3A_433 = arith.constant 0 : i32
    %scan3A_434 = arith.constant 0 : i32
    %scan3A_435 = arith.constant 19 : i32
    %scan3A_436 = arith.addi %scan3A_434, %scan3A_435 : i32
    %scan3A_437 = arith.constant 1 : i32
    scf.for %scan3A_704 = %scan3A_434 to %scan3A_436 step %scan3A_437  : i32 {
      %mul3A_705 = arith.constant 2 : i32
      %mul3A_706 = arith.muli %mul3A_705, %scan3A_704 : i32
      %add3A = arith.constant 2 : i32
      %add3A_707 = arith.addi %mul3A_706, %add3A : i32
      %dma_wait3A_708 = arith.constant 0 : i32
      %dma_wait3A_709 = arith.constant 0 : i32
      %dma_wait3A_710 = arith.constant 0 : i32
      %dma_wait3A_711 = tpu.memref_slice %arg7[%dma_wait3A_708, %dma_wait3A_709, %dma_wait3A_710] : memref<2x4x128xi32, #tpu.memory_space<vmem>> -> memref<1x1x128xi32, #tpu.memory_space<vmem>>
      %dma_wait3A_712 = tpu.memref_squeeze %dma_wait3A_711 : memref<1x1x128xi32, #tpu.memory_space<vmem>> -> memref<128xi32, #tpu.memory_space<vmem>>
      %dma_wait3A_713 = arith.constant 0 : i32
      %dma_wait3A_714 = arith.constant 0 : i32
      %dma_wait3A_715 = tpu.memref_slice %arg10[%dma_wait3A_713, %dma_wait3A_714] : memref<10000x64xf32, #tpu.memory_space<vmem_shared>> -> memref<10000x64xf32, #tpu.memory_space<vmem_shared>>
      tpu.wait_indirect_dma semaphore(%arg16 : memref<!tpu.dma_semaphore, #tpu.memory_space<semaphore_mem>>) src(%dma_wait3A_715 : memref<10000x64xf32, #tpu.memory_space<vmem_shared>>) dst(%arg12 : memref<128x64xf32, #tpu.memory_space<vmem>>)
      %dma_start3A_716 = arith.constant 0 : i32
      %dma_start3A_717 = arith.constant 0 : i32
      %dma_start3A_718 = arith.constant 0 : i32
      %dma_start3A_719 = tpu.memref_slice %arg8[%dma_start3A_716, %dma_start3A_717, %dma_start3A_718] : memref<2x4x128xi32, #tpu.memory_space<vmem>> -> memref<1x1x128xi32, #tpu.memory_space<vmem>>
      %dma_start3A_720 = tpu.memref_squeeze %dma_start3A_719 : memref<1x1x128xi32, #tpu.memory_space<vmem>> -> memref<128xi32, #tpu.memory_space<vmem>>
      %dma_start3A_721 = arith.constant 0 : i32
      %dma_start3A_722 = arith.constant 0 : i32
      %dma_start3A_723 = tpu.memref_slice %arg11[%dma_start3A_721, %dma_start3A_722] : memref<10240x64xf32, #tpu.memory_space<vmem_shared>> -> memref<10240x64xf32, #tpu.memory_space<vmem_shared>>
      tpu.enqueue_indirect_dma source(%arg12 : memref<128x64xf32, #tpu.memory_space<vmem>>) target(%dma_start3A_723 : memref<10240x64xf32, #tpu.memory_space<vmem_shared>>) offsets(%dma_start3A_720 : memref<128xi32, #tpu.memory_space<vmem>>) semaphore(%arg20 : memref<!tpu.dma_semaphore, #tpu.memory_space<semaphore_mem>>) {add = true}
      %dma_wait3A_724 = arith.constant 0 : i32
      %dma_wait3A_725 = arith.constant 1 : i32
      %dma_wait3A_726 = arith.constant 0 : i32
      %dma_wait3A_727 = tpu.memref_slice %arg7[%dma_wait3A_724, %dma_wait3A_725, %dma_wait3A_726] : memref<2x4x128xi32, #tpu.memory_space<vmem>> -> memref<1x1x128xi32, #tpu.memory_space<vmem>>
      %dma_wait3A_728 = tpu.memref_squeeze %dma_wait3A_727 : memref<1x1x128xi32, #tpu.memory_space<vmem>> -> memref<128xi32, #tpu.memory_space<vmem>>
      %dma_wait3A_729 = arith.constant 0 : i32
      %dma_wait3A_730 = arith.constant 0 : i32
      %dma_wait3A_731 = tpu.memref_slice %arg10[%dma_wait3A_729, %dma_wait3A_730] : memref<10000x64xf32, #tpu.memory_space<vmem_shared>> -> memref<10000x64xf32, #tpu.memory_space<vmem_shared>>
      tpu.wait_indirect_dma semaphore(%arg17 : memref<!tpu.dma_semaphore, #tpu.memory_space<semaphore_mem>>) src(%dma_wait3A_731 : memref<10000x64xf32, #tpu.memory_space<vmem_shared>>) dst(%arg13 : memref<128x64xf32, #tpu.memory_space<vmem>>)
      %dma_start3A_732 = arith.constant 0 : i32
      %dma_start3A_733 = arith.constant 1 : i32
      %dma_start3A_734 = arith.constant 0 : i32
      %dma_start3A_735 = tpu.memref_slice %arg8[%dma_start3A_732, %dma_start3A_733, %dma_start3A_734] : memref<2x4x128xi32, #tpu.memory_space<vmem>> -> memref<1x1x128xi32, #tpu.memory_space<vmem>>
      %dma_start3A_736 = tpu.memref_squeeze %dma_start3A_735 : memref<1x1x128xi32, #tpu.memory_space<vmem>> -> memref<128xi32, #tpu.memory_space<vmem>>
      %dma_start3A_737 = arith.constant 0 : i32
      %dma_start3A_738 = arith.constant 0 : i32
      %dma_start3A_739 = tpu.memref_slice %arg11[%dma_start3A_737, %dma_start3A_738] : memref<10240x64xf32, #tpu.memory_space<vmem_shared>> -> memref<10240x64xf32, #tpu.memory_space<vmem_shared>>
      tpu.enqueue_indirect_dma source(%arg13 : memref<128x64xf32, #tpu.memory_space<vmem>>) target(%dma_start3A_739 : memref<10240x64xf32, #tpu.memory_space<vmem_shared>>) offsets(%dma_start3A_736 : memref<128xi32, #tpu.memory_space<vmem>>) semaphore(%arg21 : memref<!tpu.dma_semaphore, #tpu.memory_space<semaphore_mem>>) {add = true}
      %dma_wait3A_740 = arith.constant 0 : i32
      %dma_wait3A_741 = arith.constant 2 : i32
      %dma_wait3A_742 = arith.constant 0 : i32
      %dma_wait3A_743 = tpu.memref_slice %arg7[%dma_wait3A_740, %dma_wait3A_741, %dma_wait3A_742] : memref<2x4x128xi32, #tpu.memory_space<vmem>> -> memref<1x1x128xi32, #tpu.memory_space<vmem>>
      %dma_wait3A_744 = tpu.memref_squeeze %dma_wait3A_743 : memref<1x1x128xi32, #tpu.memory_space<vmem>> -> memref<128xi32, #tpu.memory_space<vmem>>
      %dma_wait3A_745 = arith.constant 0 : i32
      %dma_wait3A_746 = arith.constant 0 : i32
      %dma_wait3A_747 = tpu.memref_slice %arg10[%dma_wait3A_745, %dma_wait3A_746] : memref<10000x64xf32, #tpu.memory_space<vmem_shared>> -> memref<10000x64xf32, #tpu.memory_space<vmem_shared>>
      tpu.wait_indirect_dma semaphore(%arg18 : memref<!tpu.dma_semaphore, #tpu.memory_space<semaphore_mem>>) src(%dma_wait3A_747 : memref<10000x64xf32, #tpu.memory_space<vmem_shared>>) dst(%arg14 : memref<128x64xf32, #tpu.memory_space<vmem>>)
      %dma_start3A_748 = arith.constant 0 : i32
      %dma_start3A_749 = arith.constant 2 : i32
      %dma_start3A_750 = arith.constant 0 : i32
      %dma_start3A_751 = tpu.memref_slice %arg8[%dma_start3A_748, %dma_start3A_749, %dma_start3A_750] : memref<2x4x128xi32, #tpu.memory_space<vmem>> -> memref<1x1x128xi32, #tpu.memory_space<vmem>>
      %dma_start3A_752 = tpu.memref_squeeze %dma_start3A_751 : memref<1x1x128xi32, #tpu.memory_space<vmem>> -> memref<128xi32, #tpu.memory_space<vmem>>
      %dma_start3A_753 = arith.constant 0 : i32
      %dma_start3A_754 = arith.constant 0 : i32
      %dma_start3A_755 = tpu.memref_slice %arg11[%dma_start3A_753, %dma_start3A_754] : memref<10240x64xf32, #tpu.memory_space<vmem_shared>> -> memref<10240x64xf32, #tpu.memory_space<vmem_shared>>
      tpu.enqueue_indirect_dma source(%arg14 : memref<128x64xf32, #tpu.memory_space<vmem>>) target(%dma_start3A_755 : memref<10240x64xf32, #tpu.memory_space<vmem_shared>>) offsets(%dma_start3A_752 : memref<128xi32, #tpu.memory_space<vmem>>) semaphore(%arg22 : memref<!tpu.dma_semaphore, #tpu.memory_space<semaphore_mem>>) {add = true}
      %dma_wait3A_756 = arith.constant 0 : i32
      %dma_wait3A_757 = arith.constant 3 : i32
      %dma_wait3A_758 = arith.constant 0 : i32
      %dma_wait3A_759 = tpu.memref_slice %arg7[%dma_wait3A_756, %dma_wait3A_757, %dma_wait3A_758] : memref<2x4x128xi32, #tpu.memory_space<vmem>> -> memref<1x1x128xi32, #tpu.memory_space<vmem>>
      %dma_wait3A_760 = tpu.memref_squeeze %dma_wait3A_759 : memref<1x1x128xi32, #tpu.memory_space<vmem>> -> memref<128xi32, #tpu.memory_space<vmem>>
      %dma_wait3A_761 = arith.constant 0 : i32
      %dma_wait3A_762 = arith.constant 0 : i32
      %dma_wait3A_763 = tpu.memref_slice %arg10[%dma_wait3A_761, %dma_wait3A_762] : memref<10000x64xf32, #tpu.memory_space<vmem_shared>> -> memref<10000x64xf32, #tpu.memory_space<vmem_shared>>
      tpu.wait_indirect_dma semaphore(%arg19 : memref<!tpu.dma_semaphore, #tpu.memory_space<semaphore_mem>>) src(%dma_wait3A_763 : memref<10000x64xf32, #tpu.memory_space<vmem_shared>>) dst(%arg15 : memref<128x64xf32, #tpu.memory_space<vmem>>)
      %dma_start3A_764 = arith.constant 0 : i32
      %dma_start3A_765 = arith.constant 3 : i32
      %dma_start3A_766 = arith.constant 0 : i32
      %dma_start3A_767 = tpu.memref_slice %arg8[%dma_start3A_764, %dma_start3A_765, %dma_start3A_766] : memref<2x4x128xi32, #tpu.memory_space<vmem>> -> memref<1x1x128xi32, #tpu.memory_space<vmem>>
      %dma_start3A_768 = tpu.memref_squeeze %dma_start3A_767 : memref<1x1x128xi32, #tpu.memory_space<vmem>> -> memref<128xi32, #tpu.memory_space<vmem>>
      %dma_start3A_769 = arith.constant 0 : i32
      %dma_start3A_770 = arith.constant 0 : i32
      %dma_start3A_771 = tpu.memref_slice %arg11[%dma_start3A_769, %dma_start3A_770] : memref<10240x64xf32, #tpu.memory_space<vmem_shared>> -> memref<10240x64xf32, #tpu.memory_space<vmem_shared>>
      tpu.enqueue_indirect_dma source(%arg15 : memref<128x64xf32, #tpu.memory_space<vmem>>) target(%dma_start3A_771 : memref<10240x64xf32, #tpu.memory_space<vmem_shared>>) offsets(%dma_start3A_768 : memref<128xi32, #tpu.memory_space<vmem>>) semaphore(%arg23 : memref<!tpu.dma_semaphore, #tpu.memory_space<semaphore_mem>>) {add = true}
      %dma_wait3A_772 = arith.constant 0 : i32
      %dma_wait3A_773 = arith.constant 1 : i32
      %dma_wait3A_774 = arith.constant 0 : i32
      %dma_wait3A_775 = arith.constant 0 : i32
      %dma_wait3A_776 = tpu.memref_slice %arg7[%dma_wait3A_773, %dma_wait3A_774, %dma_wait3A_775] : memref<2x4x128xi32, #tpu.memory_space<vmem>> -> memref<1x4x128xi32, #tpu.memory_space<vmem>>
      %dma_wait3A_777 = tpu.memref_squeeze %dma_wait3A_776 : memref<1x4x128xi32, #tpu.memory_space<vmem>> -> memref<4x128xi32, #tpu.memory_space<vmem>>
      %dma_wait3A_778 = arith.constant 0 : i32
      %dma_wait3A_779 = arith.constant 0 : i32
      %dma_wait3A_780 = tpu.memref_slice %arg3[%arg1, %dma_wait3A_772, %dma_wait3A_778, %dma_wait3A_779] : memref<16x40x4x128xi32, #tpu.memory_space<hbm>> -> memref<1x1x4x128xi32, #tpu.memory_space<hbm>>
      %dma_wait3A_781 = tpu.memref_squeeze %dma_wait3A_780 : memref<1x1x4x128xi32, #tpu.memory_space<hbm>> -> memref<4x128xi32, #tpu.memory_space<hbm>>
      %dma_wait3A_782 = arith.constant 0 : i32
      %dma_wait3A_783 = arith.constant 0 : i32
      %dma_wait3A_784 = tpu.memref_slice %arg7[%dma_wait3A_773, %dma_wait3A_782, %dma_wait3A_783] : memref<2x4x128xi32, #tpu.memory_space<vmem>> -> memref<1x4x128xi32, #tpu.memory_space<vmem>>
      %dma_wait3A_785 = tpu.memref_squeeze %dma_wait3A_784 : memref<1x4x128xi32, #tpu.memory_space<vmem>> -> memref<4x128xi32, #tpu.memory_space<vmem>>
      %dma_wait3A_786 = arith.constant 0 : i32
      %dma_wait3A_787 = arith.constant 0 : i32
      %dma_wait3A_788 = tpu.memref_slice %arg3[%arg1, %dma_wait3A_772, %dma_wait3A_786, %dma_wait3A_787] : memref<16x40x4x128xi32, #tpu.memory_space<hbm>> -> memref<1x1x4x128xi32, #tpu.memory_space<hbm>>
      %dma_wait3A_789 = tpu.memref_squeeze %dma_wait3A_788 : memref<1x1x4x128xi32, #tpu.memory_space<hbm>> -> memref<4x128xi32, #tpu.memory_space<hbm>>
      tpu.wait_dma2 semaphore(%arg25 : memref<!tpu.dma_semaphore, #tpu.memory_space<semaphore_mem>>) src(%dma_wait3A_789 : memref<4x128xi32, #tpu.memory_space<hbm>>) dst(%dma_wait3A_785 : memref<4x128xi32, #tpu.memory_space<vmem>>)
      %dma_wait3A_790 = arith.constant 0 : i32
      %dma_wait3A_791 = arith.constant 1 : i32
      %dma_wait3A_792 = arith.constant 0 : i32
      %dma_wait3A_793 = arith.constant 0 : i32
      %dma_wait3A_794 = tpu.memref_slice %arg8[%dma_wait3A_791, %dma_wait3A_792, %dma_wait3A_793] : memref<2x4x128xi32, #tpu.memory_space<vmem>> -> memref<1x4x128xi32, #tpu.memory_space<vmem>>
      %dma_wait3A_795 = tpu.memref_squeeze %dma_wait3A_794 : memref<1x4x128xi32, #tpu.memory_space<vmem>> -> memref<4x128xi32, #tpu.memory_space<vmem>>
      %dma_wait3A_796 = arith.constant 0 : i32
      %dma_wait3A_797 = arith.constant 0 : i32
      %dma_wait3A_798 = tpu.memref_slice %arg4[%arg1, %dma_wait3A_790, %dma_wait3A_796, %dma_wait3A_797] : memref<16x40x4x128xi32, #tpu.memory_space<hbm>> -> memref<1x1x4x128xi32, #tpu.memory_space<hbm>>
      %dma_wait3A_799 = tpu.memref_squeeze %dma_wait3A_798 : memref<1x1x4x128xi32, #tpu.memory_space<hbm>> -> memref<4x128xi32, #tpu.memory_space<hbm>>
      %dma_wait3A_800 = arith.constant 0 : i32
      %dma_wait3A_801 = arith.constant 0 : i32
      %dma_wait3A_802 = tpu.memref_slice %arg8[%dma_wait3A_791, %dma_wait3A_800, %dma_wait3A_801] : memref<2x4x128xi32, #tpu.memory_space<vmem>> -> memref<1x4x128xi32, #tpu.memory_space<vmem>>
      %dma_wait3A_803 = tpu.memref_squeeze %dma_wait3A_802 : memref<1x4x128xi32, #tpu.memory_space<vmem>> -> memref<4x128xi32, #tpu.memory_space<vmem>>
      %dma_wait3A_804 = arith.constant 0 : i32
      %dma_wait3A_805 = arith.constant 0 : i32
      %dma_wait3A_806 = tpu.memref_slice %arg4[%arg1, %dma_wait3A_790, %dma_wait3A_804, %dma_wait3A_805] : memref<16x40x4x128xi32, #tpu.memory_space<hbm>> -> memref<1x1x4x128xi32, #tpu.memory_space<hbm>>
      %dma_wait3A_807 = tpu.memref_squeeze %dma_wait3A_806 : memref<1x1x4x128xi32, #tpu.memory_space<hbm>> -> memref<4x128xi32, #tpu.memory_space<hbm>>
      tpu.wait_dma2 semaphore(%arg25 : memref<!tpu.dma_semaphore, #tpu.memory_space<semaphore_mem>>) src(%dma_wait3A_807 : memref<4x128xi32, #tpu.memory_space<hbm>>) dst(%dma_wait3A_803 : memref<4x128xi32, #tpu.memory_space<vmem>>)
      %dma_wait3A_808 = arith.constant 0 : i32
      %dma_wait3A_809 = arith.constant 0 : i32
      %dma_wait3A_810 = arith.constant 0 : i32
      %dma_wait3A_811 = tpu.memref_slice %arg8[%dma_wait3A_808, %dma_wait3A_809, %dma_wait3A_810] : memref<2x4x128xi32, #tpu.memory_space<vmem>> -> memref<1x1x128xi32, #tpu.memory_space<vmem>>
      %dma_wait3A_812 = tpu.memref_squeeze %dma_wait3A_811 : memref<1x1x128xi32, #tpu.memory_space<vmem>> -> memref<128xi32, #tpu.memory_space<vmem>>
      %dma_wait3A_813 = arith.constant 0 : i32
      %dma_wait3A_814 = arith.constant 0 : i32
      %dma_wait3A_815 = tpu.memref_slice %arg11[%dma_wait3A_813, %dma_wait3A_814] : memref<10240x64xf32, #tpu.memory_space<vmem_shared>> -> memref<10240x64xf32, #tpu.memory_space<vmem_shared>>
      tpu.wait_indirect_dma semaphore(%arg20 : memref<!tpu.dma_semaphore, #tpu.memory_space<semaphore_mem>>) src(%arg12 : memref<128x64xf32, #tpu.memory_space<vmem>>) dst(%dma_wait3A_815 : memref<10240x64xf32, #tpu.memory_space<vmem_shared>>)
      %dma_wait3A_816 = arith.constant 0 : i32
      %dma_wait3A_817 = arith.constant 1 : i32
      %dma_wait3A_818 = arith.constant 0 : i32
      %dma_wait3A_819 = tpu.memref_slice %arg8[%dma_wait3A_816, %dma_wait3A_817, %dma_wait3A_818] : memref<2x4x128xi32, #tpu.memory_space<vmem>> -> memref<1x1x128xi32, #tpu.memory_space<vmem>>
      %dma_wait3A_820 = tpu.memref_squeeze %dma_wait3A_819 : memref<1x1x128xi32, #tpu.memory_space<vmem>> -> memref<128xi32, #tpu.memory_space<vmem>>
      %dma_wait3A_821 = arith.constant 0 : i32
      %dma_wait3A_822 = arith.constant 0 : i32
      %dma_wait3A_823 = tpu.memref_slice %arg11[%dma_wait3A_821, %dma_wait3A_822] : memref<10240x64xf32, #tpu.memory_space<vmem_shared>> -> memref<10240x64xf32, #tpu.memory_space<vmem_shared>>
      tpu.wait_indirect_dma semaphore(%arg21 : memref<!tpu.dma_semaphore, #tpu.memory_space<semaphore_mem>>) src(%arg13 : memref<128x64xf32, #tpu.memory_space<vmem>>) dst(%dma_wait3A_823 : memref<10240x64xf32, #tpu.memory_space<vmem_shared>>)
      %dma_wait3A_824 = arith.constant 0 : i32
      %dma_wait3A_825 = arith.constant 2 : i32
      %dma_wait3A_826 = arith.constant 0 : i32
      %dma_wait3A_827 = tpu.memref_slice %arg8[%dma_wait3A_824, %dma_wait3A_825, %dma_wait3A_826] : memref<2x4x128xi32, #tpu.memory_space<vmem>> -> memref<1x1x128xi32, #tpu.memory_space<vmem>>
      %dma_wait3A_828 = tpu.memref_squeeze %dma_wait3A_827 : memref<1x1x128xi32, #tpu.memory_space<vmem>> -> memref<128xi32, #tpu.memory_space<vmem>>
      %dma_wait3A_829 = arith.constant 0 : i32
      %dma_wait3A_830 = arith.constant 0 : i32
      %dma_wait3A_831 = tpu.memref_slice %arg11[%dma_wait3A_829, %dma_wait3A_830] : memref<10240x64xf32, #tpu.memory_space<vmem_shared>> -> memref<10240x64xf32, #tpu.memory_space<vmem_shared>>
      tpu.wait_indirect_dma semaphore(%arg22 : memref<!tpu.dma_semaphore, #tpu.memory_space<semaphore_mem>>) src(%arg14 : memref<128x64xf32, #tpu.memory_space<vmem>>) dst(%dma_wait3A_831 : memref<10240x64xf32, #tpu.memory_space<vmem_shared>>)
      %dma_wait3A_832 = arith.constant 0 : i32
      %dma_wait3A_833 = arith.constant 3 : i32
      %dma_wait3A_834 = arith.constant 0 : i32
      %dma_wait3A_835 = tpu.memref_slice %arg8[%dma_wait3A_832, %dma_wait3A_833, %dma_wait3A_834] : memref<2x4x128xi32, #tpu.memory_space<vmem>> -> memref<1x1x128xi32, #tpu.memory_space<vmem>>
      %dma_wait3A_836 = tpu.memref_squeeze %dma_wait3A_835 : memref<1x1x128xi32, #tpu.memory_space<vmem>> -> memref<128xi32, #tpu.memory_space<vmem>>
      %dma_wait3A_837 = arith.constant 0 : i32
      %dma_wait3A_838 = arith.constant 0 : i32
      %dma_wait3A_839 = tpu.memref_slice %arg11[%dma_wait3A_837, %dma_wait3A_838] : memref<10240x64xf32, #tpu.memory_space<vmem_shared>> -> memref<10240x64xf32, #tpu.memory_space<vmem_shared>>
      tpu.wait_indirect_dma semaphore(%arg23 : memref<!tpu.dma_semaphore, #tpu.memory_space<semaphore_mem>>) src(%arg15 : memref<128x64xf32, #tpu.memory_space<vmem>>) dst(%dma_wait3A_839 : memref<10240x64xf32, #tpu.memory_space<vmem_shared>>)
      %dma_start3A_840 = arith.constant 1 : i32
      %dma_start3A_841 = arith.constant 0 : i32
      %dma_start3A_842 = arith.constant 0 : i32
      %dma_start3A_843 = tpu.memref_slice %arg7[%dma_start3A_840, %dma_start3A_841, %dma_start3A_842] : memref<2x4x128xi32, #tpu.memory_space<vmem>> -> memref<1x1x128xi32, #tpu.memory_space<vmem>>
      %dma_start3A_844 = tpu.memref_squeeze %dma_start3A_843 : memref<1x1x128xi32, #tpu.memory_space<vmem>> -> memref<128xi32, #tpu.memory_space<vmem>>
      %dma_start3A_845 = arith.constant 0 : i32
      %dma_start3A_846 = arith.constant 0 : i32
      %dma_start3A_847 = tpu.memref_slice %arg10[%dma_start3A_845, %dma_start3A_846] : memref<10000x64xf32, #tpu.memory_space<vmem_shared>> -> memref<10000x64xf32, #tpu.memory_space<vmem_shared>>
      tpu.enqueue_indirect_dma source(%dma_start3A_847 : memref<10000x64xf32, #tpu.memory_space<vmem_shared>>) target(%arg12 : memref<128x64xf32, #tpu.memory_space<vmem>>) offsets(%dma_start3A_844 : memref<128xi32, #tpu.memory_space<vmem>>) semaphore(%arg16 : memref<!tpu.dma_semaphore, #tpu.memory_space<semaphore_mem>>)
      %dma_start3A_848 = arith.constant 1 : i32
      %dma_start3A_849 = arith.constant 1 : i32
      %dma_start3A_850 = arith.constant 0 : i32
      %dma_start3A_851 = tpu.memref_slice %arg7[%dma_start3A_848, %dma_start3A_849, %dma_start3A_850] : memref<2x4x128xi32, #tpu.memory_space<vmem>> -> memref<1x1x128xi32, #tpu.memory_space<vmem>>
      %dma_start3A_852 = tpu.memref_squeeze %dma_start3A_851 : memref<1x1x128xi32, #tpu.memory_space<vmem>> -> memref<128xi32, #tpu.memory_space<vmem>>
      %dma_start3A_853 = arith.constant 0 : i32
      %dma_start3A_854 = arith.constant 0 : i32
      %dma_start3A_855 = tpu.memref_slice %arg10[%dma_start3A_853, %dma_start3A_854] : memref<10000x64xf32, #tpu.memory_space<vmem_shared>> -> memref<10000x64xf32, #tpu.memory_space<vmem_shared>>
      tpu.enqueue_indirect_dma source(%dma_start3A_855 : memref<10000x64xf32, #tpu.memory_space<vmem_shared>>) target(%arg13 : memref<128x64xf32, #tpu.memory_space<vmem>>) offsets(%dma_start3A_852 : memref<128xi32, #tpu.memory_space<vmem>>) semaphore(%arg17 : memref<!tpu.dma_semaphore, #tpu.memory_space<semaphore_mem>>)
      %dma_start3A_856 = arith.constant 1 : i32
      %dma_start3A_857 = arith.constant 2 : i32
      %dma_start3A_858 = arith.constant 0 : i32
      %dma_start3A_859 = tpu.memref_slice %arg7[%dma_start3A_856, %dma_start3A_857, %dma_start3A_858] : memref<2x4x128xi32, #tpu.memory_space<vmem>> -> memref<1x1x128xi32, #tpu.memory_space<vmem>>
      %dma_start3A_860 = tpu.memref_squeeze %dma_start3A_859 : memref<1x1x128xi32, #tpu.memory_space<vmem>> -> memref<128xi32, #tpu.memory_space<vmem>>
      %dma_start3A_861 = arith.constant 0 : i32
      %dma_start3A_862 = arith.constant 0 : i32
      %dma_start3A_863 = tpu.memref_slice %arg10[%dma_start3A_861, %dma_start3A_862] : memref<10000x64xf32, #tpu.memory_space<vmem_shared>> -> memref<10000x64xf32, #tpu.memory_space<vmem_shared>>
      tpu.enqueue_indirect_dma source(%dma_start3A_863 : memref<10000x64xf32, #tpu.memory_space<vmem_shared>>) target(%arg14 : memref<128x64xf32, #tpu.memory_space<vmem>>) offsets(%dma_start3A_860 : memref<128xi32, #tpu.memory_space<vmem>>) semaphore(%arg18 : memref<!tpu.dma_semaphore, #tpu.memory_space<semaphore_mem>>)
      %dma_start3A_864 = arith.constant 1 : i32
      %dma_start3A_865 = arith.constant 3 : i32
      %dma_start3A_866 = arith.constant 0 : i32
      %dma_start3A_867 = tpu.memref_slice %arg7[%dma_start3A_864, %dma_start3A_865, %dma_start3A_866] : memref<2x4x128xi32, #tpu.memory_space<vmem>> -> memref<1x1x128xi32, #tpu.memory_space<vmem>>
      %dma_start3A_868 = tpu.memref_squeeze %dma_start3A_867 : memref<1x1x128xi32, #tpu.memory_space<vmem>> -> memref<128xi32, #tpu.memory_space<vmem>>
      %dma_start3A_869 = arith.constant 0 : i32
      %dma_start3A_870 = arith.constant 0 : i32
      %dma_start3A_871 = tpu.memref_slice %arg10[%dma_start3A_869, %dma_start3A_870] : memref<10000x64xf32, #tpu.memory_space<vmem_shared>> -> memref<10000x64xf32, #tpu.memory_space<vmem_shared>>
      tpu.enqueue_indirect_dma source(%dma_start3A_871 : memref<10000x64xf32, #tpu.memory_space<vmem_shared>>) target(%arg15 : memref<128x64xf32, #tpu.memory_space<vmem>>) offsets(%dma_start3A_868 : memref<128xi32, #tpu.memory_space<vmem>>) semaphore(%arg19 : memref<!tpu.dma_semaphore, #tpu.memory_space<semaphore_mem>>)
      %dma_start3A_872 = arith.constant 0 : i32
      %dma_start3A_873 = arith.constant 0 : i32
      %dma_start3A_874 = arith.constant 0 : i32
      %dma_start3A_875 = tpu.memref_slice %arg7[%dma_start3A_872, %dma_start3A_873, %dma_start3A_874] : memref<2x4x128xi32, #tpu.memory_space<vmem>> -> memref<1x4x128xi32, #tpu.memory_space<vmem>>
      %dma_start3A_876 = tpu.memref_squeeze %dma_start3A_875 : memref<1x4x128xi32, #tpu.memory_space<vmem>> -> memref<4x128xi32, #tpu.memory_space<vmem>>
      %dma_start3A_877 = arith.constant 0 : i32
      %dma_start3A_878 = arith.constant 0 : i32
      %dma_start3A_879 = tpu.memref_slice %arg3[%arg1, %add3A_707, %dma_start3A_877, %dma_start3A_878] : memref<16x40x4x128xi32, #tpu.memory_space<hbm>> -> memref<1x1x4x128xi32, #tpu.memory_space<hbm>>
      %dma_start3A_880 = tpu.memref_squeeze %dma_start3A_879 : memref<1x1x4x128xi32, #tpu.memory_space<hbm>> -> memref<4x128xi32, #tpu.memory_space<hbm>>
      %dma_start3A_881 = arith.constant 0 : i32
      %dma_start3A_882 = arith.constant 0 : i32
      %dma_start3A_883 = tpu.memref_slice %arg7[%dma_start3A_872, %dma_start3A_881, %dma_start3A_882] : memref<2x4x128xi32, #tpu.memory_space<vmem>> -> memref<1x4x128xi32, #tpu.memory_space<vmem>>
      %dma_start3A_884 = tpu.memref_squeeze %dma_start3A_883 : memref<1x4x128xi32, #tpu.memory_space<vmem>> -> memref<4x128xi32, #tpu.memory_space<vmem>>
      %dma_start3A_885 = arith.constant 0 : i32
      %dma_start3A_886 = arith.constant 0 : i32
      %dma_start3A_887 = tpu.memref_slice %arg3[%arg1, %add3A_707, %dma_start3A_885, %dma_start3A_886] : memref<16x40x4x128xi32, #tpu.memory_space<hbm>> -> memref<1x1x4x128xi32, #tpu.memory_space<hbm>>
      %dma_start3A_888 = tpu.memref_squeeze %dma_start3A_887 : memref<1x1x4x128xi32, #tpu.memory_space<hbm>> -> memref<4x128xi32, #tpu.memory_space<hbm>>
      tpu.enqueue_dma source(%dma_start3A_888 : memref<4x128xi32, #tpu.memory_space<hbm>>) target(%dma_start3A_884 : memref<4x128xi32, #tpu.memory_space<vmem>>) target_semaphore(%arg24 : memref<!tpu.dma_semaphore, #tpu.memory_space<semaphore_mem>>)
      %dma_start3A_889 = arith.constant 0 : i32
      %dma_start3A_890 = arith.constant 0 : i32
      %dma_start3A_891 = arith.constant 0 : i32
      %dma_start3A_892 = tpu.memref_slice %arg8[%dma_start3A_889, %dma_start3A_890, %dma_start3A_891] : memref<2x4x128xi32, #tpu.memory_space<vmem>> -> memref<1x4x128xi32, #tpu.memory_space<vmem>>
      %dma_start3A_893 = tpu.memref_squeeze %dma_start3A_892 : memref<1x4x128xi32, #tpu.memory_space<vmem>> -> memref<4x128xi32, #tpu.memory_space<vmem>>
      %dma_start3A_894 = arith.constant 0 : i32
      %dma_start3A_895 = arith.constant 0 : i32
      %dma_start3A_896 = tpu.memref_slice %arg4[%arg1, %add3A_707, %dma_start3A_894, %dma_start3A_895] : memref<16x40x4x128xi32, #tpu.memory_space<hbm>> -> memref<1x1x4x128xi32, #tpu.memory_space<hbm>>
      %dma_start3A_897 = tpu.memref_squeeze %dma_start3A_896 : memref<1x1x4x128xi32, #tpu.memory_space<hbm>> -> memref<4x128xi32, #tpu.memory_space<hbm>>
      %dma_start3A_898 = arith.constant 0 : i32
      %dma_start3A_899 = arith.constant 0 : i32
      %dma_start3A_900 = tpu.memref_slice %arg8[%dma_start3A_889, %dma_start3A_898, %dma_start3A_899] : memref<2x4x128xi32, #tpu.memory_space<vmem>> -> memref<1x4x128xi32, #tpu.memory_space<vmem>>
      %dma_start3A_901 = tpu.memref_squeeze %dma_start3A_900 : memref<1x4x128xi32, #tpu.memory_space<vmem>> -> memref<4x128xi32, #tpu.memory_space<vmem>>
      %dma_start3A_902 = arith.constant 0 : i32
      %dma_start3A_903 = arith.constant 0 : i32
      %dma_start3A_904 = tpu.memref_slice %arg4[%arg1, %add3A_707, %dma_start3A_902, %dma_start3A_903] : memref<16x40x4x128xi32, #tpu.memory_space<hbm>> -> memref<1x1x4x128xi32, #tpu.memory_space<hbm>>
      %dma_start3A_905 = tpu.memref_squeeze %dma_start3A_904 : memref<1x1x4x128xi32, #tpu.memory_space<hbm>> -> memref<4x128xi32, #tpu.memory_space<hbm>>
      tpu.enqueue_dma source(%dma_start3A_905 : memref<4x128xi32, #tpu.memory_space<hbm>>) target(%dma_start3A_901 : memref<4x128xi32, #tpu.memory_space<vmem>>) target_semaphore(%arg24 : memref<!tpu.dma_semaphore, #tpu.memory_space<semaphore_mem>>)
      %add3A_906 = arith.constant 3 : i32
      %add3A_907 = arith.addi %mul3A_706, %add3A_906 : i32
      %dma_wait3A_908 = arith.constant 1 : i32
      %dma_wait3A_909 = arith.constant 0 : i32
      %dma_wait3A_910 = arith.constant 0 : i32
      %dma_wait3A_911 = tpu.memref_slice %arg7[%dma_wait3A_908, %dma_wait3A_909, %dma_wait3A_910] : memref<2x4x128xi32, #tpu.memory_space<vmem>> -> memref<1x1x128xi32, #tpu.memory_space<vmem>>
      %dma_wait3A_912 = tpu.memref_squeeze %dma_wait3A_911 : memref<1x1x128xi32, #tpu.memory_space<vmem>> -> memref<128xi32, #tpu.memory_space<vmem>>
      %dma_wait3A_913 = arith.constant 0 : i32
      %dma_wait3A_914 = arith.constant 0 : i32
      %dma_wait3A_915 = tpu.memref_slice %arg10[%dma_wait3A_913, %dma_wait3A_914] : memref<10000x64xf32, #tpu.memory_space<vmem_shared>> -> memref<10000x64xf32, #tpu.memory_space<vmem_shared>>
      tpu.wait_indirect_dma semaphore(%arg16 : memref<!tpu.dma_semaphore, #tpu.memory_space<semaphore_mem>>) src(%dma_wait3A_915 : memref<10000x64xf32, #tpu.memory_space<vmem_shared>>) dst(%arg12 : memref<128x64xf32, #tpu.memory_space<vmem>>)
      %dma_start3A_916 = arith.constant 1 : i32
      %dma_start3A_917 = arith.constant 0 : i32
      %dma_start3A_918 = arith.constant 0 : i32
      %dma_start3A_919 = tpu.memref_slice %arg8[%dma_start3A_916, %dma_start3A_917, %dma_start3A_918] : memref<2x4x128xi32, #tpu.memory_space<vmem>> -> memref<1x1x128xi32, #tpu.memory_space<vmem>>
      %dma_start3A_920 = tpu.memref_squeeze %dma_start3A_919 : memref<1x1x128xi32, #tpu.memory_space<vmem>> -> memref<128xi32, #tpu.memory_space<vmem>>
      %dma_start3A_921 = arith.constant 0 : i32
      %dma_start3A_922 = arith.constant 0 : i32
      %dma_start3A_923 = tpu.memref_slice %arg11[%dma_start3A_921, %dma_start3A_922] : memref<10240x64xf32, #tpu.memory_space<vmem_shared>> -> memref<10240x64xf32, #tpu.memory_space<vmem_shared>>
      tpu.enqueue_indirect_dma source(%arg12 : memref<128x64xf32, #tpu.memory_space<vmem>>) target(%dma_start3A_923 : memref<10240x64xf32, #tpu.memory_space<vmem_shared>>) offsets(%dma_start3A_920 : memref<128xi32, #tpu.memory_space<vmem>>) semaphore(%arg20 : memref<!tpu.dma_semaphore, #tpu.memory_space<semaphore_mem>>) {add = true}
      %dma_wait3A_924 = arith.constant 1 : i32
      %dma_wait3A_925 = arith.constant 1 : i32
      %dma_wait3A_926 = arith.constant 0 : i32
      %dma_wait3A_927 = tpu.memref_slice %arg7[%dma_wait3A_924, %dma_wait3A_925, %dma_wait3A_926] : memref<2x4x128xi32, #tpu.memory_space<vmem>> -> memref<1x1x128xi32, #tpu.memory_space<vmem>>
      %dma_wait3A_928 = tpu.memref_squeeze %dma_wait3A_927 : memref<1x1x128xi32, #tpu.memory_space<vmem>> -> memref<128xi32, #tpu.memory_space<vmem>>
      %dma_wait3A_929 = arith.constant 0 : i32
      %dma_wait3A_930 = arith.constant 0 : i32
      %dma_wait3A_931 = tpu.memref_slice %arg10[%dma_wait3A_929, %dma_wait3A_930] : memref<10000x64xf32, #tpu.memory_space<vmem_shared>> -> memref<10000x64xf32, #tpu.memory_space<vmem_shared>>
      tpu.wait_indirect_dma semaphore(%arg17 : memref<!tpu.dma_semaphore, #tpu.memory_space<semaphore_mem>>) src(%dma_wait3A_931 : memref<10000x64xf32, #tpu.memory_space<vmem_shared>>) dst(%arg13 : memref<128x64xf32, #tpu.memory_space<vmem>>)
      %dma_start3A_932 = arith.constant 1 : i32
      %dma_start3A_933 = arith.constant 1 : i32
      %dma_start3A_934 = arith.constant 0 : i32
      %dma_start3A_935 = tpu.memref_slice %arg8[%dma_start3A_932, %dma_start3A_933, %dma_start3A_934] : memref<2x4x128xi32, #tpu.memory_space<vmem>> -> memref<1x1x128xi32, #tpu.memory_space<vmem>>
      %dma_start3A_936 = tpu.memref_squeeze %dma_start3A_935 : memref<1x1x128xi32, #tpu.memory_space<vmem>> -> memref<128xi32, #tpu.memory_space<vmem>>
      %dma_start3A_937 = arith.constant 0 : i32
      %dma_start3A_938 = arith.constant 0 : i32
      %dma_start3A_939 = tpu.memref_slice %arg11[%dma_start3A_937, %dma_start3A_938] : memref<10240x64xf32, #tpu.memory_space<vmem_shared>> -> memref<10240x64xf32, #tpu.memory_space<vmem_shared>>
      tpu.enqueue_indirect_dma source(%arg13 : memref<128x64xf32, #tpu.memory_space<vmem>>) target(%dma_start3A_939 : memref<10240x64xf32, #tpu.memory_space<vmem_shared>>) offsets(%dma_start3A_936 : memref<128xi32, #tpu.memory_space<vmem>>) semaphore(%arg21 : memref<!tpu.dma_semaphore, #tpu.memory_space<semaphore_mem>>) {add = true}
      %dma_wait3A_940 = arith.constant 1 : i32
      %dma_wait3A_941 = arith.constant 2 : i32
      %dma_wait3A_942 = arith.constant 0 : i32
      %dma_wait3A_943 = tpu.memref_slice %arg7[%dma_wait3A_940, %dma_wait3A_941, %dma_wait3A_942] : memref<2x4x128xi32, #tpu.memory_space<vmem>> -> memref<1x1x128xi32, #tpu.memory_space<vmem>>
      %dma_wait3A_944 = tpu.memref_squeeze %dma_wait3A_943 : memref<1x1x128xi32, #tpu.memory_space<vmem>> -> memref<128xi32, #tpu.memory_space<vmem>>
      %dma_wait3A_945 = arith.constant 0 : i32
      %dma_wait3A_946 = arith.constant 0 : i32
      %dma_wait3A_947 = tpu.memref_slice %arg10[%dma_wait3A_945, %dma_wait3A_946] : memref<10000x64xf32, #tpu.memory_space<vmem_shared>> -> memref<10000x64xf32, #tpu.memory_space<vmem_shared>>
      tpu.wait_indirect_dma semaphore(%arg18 : memref<!tpu.dma_semaphore, #tpu.memory_space<semaphore_mem>>) src(%dma_wait3A_947 : memref<10000x64xf32, #tpu.memory_space<vmem_shared>>) dst(%arg14 : memref<128x64xf32, #tpu.memory_space<vmem>>)
      %dma_start3A_948 = arith.constant 1 : i32
      %dma_start3A_949 = arith.constant 2 : i32
      %dma_start3A_950 = arith.constant 0 : i32
      %dma_start3A_951 = tpu.memref_slice %arg8[%dma_start3A_948, %dma_start3A_949, %dma_start3A_950] : memref<2x4x128xi32, #tpu.memory_space<vmem>> -> memref<1x1x128xi32, #tpu.memory_space<vmem>>
      %dma_start3A_952 = tpu.memref_squeeze %dma_start3A_951 : memref<1x1x128xi32, #tpu.memory_space<vmem>> -> memref<128xi32, #tpu.memory_space<vmem>>
      %dma_start3A_953 = arith.constant 0 : i32
      %dma_start3A_954 = arith.constant 0 : i32
      %dma_start3A_955 = tpu.memref_slice %arg11[%dma_start3A_953, %dma_start3A_954] : memref<10240x64xf32, #tpu.memory_space<vmem_shared>> -> memref<10240x64xf32, #tpu.memory_space<vmem_shared>>
      tpu.enqueue_indirect_dma source(%arg14 : memref<128x64xf32, #tpu.memory_space<vmem>>) target(%dma_start3A_955 : memref<10240x64xf32, #tpu.memory_space<vmem_shared>>) offsets(%dma_start3A_952 : memref<128xi32, #tpu.memory_space<vmem>>) semaphore(%arg22 : memref<!tpu.dma_semaphore, #tpu.memory_space<semaphore_mem>>) {add = true}
      %dma_wait3A_956 = arith.constant 1 : i32
      %dma_wait3A_957 = arith.constant 3 : i32
      %dma_wait3A_958 = arith.constant 0 : i32
      %dma_wait3A_959 = tpu.memref_slice %arg7[%dma_wait3A_956, %dma_wait3A_957, %dma_wait3A_958] : memref<2x4x128xi32, #tpu.memory_space<vmem>> -> memref<1x1x128xi32, #tpu.memory_space<vmem>>
      %dma_wait3A_960 = tpu.memref_squeeze %dma_wait3A_959 : memref<1x1x128xi32, #tpu.memory_space<vmem>> -> memref<128xi32, #tpu.memory_space<vmem>>
      %dma_wait3A_961 = arith.constant 0 : i32
      %dma_wait3A_962 = arith.constant 0 : i32
      %dma_wait3A_963 = tpu.memref_slice %arg10[%dma_wait3A_961, %dma_wait3A_962] : memref<10000x64xf32, #tpu.memory_space<vmem_shared>> -> memref<10000x64xf32, #tpu.memory_space<vmem_shared>>
      tpu.wait_indirect_dma semaphore(%arg19 : memref<!tpu.dma_semaphore, #tpu.memory_space<semaphore_mem>>) src(%dma_wait3A_963 : memref<10000x64xf32, #tpu.memory_space<vmem_shared>>) dst(%arg15 : memref<128x64xf32, #tpu.memory_space<vmem>>)
      %dma_start3A_964 = arith.constant 1 : i32
      %dma_start3A_965 = arith.constant 3 : i32
      %dma_start3A_966 = arith.constant 0 : i32
      %dma_start3A_967 = tpu.memref_slice %arg8[%dma_start3A_964, %dma_start3A_965, %dma_start3A_966] : memref<2x4x128xi32, #tpu.memory_space<vmem>> -> memref<1x1x128xi32, #tpu.memory_space<vmem>>
      %dma_start3A_968 = tpu.memref_squeeze %dma_start3A_967 : memref<1x1x128xi32, #tpu.memory_space<vmem>> -> memref<128xi32, #tpu.memory_space<vmem>>
      %dma_start3A_969 = arith.constant 0 : i32
      %dma_start3A_970 = arith.constant 0 : i32
      %dma_start3A_971 = tpu.memref_slice %arg11[%dma_start3A_969, %dma_start3A_970] : memref<10240x64xf32, #tpu.memory_space<vmem_shared>> -> memref<10240x64xf32, #tpu.memory_space<vmem_shared>>
      tpu.enqueue_indirect_dma source(%arg15 : memref<128x64xf32, #tpu.memory_space<vmem>>) target(%dma_start3A_971 : memref<10240x64xf32, #tpu.memory_space<vmem_shared>>) offsets(%dma_start3A_968 : memref<128xi32, #tpu.memory_space<vmem>>) semaphore(%arg23 : memref<!tpu.dma_semaphore, #tpu.memory_space<semaphore_mem>>) {add = true}
      %dma_wait3A_972 = arith.constant 0 : i32
      %dma_wait3A_973 = arith.constant 0 : i32
      %dma_wait3A_974 = arith.constant 0 : i32
      %dma_wait3A_975 = arith.constant 0 : i32
      %dma_wait3A_976 = tpu.memref_slice %arg7[%dma_wait3A_973, %dma_wait3A_974, %dma_wait3A_975] : memref<2x4x128xi32, #tpu.memory_space<vmem>> -> memref<1x4x128xi32, #tpu.memory_space<vmem>>
      %dma_wait3A_977 = tpu.memref_squeeze %dma_wait3A_976 : memref<1x4x128xi32, #tpu.memory_space<vmem>> -> memref<4x128xi32, #tpu.memory_space<vmem>>
      %dma_wait3A_978 = arith.constant 0 : i32
      %dma_wait3A_979 = arith.constant 0 : i32
      %dma_wait3A_980 = tpu.memref_slice %arg3[%arg1, %dma_wait3A_972, %dma_wait3A_978, %dma_wait3A_979] : memref<16x40x4x128xi32, #tpu.memory_space<hbm>> -> memref<1x1x4x128xi32, #tpu.memory_space<hbm>>
      %dma_wait3A_981 = tpu.memref_squeeze %dma_wait3A_980 : memref<1x1x4x128xi32, #tpu.memory_space<hbm>> -> memref<4x128xi32, #tpu.memory_space<hbm>>
      %dma_wait3A_982 = arith.constant 0 : i32
      %dma_wait3A_983 = arith.constant 0 : i32
      %dma_wait3A_984 = tpu.memref_slice %arg7[%dma_wait3A_973, %dma_wait3A_982, %dma_wait3A_983] : memref<2x4x128xi32, #tpu.memory_space<vmem>> -> memref<1x4x128xi32, #tpu.memory_space<vmem>>
      %dma_wait3A_985 = tpu.memref_squeeze %dma_wait3A_984 : memref<1x4x128xi32, #tpu.memory_space<vmem>> -> memref<4x128xi32, #tpu.memory_space<vmem>>
      %dma_wait3A_986 = arith.constant 0 : i32
      %dma_wait3A_987 = arith.constant 0 : i32
      %dma_wait3A_988 = tpu.memref_slice %arg3[%arg1, %dma_wait3A_972, %dma_wait3A_986, %dma_wait3A_987] : memref<16x40x4x128xi32, #tpu.memory_space<hbm>> -> memref<1x1x4x128xi32, #tpu.memory_space<hbm>>
      %dma_wait3A_989 = tpu.memref_squeeze %dma_wait3A_988 : memref<1x1x4x128xi32, #tpu.memory_space<hbm>> -> memref<4x128xi32, #tpu.memory_space<hbm>>
      tpu.wait_dma2 semaphore(%arg24 : memref<!tpu.dma_semaphore, #tpu.memory_space<semaphore_mem>>) src(%dma_wait3A_989 : memref<4x128xi32, #tpu.memory_space<hbm>>) dst(%dma_wait3A_985 : memref<4x128xi32, #tpu.memory_space<vmem>>)
      %dma_wait3A_990 = arith.constant 0 : i32
      %dma_wait3A_991 = arith.constant 0 : i32
      %dma_wait3A_992 = arith.constant 0 : i32
      %dma_wait3A_993 = arith.constant 0 : i32
      %dma_wait3A_994 = tpu.memref_slice %arg8[%dma_wait3A_991, %dma_wait3A_992, %dma_wait3A_993] : memref<2x4x128xi32, #tpu.memory_space<vmem>> -> memref<1x4x128xi32, #tpu.memory_space<vmem>>
      %dma_wait3A_995 = tpu.memref_squeeze %dma_wait3A_994 : memref<1x4x128xi32, #tpu.memory_space<vmem>> -> memref<4x128xi32, #tpu.memory_space<vmem>>
      %dma_wait3A_996 = arith.constant 0 : i32
      %dma_wait3A_997 = arith.constant 0 : i32
      %dma_wait3A_998 = tpu.memref_slice %arg4[%arg1, %dma_wait3A_990, %dma_wait3A_996, %dma_wait3A_997] : memref<16x40x4x128xi32, #tpu.memory_space<hbm>> -> memref<1x1x4x128xi32, #tpu.memory_space<hbm>>
      %dma_wait3A_999 = tpu.memref_squeeze %dma_wait3A_998 : memref<1x1x4x128xi32, #tpu.memory_space<hbm>> -> memref<4x128xi32, #tpu.memory_space<hbm>>
      %dma_wait3A_1000 = arith.constant 0 : i32
      %dma_wait3A_1001 = arith.constant 0 : i32
      %dma_wait3A_1002 = tpu.memref_slice %arg8[%dma_wait3A_991, %dma_wait3A_1000, %dma_wait3A_1001] : memref<2x4x128xi32, #tpu.memory_space<vmem>> -> memref<1x4x128xi32, #tpu.memory_space<vmem>>
      %dma_wait3A_1003 = tpu.memref_squeeze %dma_wait3A_1002 : memref<1x4x128xi32, #tpu.memory_space<vmem>> -> memref<4x128xi32, #tpu.memory_space<vmem>>
      %dma_wait3A_1004 = arith.constant 0 : i32
      %dma_wait3A_1005 = arith.constant 0 : i32
      %dma_wait3A_1006 = tpu.memref_slice %arg4[%arg1, %dma_wait3A_990, %dma_wait3A_1004, %dma_wait3A_1005] : memref<16x40x4x128xi32, #tpu.memory_space<hbm>> -> memref<1x1x4x128xi32, #tpu.memory_space<hbm>>
      %dma_wait3A_1007 = tpu.memref_squeeze %dma_wait3A_1006 : memref<1x1x4x128xi32, #tpu.memory_space<hbm>> -> memref<4x128xi32, #tpu.memory_space<hbm>>
      tpu.wait_dma2 semaphore(%arg24 : memref<!tpu.dma_semaphore, #tpu.memory_space<semaphore_mem>>) src(%dma_wait3A_1007 : memref<4x128xi32, #tpu.memory_space<hbm>>) dst(%dma_wait3A_1003 : memref<4x128xi32, #tpu.memory_space<vmem>>)
      %dma_wait3A_1008 = arith.constant 1 : i32
      %dma_wait3A_1009 = arith.constant 0 : i32
      %dma_wait3A_1010 = arith.constant 0 : i32
      %dma_wait3A_1011 = tpu.memref_slice %arg8[%dma_wait3A_1008, %dma_wait3A_1009, %dma_wait3A_1010] : memref<2x4x128xi32, #tpu.memory_space<vmem>> -> memref<1x1x128xi32, #tpu.memory_space<vmem>>
      %dma_wait3A_1012 = tpu.memref_squeeze %dma_wait3A_1011 : memref<1x1x128xi32, #tpu.memory_space<vmem>> -> memref<128xi32, #tpu.memory_space<vmem>>
      %dma_wait3A_1013 = arith.constant 0 : i32
      %dma_wait3A_1014 = arith.constant 0 : i32
      %dma_wait3A_1015 = tpu.memref_slice %arg11[%dma_wait3A_1013, %dma_wait3A_1014] : memref<10240x64xf32, #tpu.memory_space<vmem_shared>> -> memref<10240x64xf32, #tpu.memory_space<vmem_shared>>
      tpu.wait_indirect_dma semaphore(%arg20 : memref<!tpu.dma_semaphore, #tpu.memory_space<semaphore_mem>>) src(%arg12 : memref<128x64xf32, #tpu.memory_space<vmem>>) dst(%dma_wait3A_1015 : memref<10240x64xf32, #tpu.memory_space<vmem_shared>>)
      %dma_wait3A_1016 = arith.constant 1 : i32
      %dma_wait3A_1017 = arith.constant 1 : i32
      %dma_wait3A_1018 = arith.constant 0 : i32
      %dma_wait3A_1019 = tpu.memref_slice %arg8[%dma_wait3A_1016, %dma_wait3A_1017, %dma_wait3A_1018] : memref<2x4x128xi32, #tpu.memory_space<vmem>> -> memref<1x1x128xi32, #tpu.memory_space<vmem>>
      %dma_wait3A_1020 = tpu.memref_squeeze %dma_wait3A_1019 : memref<1x1x128xi32, #tpu.memory_space<vmem>> -> memref<128xi32, #tpu.memory_space<vmem>>
      %dma_wait3A_1021 = arith.constant 0 : i32
      %dma_wait3A_1022 = arith.constant 0 : i32
      %dma_wait3A_1023 = tpu.memref_slice %arg11[%dma_wait3A_1021, %dma_wait3A_1022] : memref<10240x64xf32, #tpu.memory_space<vmem_shared>> -> memref<10240x64xf32, #tpu.memory_space<vmem_shared>>
      tpu.wait_indirect_dma semaphore(%arg21 : memref<!tpu.dma_semaphore, #tpu.memory_space<semaphore_mem>>) src(%arg13 : memref<128x64xf32, #tpu.memory_space<vmem>>) dst(%dma_wait3A_1023 : memref<10240x64xf32, #tpu.memory_space<vmem_shared>>)
      %dma_wait3A_1024 = arith.constant 1 : i32
      %dma_wait3A_1025 = arith.constant 2 : i32
      %dma_wait3A_1026 = arith.constant 0 : i32
      %dma_wait3A_1027 = tpu.memref_slice %arg8[%dma_wait3A_1024, %dma_wait3A_1025, %dma_wait3A_1026] : memref<2x4x128xi32, #tpu.memory_space<vmem>> -> memref<1x1x128xi32, #tpu.memory_space<vmem>>
      %dma_wait3A_1028 = tpu.memref_squeeze %dma_wait3A_1027 : memref<1x1x128xi32, #tpu.memory_space<vmem>> -> memref<128xi32, #tpu.memory_space<vmem>>
      %dma_wait3A_1029 = arith.constant 0 : i32
      %dma_wait3A_1030 = arith.constant 0 : i32
      %dma_wait3A_1031 = tpu.memref_slice %arg11[%dma_wait3A_1029, %dma_wait3A_1030] : memref<10240x64xf32, #tpu.memory_space<vmem_shared>> -> memref<10240x64xf32, #tpu.memory_space<vmem_shared>>
      tpu.wait_indirect_dma semaphore(%arg22 : memref<!tpu.dma_semaphore, #tpu.memory_space<semaphore_mem>>) src(%arg14 : memref<128x64xf32, #tpu.memory_space<vmem>>) dst(%dma_wait3A_1031 : memref<10240x64xf32, #tpu.memory_space<vmem_shared>>)
      %dma_wait3A_1032 = arith.constant 1 : i32
      %dma_wait3A_1033 = arith.constant 3 : i32
      %dma_wait3A_1034 = arith.constant 0 : i32
      %dma_wait3A_1035 = tpu.memref_slice %arg8[%dma_wait3A_1032, %dma_wait3A_1033, %dma_wait3A_1034] : memref<2x4x128xi32, #tpu.memory_space<vmem>> -> memref<1x1x128xi32, #tpu.memory_space<vmem>>
      %dma_wait3A_1036 = tpu.memref_squeeze %dma_wait3A_1035 : memref<1x1x128xi32, #tpu.memory_space<vmem>> -> memref<128xi32, #tpu.memory_space<vmem>>
      %dma_wait3A_1037 = arith.constant 0 : i32
      %dma_wait3A_1038 = arith.constant 0 : i32
      %dma_wait3A_1039 = tpu.memref_slice %arg11[%dma_wait3A_1037, %dma_wait3A_1038] : memref<10240x64xf32, #tpu.memory_space<vmem_shared>> -> memref<10240x64xf32, #tpu.memory_space<vmem_shared>>
      tpu.wait_indirect_dma semaphore(%arg23 : memref<!tpu.dma_semaphore, #tpu.memory_space<semaphore_mem>>) src(%arg15 : memref<128x64xf32, #tpu.memory_space<vmem>>) dst(%dma_wait3A_1039 : memref<10240x64xf32, #tpu.memory_space<vmem_shared>>)
      %dma_start3A_1040 = arith.constant 0 : i32
      %dma_start3A_1041 = arith.constant 0 : i32
      %dma_start3A_1042 = arith.constant 0 : i32
      %dma_start3A_1043 = tpu.memref_slice %arg7[%dma_start3A_1040, %dma_start3A_1041, %dma_start3A_1042] : memref<2x4x128xi32, #tpu.memory_space<vmem>> -> memref<1x1x128xi32, #tpu.memory_space<vmem>>
      %dma_start3A_1044 = tpu.memref_squeeze %dma_start3A_1043 : memref<1x1x128xi32, #tpu.memory_space<vmem>> -> memref<128xi32, #tpu.memory_space<vmem>>
      %dma_start3A_1045 = arith.constant 0 : i32
      %dma_start3A_1046 = arith.constant 0 : i32
      %dma_start3A_1047 = tpu.memref_slice %arg10[%dma_start3A_1045, %dma_start3A_1046] : memref<10000x64xf32, #tpu.memory_space<vmem_shared>> -> memref<10000x64xf32, #tpu.memory_space<vmem_shared>>
      tpu.enqueue_indirect_dma source(%dma_start3A_1047 : memref<10000x64xf32, #tpu.memory_space<vmem_shared>>) target(%arg12 : memref<128x64xf32, #tpu.memory_space<vmem>>) offsets(%dma_start3A_1044 : memref<128xi32, #tpu.memory_space<vmem>>) semaphore(%arg16 : memref<!tpu.dma_semaphore, #tpu.memory_space<semaphore_mem>>)
      %dma_start3A_1048 = arith.constant 0 : i32
      %dma_start3A_1049 = arith.constant 1 : i32
      %dma_start3A_1050 = arith.constant 0 : i32
      %dma_start3A_1051 = tpu.memref_slice %arg7[%dma_start3A_1048, %dma_start3A_1049, %dma_start3A_1050] : memref<2x4x128xi32, #tpu.memory_space<vmem>> -> memref<1x1x128xi32, #tpu.memory_space<vmem>>
      %dma_start3A_1052 = tpu.memref_squeeze %dma_start3A_1051 : memref<1x1x128xi32, #tpu.memory_space<vmem>> -> memref<128xi32, #tpu.memory_space<vmem>>
      %dma_start3A_1053 = arith.constant 0 : i32
      %dma_start3A_1054 = arith.constant 0 : i32
      %dma_start3A_1055 = tpu.memref_slice %arg10[%dma_start3A_1053, %dma_start3A_1054] : memref<10000x64xf32, #tpu.memory_space<vmem_shared>> -> memref<10000x64xf32, #tpu.memory_space<vmem_shared>>
      tpu.enqueue_indirect_dma source(%dma_start3A_1055 : memref<10000x64xf32, #tpu.memory_space<vmem_shared>>) target(%arg13 : memref<128x64xf32, #tpu.memory_space<vmem>>) offsets(%dma_start3A_1052 : memref<128xi32, #tpu.memory_space<vmem>>) semaphore(%arg17 : memref<!tpu.dma_semaphore, #tpu.memory_space<semaphore_mem>>)
      %dma_start3A_1056 = arith.constant 0 : i32
      %dma_start3A_1057 = arith.constant 2 : i32
      %dma_start3A_1058 = arith.constant 0 : i32
      %dma_start3A_1059 = tpu.memref_slice %arg7[%dma_start3A_1056, %dma_start3A_1057, %dma_start3A_1058] : memref<2x4x128xi32, #tpu.memory_space<vmem>> -> memref<1x1x128xi32, #tpu.memory_space<vmem>>
      %dma_start3A_1060 = tpu.memref_squeeze %dma_start3A_1059 : memref<1x1x128xi32, #tpu.memory_space<vmem>> -> memref<128xi32, #tpu.memory_space<vmem>>
      %dma_start3A_1061 = arith.constant 0 : i32
      %dma_start3A_1062 = arith.constant 0 : i32
      %dma_start3A_1063 = tpu.memref_slice %arg10[%dma_start3A_1061, %dma_start3A_1062] : memref<10000x64xf32, #tpu.memory_space<vmem_shared>> -> memref<10000x64xf32, #tpu.memory_space<vmem_shared>>
      tpu.enqueue_indirect_dma source(%dma_start3A_1063 : memref<10000x64xf32, #tpu.memory_space<vmem_shared>>) target(%arg14 : memref<128x64xf32, #tpu.memory_space<vmem>>) offsets(%dma_start3A_1060 : memref<128xi32, #tpu.memory_space<vmem>>) semaphore(%arg18 : memref<!tpu.dma_semaphore, #tpu.memory_space<semaphore_mem>>)
      %dma_start3A_1064 = arith.constant 0 : i32
      %dma_start3A_1065 = arith.constant 3 : i32
      %dma_start3A_1066 = arith.constant 0 : i32
      %dma_start3A_1067 = tpu.memref_slice %arg7[%dma_start3A_1064, %dma_start3A_1065, %dma_start3A_1066] : memref<2x4x128xi32, #tpu.memory_space<vmem>> -> memref<1x1x128xi32, #tpu.memory_space<vmem>>
      %dma_start3A_1068 = tpu.memref_squeeze %dma_start3A_1067 : memref<1x1x128xi32, #tpu.memory_space<vmem>> -> memref<128xi32, #tpu.memory_space<vmem>>
      %dma_start3A_1069 = arith.constant 0 : i32
      %dma_start3A_1070 = arith.constant 0 : i32
      %dma_start3A_1071 = tpu.memref_slice %arg10[%dma_start3A_1069, %dma_start3A_1070] : memref<10000x64xf32, #tpu.memory_space<vmem_shared>> -> memref<10000x64xf32, #tpu.memory_space<vmem_shared>>
      tpu.enqueue_indirect_dma source(%dma_start3A_1071 : memref<10000x64xf32, #tpu.memory_space<vmem_shared>>) target(%arg15 : memref<128x64xf32, #tpu.memory_space<vmem>>) offsets(%dma_start3A_1068 : memref<128xi32, #tpu.memory_space<vmem>>) semaphore(%arg19 : memref<!tpu.dma_semaphore, #tpu.memory_space<semaphore_mem>>)
      %dma_start3A_1072 = arith.constant 1 : i32
      %dma_start3A_1073 = arith.constant 0 : i32
      %dma_start3A_1074 = arith.constant 0 : i32
      %dma_start3A_1075 = tpu.memref_slice %arg7[%dma_start3A_1072, %dma_start3A_1073, %dma_start3A_1074] : memref<2x4x128xi32, #tpu.memory_space<vmem>> -> memref<1x4x128xi32, #tpu.memory_space<vmem>>
      %dma_start3A_1076 = tpu.memref_squeeze %dma_start3A_1075 : memref<1x4x128xi32, #tpu.memory_space<vmem>> -> memref<4x128xi32, #tpu.memory_space<vmem>>
      %dma_start3A_1077 = arith.constant 0 : i32
      %dma_start3A_1078 = arith.constant 0 : i32
      %dma_start3A_1079 = tpu.memref_slice %arg3[%arg1, %add3A_907, %dma_start3A_1077, %dma_start3A_1078] : memref<16x40x4x128xi32, #tpu.memory_space<hbm>> -> memref<1x1x4x128xi32, #tpu.memory_space<hbm>>
      %dma_start3A_1080 = tpu.memref_squeeze %dma_start3A_1079 : memref<1x1x4x128xi32, #tpu.memory_space<hbm>> -> memref<4x128xi32, #tpu.memory_space<hbm>>
      %dma_start3A_1081 = arith.constant 0 : i32
      %dma_start3A_1082 = arith.constant 0 : i32
      %dma_start3A_1083 = tpu.memref_slice %arg7[%dma_start3A_1072, %dma_start3A_1081, %dma_start3A_1082] : memref<2x4x128xi32, #tpu.memory_space<vmem>> -> memref<1x4x128xi32, #tpu.memory_space<vmem>>
      %dma_start3A_1084 = tpu.memref_squeeze %dma_start3A_1083 : memref<1x4x128xi32, #tpu.memory_space<vmem>> -> memref<4x128xi32, #tpu.memory_space<vmem>>
      %dma_start3A_1085 = arith.constant 0 : i32
      %dma_start3A_1086 = arith.constant 0 : i32
      %dma_start3A_1087 = tpu.memref_slice %arg3[%arg1, %add3A_907, %dma_start3A_1085, %dma_start3A_1086] : memref<16x40x4x128xi32, #tpu.memory_space<hbm>> -> memref<1x1x4x128xi32, #tpu.memory_space<hbm>>
      %dma_start3A_1088 = tpu.memref_squeeze %dma_start3A_1087 : memref<1x1x4x128xi32, #tpu.memory_space<hbm>> -> memref<4x128xi32, #tpu.memory_space<hbm>>
      tpu.enqueue_dma source(%dma_start3A_1088 : memref<4x128xi32, #tpu.memory_space<hbm>>) target(%dma_start3A_1084 : memref<4x128xi32, #tpu.memory_space<vmem>>) target_semaphore(%arg25 : memref<!tpu.dma_semaphore, #tpu.memory_space<semaphore_mem>>)
      %dma_start3A_1089 = arith.constant 1 : i32
      %dma_start3A_1090 = arith.constant 0 : i32
      %dma_start3A_1091 = arith.constant 0 : i32
      %dma_start3A_1092 = tpu.memref_slice %arg8[%dma_start3A_1089, %dma_start3A_1090, %dma_start3A_1091] : memref<2x4x128xi32, #tpu.memory_space<vmem>> -> memref<1x4x128xi32, #tpu.memory_space<vmem>>
      %dma_start3A_1093 = tpu.memref_squeeze %dma_start3A_1092 : memref<1x4x128xi32, #tpu.memory_space<vmem>> -> memref<4x128xi32, #tpu.memory_space<vmem>>
      %dma_start3A_1094 = arith.constant 0 : i32
      %dma_start3A_1095 = arith.constant 0 : i32
      %dma_start3A_1096 = tpu.memref_slice %arg4[%arg1, %add3A_907, %dma_start3A_1094, %dma_start3A_1095] : memref<16x40x4x128xi32, #tpu.memory_space<hbm>> -> memref<1x1x4x128xi32, #tpu.memory_space<hbm>>
      %dma_start3A_1097 = tpu.memref_squeeze %dma_start3A_1096 : memref<1x1x4x128xi32, #tpu.memory_space<hbm>> -> memref<4x128xi32, #tpu.memory_space<hbm>>
      %dma_start3A_1098 = arith.constant 0 : i32
      %dma_start3A_1099 = arith.constant 0 : i32
      %dma_start3A_1100 = tpu.memref_slice %arg8[%dma_start3A_1089, %dma_start3A_1098, %dma_start3A_1099] : memref<2x4x128xi32, #tpu.memory_space<vmem>> -> memref<1x4x128xi32, #tpu.memory_space<vmem>>
      %dma_start3A_1101 = tpu.memref_squeeze %dma_start3A_1100 : memref<1x4x128xi32, #tpu.memory_space<vmem>> -> memref<4x128xi32, #tpu.memory_space<vmem>>
      %dma_start3A_1102 = arith.constant 0 : i32
      %dma_start3A_1103 = arith.constant 0 : i32
      %dma_start3A_1104 = tpu.memref_slice %arg4[%arg1, %add3A_907, %dma_start3A_1102, %dma_start3A_1103] : memref<16x40x4x128xi32, #tpu.memory_space<hbm>> -> memref<1x1x4x128xi32, #tpu.memory_space<hbm>>
      %dma_start3A_1105 = tpu.memref_squeeze %dma_start3A_1104 : memref<1x1x4x128xi32, #tpu.memory_space<hbm>> -> memref<4x128xi32, #tpu.memory_space<hbm>>
      tpu.enqueue_dma source(%dma_start3A_1105 : memref<4x128xi32, #tpu.memory_space<hbm>>) target(%dma_start3A_1101 : memref<4x128xi32, #tpu.memory_space<vmem>>) target_semaphore(%arg25 : memref<!tpu.dma_semaphore, #tpu.memory_space<semaphore_mem>>)
    }
    %scan3A_438 = arith.constant 19 : i32
    %dma_wait3A_439 = arith.constant 0 : i32
    %dma_wait3A_440 = arith.constant 0 : i32
    %dma_wait3A_441 = arith.constant 0 : i32
    %dma_wait3A_442 = tpu.memref_slice %arg7[%dma_wait3A_439, %dma_wait3A_440, %dma_wait3A_441] : memref<2x4x128xi32, #tpu.memory_space<vmem>> -> memref<1x1x128xi32, #tpu.memory_space<vmem>>
    %dma_wait3A_443 = tpu.memref_squeeze %dma_wait3A_442 : memref<1x1x128xi32, #tpu.memory_space<vmem>> -> memref<128xi32, #tpu.memory_space<vmem>>
    %dma_wait3A_444 = arith.constant 0 : i32
    %dma_wait3A_445 = arith.constant 0 : i32
    %dma_wait3A_446 = tpu.memref_slice %arg10[%dma_wait3A_444, %dma_wait3A_445] : memref<10000x64xf32, #tpu.memory_space<vmem_shared>> -> memref<10000x64xf32, #tpu.memory_space<vmem_shared>>
    tpu.wait_indirect_dma semaphore(%arg16 : memref<!tpu.dma_semaphore, #tpu.memory_space<semaphore_mem>>) src(%dma_wait3A_446 : memref<10000x64xf32, #tpu.memory_space<vmem_shared>>) dst(%arg12 : memref<128x64xf32, #tpu.memory_space<vmem>>)
    %dma_start3A_447 = arith.constant 0 : i32
    %dma_start3A_448 = arith.constant 0 : i32
    %dma_start3A_449 = arith.constant 0 : i32
    %dma_start3A_450 = tpu.memref_slice %arg8[%dma_start3A_447, %dma_start3A_448, %dma_start3A_449] : memref<2x4x128xi32, #tpu.memory_space<vmem>> -> memref<1x1x128xi32, #tpu.memory_space<vmem>>
    %dma_start3A_451 = tpu.memref_squeeze %dma_start3A_450 : memref<1x1x128xi32, #tpu.memory_space<vmem>> -> memref<128xi32, #tpu.memory_space<vmem>>
    %dma_start3A_452 = arith.constant 0 : i32
    %dma_start3A_453 = arith.constant 0 : i32
    %dma_start3A_454 = tpu.memref_slice %arg11[%dma_start3A_452, %dma_start3A_453] : memref<10240x64xf32, #tpu.memory_space<vmem_shared>> -> memref<10240x64xf32, #tpu.memory_space<vmem_shared>>
    tpu.enqueue_indirect_dma source(%arg12 : memref<128x64xf32, #tpu.memory_space<vmem>>) target(%dma_start3A_454 : memref<10240x64xf32, #tpu.memory_space<vmem_shared>>) offsets(%dma_start3A_451 : memref<128xi32, #tpu.memory_space<vmem>>) semaphore(%arg20 : memref<!tpu.dma_semaphore, #tpu.memory_space<semaphore_mem>>) {add = true}
    %dma_wait3A_455 = arith.constant 0 : i32
    %dma_wait3A_456 = arith.constant 1 : i32
    %dma_wait3A_457 = arith.constant 0 : i32
    %dma_wait3A_458 = tpu.memref_slice %arg7[%dma_wait3A_455, %dma_wait3A_456, %dma_wait3A_457] : memref<2x4x128xi32, #tpu.memory_space<vmem>> -> memref<1x1x128xi32, #tpu.memory_space<vmem>>
    %dma_wait3A_459 = tpu.memref_squeeze %dma_wait3A_458 : memref<1x1x128xi32, #tpu.memory_space<vmem>> -> memref<128xi32, #tpu.memory_space<vmem>>
    %dma_wait3A_460 = arith.constant 0 : i32
    %dma_wait3A_461 = arith.constant 0 : i32
    %dma_wait3A_462 = tpu.memref_slice %arg10[%dma_wait3A_460, %dma_wait3A_461] : memref<10000x64xf32, #tpu.memory_space<vmem_shared>> -> memref<10000x64xf32, #tpu.memory_space<vmem_shared>>
    tpu.wait_indirect_dma semaphore(%arg17 : memref<!tpu.dma_semaphore, #tpu.memory_space<semaphore_mem>>) src(%dma_wait3A_462 : memref<10000x64xf32, #tpu.memory_space<vmem_shared>>) dst(%arg13 : memref<128x64xf32, #tpu.memory_space<vmem>>)
    %dma_start3A_463 = arith.constant 0 : i32
    %dma_start3A_464 = arith.constant 1 : i32
    %dma_start3A_465 = arith.constant 0 : i32
    %dma_start3A_466 = tpu.memref_slice %arg8[%dma_start3A_463, %dma_start3A_464, %dma_start3A_465] : memref<2x4x128xi32, #tpu.memory_space<vmem>> -> memref<1x1x128xi32, #tpu.memory_space<vmem>>
    %dma_start3A_467 = tpu.memref_squeeze %dma_start3A_466 : memref<1x1x128xi32, #tpu.memory_space<vmem>> -> memref<128xi32, #tpu.memory_space<vmem>>
    %dma_start3A_468 = arith.constant 0 : i32
    %dma_start3A_469 = arith.constant 0 : i32
    %dma_start3A_470 = tpu.memref_slice %arg11[%dma_start3A_468, %dma_start3A_469] : memref<10240x64xf32, #tpu.memory_space<vmem_shared>> -> memref<10240x64xf32, #tpu.memory_space<vmem_shared>>
    tpu.enqueue_indirect_dma source(%arg13 : memref<128x64xf32, #tpu.memory_space<vmem>>) target(%dma_start3A_470 : memref<10240x64xf32, #tpu.memory_space<vmem_shared>>) offsets(%dma_start3A_467 : memref<128xi32, #tpu.memory_space<vmem>>) semaphore(%arg21 : memref<!tpu.dma_semaphore, #tpu.memory_space<semaphore_mem>>) {add = true}
    %dma_wait3A_471 = arith.constant 0 : i32
    %dma_wait3A_472 = arith.constant 2 : i32
    %dma_wait3A_473 = arith.constant 0 : i32
    %dma_wait3A_474 = tpu.memref_slice %arg7[%dma_wait3A_471, %dma_wait3A_472, %dma_wait3A_473] : memref<2x4x128xi32, #tpu.memory_space<vmem>> -> memref<1x1x128xi32, #tpu.memory_space<vmem>>
    %dma_wait3A_475 = tpu.memref_squeeze %dma_wait3A_474 : memref<1x1x128xi32, #tpu.memory_space<vmem>> -> memref<128xi32, #tpu.memory_space<vmem>>
    %dma_wait3A_476 = arith.constant 0 : i32
    %dma_wait3A_477 = arith.constant 0 : i32
    %dma_wait3A_478 = tpu.memref_slice %arg10[%dma_wait3A_476, %dma_wait3A_477] : memref<10000x64xf32, #tpu.memory_space<vmem_shared>> -> memref<10000x64xf32, #tpu.memory_space<vmem_shared>>
    tpu.wait_indirect_dma semaphore(%arg18 : memref<!tpu.dma_semaphore, #tpu.memory_space<semaphore_mem>>) src(%dma_wait3A_478 : memref<10000x64xf32, #tpu.memory_space<vmem_shared>>) dst(%arg14 : memref<128x64xf32, #tpu.memory_space<vmem>>)
    %dma_start3A_479 = arith.constant 0 : i32
    %dma_start3A_480 = arith.constant 2 : i32
    %dma_start3A_481 = arith.constant 0 : i32
    %dma_start3A_482 = tpu.memref_slice %arg8[%dma_start3A_479, %dma_start3A_480, %dma_start3A_481] : memref<2x4x128xi32, #tpu.memory_space<vmem>> -> memref<1x1x128xi32, #tpu.memory_space<vmem>>
    %dma_start3A_483 = tpu.memref_squeeze %dma_start3A_482 : memref<1x1x128xi32, #tpu.memory_space<vmem>> -> memref<128xi32, #tpu.memory_space<vmem>>
    %dma_start3A_484 = arith.constant 0 : i32
    %dma_start3A_485 = arith.constant 0 : i32
    %dma_start3A_486 = tpu.memref_slice %arg11[%dma_start3A_484, %dma_start3A_485] : memref<10240x64xf32, #tpu.memory_space<vmem_shared>> -> memref<10240x64xf32, #tpu.memory_space<vmem_shared>>
    tpu.enqueue_indirect_dma source(%arg14 : memref<128x64xf32, #tpu.memory_space<vmem>>) target(%dma_start3A_486 : memref<10240x64xf32, #tpu.memory_space<vmem_shared>>) offsets(%dma_start3A_483 : memref<128xi32, #tpu.memory_space<vmem>>) semaphore(%arg22 : memref<!tpu.dma_semaphore, #tpu.memory_space<semaphore_mem>>) {add = true}
    %dma_wait3A_487 = arith.constant 0 : i32
    %dma_wait3A_488 = arith.constant 3 : i32
    %dma_wait3A_489 = arith.constant 0 : i32
    %dma_wait3A_490 = tpu.memref_slice %arg7[%dma_wait3A_487, %dma_wait3A_488, %dma_wait3A_489] : memref<2x4x128xi32, #tpu.memory_space<vmem>> -> memref<1x1x128xi32, #tpu.memory_space<vmem>>
    %dma_wait3A_491 = tpu.memref_squeeze %dma_wait3A_490 : memref<1x1x128xi32, #tpu.memory_space<vmem>> -> memref<128xi32, #tpu.memory_space<vmem>>
    %dma_wait3A_492 = arith.constant 0 : i32
    %dma_wait3A_493 = arith.constant 0 : i32
    %dma_wait3A_494 = tpu.memref_slice %arg10[%dma_wait3A_492, %dma_wait3A_493] : memref<10000x64xf32, #tpu.memory_space<vmem_shared>> -> memref<10000x64xf32, #tpu.memory_space<vmem_shared>>
    tpu.wait_indirect_dma semaphore(%arg19 : memref<!tpu.dma_semaphore, #tpu.memory_space<semaphore_mem>>) src(%dma_wait3A_494 : memref<10000x64xf32, #tpu.memory_space<vmem_shared>>) dst(%arg15 : memref<128x64xf32, #tpu.memory_space<vmem>>)
    %dma_start3A_495 = arith.constant 0 : i32
    %dma_start3A_496 = arith.constant 3 : i32
    %dma_start3A_497 = arith.constant 0 : i32
    %dma_start3A_498 = tpu.memref_slice %arg8[%dma_start3A_495, %dma_start3A_496, %dma_start3A_497] : memref<2x4x128xi32, #tpu.memory_space<vmem>> -> memref<1x1x128xi32, #tpu.memory_space<vmem>>
    %dma_start3A_499 = tpu.memref_squeeze %dma_start3A_498 : memref<1x1x128xi32, #tpu.memory_space<vmem>> -> memref<128xi32, #tpu.memory_space<vmem>>
    %dma_start3A_500 = arith.constant 0 : i32
    %dma_start3A_501 = arith.constant 0 : i32
    %dma_start3A_502 = tpu.memref_slice %arg11[%dma_start3A_500, %dma_start3A_501] : memref<10240x64xf32, #tpu.memory_space<vmem_shared>> -> memref<10240x64xf32, #tpu.memory_space<vmem_shared>>
    tpu.enqueue_indirect_dma source(%arg15 : memref<128x64xf32, #tpu.memory_space<vmem>>) target(%dma_start3A_502 : memref<10240x64xf32, #tpu.memory_space<vmem_shared>>) offsets(%dma_start3A_499 : memref<128xi32, #tpu.memory_space<vmem>>) semaphore(%arg23 : memref<!tpu.dma_semaphore, #tpu.memory_space<semaphore_mem>>) {add = true}
    %dma_wait3A_503 = arith.constant 0 : i32
    %dma_wait3A_504 = arith.constant 1 : i32
    %dma_wait3A_505 = arith.constant 0 : i32
    %dma_wait3A_506 = arith.constant 0 : i32
    %dma_wait3A_507 = tpu.memref_slice %arg7[%dma_wait3A_504, %dma_wait3A_505, %dma_wait3A_506] : memref<2x4x128xi32, #tpu.memory_space<vmem>> -> memref<1x4x128xi32, #tpu.memory_space<vmem>>
    %dma_wait3A_508 = tpu.memref_squeeze %dma_wait3A_507 : memref<1x4x128xi32, #tpu.memory_space<vmem>> -> memref<4x128xi32, #tpu.memory_space<vmem>>
    %dma_wait3A_509 = arith.constant 0 : i32
    %dma_wait3A_510 = arith.constant 0 : i32
    %dma_wait3A_511 = tpu.memref_slice %arg3[%arg1, %dma_wait3A_503, %dma_wait3A_509, %dma_wait3A_510] : memref<16x40x4x128xi32, #tpu.memory_space<hbm>> -> memref<1x1x4x128xi32, #tpu.memory_space<hbm>>
    %dma_wait3A_512 = tpu.memref_squeeze %dma_wait3A_511 : memref<1x1x4x128xi32, #tpu.memory_space<hbm>> -> memref<4x128xi32, #tpu.memory_space<hbm>>
    %dma_wait3A_513 = arith.constant 0 : i32
    %dma_wait3A_514 = arith.constant 0 : i32
    %dma_wait3A_515 = tpu.memref_slice %arg7[%dma_wait3A_504, %dma_wait3A_513, %dma_wait3A_514] : memref<2x4x128xi32, #tpu.memory_space<vmem>> -> memref<1x4x128xi32, #tpu.memory_space<vmem>>
    %dma_wait3A_516 = tpu.memref_squeeze %dma_wait3A_515 : memref<1x4x128xi32, #tpu.memory_space<vmem>> -> memref<4x128xi32, #tpu.memory_space<vmem>>
    %dma_wait3A_517 = arith.constant 0 : i32
    %dma_wait3A_518 = arith.constant 0 : i32
    %dma_wait3A_519 = tpu.memref_slice %arg3[%arg1, %dma_wait3A_503, %dma_wait3A_517, %dma_wait3A_518] : memref<16x40x4x128xi32, #tpu.memory_space<hbm>> -> memref<1x1x4x128xi32, #tpu.memory_space<hbm>>
    %dma_wait3A_520 = tpu.memref_squeeze %dma_wait3A_519 : memref<1x1x4x128xi32, #tpu.memory_space<hbm>> -> memref<4x128xi32, #tpu.memory_space<hbm>>
    tpu.wait_dma2 semaphore(%arg25 : memref<!tpu.dma_semaphore, #tpu.memory_space<semaphore_mem>>) src(%dma_wait3A_520 : memref<4x128xi32, #tpu.memory_space<hbm>>) dst(%dma_wait3A_516 : memref<4x128xi32, #tpu.memory_space<vmem>>)
    %dma_wait3A_521 = arith.constant 0 : i32
    %dma_wait3A_522 = arith.constant 1 : i32
    %dma_wait3A_523 = arith.constant 0 : i32
    %dma_wait3A_524 = arith.constant 0 : i32
    %dma_wait3A_525 = tpu.memref_slice %arg8[%dma_wait3A_522, %dma_wait3A_523, %dma_wait3A_524] : memref<2x4x128xi32, #tpu.memory_space<vmem>> -> memref<1x4x128xi32, #tpu.memory_space<vmem>>
    %dma_wait3A_526 = tpu.memref_squeeze %dma_wait3A_525 : memref<1x4x128xi32, #tpu.memory_space<vmem>> -> memref<4x128xi32, #tpu.memory_space<vmem>>
    %dma_wait3A_527 = arith.constant 0 : i32
    %dma_wait3A_528 = arith.constant 0 : i32
    %dma_wait3A_529 = tpu.memref_slice %arg4[%arg1, %dma_wait3A_521, %dma_wait3A_527, %dma_wait3A_528] : memref<16x40x4x128xi32, #tpu.memory_space<hbm>> -> memref<1x1x4x128xi32, #tpu.memory_space<hbm>>
    %dma_wait3A_530 = tpu.memref_squeeze %dma_wait3A_529 : memref<1x1x4x128xi32, #tpu.memory_space<hbm>> -> memref<4x128xi32, #tpu.memory_space<hbm>>
    %dma_wait3A_531 = arith.constant 0 : i32
    %dma_wait3A_532 = arith.constant 0 : i32
    %dma_wait3A_533 = tpu.memref_slice %arg8[%dma_wait3A_522, %dma_wait3A_531, %dma_wait3A_532] : memref<2x4x128xi32, #tpu.memory_space<vmem>> -> memref<1x4x128xi32, #tpu.memory_space<vmem>>
    %dma_wait3A_534 = tpu.memref_squeeze %dma_wait3A_533 : memref<1x4x128xi32, #tpu.memory_space<vmem>> -> memref<4x128xi32, #tpu.memory_space<vmem>>
    %dma_wait3A_535 = arith.constant 0 : i32
    %dma_wait3A_536 = arith.constant 0 : i32
    %dma_wait3A_537 = tpu.memref_slice %arg4[%arg1, %dma_wait3A_521, %dma_wait3A_535, %dma_wait3A_536] : memref<16x40x4x128xi32, #tpu.memory_space<hbm>> -> memref<1x1x4x128xi32, #tpu.memory_space<hbm>>
    %dma_wait3A_538 = tpu.memref_squeeze %dma_wait3A_537 : memref<1x1x4x128xi32, #tpu.memory_space<hbm>> -> memref<4x128xi32, #tpu.memory_space<hbm>>
    tpu.wait_dma2 semaphore(%arg25 : memref<!tpu.dma_semaphore, #tpu.memory_space<semaphore_mem>>) src(%dma_wait3A_538 : memref<4x128xi32, #tpu.memory_space<hbm>>) dst(%dma_wait3A_534 : memref<4x128xi32, #tpu.memory_space<vmem>>)
    %dma_wait3A_539 = arith.constant 0 : i32
    %dma_wait3A_540 = arith.constant 0 : i32
    %dma_wait3A_541 = arith.constant 0 : i32
    %dma_wait3A_542 = tpu.memref_slice %arg8[%dma_wait3A_539, %dma_wait3A_540, %dma_wait3A_541] : memref<2x4x128xi32, #tpu.memory_space<vmem>> -> memref<1x1x128xi32, #tpu.memory_space<vmem>>
    %dma_wait3A_543 = tpu.memref_squeeze %dma_wait3A_542 : memref<1x1x128xi32, #tpu.memory_space<vmem>> -> memref<128xi32, #tpu.memory_space<vmem>>
    %dma_wait3A_544 = arith.constant 0 : i32
    %dma_wait3A_545 = arith.constant 0 : i32
    %dma_wait3A_546 = tpu.memref_slice %arg11[%dma_wait3A_544, %dma_wait3A_545] : memref<10240x64xf32, #tpu.memory_space<vmem_shared>> -> memref<10240x64xf32, #tpu.memory_space<vmem_shared>>
    tpu.wait_indirect_dma semaphore(%arg20 : memref<!tpu.dma_semaphore, #tpu.memory_space<semaphore_mem>>) src(%arg12 : memref<128x64xf32, #tpu.memory_space<vmem>>) dst(%dma_wait3A_546 : memref<10240x64xf32, #tpu.memory_space<vmem_shared>>)
    %dma_wait3A_547 = arith.constant 0 : i32
    %dma_wait3A_548 = arith.constant 1 : i32
    %dma_wait3A_549 = arith.constant 0 : i32
    %dma_wait3A_550 = tpu.memref_slice %arg8[%dma_wait3A_547, %dma_wait3A_548, %dma_wait3A_549] : memref<2x4x128xi32, #tpu.memory_space<vmem>> -> memref<1x1x128xi32, #tpu.memory_space<vmem>>
    %dma_wait3A_551 = tpu.memref_squeeze %dma_wait3A_550 : memref<1x1x128xi32, #tpu.memory_space<vmem>> -> memref<128xi32, #tpu.memory_space<vmem>>
    %dma_wait3A_552 = arith.constant 0 : i32
    %dma_wait3A_553 = arith.constant 0 : i32
    %dma_wait3A_554 = tpu.memref_slice %arg11[%dma_wait3A_552, %dma_wait3A_553] : memref<10240x64xf32, #tpu.memory_space<vmem_shared>> -> memref<10240x64xf32, #tpu.memory_space<vmem_shared>>
    tpu.wait_indirect_dma semaphore(%arg21 : memref<!tpu.dma_semaphore, #tpu.memory_space<semaphore_mem>>) src(%arg13 : memref<128x64xf32, #tpu.memory_space<vmem>>) dst(%dma_wait3A_554 : memref<10240x64xf32, #tpu.memory_space<vmem_shared>>)
    %dma_wait3A_555 = arith.constant 0 : i32
    %dma_wait3A_556 = arith.constant 2 : i32
    %dma_wait3A_557 = arith.constant 0 : i32
    %dma_wait3A_558 = tpu.memref_slice %arg8[%dma_wait3A_555, %dma_wait3A_556, %dma_wait3A_557] : memref<2x4x128xi32, #tpu.memory_space<vmem>> -> memref<1x1x128xi32, #tpu.memory_space<vmem>>
    %dma_wait3A_559 = tpu.memref_squeeze %dma_wait3A_558 : memref<1x1x128xi32, #tpu.memory_space<vmem>> -> memref<128xi32, #tpu.memory_space<vmem>>
    %dma_wait3A_560 = arith.constant 0 : i32
    %dma_wait3A_561 = arith.constant 0 : i32
    %dma_wait3A_562 = tpu.memref_slice %arg11[%dma_wait3A_560, %dma_wait3A_561] : memref<10240x64xf32, #tpu.memory_space<vmem_shared>> -> memref<10240x64xf32, #tpu.memory_space<vmem_shared>>
    tpu.wait_indirect_dma semaphore(%arg22 : memref<!tpu.dma_semaphore, #tpu.memory_space<semaphore_mem>>) src(%arg14 : memref<128x64xf32, #tpu.memory_space<vmem>>) dst(%dma_wait3A_562 : memref<10240x64xf32, #tpu.memory_space<vmem_shared>>)
    %dma_wait3A_563 = arith.constant 0 : i32
    %dma_wait3A_564 = arith.constant 3 : i32
    %dma_wait3A_565 = arith.constant 0 : i32
    %dma_wait3A_566 = tpu.memref_slice %arg8[%dma_wait3A_563, %dma_wait3A_564, %dma_wait3A_565] : memref<2x4x128xi32, #tpu.memory_space<vmem>> -> memref<1x1x128xi32, #tpu.memory_space<vmem>>
    %dma_wait3A_567 = tpu.memref_squeeze %dma_wait3A_566 : memref<1x1x128xi32, #tpu.memory_space<vmem>> -> memref<128xi32, #tpu.memory_space<vmem>>
    %dma_wait3A_568 = arith.constant 0 : i32
    %dma_wait3A_569 = arith.constant 0 : i32
    %dma_wait3A_570 = tpu.memref_slice %arg11[%dma_wait3A_568, %dma_wait3A_569] : memref<10240x64xf32, #tpu.memory_space<vmem_shared>> -> memref<10240x64xf32, #tpu.memory_space<vmem_shared>>
    tpu.wait_indirect_dma semaphore(%arg23 : memref<!tpu.dma_semaphore, #tpu.memory_space<semaphore_mem>>) src(%arg15 : memref<128x64xf32, #tpu.memory_space<vmem>>) dst(%dma_wait3A_570 : memref<10240x64xf32, #tpu.memory_space<vmem_shared>>)
    %dma_start3A_571 = arith.constant 1 : i32
    %dma_start3A_572 = arith.constant 0 : i32
    %dma_start3A_573 = arith.constant 0 : i32
    %dma_start3A_574 = tpu.memref_slice %arg7[%dma_start3A_571, %dma_start3A_572, %dma_start3A_573] : memref<2x4x128xi32, #tpu.memory_space<vmem>> -> memref<1x1x128xi32, #tpu.memory_space<vmem>>
    %dma_start3A_575 = tpu.memref_squeeze %dma_start3A_574 : memref<1x1x128xi32, #tpu.memory_space<vmem>> -> memref<128xi32, #tpu.memory_space<vmem>>
    %dma_start3A_576 = arith.constant 0 : i32
    %dma_start3A_577 = arith.constant 0 : i32
    %dma_start3A_578 = tpu.memref_slice %arg10[%dma_start3A_576, %dma_start3A_577] : memref<10000x64xf32, #tpu.memory_space<vmem_shared>> -> memref<10000x64xf32, #tpu.memory_space<vmem_shared>>
    tpu.enqueue_indirect_dma source(%dma_start3A_578 : memref<10000x64xf32, #tpu.memory_space<vmem_shared>>) target(%arg12 : memref<128x64xf32, #tpu.memory_space<vmem>>) offsets(%dma_start3A_575 : memref<128xi32, #tpu.memory_space<vmem>>) semaphore(%arg16 : memref<!tpu.dma_semaphore, #tpu.memory_space<semaphore_mem>>)
    %dma_start3A_579 = arith.constant 1 : i32
    %dma_start3A_580 = arith.constant 1 : i32
    %dma_start3A_581 = arith.constant 0 : i32
    %dma_start3A_582 = tpu.memref_slice %arg7[%dma_start3A_579, %dma_start3A_580, %dma_start3A_581] : memref<2x4x128xi32, #tpu.memory_space<vmem>> -> memref<1x1x128xi32, #tpu.memory_space<vmem>>
    %dma_start3A_583 = tpu.memref_squeeze %dma_start3A_582 : memref<1x1x128xi32, #tpu.memory_space<vmem>> -> memref<128xi32, #tpu.memory_space<vmem>>
    %dma_start3A_584 = arith.constant 0 : i32
    %dma_start3A_585 = arith.constant 0 : i32
    %dma_start3A_586 = tpu.memref_slice %arg10[%dma_start3A_584, %dma_start3A_585] : memref<10000x64xf32, #tpu.memory_space<vmem_shared>> -> memref<10000x64xf32, #tpu.memory_space<vmem_shared>>
    tpu.enqueue_indirect_dma source(%dma_start3A_586 : memref<10000x64xf32, #tpu.memory_space<vmem_shared>>) target(%arg13 : memref<128x64xf32, #tpu.memory_space<vmem>>) offsets(%dma_start3A_583 : memref<128xi32, #tpu.memory_space<vmem>>) semaphore(%arg17 : memref<!tpu.dma_semaphore, #tpu.memory_space<semaphore_mem>>)
    %dma_start3A_587 = arith.constant 1 : i32
    %dma_start3A_588 = arith.constant 2 : i32
    %dma_start3A_589 = arith.constant 0 : i32
    %dma_start3A_590 = tpu.memref_slice %arg7[%dma_start3A_587, %dma_start3A_588, %dma_start3A_589] : memref<2x4x128xi32, #tpu.memory_space<vmem>> -> memref<1x1x128xi32, #tpu.memory_space<vmem>>
    %dma_start3A_591 = tpu.memref_squeeze %dma_start3A_590 : memref<1x1x128xi32, #tpu.memory_space<vmem>> -> memref<128xi32, #tpu.memory_space<vmem>>
    %dma_start3A_592 = arith.constant 0 : i32
    %dma_start3A_593 = arith.constant 0 : i32
    %dma_start3A_594 = tpu.memref_slice %arg10[%dma_start3A_592, %dma_start3A_593] : memref<10000x64xf32, #tpu.memory_space<vmem_shared>> -> memref<10000x64xf32, #tpu.memory_space<vmem_shared>>
    tpu.enqueue_indirect_dma source(%dma_start3A_594 : memref<10000x64xf32, #tpu.memory_space<vmem_shared>>) target(%arg14 : memref<128x64xf32, #tpu.memory_space<vmem>>) offsets(%dma_start3A_591 : memref<128xi32, #tpu.memory_space<vmem>>) semaphore(%arg18 : memref<!tpu.dma_semaphore, #tpu.memory_space<semaphore_mem>>)
    %dma_start3A_595 = arith.constant 1 : i32
    %dma_start3A_596 = arith.constant 3 : i32
    %dma_start3A_597 = arith.constant 0 : i32
    %dma_start3A_598 = tpu.memref_slice %arg7[%dma_start3A_595, %dma_start3A_596, %dma_start3A_597] : memref<2x4x128xi32, #tpu.memory_space<vmem>> -> memref<1x1x128xi32, #tpu.memory_space<vmem>>
    %dma_start3A_599 = tpu.memref_squeeze %dma_start3A_598 : memref<1x1x128xi32, #tpu.memory_space<vmem>> -> memref<128xi32, #tpu.memory_space<vmem>>
    %dma_start3A_600 = arith.constant 0 : i32
    %dma_start3A_601 = arith.constant 0 : i32
    %dma_start3A_602 = tpu.memref_slice %arg10[%dma_start3A_600, %dma_start3A_601] : memref<10000x64xf32, #tpu.memory_space<vmem_shared>> -> memref<10000x64xf32, #tpu.memory_space<vmem_shared>>
    tpu.enqueue_indirect_dma source(%dma_start3A_602 : memref<10000x64xf32, #tpu.memory_space<vmem_shared>>) target(%arg15 : memref<128x64xf32, #tpu.memory_space<vmem>>) offsets(%dma_start3A_599 : memref<128xi32, #tpu.memory_space<vmem>>) semaphore(%arg19 : memref<!tpu.dma_semaphore, #tpu.memory_space<semaphore_mem>>)
    %dma_wait3A_603 = arith.constant 1 : i32
    %dma_wait3A_604 = arith.constant 0 : i32
    %dma_wait3A_605 = arith.constant 0 : i32
    %dma_wait3A_606 = tpu.memref_slice %arg7[%dma_wait3A_603, %dma_wait3A_604, %dma_wait3A_605] : memref<2x4x128xi32, #tpu.memory_space<vmem>> -> memref<1x1x128xi32, #tpu.memory_space<vmem>>
    %dma_wait3A_607 = tpu.memref_squeeze %dma_wait3A_606 : memref<1x1x128xi32, #tpu.memory_space<vmem>> -> memref<128xi32, #tpu.memory_space<vmem>>
    %dma_wait3A_608 = arith.constant 0 : i32
    %dma_wait3A_609 = arith.constant 0 : i32
    %dma_wait3A_610 = tpu.memref_slice %arg10[%dma_wait3A_608, %dma_wait3A_609] : memref<10000x64xf32, #tpu.memory_space<vmem_shared>> -> memref<10000x64xf32, #tpu.memory_space<vmem_shared>>
    tpu.wait_indirect_dma semaphore(%arg16 : memref<!tpu.dma_semaphore, #tpu.memory_space<semaphore_mem>>) src(%dma_wait3A_610 : memref<10000x64xf32, #tpu.memory_space<vmem_shared>>) dst(%arg12 : memref<128x64xf32, #tpu.memory_space<vmem>>)
    %dma_start3A_611 = arith.constant 1 : i32
    %dma_start3A_612 = arith.constant 0 : i32
    %dma_start3A_613 = arith.constant 0 : i32
    %dma_start3A_614 = tpu.memref_slice %arg8[%dma_start3A_611, %dma_start3A_612, %dma_start3A_613] : memref<2x4x128xi32, #tpu.memory_space<vmem>> -> memref<1x1x128xi32, #tpu.memory_space<vmem>>
    %dma_start3A_615 = tpu.memref_squeeze %dma_start3A_614 : memref<1x1x128xi32, #tpu.memory_space<vmem>> -> memref<128xi32, #tpu.memory_space<vmem>>
    %dma_start3A_616 = arith.constant 0 : i32
    %dma_start3A_617 = arith.constant 0 : i32
    %dma_start3A_618 = tpu.memref_slice %arg11[%dma_start3A_616, %dma_start3A_617] : memref<10240x64xf32, #tpu.memory_space<vmem_shared>> -> memref<10240x64xf32, #tpu.memory_space<vmem_shared>>
    tpu.enqueue_indirect_dma source(%arg12 : memref<128x64xf32, #tpu.memory_space<vmem>>) target(%dma_start3A_618 : memref<10240x64xf32, #tpu.memory_space<vmem_shared>>) offsets(%dma_start3A_615 : memref<128xi32, #tpu.memory_space<vmem>>) semaphore(%arg20 : memref<!tpu.dma_semaphore, #tpu.memory_space<semaphore_mem>>) {add = true}
    %dma_wait3A_619 = arith.constant 1 : i32
    %dma_wait3A_620 = arith.constant 1 : i32
    %dma_wait3A_621 = arith.constant 0 : i32
    %dma_wait3A_622 = tpu.memref_slice %arg7[%dma_wait3A_619, %dma_wait3A_620, %dma_wait3A_621] : memref<2x4x128xi32, #tpu.memory_space<vmem>> -> memref<1x1x128xi32, #tpu.memory_space<vmem>>
    %dma_wait3A_623 = tpu.memref_squeeze %dma_wait3A_622 : memref<1x1x128xi32, #tpu.memory_space<vmem>> -> memref<128xi32, #tpu.memory_space<vmem>>
    %dma_wait3A_624 = arith.constant 0 : i32
    %dma_wait3A_625 = arith.constant 0 : i32
    %dma_wait3A_626 = tpu.memref_slice %arg10[%dma_wait3A_624, %dma_wait3A_625] : memref<10000x64xf32, #tpu.memory_space<vmem_shared>> -> memref<10000x64xf32, #tpu.memory_space<vmem_shared>>
    tpu.wait_indirect_dma semaphore(%arg17 : memref<!tpu.dma_semaphore, #tpu.memory_space<semaphore_mem>>) src(%dma_wait3A_626 : memref<10000x64xf32, #tpu.memory_space<vmem_shared>>) dst(%arg13 : memref<128x64xf32, #tpu.memory_space<vmem>>)
    %dma_start3A_627 = arith.constant 1 : i32
    %dma_start3A_628 = arith.constant 1 : i32
    %dma_start3A_629 = arith.constant 0 : i32
    %dma_start3A_630 = tpu.memref_slice %arg8[%dma_start3A_627, %dma_start3A_628, %dma_start3A_629] : memref<2x4x128xi32, #tpu.memory_space<vmem>> -> memref<1x1x128xi32, #tpu.memory_space<vmem>>
    %dma_start3A_631 = tpu.memref_squeeze %dma_start3A_630 : memref<1x1x128xi32, #tpu.memory_space<vmem>> -> memref<128xi32, #tpu.memory_space<vmem>>
    %dma_start3A_632 = arith.constant 0 : i32
    %dma_start3A_633 = arith.constant 0 : i32
    %dma_start3A_634 = tpu.memref_slice %arg11[%dma_start3A_632, %dma_start3A_633] : memref<10240x64xf32, #tpu.memory_space<vmem_shared>> -> memref<10240x64xf32, #tpu.memory_space<vmem_shared>>
    tpu.enqueue_indirect_dma source(%arg13 : memref<128x64xf32, #tpu.memory_space<vmem>>) target(%dma_start3A_634 : memref<10240x64xf32, #tpu.memory_space<vmem_shared>>) offsets(%dma_start3A_631 : memref<128xi32, #tpu.memory_space<vmem>>) semaphore(%arg21 : memref<!tpu.dma_semaphore, #tpu.memory_space<semaphore_mem>>) {add = true}
    %dma_wait3A_635 = arith.constant 1 : i32
    %dma_wait3A_636 = arith.constant 2 : i32
    %dma_wait3A_637 = arith.constant 0 : i32
    %dma_wait3A_638 = tpu.memref_slice %arg7[%dma_wait3A_635, %dma_wait3A_636, %dma_wait3A_637] : memref<2x4x128xi32, #tpu.memory_space<vmem>> -> memref<1x1x128xi32, #tpu.memory_space<vmem>>
    %dma_wait3A_639 = tpu.memref_squeeze %dma_wait3A_638 : memref<1x1x128xi32, #tpu.memory_space<vmem>> -> memref<128xi32, #tpu.memory_space<vmem>>
    %dma_wait3A_640 = arith.constant 0 : i32
    %dma_wait3A_641 = arith.constant 0 : i32
    %dma_wait3A_642 = tpu.memref_slice %arg10[%dma_wait3A_640, %dma_wait3A_641] : memref<10000x64xf32, #tpu.memory_space<vmem_shared>> -> memref<10000x64xf32, #tpu.memory_space<vmem_shared>>
    tpu.wait_indirect_dma semaphore(%arg18 : memref<!tpu.dma_semaphore, #tpu.memory_space<semaphore_mem>>) src(%dma_wait3A_642 : memref<10000x64xf32, #tpu.memory_space<vmem_shared>>) dst(%arg14 : memref<128x64xf32, #tpu.memory_space<vmem>>)
    %dma_start3A_643 = arith.constant 1 : i32
    %dma_start3A_644 = arith.constant 2 : i32
    %dma_start3A_645 = arith.constant 0 : i32
    %dma_start3A_646 = tpu.memref_slice %arg8[%dma_start3A_643, %dma_start3A_644, %dma_start3A_645] : memref<2x4x128xi32, #tpu.memory_space<vmem>> -> memref<1x1x128xi32, #tpu.memory_space<vmem>>
    %dma_start3A_647 = tpu.memref_squeeze %dma_start3A_646 : memref<1x1x128xi32, #tpu.memory_space<vmem>> -> memref<128xi32, #tpu.memory_space<vmem>>
    %dma_start3A_648 = arith.constant 0 : i32
    %dma_start3A_649 = arith.constant 0 : i32
    %dma_start3A_650 = tpu.memref_slice %arg11[%dma_start3A_648, %dma_start3A_649] : memref<10240x64xf32, #tpu.memory_space<vmem_shared>> -> memref<10240x64xf32, #tpu.memory_space<vmem_shared>>
    tpu.enqueue_indirect_dma source(%arg14 : memref<128x64xf32, #tpu.memory_space<vmem>>) target(%dma_start3A_650 : memref<10240x64xf32, #tpu.memory_space<vmem_shared>>) offsets(%dma_start3A_647 : memref<128xi32, #tpu.memory_space<vmem>>) semaphore(%arg22 : memref<!tpu.dma_semaphore, #tpu.memory_space<semaphore_mem>>) {add = true}
    %dma_wait3A_651 = arith.constant 1 : i32
    %dma_wait3A_652 = arith.constant 3 : i32
    %dma_wait3A_653 = arith.constant 0 : i32
    %dma_wait3A_654 = tpu.memref_slice %arg7[%dma_wait3A_651, %dma_wait3A_652, %dma_wait3A_653] : memref<2x4x128xi32, #tpu.memory_space<vmem>> -> memref<1x1x128xi32, #tpu.memory_space<vmem>>
    %dma_wait3A_655 = tpu.memref_squeeze %dma_wait3A_654 : memref<1x1x128xi32, #tpu.memory_space<vmem>> -> memref<128xi32, #tpu.memory_space<vmem>>
    %dma_wait3A_656 = arith.constant 0 : i32
    %dma_wait3A_657 = arith.constant 0 : i32
    %dma_wait3A_658 = tpu.memref_slice %arg10[%dma_wait3A_656, %dma_wait3A_657] : memref<10000x64xf32, #tpu.memory_space<vmem_shared>> -> memref<10000x64xf32, #tpu.memory_space<vmem_shared>>
    tpu.wait_indirect_dma semaphore(%arg19 : memref<!tpu.dma_semaphore, #tpu.memory_space<semaphore_mem>>) src(%dma_wait3A_658 : memref<10000x64xf32, #tpu.memory_space<vmem_shared>>) dst(%arg15 : memref<128x64xf32, #tpu.memory_space<vmem>>)
    %dma_start3A_659 = arith.constant 1 : i32
    %dma_start3A_660 = arith.constant 3 : i32
    %dma_start3A_661 = arith.constant 0 : i32
    %dma_start3A_662 = tpu.memref_slice %arg8[%dma_start3A_659, %dma_start3A_660, %dma_start3A_661] : memref<2x4x128xi32, #tpu.memory_space<vmem>> -> memref<1x1x128xi32, #tpu.memory_space<vmem>>
    %dma_start3A_663 = tpu.memref_squeeze %dma_start3A_662 : memref<1x1x128xi32, #tpu.memory_space<vmem>> -> memref<128xi32, #tpu.memory_space<vmem>>
    %dma_start3A_664 = arith.constant 0 : i32
    %dma_start3A_665 = arith.constant 0 : i32
    %dma_start3A_666 = tpu.memref_slice %arg11[%dma_start3A_664, %dma_start3A_665] : memref<10240x64xf32, #tpu.memory_space<vmem_shared>> -> memref<10240x64xf32, #tpu.memory_space<vmem_shared>>
    tpu.enqueue_indirect_dma source(%arg15 : memref<128x64xf32, #tpu.memory_space<vmem>>) target(%dma_start3A_666 : memref<10240x64xf32, #tpu.memory_space<vmem_shared>>) offsets(%dma_start3A_663 : memref<128xi32, #tpu.memory_space<vmem>>) semaphore(%arg23 : memref<!tpu.dma_semaphore, #tpu.memory_space<semaphore_mem>>) {add = true}
    %dma_wait3A_667 = arith.constant 1 : i32
    %dma_wait3A_668 = arith.constant 0 : i32
    %dma_wait3A_669 = arith.constant 0 : i32
    %dma_wait3A_670 = tpu.memref_slice %arg8[%dma_wait3A_667, %dma_wait3A_668, %dma_wait3A_669] : memref<2x4x128xi32, #tpu.memory_space<vmem>> -> memref<1x1x128xi32, #tpu.memory_space<vmem>>
    %dma_wait3A_671 = tpu.memref_squeeze %dma_wait3A_670 : memref<1x1x128xi32, #tpu.memory_space<vmem>> -> memref<128xi32, #tpu.memory_space<vmem>>
    %dma_wait3A_672 = arith.constant 0 : i32
    %dma_wait3A_673 = arith.constant 0 : i32
    %dma_wait3A_674 = tpu.memref_slice %arg11[%dma_wait3A_672, %dma_wait3A_673] : memref<10240x64xf32, #tpu.memory_space<vmem_shared>> -> memref<10240x64xf32, #tpu.memory_space<vmem_shared>>
    tpu.wait_indirect_dma semaphore(%arg20 : memref<!tpu.dma_semaphore, #tpu.memory_space<semaphore_mem>>) src(%arg12 : memref<128x64xf32, #tpu.memory_space<vmem>>) dst(%dma_wait3A_674 : memref<10240x64xf32, #tpu.memory_space<vmem_shared>>)
    %dma_wait3A_675 = arith.constant 1 : i32
    %dma_wait3A_676 = arith.constant 1 : i32
    %dma_wait3A_677 = arith.constant 0 : i32
    %dma_wait3A_678 = tpu.memref_slice %arg8[%dma_wait3A_675, %dma_wait3A_676, %dma_wait3A_677] : memref<2x4x128xi32, #tpu.memory_space<vmem>> -> memref<1x1x128xi32, #tpu.memory_space<vmem>>
    %dma_wait3A_679 = tpu.memref_squeeze %dma_wait3A_678 : memref<1x1x128xi32, #tpu.memory_space<vmem>> -> memref<128xi32, #tpu.memory_space<vmem>>
    %dma_wait3A_680 = arith.constant 0 : i32
    %dma_wait3A_681 = arith.constant 0 : i32
    %dma_wait3A_682 = tpu.memref_slice %arg11[%dma_wait3A_680, %dma_wait3A_681] : memref<10240x64xf32, #tpu.memory_space<vmem_shared>> -> memref<10240x64xf32, #tpu.memory_space<vmem_shared>>
    tpu.wait_indirect_dma semaphore(%arg21 : memref<!tpu.dma_semaphore, #tpu.memory_space<semaphore_mem>>) src(%arg13 : memref<128x64xf32, #tpu.memory_space<vmem>>) dst(%dma_wait3A_682 : memref<10240x64xf32, #tpu.memory_space<vmem_shared>>)
    %dma_wait3A_683 = arith.constant 1 : i32
    %dma_wait3A_684 = arith.constant 2 : i32
    %dma_wait3A_685 = arith.constant 0 : i32
    %dma_wait3A_686 = tpu.memref_slice %arg8[%dma_wait3A_683, %dma_wait3A_684, %dma_wait3A_685] : memref<2x4x128xi32, #tpu.memory_space<vmem>> -> memref<1x1x128xi32, #tpu.memory_space<vmem>>
    %dma_wait3A_687 = tpu.memref_squeeze %dma_wait3A_686 : memref<1x1x128xi32, #tpu.memory_space<vmem>> -> memref<128xi32, #tpu.memory_space<vmem>>
    %dma_wait3A_688 = arith.constant 0 : i32
    %dma_wait3A_689 = arith.constant 0 : i32
    %dma_wait3A_690 = tpu.memref_slice %arg11[%dma_wait3A_688, %dma_wait3A_689] : memref<10240x64xf32, #tpu.memory_space<vmem_shared>> -> memref<10240x64xf32, #tpu.memory_space<vmem_shared>>
    tpu.wait_indirect_dma semaphore(%arg22 : memref<!tpu.dma_semaphore, #tpu.memory_space<semaphore_mem>>) src(%arg14 : memref<128x64xf32, #tpu.memory_space<vmem>>) dst(%dma_wait3A_690 : memref<10240x64xf32, #tpu.memory_space<vmem_shared>>)
    %dma_wait3A_691 = arith.constant 1 : i32
    %dma_wait3A_692 = arith.constant 3 : i32
    %dma_wait3A_693 = arith.constant 0 : i32
    %dma_wait3A_694 = tpu.memref_slice %arg8[%dma_wait3A_691, %dma_wait3A_692, %dma_wait3A_693] : memref<2x4x128xi32, #tpu.memory_space<vmem>> -> memref<1x1x128xi32, #tpu.memory_space<vmem>>
    %dma_wait3A_695 = tpu.memref_squeeze %dma_wait3A_694 : memref<1x1x128xi32, #tpu.memory_space<vmem>> -> memref<128xi32, #tpu.memory_space<vmem>>
    %dma_wait3A_696 = arith.constant 0 : i32
    %dma_wait3A_697 = arith.constant 0 : i32
    %dma_wait3A_698 = tpu.memref_slice %arg11[%dma_wait3A_696, %dma_wait3A_697] : memref<10240x64xf32, #tpu.memory_space<vmem_shared>> -> memref<10240x64xf32, #tpu.memory_space<vmem_shared>>
    tpu.wait_indirect_dma semaphore(%arg23 : memref<!tpu.dma_semaphore, #tpu.memory_space<semaphore_mem>>) src(%arg15 : memref<128x64xf32, #tpu.memory_space<vmem>>) dst(%dma_wait3A_698 : memref<10240x64xf32, #tpu.memory_space<vmem_shared>>)
    %barrier3A_699 = arith.constant 0 : index
    tpu.barrier barrier_id(%barrier3A_699)
    %mul3A_700 = arith.constant 640 : i32
    %mul3A_701 = arith.muli %arg1, %mul3A_700 : i32
    %mul3A_702 = arith.constant 640 : i32
    %mul3A_703 = arith.muli %arg1, %mul3A_702 : i32
    "tpu.region"() ({
      %run_scoped3A_704 = tpu.sem_alloc : memref<!tpu.dma_semaphore, #tpu.memory_space<semaphore_mem>>
      %dma_start3A_705 = arith.constant 0 : i32
      %dma_start3A_706 = tpu.memref_slice %arg6[%arg0, %mul3A_703, %dma_start3A_705] : memref<2x10240x64xf32, #tpu.memory_space<hbm>> -> memref<1x640x64xf32, #tpu.memory_space<hbm>>
      %dma_start3A_707 = tpu.memref_squeeze %dma_start3A_706 : memref<1x640x64xf32, #tpu.memory_space<hbm>> -> memref<640x64xf32, #tpu.memory_space<hbm>>
      %dma_start3A_708 = arith.constant 0 : i32
      %dma_start3A_709 = tpu.memref_slice %arg11[%mul3A_701, %dma_start3A_708] : memref<10240x64xf32, #tpu.memory_space<vmem_shared>> -> memref<640x64xf32, #tpu.memory_space<vmem_shared>>
      tpu.enqueue_dma source(%dma_start3A_709 : memref<640x64xf32, #tpu.memory_space<vmem_shared>>) target(%dma_start3A_707 : memref<640x64xf32, #tpu.memory_space<hbm>>) target_semaphore(%run_scoped3A_704 : memref<!tpu.dma_semaphore, #tpu.memory_space<semaphore_mem>>)
      %dma_wait3A_710 = arith.constant 0 : i32
      %dma_wait3A_711 = tpu.memref_slice %arg6[%arg0, %mul3A_703, %dma_wait3A_710] : memref<2x10240x64xf32, #tpu.memory_space<hbm>> -> memref<1x640x64xf32, #tpu.memory_space<hbm>>
      %dma_wait3A_712 = tpu.memref_squeeze %dma_wait3A_711 : memref<1x640x64xf32, #tpu.memory_space<hbm>> -> memref<640x64xf32, #tpu.memory_space<hbm>>
      %dma_wait3A_713 = arith.constant 0 : i32
      %dma_wait3A_714 = tpu.memref_slice %arg11[%mul3A_701, %dma_wait3A_713] : memref<10240x64xf32, #tpu.memory_space<vmem_shared>> -> memref<640x64xf32, #tpu.memory_space<vmem_shared>>
      tpu.wait_dma2 semaphore(%run_scoped3A_704 : memref<!tpu.dma_semaphore, #tpu.memory_space<semaphore_mem>>) src(%dma_wait3A_714 : memref<640x64xf32, #tpu.memory_space<vmem_shared>>) dst(%dma_wait3A_712 : memref<640x64xf32, #tpu.memory_space<hbm>>)
      tpu.yield
    }) : () -> ()
    return
  }
}

module attributes {stable_mosaic.version = 14 : i64} {
  func.func @body(%arg0: i32, %arg1: memref<1000x128xf32, #tpu.memory_space<vmem>>, %arg2: memref<128x128xf32, #tpu.memory_space<vmem>>, %arg3: memref<2x1000x64xf32, #tpu.memory_space<vmem>>) attributes {dimension_semantics = [#tpu.dimension_semantics<arbitrary>], iteration_bounds = array<i64: 10>, scalar_prefetch = 0 : i64, scratch_operands = 0 : i64, tpu.core_type = #tpu.core_type<tc>, window_params = [{transform_indices = @transform_0, window_bounds = array<i64: 1000, 128>}, {pipeline_mode = #tpu.pipeline_mode<synchronous>, transform_indices = @transform_1, window_bounds = array<i64: 128, 128>}, {transform_indices = @transform_2, window_bounds = array<i64: 2, 1000, 64>}]} {
    %get3A = arith.constant 0 : index
    %get3A_0 = arith.constant 0 : index
    %get3A_1 = vector.load %arg1[%get3A, %get3A_0] : memref<1000x128xf32, #tpu.memory_space<vmem>>, vector<1000x128xf32>
    %get3A_2 = arith.constant 0 : index
    %get3A_3 = arith.constant 0 : index
    %get3A_4 = vector.load %arg2[%get3A_2, %get3A_3] : memref<128x128xf32, #tpu.memory_space<vmem>>, vector<128x128xf32>
    %dot_general3A = arith.constant dense<0.000000e+00> : vector<1000x128xf32>
    %dot_general3A_5 = tpu.matmul %get3A_1, %get3A_4, %dot_general3A {dimension_numbers = #tpu.dot_dimension_numbers<[1], [0], [0], [1], [0, 0, 1, 1], [], []>, transpose_lhs_hint = false} : vector<1000x128xf32>, vector<128x128xf32>, vector<1000x128xf32> -> vector<1000x128xf32>
    %slice3A = vector.extract_strided_slice %dot_general3A_5 {offsets = [0, 0], sizes = [1000, 64], strides = [1, 1]} : vector<1000x128xf32> to vector<1000x64xf32>
    %swap3A = arith.constant 0 : index
    %swap3A_6 = arith.constant 0 : index
    %swap3A_7 = arith.constant 0 : index
    %swap3A_8 = vector.load %arg3[%swap3A, %swap3A_6, %swap3A_7] : memref<2x1000x64xf32, #tpu.memory_space<vmem>>, vector<1x1000x64xf32>
    %swap3A_9 = vector.shape_cast %swap3A_8 : vector<1x1000x64xf32> to vector<1000x64xf32>
    %swap3A_10 = vector.shape_cast %slice3A : vector<1000x64xf32> to vector<1x1000x64xf32>
    tpu.vector_store %arg3[%swap3A, %swap3A_6, %swap3A_7], %swap3A_10 {strides = array<i32>} : memref<2x1000x64xf32, #tpu.memory_space<vmem>>, vector<1x1000x64xf32>,
    %slice3A_11 = vector.extract_strided_slice %dot_general3A_5 {offsets = [0, 64], sizes = [1000, 64], strides = [1, 1]} : vector<1000x128xf32> to vector<1000x64xf32>
    %swap3A_12 = arith.constant 1 : index
    %swap3A_13 = arith.constant 0 : index
    %swap3A_14 = arith.constant 0 : index
    %swap3A_15 = vector.load %arg3[%swap3A_12, %swap3A_13, %swap3A_14] : memref<2x1000x64xf32, #tpu.memory_space<vmem>>, vector<1x1000x64xf32>
    %swap3A_16 = vector.shape_cast %swap3A_15 : vector<1x1000x64xf32> to vector<1000x64xf32>
    %swap3A_17 = vector.shape_cast %slice3A_11 : vector<1000x64xf32> to vector<1x1000x64xf32>
    tpu.vector_store %arg3[%swap3A_12, %swap3A_13, %swap3A_14], %swap3A_17 {strides = array<i32>} : memref<2x1000x64xf32, #tpu.memory_space<vmem>>, vector<1x1000x64xf32>,
    return
  }
  func.func @transform_0(%arg0: i32) -> (i32, i32) {
    %c0_i32 = arith.constant 0 : i32
    %c0_i32_0 = arith.constant 0 : i32
    return %arg0, %c0_i32 : i32, i32
  }
  func.func @transform_1(%arg0: i32) -> (i32, i32) {
    %c0_i32 = arith.constant 0 : i32
    %c0_i32_0 = arith.constant 0 : i32
    %c0_i32_1 = arith.constant 0 : i32
    return %c0_i32, %c0_i32_0 : i32, i32
  }
  func.func @transform_2(%arg0: i32) -> (i32, i32, i32) {
    %c0_i32 = arith.constant 0 : i32
    %c0_i32_0 = arith.constant 0 : i32
    %c0_i32_1 = arith.constant 0 : i32
    return %c0_i32, %arg0, %c0_i32_0 : i32, i32, i32
  }
}

module attributes {stable_mosaic.version = 14 : i64} {
  func.func @body(%arg0: i32, %arg1: memref<2x1000x64xf32, #tpu.memory_space<vmem>>, %arg2: memref<128x128xf32, #tpu.memory_space<vmem>>, %arg3: memref<1x128xf32, #tpu.memory_space<vmem>>, %arg4: memref<1000x128xf32, #tpu.memory_space<vmem>>) attributes {dimension_semantics = [#tpu.dimension_semantics<arbitrary>], iteration_bounds = array<i64: 10>, scalar_prefetch = 0 : i64, scratch_operands = 0 : i64, tpu.core_type = #tpu.core_type<tc>, window_params = [{transform_indices = @transform_0, window_bounds = array<i64: 2, 1000, 64>}, {pipeline_mode = #tpu.pipeline_mode<synchronous>, transform_indices = @transform_1, window_bounds = array<i64: 128, 128>}, {pipeline_mode = #tpu.pipeline_mode<synchronous>, transform_indices = @transform_2, window_bounds = array<i64: 1, 128>}, {transform_indices = @transform_3, window_bounds = array<i64: 1000, 128>}]} {
    %get3A = arith.constant 0 : index
    %get3A_0 = arith.constant 0 : index
    %get3A_1 = arith.constant 0 : index
    %get3A_2 = vector.load %arg1[%get3A, %get3A_0, %get3A_1] : memref<2x1000x64xf32, #tpu.memory_space<vmem>>, vector<1x1000x64xf32>
    %get3A_3 = vector.shape_cast %get3A_2 : vector<1x1000x64xf32> to vector<1000x64xf32>
    %get3A_4 = arith.constant 1 : index
    %get3A_5 = arith.constant 0 : index
    %get3A_6 = arith.constant 0 : index
    %get3A_7 = vector.load %arg1[%get3A_4, %get3A_5, %get3A_6] : memref<2x1000x64xf32, #tpu.memory_space<vmem>>, vector<1x1000x64xf32>
    %get3A_8 = vector.shape_cast %get3A_7 : vector<1x1000x64xf32> to vector<1000x64xf32>
    %concatenate3A = tpu.concatenate %get3A_3, %get3A_8 in 1 : vector<1000x64xf32>, vector<1000x64xf32> -> vector<1000x128xf32>
    %get3A_9 = arith.constant 0 : index
    %get3A_10 = arith.constant 0 : index
    %get3A_11 = vector.load %arg2[%get3A_9, %get3A_10] : memref<128x128xf32, #tpu.memory_space<vmem>>, vector<128x128xf32>
    %dot_general3A = arith.constant dense<0.000000e+00> : vector<1000x128xf32>
    %dot_general3A_12 = tpu.matmul %concatenate3A, %get3A_11, %dot_general3A {dimension_numbers = #tpu.dot_dimension_numbers<[1], [0], [0], [1], [0, 0, 1, 1], [], []>, transpose_lhs_hint = false} : vector<1000x128xf32>, vector<128x128xf32>, vector<1000x128xf32> -> vector<1000x128xf32>
    %get3A_13 = arith.constant 0 : index
    %get3A_14 = arith.constant 0 : index
    %get3A_15 = vector.load %arg3[%get3A_13, %get3A_14] : memref<1x128xf32, #tpu.memory_space<vmem>>, vector<1x128xf32>
    %add3A = vector.broadcast %get3A_15 : vector<1x128xf32> to vector<1000x128xf32>
    %add3A_16 = arith.addf %dot_general3A_12, %add3A : vector<1000x128xf32>
    %max3A = arith.constant 0.000000e+00 : f32
    %max3A_17 = vector.broadcast %max3A : f32 to vector<1000x128xf32>
    %max3A_18 = arith.maximumf %add3A_16, %max3A_17 : vector<1000x128xf32>
    %mul3A = arith.mulf %max3A_18, %max3A_18 : vector<1000x128xf32>
    %reduce_sum3A = arith.constant dense<0.000000e+00> : vector<1000xf32>
    %reduce_sum3A_19 = vector.multi_reduction <add>, %mul3A, %reduce_sum3A [1] : vector<1000x128xf32> to vector<1000xf32>
    %broadcast_in_dim3A = vector.shape_cast %reduce_sum3A_19 : vector<1000xf32> to vector<1000x1xf32>
    %sqrt3A = math.sqrt %broadcast_in_dim3A : vector<1000x1xf32>
    %max3A_20 = arith.constant 9.99999996E-13 : f32
    %max3A_21 = vector.broadcast %max3A_20 : f32 to vector<1000x1xf32>
    %max3A_22 = arith.maximumf %sqrt3A, %max3A_21 : vector<1000x1xf32>
    %div3A = vector.broadcast %max3A_22 : vector<1000x1xf32> to vector<1000x128xf32>
    %div3A_23 = arith.divf %max3A_18, %div3A : vector<1000x128xf32>
    %swap3A = arith.constant 0 : index
    %swap3A_24 = arith.constant 0 : index
    %swap3A_25 = vector.load %arg4[%swap3A, %swap3A_24] : memref<1000x128xf32, #tpu.memory_space<vmem>>, vector<1000x128xf32>
    tpu.vector_store %arg4[%swap3A, %swap3A_24], %div3A_23 {strides = array<i32>} : memref<1000x128xf32, #tpu.memory_space<vmem>>, vector<1000x128xf32>,
    return
  }
  func.func @transform_0(%arg0: i32) -> (i32, i32, i32) {
    %c0_i32 = arith.constant 0 : i32
    %c0_i32_0 = arith.constant 0 : i32
    %c0_i32_1 = arith.constant 0 : i32
    return %c0_i32, %arg0, %c0_i32_0 : i32, i32, i32
  }
  func.func @transform_1(%arg0: i32) -> (i32, i32) {
    %c0_i32 = arith.constant 0 : i32
    %c0_i32_0 = arith.constant 0 : i32
    %c0_i32_1 = arith.constant 0 : i32
    return %c0_i32, %c0_i32_0 : i32, i32
  }
  func.func @transform_2(%arg0: i32) -> (i32, i32) {
    %c0_i32 = arith.constant 0 : i32
    %c0_i32_0 = arith.constant 0 : i32
    %c0_i32_1 = arith.constant 0 : i32
    return %c0_i32, %c0_i32_0 : i32, i32
  }
  func.func @transform_3(%arg0: i32) -> (i32, i32) {
    %c0_i32 = arith.constant 0 : i32
    %c0_i32_0 = arith.constant 0 : i32
    return %arg0, %c0_i32 : i32, i32
  }
}

</mosaic_0001>

<sc_bundles>
// kernel: kernel.5.cloned.1.call-start
scs
__scs_entry_jumppad:
0x0: {  	(pc) =	sbr.rel $0x88, $3  }
0x1: {  	(tag) =	ssettag $0x0;
	lr =	simm.s32 $0x1  }
0x2: {  	[smem:$0x3F9B] =	sst lr;
	_ =	strace $0xD0000000  }
0x3: {  	_ = 	snop  }
0x4: {  	_ = 	snop  }
0x5: {  	_ = 	snop  }
0x6: {  	_ = 	snop  }
0x7: {  	_ = 	snop  }
__scs_overlays_trampoline_lowered:
0x8: {  	[smem:$0x3FAA] =	sst s0  }
0x9: {  	[smem:$0x3FAB] =	sst s1  }
0xa: {  	[smem:$0x3FAC] =	sst s2  }
0xb: {  	[smem:$0x3FAD] =	sst s3  }
0xc: {  	[smem:$0x3FAE] =	sst s4  }
0xd: {  	[smem:$0x3FAF] =	sst s5  }
0xe: {  	[smem:$0x3FB0] =	sst s6  }
0xf: {  	[smem:$0x3FB1] =	sst s7  }
0x10: {  	[smem:$0x3FB2] =	sst s8  }
0x11: {  	[smem:$0x3FB3] =	sst s9;
	s0 =	simm.s32 @!p0 $0x0  }
0x12: {  	s1 =	sld [smem:$0x3F99];
	s0 =	simm.s32 @p0 $0x1  }
0x13: {  	[smem:$0x3FB4] =	sst s0;
	s0 =	simm.s32 @!p1 $0x0  }
0x14: {  	s2 =	sld [smem:$0x3F98];
	s0 =	simm.s32 @p1 $0x1  }
0x15: {  	[smem:$0x3FB5] =	sst s0;
	s0 =	simm.s32 @!p2 $0x0  }
0x16: {  	s3 =	sld [smem:$0x3FDB];
	s0 =	simm.s32 @p2 $0x1  }
0x17: {  	s4 =	simm.s32 $0x1BF5;
	[smem:$0x3FB7] =	sst s0  }
0x18: {  	s0 =	sld [smem:$0x3F9A];
	_ =	swait.ge [sflag:s4], $0x0  }
0x19: {  	s7 =	sld [smem:$0x3F9B]  }
0x1a: {  	s8 =	sadd.s32 $0xFFFFE003, lr  }
0x1b: {  	s9 =	sadd.s32 $0xFFFFFEF7, lr;
	s5 =	simm.s32 $0xFFFFFFFF;
	p2 =	slt.u32 s8, $0xFFFFF086  }
0x1c: {  	p1 =	slt.u32 s9, $0xF7A;
	s5 =	simm.s32 @!p2 $0x0  }
0x1d: {  	s5 =	simm.s32 @p1 $0x1;
	p0 =	seq.s32 s7, s2  }
0x1e: {  	s7 =	smul.u32 @!p0 $0xF7A, s2;
	p2 =	seq.s32 @!p0 s5, $0x0  }
0x1f: {  	s9 =	smul.u32 $0xF7A, s1;
	s8 =	simm.s32 @!p0 $0x1BF5;
	p2 =	por !p2, p0  }
0x20: {  	[sflag:s8] =	ssyncset.s32 @!p0 $0xFFFFF086;
	s6 =	sadd.s32 @!p0 s3, s7;
	s7 =	simm.s32 @!p0 $0x108  }
0x21: {  	s3 =	sadd.s32 s3, s9;
	s6 =	sadd.s32 @!p0 $0x88, s6;
	s7 =	simm.s32 @p2 $0x1082  }
0x22: {  	[simem:s7], [sflag:s8] =	dma.local @!p0 [hbm:s6], $0xF7A  }
0x23: {  	s9 =	sor.u32 $0xD0000000, s2;
	s6 =	simm.s32 $0x108;
	_ =	swait.ge @!p0 [sflag:s8], $0x0  }
0x24: {  	s3 =	sadd.s32 $0x88, s3;
	s6 =	simm.s32 @!p1 $0x1082;
	[sflag:s4] =	ssyncset.s32 $0xFFFFF086  }
0x25: {  	[simem:s6], [sflag:s4] =	dma.local [hbm:s3], $0xF7A  }
0x26: {  	[smem:$0x3F9B] =	sst s1;
	(tag) =	ssettag s2;
	_ =	strace s9  }
0x27: {  	s1 =	sld [smem:$0x3FAB]  }
0x28: {  	s2 =	sld [smem:$0x3FAC]  }
0x29: {  	s4 =	sld [smem:$0x3FAE]  }
0x2a: {  	p0 =	seq.s32 s5, $0x0;
	s5 =	sld [smem:$0x3FAF]  }
0x2b: {  	s6 =	sld [smem:$0x3FB0]  }
0x2c: {  	s7 =	sld [smem:$0x3FB1]  }
0x2d: {  	s3 =	simm.s32 $0x108;
	s8 =	sld [smem:$0x3FB2]  }
0x2e: {  	s3 =	simm.s32 @!p0 $0x1082;
	s9 =	sld [smem:$0x3FB3]  }
0x2f: {  	lr =	sadd.s32 s0, s3;
	s0 =	sld [smem:$0x3FAA]  }
0x30: {  	s3 =	sld [smem:$0x3FAD]  }
0x31: {  	[smem:$0x3FB6] =	sst s10  }
0x32: {  	s10 =	sld [smem:$0x3FB4];
	_ =	sdelay $0x3  }
0x33: {  	p0 =	seq.s32 s10, $0x1;
	s10 =	sld [smem:$0x3FB6];
	_ =	sdelay $0x3  }
0x34: {  	[smem:$0x3FB6] =	sst s10  }
0x35: {  	s10 =	sld [smem:$0x3FB5];
	_ =	sdelay $0x3  }
0x36: {  	p1 =	seq.s32 s10, $0x1;
	s10 =	sld [smem:$0x3FB6];
	_ =	sdelay $0x3  }
0x37: {  	[smem:$0x3FB6] =	sst s10  }
0x38: {  	s10 =	sld [smem:$0x3FB7]  }
0x39: {  	_ = 	snop;
	(pc) =	sbr.ind lr, $3  }
0x3a: {  	_ = 	snop  }
0x3b: {  	_ = 	snop  }
0x3c: {  	p2 =	seq.s32 s10, $0x1;
	s10 =	sld [smem:$0x3FB6]  }
0x3d: {  	_ =	shalt  }
0x3e: {  	_ =	shalt  }
0x3f: {  	_ =	shalt  }
0x40: {  	_ =	shalt  }
0x41: {  	_ =	shalt  }
0x42: {  	_ =	shalt  }
0x43: {  	_ =	shalt  }
0x44: {  	_ =	shalt  }
0x45: {  	_ =	shalt  }
0x46: {  	_ =	shalt  }
0x47: {  	_ =	shalt  }
0x48: {  	_ =	shalt  }
0x49: {  	_ =	shalt  }
0x4a: {  	_ =	shalt  }
0x4b: {  	_ =	shalt  }
0x4c: {  	_ =	shalt  }
0x4d: {  	_ =	shalt  }
0x4e: {  	_ =	shalt  }
0x4f: {  	_ =	shalt  }
0x50: {  	_ =	shalt  }
0x51: {  	_ =	shalt  }
0x52: {  	_ =	shalt  }
0x53: {  	_ =	shalt  }
0x54: {  	_ =	shalt  }
0x55: {  	_ =	shalt  }
0x56: {  	_ =	shalt  }
0x57: {  	_ =	shalt  }
0x58: {  	_ =	shalt  }
0x59: {  	_ =	shalt  }
0x5a: {  	_ =	shalt  }
0x5b: {  	_ =	shalt  }
0x5c: {  	_ =	shalt  }
0x5d: {  	_ =	shalt  }
0x5e: {  	_ =	shalt  }
0x5f: {  	_ =	shalt  }
0x60: {  	_ =	shalt  }
0x61: {  	_ =	shalt  }
0x62: {  	_ =	shalt  }
0x63: {  	_ =	shalt  }
0x64: {  	_ =	shalt  }
0x65: {  	_ =	shalt  }
0x66: {  	_ =	shalt  }
0x67: {  	_ =	shalt  }
0x68: {  	_ =	shalt  }
0x69: {  	_ =	shalt  }
0x6a: {  	_ =	shalt  }
0x6b: {  	_ =	shalt  }
0x6c: {  	_ =	shalt  }
0x6d: {  	_ =	shalt  }
0x6e: {  	_ =	shalt  }
0x6f: {  	_ =	shalt  }
0x70: {  	_ =	shalt  }
0x71: {  	_ =	shalt  }
0x72: {  	_ =	shalt  }
0x73: {  	_ =	shalt  }
0x74: {  	_ =	shalt  }
0x75: {  	_ =	shalt  }
0x76: {  	_ =	shalt  }
0x77: {  	_ =	shalt  }
0x78: {  	_ =	shalt  }
0x79: {  	_ =	shalt  }
0x7a: {  	_ =	shalt  }
0x7b: {  	_ =	shalt  }
0x7c: {  	_ =	shalt  }
0x7d: {  	_ =	shalt  }
0x7e: {  	_ =	shalt  }
0x7f: {  	_ =	shalt  }
0x80: {  	_ =	shalt  }
0x81: {  	_ =	shalt  }
0x82: {  	_ =	shalt  }
0x83: {  	_ =	shalt  }
0x84: {  	_ =	shalt  }
0x85: {  	_ =	shalt  }
0x86: {  	_ =	shalt  }
0x87: {  	_ =	shalt  }
.Lfunc_end0:
.L_simem_size_0:
called_computation_lowered:
.L_overlay_start_0:
0x88: {  	s2 =	sld [smem:$0x3FD9]  }
0x89: {  	s3 =	sld [smem:$0x3FFE];
	_ =	sdelay $0x1  }
0x8a: {  	s1 =	srdreg.scid  }
0x8b: {  	s0 =	sand.u32 $0x1, s1  }
0x8c: {  	s17 =	sshll.u32 s0, $0xA;
	s2 =	sadd.s32 s3, s2  }
0x8d: {  	s2 =	sadd.s32 s2, s17  }
0x8e: {  	[smem:$0x3FC2] =	sst s2  }
0x8f: {  	_ = 	snop  }
0x90: {  	s2 =	sld [smem:$0x3FC6]  }
0x91: {  	s18 =	sld [smem:$0x3FD0];
	(tm) =	ssettm $0x1  }
0x92: {  	s4 =	sld [smem:$0x3FFB];
	_ =	sdelay $0x3  }
0x93: {  	_ =	strace s4  }
0x94: {  	s4 =	sld [smem:$0x3FFC];
	_ =	sdelay $0x3  }
0x95: {  	_ =	strace s4  }
0x96: {  	s4 =	sld [smem:$0x3FFD];
	_ =	sdelay $0x3  }
0x97: {  	_ =	strace s4  }
0x98: {  	_ =	strace $0x8FFFFFFF  }
0x99: {  	s19 =	sld [smem:$0x3FDB];
	_ =	sdelay $0x1  }
0x9a: {  	s5 =	simm.s32 $_scs_section_size  }
0x9b: {  	s6 =	simm.s32 $_size__tile_overlayer_lowered;
	s7 =	simm.s32 $_tile_overlayer_lowered  }
0x9c: {  	s22 =	simm.s32 $0x1BFF;
	s21 =	sshll.u32 s7, $0x1;
	s4 =	sadd.s32 s5, s19  }
0x9d: {  	s8 =	simm.s32 $0x0;
	s20 =	sshll.u32 s6, $0x1;
	s6 =	sadd.s32 s21, s4  }
0x9e: {  	[timem:s8], [sflag:s22] =	dma.local [hbm:s6], s20  }
0x9f: {  	_ =	swait.ge [sflag:s22], s20  }
0xa0: {  	s5 =	ssub.s32 $0x0, s20;
	[sflag:s22] =	ssyncset.done $0x0  }
0xa1: {  	[sflag:s22] =	ssyncadd.s32 s5;
	_ =	sdelay $0x1  }
0xa2: {  	s23 =	simm.s32 $0x1B8B  }
0xa3: {  	_ =	swait.ge [sflag:s23], $0x1  }
0xa4: {  	[sflag:s23] =	ssyncset.done $0x0  }
0xa5: {  	s25 =	simm.s32 $0x1B8E;
	s24 =	sld [smem:$0x3FFE];
	[sflag:s23] =	ssyncadd.s32 $0xFFFFFFFF  }
0xa6: {  	s26 =	simm.s32 $execute0_lowered;
	[smem:$0x3FD2] =	sst s25  }
0xa7: {  	s6 =	sshll.u32 s26, $0x1;
	_ =	strace $0x80000046;
	[dreg:$0x1] =	wrdreg $0xFFFFFFFF  }
0xa8: {  	s28 =	simm.s32 $_size_execute0_lowered;
	s4 =	sadd.s32 s4, s6;
	[dreg:$0x0] =	wrdreg $0x0  }
0xa9: {  	s6 =	sshll.u32 s28, $0x1;
	[dreg:$0x2] =	wrdreg s4  }
0xaa: {  	[dreg:$0x3] =	wrdreg s6  }
0xab: {  	[dreg:$0x4] =	wrdreg $0xC0  }
0xac: {  	_ =	task [dreg:s8], $0x5FFFF  }
0xad: {  	[dreg:$0x1] =	wrdreg $0xFFFFFFFF  }
0xae: {  	[dreg:$0x0] =	wrdreg $0x60  }
0xaf: {  	[dreg:$0x2] =	wrdreg s18  }
0xb0: {  	[dreg:$0x3] =	wrdreg s24  }
0xb1: {  	[dreg:$0x4] =	wrdreg s2  }
0xb2: {  	[dreg:$0x5] =	wrdreg $0x8400  }
0xb3: {  	[dreg:$0x6] =	wrdreg $0xA4800  }
0xb4: {  	[dreg:$0x7] =	wrdreg $0x9  }
0xb5: {  	_ =	task.clear_ibuf [dreg:s8], $0x8FFFF;
	_ =	strace $0x90000046  }
0xb6: {  	s29 =	simm.s32 $0x9;
	_ =	strace $0x80000048  }
0xb7: {  	_ =	swait.ge [sflag:s29], $0x1  }
0xb8: {  	[sflag:s29] =	ssyncadd.s32 $0xFFFFFFFF  }
0xb9: {  	_ =	strace $0x90000048  }
0xba: {  	_ =	sfence  }
0xbb: {  	s30 =	sld [smem:$0x0];
	_ =	sdelay $0x2  }
0xbc: {  	s31 =	sshll.u32 s1, $0xD;
	s1 =	sshrl.u32 s1, $0x2  }
0xbd: {  	s3 =	sand.u32 $0x4000, s31;
	s1 =	sadd.s32 s1, s30  }
0xbe: {  	s0 =	sor.u32 s3, s0;
	s1 =	sshll.u32 s1, $0x11  }
0xbf: {  	s0 =	sor.u32 s1, s0  }
0xc0: {  	s0 =	sadd.s32 $0x8F2B, s0  }
0xc1: {  	[sflag:s0] =	ssyncadd.remote.s32 $0x1  }
0xc2: {  	_ =	sfence.sel $0xFFFF  }
0xc3: {  	[dreg:$0x0] =	wrdreg $0xFFFFFFFF;
	(pc) =	sbr.abs _section_cstart, $3  }
0xc4: {  	[dreg:$0x1] =	wrdreg $0xFFFFFFFF  }
0xc5: {  	_ =	task.clear_ibuf [dreg:s8], $0x2FFFF;
	_ =	strace $0x9FFFFFFF  }
0xc6: {  	(tm) =	ssettm $0x7FFFFFFF  }
0xc7: {  	_ =	shalt  }
tec
execute0_lowered:
.L_overlay_start_1:
0x0: {  	(tag) =	ssettag $0x1  }
0x1: {  	s0 =	rddreg [dreg:$0x0]  }
0x2: {  	s1 =	rddreg [dreg:$0x1]  }
0x3: {  	s5 =	rddreg [dreg:$0x2]  }
0x4: {  	s2 =	rddreg [dreg:$0x3];
	s15 =	stileid.u32  }
0x5: {  	s4 =	srdreg.scid;
	s8 =	smul.u32 $0xA000, s15  }
0x6: {  	s3 =	rddreg [dreg:$0x4];
	s12 =	smul.u32 $0x9C40, s15  }
0x7: {  	s28 =	simm.s32 $0x400;
	s29 =	simm.s32 $0x200;
	s14 =	smul.u32 $0x27100, s15  }
0x8: {  	s30 =	simm.s32 $0x600;
	s31 =	simm.s32 $0x80;
	s22 =	smul.u32 $0x28000, s15  }
0x9: {  	s6 =	sand.u32 $0x1, s4;
	s4 =	simm.s32 $0x0;
	s25 =	smul.u32 $0x5000, s15  }
0xa: {  	s9 =	sadd.s32 $0xB200, s1;
	s10 =	sadd.s32 $0x1200, s1;
	s16 =	smul.u32 $0x280, s15  }
0xb: {  	s17 =	sadd.s32 $0x9C000, s2;
	s7 =	smul.u32 $0xA0000, s6;
	[smem:$0x7FF] =	sst s4  }
0xc: {  	s11 =	smul.u32 $0x9C400, s6;
	s21 =	ssub.s32 $0x2, s6;
	s6 =	sshll.u32 s6, $0x3  }
0xd: {  	_ =	strace $0x80000047;
	s13 =	sshrl.u32 s21, $0x1;
	s5 =	sadd.s32 s5, s6  }
0xe: {  	s24 =	sshrl.u32 s14, $0x2;
	s26 =	sshrl.u32 s25, $0x3;
	[dreg:$0xd] =	wrdreg s16  }
0xf: {  	[dreg:$0xe] =	wrdreg s17;
	s19 =	sadd.s32 s8, s3;
	s17 =	simm.s32 $0x3  }
0x10: {  	s16 =	simm.s32 $0x9;
	s7 =	sadd.s32 s8, s7;
	[dreg:$0x6] =	wrdreg s5  }
0x11: {  	s23 =	sadd.s32 s12, s11;
	s11 =	sadd.s32 s24, s2;
	s5 =	sshrl.u32 s22, $0x2  }
0x12: {  	s12 =	sadd.s32 s9, s26;
	s8 =	simm.s32 $0x6;
	s7 =	sshrl.u32 s7, $0x3  }
0x13: {  	s6 =	sshrl.u32 s23, $0x3;
	s5 =	sadd.s32 s5, s3;
	[dreg:$0x9] =	wrdreg s12  }
0x14: {  	s23 =	smul.u32 $0xA00, s15;
	s15 =	simm.s32 $0x2;
	s12 =	simm.s32 $0x0  }
0x15: {  	s1 =	sadd.s32 s7, s1;
	s0 =	sadd.s32 s0, s6;
	[dreg:$0x8] =	wrdreg s5  }
0x16: {  	s7 =	ssub.s32 s21, s13;
	s13 =	sadd.s32 s10, s26;
	[dreg:$0x7] =	wrdreg s0  }
0x17: {  	s22 =	sadd.s32 $0x2000, s5;
	s24 =	sadd.s32 $0x4000, s5;
	[dreg:$0xa] =	wrdreg s13  }
0x18: {  	s25 =	sadd.s32 $0x6000, s5;
	s5 =	sadd.s32 $0x8000, s5;
	[dreg:$0x11] =	wrdreg s22  }
0x19: {  	s6 =	simm.s32 $0x1A480;
	s0 =	sor.u32 $0x40, s26;
	[dreg:$0x12] =	wrdreg s24  }
0x1a: {  	s18 =	sadd.s32 $0x15200, s1;
	s21 =	smax.u32 s7, $0x1;
	[dreg:$0x13] =	wrdreg s25  }
0x1b: {  	[dreg:$0x14] =	wrdreg s5;
	s20 =	sadd.s32 s23, s10;
	s22 =	simm.s32 $0xB  }
0x1c: {  	s26 =	sshrl.u32 s11, $0x3;
	s1 =	simm.s32 $0x18480;
	s24 =	simm.s32 $0x480  }
0x1d: {  	s25 =	simm.s32 $0xA;
	s7 =	simm.s32 $0x5;
	s5 =	simm.s32 $0x280  }
0x1e: {  	s13 =	simm.s32 $0x300;
	s14 =	sadd.s32 s9, s0;
	[dreg:$0xf] =	wrdreg s18  }
0x1f: {  	s0 =	sadd.s32 s10, s0;
	[dreg:$0x10] =	wrdreg s21;
	s21 =	sadd.s32 s23, s9  }
0x20: {  	[dreg:$0x15] =	wrdreg s26;
	s26 =	simm.s32 $0x14480;
	s23 =	simm.s32 $0x180  }
0x21: {  	s9 =	simm.s32 $0x7;
	s10 =	simm.s32 $0x8;
	[dreg:$0xb] =	wrdreg s14  }
0x22: {  	[dreg:$0xc] =	wrdreg s0;
	s0 =	sshrl.u32 s19, $0x3;
	s14 =	simm.s32 $0x1  }
0x23: {  	v0 =	vimm.f32 $0.0e+00;
	s19 =	simm.s32 $0x4;
	[dreg:$0x16] =	wrdreg s0;
	s0 =	simm.s32 $0x16480  }
.LBB2_1:
0x24: {  	s11 =	rddreg [dreg:$0x6];
	s18 =	simm.s32 $0x800  }
0x25: {  	[tilespmem:s18], [sflag:$0xB] =	stream.linear.gather [hbm4b:s11+s4], $0x40, $0x38;
	[tilespmem:$0x1C480] =	vst v63  }
0x26: {  	[dreg:$0x17] =	wrdreg s12;
	s18 =	stileid.u32  }
0x27: {  	_ =	swait.ge [sflag:s22], $0x40;
	s11 =	sshll.u32 s18, $0x6  }
0x28: {  	s18 =	sor.u32 $0x1C0B, s11;
	s11 =	rddreg [dreg:$0x7]  }
0x29: {  	[sflag:s22] =	ssyncset.done $0x0;
	s12 =	rddreg [dreg:$0x15]  }
0x2a: {  	[sflag:s22] =	ssyncadd.s32 $0xFFFFFFC0;
	[dreg:$0x18] =	wrdreg s18  }
0x2b: {  	[spmem:s12], [sflag:s18] =	dma.local [hbm:s11], $0x1388  }
0x2c: {  	_ =	swait.ge [sflag:s22], $0x1388  }
0x2d: {  	[sflag:s22] =	ssyncset.done $0x0  }
0x2e: {  	s12 =	simm.s32 $0x100;
	s11 =	simm.s32 $0x0;
	[sflag:s22] =	ssyncadd.s32 $0xFFFFEC78  }
.LBB2_2:
0x2f: {  	p0 =	sne.s32 s12, $0x7F00;
	[tilespmem:s11+$0x144B0] =	vst v0;
	s18 =	smov.u32 s12;
	s12 =	sadd.s32 $0x100, s12  }
.Ltmp0:
0x30: {  	[tilespmem:s11+$0x144A0] =	vst v0;
	(pc) =	sbr.rel @p0 .LBB2_2-.Ltmp0, $3  }
0x31: {  	[tilespmem:s11+$0x14480] =	vst v0  }
0x32: {  	[tilespmem:s11+$0x14490] =	vst v0;
	_ =	sdelay $0x1  }
0x33: {  	s11 =	sshra.s32 s18, $0x2  }
0x34: {  	[tilespmem:s11+$0x144B0] =	vst v0  }
0x35: {  	[tilespmem:s11+$0x144A0] =	vst v0  }
0x36: {  	[tilespmem:s11+$0x14480] =	vst v0  }
0x37: {  	[tilespmem:s11+$0x14490] =	vst v0;
	s12 =	rddreg [dreg:$0x8]  }
0x38: {  	[spmem:s12] =	stream.linear.scatter [tilespmem:s26], [sflag:$0xB], $0x2000, $0x38;
	[tilespmem:$0x1C480] =	vst v63  }
0x39: {  	s12 =	simm.s32 $0xB  }
0x3a: {  	_ =	swait.ge [sflag:s12], $0x2000  }
0x3b: {  	[sflag:s12] =	ssyncset.done $0x0  }
0x3c: {  	s18 =	rddreg [dreg:$0x11];
	[sflag:s12] =	ssyncadd.s32 $0xFFFFE000  }
0x3d: {  	[spmem:s18] =	stream.linear.scatter [tilespmem:s26], [sflag:$0xB], $0x2000, $0x38;
	[tilespmem:$0x1C480] =	vst v63  }
0x3e: {  	_ =	swait.ge [sflag:s12], $0x2000  }
0x3f: {  	[sflag:s12] =	ssyncset.done $0x0  }
0x40: {  	s22 =	rddreg [dreg:$0x12];
	[sflag:s12] =	ssyncadd.s32 $0xFFFFE000  }
0x41: {  	[spmem:s22] =	stream.linear.scatter [tilespmem:s26], [sflag:$0xB], $0x2000, $0x38;
	[tilespmem:$0x1C480] =	vst v63  }
0x42: {  	_ =	swait.ge [sflag:s12], $0x2000  }
0x43: {  	[sflag:s12] =	ssyncset.done $0x0  }
0x44: {  	s18 =	rddreg [dreg:$0x13];
	[sflag:s12] =	ssyncadd.s32 $0xFFFFE000  }
0x45: {  	[spmem:s18] =	stream.linear.scatter [tilespmem:s26], [sflag:$0xB], $0x2000, $0x38;
	[tilespmem:$0x1C480] =	vst v63  }
0x46: {  	_ =	swait.ge [sflag:s12], $0x2000  }
0x47: {  	[sflag:s12] =	ssyncset.done $0x0  }
0x48: {  	s22 =	rddreg [dreg:$0x14];
	[sflag:s12] =	ssyncadd.s32 $0xFFFFE000  }
0x49: {  	[spmem:s22] =	stream.linear.scatter [tilespmem:s26], [sflag:$0xB], $0x2000, $0x38;
	[tilespmem:$0x1C480] =	vst v63  }
0x4a: {  	_ =	swait.ge [sflag:s12], $0x2000  }
0x4b: {  	[sflag:s12] =	ssyncset.done $0x0  }
0x4c: {  	[sflag:s12] =	ssyncadd.s32 $0xFFFFE000  }
0x4d: {  	[bflag:$0x0] =	sbarrier.arrive $0xFFFF  }
0x4e: {  	s18 =	rddreg [dreg:$0x9]  }
0x4f: {  	[tilespmem:s4], [sflag:$0xB] =	stream.linear.gather [hbm4b:s18+s4], $0x200, $0x38;
	[tilespmem:$0x1C480] =	vst v63  }
0x50: {  	_ =	swait.ge [sflag:s12], $0x200  }
0x51: {  	[sflag:s12] =	ssyncset.done $0x0  }
0x52: {  	s22 =	rddreg [dreg:$0xa];
	[sflag:s12] =	ssyncadd.s32 $0xFFFFFE00  }
0x53: {  	[tilespmem:s28], [sflag:$0xB] =	stream.linear.gather [hbm4b:s22+s4], $0x200, $0x38;
	[tilespmem:$0x1C480] =	vst v63  }
0x54: {  	_ =	swait.ge [sflag:s12], $0x200  }
0x55: {  	[sflag:s12] =	ssyncset.done $0x0  }
0x56: {  	s18 =	rddreg [dreg:$0xb];
	[sflag:s12] =	ssyncadd.s32 $0xFFFFFE00  }
0x57: {  	[tilespmem:s29], [sflag:$0xA] =	stream.linear.gather [hbm4b:s18+s4], $0x200, $0x38;
	[tilespmem:$0x1C480] =	vst v63  }
0x58: {  	s22 =	rddreg [dreg:$0xc]  }
0x59: {  	[tilespmem:s30], [sflag:$0xA] =	stream.linear.gather [hbm4b:s22+s4], $0x200, $0x38;
	[tilespmem:$0x1C480] =	vst v63  }
0x5a: {  	_ = 	snop  }
0x5b: {  	[tilespmem:s26], [sflag:$0x1] =	stream.indirect.gather [spmem:s2], $0x40, s4, s31, $0xb8;
	[tilespmem:$0x1C480] =	vst v63  }
0x5c: {  	_ = 	snop  }
0x5d: {  	[tilespmem:s0], [sflag:$0x2] =	stream.indirect.gather [spmem:s2], $0x40, s31, s31, $0xb8;
	[tilespmem:$0x1C480] =	vst v63  }
0x5e: {  	s18 =	simm.s32 $0x100  }
0x5f: {  	[tilespmem:s1], [sflag:$0x3] =	stream.indirect.gather [spmem:s2], $0x40, s18, s31, $0xb8;
	[tilespmem:$0x1C480] =	vst v63  }
0x60: {  	_ = 	snop  }
0x61: {  	[tilespmem:s6], [sflag:$0x4] =	stream.indirect.gather [spmem:s2], $0x40, s23, s31, $0xb8;
	[tilespmem:$0x1C480] =	vst v63  }
0x62: {  	_ =	swait.ge [sflag:s14], $0x2000  }
0x63: {  	[sflag:s14] =	ssyncset.done $0x0  }
0x64: {  	[sflag:s14] =	ssyncadd.s32 $0xFFFFE000  }
0x65: {  	[spmem:s3] =	stream.indirect.scatter.add.f32 [tilespmem:s26], [sflag:$0x5], $0x40, s28, s31, $0xb8;
	[tilespmem:$0x1C480] =	vst v63  }
0x66: {  	_ =	swait.ge [sflag:s15], $0x2000  }
0x67: {  	[sflag:s15] =	ssyncset.done $0x0  }
0x68: {  	[sflag:s15] =	ssyncadd.s32 $0xFFFFE000  }
0x69: {  	[spmem:s3] =	stream.indirect.scatter.add.f32 [tilespmem:s0], [sflag:$0x6], $0x40, s24, s31, $0xb8;
	[tilespmem:$0x1C480] =	vst v63  }
0x6a: {  	_ =	swait.ge [sflag:s17], $0x2000  }
0x6b: {  	[sflag:s17] =	ssyncset.done $0x0  }
0x6c: {  	s23 =	simm.s32 $0x500;
	[sflag:s17] =	ssyncadd.s32 $0xFFFFE000  }
0x6d: {  	[spmem:s3] =	stream.indirect.scatter.add.f32 [tilespmem:s1], [sflag:$0x7], $0x40, s23, s31, $0xb8;
	[tilespmem:$0x1C480] =	vst v63  }
0x6e: {  	_ =	swait.ge [sflag:s19], $0x2000  }
0x6f: {  	[sflag:s19] =	ssyncset.done $0x0  }
0x70: {  	s24 =	simm.s32 $0x580;
	[sflag:s19] =	ssyncadd.s32 $0xFFFFE000  }
0x71: {  	[spmem:s3] =	stream.indirect.scatter.add.f32 [tilespmem:s6], [sflag:$0x8], $0x40, s24, s31, $0xb8;
	[tilespmem:$0x1C480] =	vst v63  }
0x72: {  	_ =	swait.ge [sflag:s25], $0x200  }
0x73: {  	[sflag:s25] =	ssyncset.done $0x0  }
0x74: {  	[sflag:s25] =	ssyncadd.s32 $0xFFFFFE00  }
0x75: {  	_ =	swait.ge [sflag:s25], $0x200  }
0x76: {  	[sflag:s25] =	ssyncset.done $0x0  }
0x77: {  	[sflag:s25] =	ssyncadd.s32 $0xFFFFFE00  }
0x78: {  	_ =	swait.ge [sflag:s7], $0x2000  }
0x79: {  	[sflag:s7] =	ssyncset.done $0x0  }
0x7a: {  	[sflag:s7] =	ssyncadd.s32 $0xFFFFE000  }
0x7b: {  	_ =	swait.ge [sflag:s8], $0x2000  }
0x7c: {  	[sflag:s8] =	ssyncset.done $0x0  }
0x7d: {  	[sflag:s8] =	ssyncadd.s32 $0xFFFFE000  }
0x7e: {  	_ =	swait.ge [sflag:s9], $0x2000  }
0x7f: {  	[sflag:s9] =	ssyncset.done $0x0  }
0x80: {  	[sflag:s9] =	ssyncadd.s32 $0xFFFFE000  }
0x81: {  	_ =	swait.ge [sflag:s10], $0x2000  }
0x82: {  	[sflag:s10] =	ssyncset.done $0x0  }
0x83: {  	[sflag:s10] =	ssyncadd.s32 $0xFFFFE000  }
0x84: {  	[tilespmem:s26], [sflag:$0x1] =	stream.indirect.gather [spmem:s2], $0x40, s29, s31, $0xb8;
	[tilespmem:$0x1C480] =	vst v63  }
0x85: {  	_ = 	snop  }
0x86: {  	[tilespmem:s0], [sflag:$0x2] =	stream.indirect.gather [spmem:s2], $0x40, s5, s31, $0xb8;
	[tilespmem:$0x1C480] =	vst v63  }
0x87: {  	_ = 	snop  }
0x88: {  	[tilespmem:s1], [sflag:$0x3] =	stream.indirect.gather [spmem:s2], $0x40, s13, s31, $0xb8;
	[tilespmem:$0x1C480] =	vst v63  }
0x89: {  	s11 =	sadd.s32 $0xFFFFF680, s21;
	s12 =	simm.s32 $0x380  }
0x8a: {  	[tilespmem:s6], [sflag:$0x4] =	stream.indirect.gather [spmem:s2], $0x40, s12, s31, $0xb8;
	[tilespmem:$0x1C480] =	vst v63  }
0x8b: {  	s24 =	sadd.s32 $0xFFFFF680, s20;
	s13 =	sadd.s32 $0xA00, s11  }
0x8c: {  	[tilespmem:s4], [sflag:$0x9] =	stream.linear.gather [hbm4b:s13+s4], $0x200, $0x38;
	[tilespmem:$0x1C480] =	vst v63  }
0x8d: {  	s13 =	sadd.s32 $0xA00, s24  }
0x8e: {  	[tilespmem:s28], [sflag:$0x9] =	stream.linear.gather [hbm4b:s13+s4], $0x200, $0x38;
	[tilespmem:$0x1C480] =	vst v63  }
0x8f: {  	_ =	swait.ge [sflag:s14], $0x2000  }
0x90: {  	[sflag:s14] =	ssyncset.done $0x0  }
0x91: {  	[sflag:s14] =	ssyncadd.s32 $0xFFFFE000  }
0x92: {  	[spmem:s3] =	stream.indirect.scatter.add.f32 [tilespmem:s26], [sflag:$0x5], $0x40, s30, s31, $0xb8;
	[tilespmem:$0x1C480] =	vst v63  }
0x93: {  	_ =	swait.ge [sflag:s15], $0x2000  }
0x94: {  	[sflag:s15] =	ssyncset.done $0x0  }
0x95: {  	s13 =	simm.s32 $0x680;
	[sflag:s15] =	ssyncadd.s32 $0xFFFFE000  }
0x96: {  	[spmem:s3] =	stream.indirect.scatter.add.f32 [tilespmem:s0], [sflag:$0x6], $0x40, s13, s31, $0xb8;
	[tilespmem:$0x1C480] =	vst v63  }
0x97: {  	_ =	swait.ge [sflag:s17], $0x2000  }
0x98: {  	[sflag:s17] =	ssyncset.done $0x0  }
0x99: {  	s13 =	simm.s32 $0x700;
	[sflag:s17] =	ssyncadd.s32 $0xFFFFE000  }
0x9a: {  	[spmem:s3] =	stream.indirect.scatter.add.f32 [tilespmem:s1], [sflag:$0x7], $0x40, s13, s31, $0xb8;
	[tilespmem:$0x1C480] =	vst v63  }
0x9b: {  	_ =	swait.ge [sflag:s19], $0x2000  }
0x9c: {  	[sflag:s19] =	ssyncset.done $0x0  }
0x9d: {  	s13 =	simm.s32 $0x780;
	[sflag:s19] =	ssyncadd.s32 $0xFFFFE000  }
0x9e: {  	[spmem:s3] =	stream.indirect.scatter.add.f32 [tilespmem:s6], [sflag:$0x8], $0x40, s13, s31, $0xb8;
	[tilespmem:$0x1C480] =	vst v63  }
0x9f: {  	_ =	swait.ge [sflag:s16], $0x200  }
0xa0: {  	[sflag:s16] =	ssyncset.done $0x0  }
0xa1: {  	[sflag:s16] =	ssyncadd.s32 $0xFFFFFE00  }
0xa2: {  	_ =	swait.ge [sflag:s16], $0x200  }
0xa3: {  	[sflag:s16] =	ssyncset.done $0x0  }
0xa4: {  	[sflag:s16] =	ssyncadd.s32 $0xFFFFFE00  }
0xa5: {  	_ =	swait.ge [sflag:s7], $0x2000  }
0xa6: {  	[sflag:s7] =	ssyncset.done $0x0  }
0xa7: {  	[sflag:s7] =	ssyncadd.s32 $0xFFFFE000  }
0xa8: {  	_ =	swait.ge [sflag:s8], $0x2000  }
0xa9: {  	[sflag:s8] =	ssyncset.done $0x0  }
0xaa: {  	[sflag:s8] =	ssyncadd.s32 $0xFFFFE000  }
0xab: {  	_ =	swait.ge [sflag:s9], $0x2000  }
0xac: {  	[sflag:s9] =	ssyncset.done $0x0  }
0xad: {  	[sflag:s9] =	ssyncadd.s32 $0xFFFFE000  }
0xae: {  	_ =	swait.ge [sflag:s10], $0x2000  }
0xaf: {  	[sflag:s10] =	ssyncset.done $0x0  }
0xb0: {  	[sflag:s10] =	ssyncadd.s32 $0xFFFFE000  }
0xb1: {  	[tilespmem:s26], [sflag:$0x1] =	stream.indirect.gather [spmem:s2], $0x40, s4, s31, $0xb8;
	[tilespmem:$0x1C480] =	vst v63  }
0xb2: {  	_ = 	snop  }
0xb3: {  	[tilespmem:s0], [sflag:$0x2] =	stream.indirect.gather [spmem:s2], $0x40, s31, s31, $0xb8;
	[tilespmem:$0x1C480] =	vst v63  }
0xb4: {  	_ = 	snop  }
0xb5: {  	[tilespmem:s1], [sflag:$0x3] =	stream.indirect.gather [spmem:s2], $0x40, s18, s31, $0xb8;
	[tilespmem:$0x1C480] =	vst v63  }
0xb6: {  	s23 =	simm.s32 $0x180  }
0xb7: {  	[tilespmem:s6], [sflag:$0x4] =	stream.indirect.gather [spmem:s2], $0x40, s23, s31, $0xb8;
	[tilespmem:$0x1C480] =	vst v63  }
0xb8: {  	s22 =	simm.s32 $0x480;
	s5 =	simm.s32 $0x500;
	s11 =	sadd.s32 $0xA40, s11  }
0xb9: {  	[tilespmem:s29], [sflag:$0xA] =	stream.linear.gather [hbm4b:s11+s4], $0x200, $0x38;
	[tilespmem:$0x1C480] =	vst v63  }
0xba: {  	s13 =	simm.s32 $0x100;
	s18 =	simm.s32 $0xFFFFF700;
	s11 =	sadd.s32 $0xA40, s24  }
.LBB2_4:
0xbb: {  	[tilespmem:s30], [sflag:$0xA] =	stream.linear.gather [hbm4b:s11+s4], $0x200, $0x38;
	[tilespmem:$0x1C480] =	vst v63  }
0xbc: {  	s11 =	smov.u32 s18  }
0xbd: {  	p0 =	sne.s32 s18, $0xFFFFFF80;
	s18 =	sadd.s32 $0x80, s18;
	_ =	swait.ge [sflag:s14], $0x2000  }
0xbe: {  	[sflag:s14] =	ssyncset.done $0x0  }
0xbf: {  	[sflag:s14] =	ssyncadd.s32 $0xFFFFE000  }
0xc0: {  	[spmem:s3] =	stream.indirect.scatter.add.f32 [tilespmem:s26], [sflag:$0x5], $0x40, s28, s31, $0xb8;
	[tilespmem:$0x1C480] =	vst v63  }
0xc1: {  	_ =	swait.ge [sflag:s15], $0x2000  }
0xc2: {  	[sflag:s15] =	ssyncset.done $0x0  }
0xc3: {  	[sflag:s15] =	ssyncadd.s32 $0xFFFFE000  }
0xc4: {  	[spmem:s3] =	stream.indirect.scatter.add.f32 [tilespmem:s0], [sflag:$0x6], $0x40, s22, s31, $0xb8;
	[tilespmem:$0x1C480] =	vst v63  }
0xc5: {  	_ =	swait.ge [sflag:s17], $0x2000  }
0xc6: {  	[sflag:s17] =	ssyncset.done $0x0  }
0xc7: {  	[sflag:s17] =	ssyncadd.s32 $0xFFFFE000  }
0xc8: {  	[spmem:s3] =	stream.indirect.scatter.add.f32 [tilespmem:s1], [sflag:$0x7], $0x40, s5, s31, $0xb8;
	[tilespmem:$0x1C480] =	vst v63  }
0xc9: {  	_ =	swait.ge [sflag:s19], $0x2000  }
0xca: {  	[sflag:s19] =	ssyncset.done $0x0  }
0xcb: {  	s12 =	simm.s32 $0x580;
	[sflag:s19] =	ssyncadd.s32 $0xFFFFE000  }
0xcc: {  	[spmem:s3] =	stream.indirect.scatter.add.f32 [tilespmem:s6], [sflag:$0x8], $0x40, s12, s31, $0xb8;
	[tilespmem:$0x1C480] =	vst v63  }
0xcd: {  	_ =	swait.ge [sflag:s25], $0x200  }
0xce: {  	[sflag:s25] =	ssyncset.done $0x0  }
0xcf: {  	[sflag:s25] =	ssyncadd.s32 $0xFFFFFE00  }
0xd0: {  	_ =	swait.ge [sflag:s25], $0x200  }
0xd1: {  	[sflag:s25] =	ssyncset.done $0x0  }
0xd2: {  	[sflag:s25] =	ssyncadd.s32 $0xFFFFFE00  }
0xd3: {  	_ =	swait.ge [sflag:s7], $0x2000  }
0xd4: {  	[sflag:s7] =	ssyncset.done $0x0  }
0xd5: {  	[sflag:s7] =	ssyncadd.s32 $0xFFFFE000  }
0xd6: {  	_ =	swait.ge [sflag:s8], $0x2000  }
0xd7: {  	[sflag:s8] =	ssyncset.done $0x0  }
0xd8: {  	[sflag:s8] =	ssyncadd.s32 $0xFFFFE000  }
0xd9: {  	_ =	swait.ge [sflag:s9], $0x2000  }
0xda: {  	[sflag:s9] =	ssyncset.done $0x0  }
0xdb: {  	[sflag:s9] =	ssyncadd.s32 $0xFFFFE000  }
0xdc: {  	_ =	swait.ge [sflag:s10], $0x2000  }
0xdd: {  	[sflag:s10] =	ssyncset.done $0x0  }
0xde: {  	[sflag:s10] =	ssyncadd.s32 $0xFFFFE000  }
0xdf: {  	[tilespmem:s26], [sflag:$0x1] =	stream.indirect.gather [spmem:s2], $0x40, s29, s31, $0xb8;
	[tilespmem:$0x1C480] =	vst v63  }
0xe0: {  	s12 =	simm.s32 $0x280  }
0xe1: {  	[tilespmem:s0], [sflag:$0x2] =	stream.indirect.gather [spmem:s2], $0x40, s12, s31, $0xb8;
	[tilespmem:$0x1C480] =	vst v63  }
0xe2: {  	s12 =	simm.s32 $0x300  }
0xe3: {  	[tilespmem:s1], [sflag:$0x3] =	stream.indirect.gather [spmem:s2], $0x40, s12, s31, $0xb8;
	[tilespmem:$0x1C480] =	vst v63  }
0xe4: {  	s24 =	sadd.s32 s11, s21;
	s12 =	simm.s32 $0x380  }
0xe5: {  	[tilespmem:s6], [sflag:$0x4] =	stream.indirect.gather [spmem:s2], $0x40, s12, s31, $0xb8;
	[tilespmem:$0x1C480] =	vst v63  }
0xe6: {  	s11 =	sadd.s32 s11, s20;
	s12 =	sadd.s32 $0xA00, s24  }
0xe7: {  	[tilespmem:s4], [sflag:$0x9] =	stream.linear.gather [hbm4b:s12+s4], $0x200, $0x38;
	[tilespmem:$0x1C480] =	vst v63  }
0xe8: {  	s12 =	sadd.s32 $0xA00, s11  }
0xe9: {  	[tilespmem:s28], [sflag:$0x9] =	stream.linear.gather [hbm4b:s12+s4], $0x200, $0x38;
	[tilespmem:$0x1C480] =	vst v63  }
0xea: {  	_ =	swait.ge [sflag:s14], $0x2000  }
0xeb: {  	[sflag:s14] =	ssyncset.done $0x0  }
0xec: {  	[sflag:s14] =	ssyncadd.s32 $0xFFFFE000  }
0xed: {  	[spmem:s3] =	stream.indirect.scatter.add.f32 [tilespmem:s26], [sflag:$0x5], $0x40, s30, s31, $0xb8;
	[tilespmem:$0x1C480] =	vst v63  }
0xee: {  	_ =	swait.ge [sflag:s15], $0x2000  }
0xef: {  	[sflag:s15] =	ssyncset.done $0x0  }
0xf0: {  	s12 =	simm.s32 $0x680;
	[sflag:s15] =	ssyncadd.s32 $0xFFFFE000  }
0xf1: {  	[spmem:s3] =	stream.indirect.scatter.add.f32 [tilespmem:s0], [sflag:$0x6], $0x40, s12, s31, $0xb8;
	[tilespmem:$0x1C480] =	vst v63  }
0xf2: {  	_ =	swait.ge [sflag:s17], $0x2000  }
0xf3: {  	[sflag:s17] =	ssyncset.done $0x0  }
0xf4: {  	s12 =	simm.s32 $0x700;
	[sflag:s17] =	ssyncadd.s32 $0xFFFFE000  }
0xf5: {  	[spmem:s3] =	stream.indirect.scatter.add.f32 [tilespmem:s1], [sflag:$0x7], $0x40, s12, s31, $0xb8;
	[tilespmem:$0x1C480] =	vst v63  }
0xf6: {  	_ =	swait.ge [sflag:s19], $0x2000  }
0xf7: {  	[sflag:s19] =	ssyncset.done $0x0  }
0xf8: {  	s12 =	simm.s32 $0x780;
	[sflag:s19] =	ssyncadd.s32 $0xFFFFE000  }
0xf9: {  	[spmem:s3] =	stream.indirect.scatter.add.f32 [tilespmem:s6], [sflag:$0x8], $0x40, s12, s31, $0xb8;
	[tilespmem:$0x1C480] =	vst v63  }
0xfa: {  	_ =	swait.ge [sflag:s16], $0x200  }
0xfb: {  	[sflag:s16] =	ssyncset.done $0x0  }
0xfc: {  	[sflag:s16] =	ssyncadd.s32 $0xFFFFFE00  }
0xfd: {  	_ =	swait.ge [sflag:s16], $0x200  }
0xfe: {  	[sflag:s16] =	ssyncset.done $0x0  }
0xff: {  	[sflag:s16] =	ssyncadd.s32 $0xFFFFFE00  }
0x100: {  	_ =	swait.ge [sflag:s7], $0x2000  }
0x101: {  	[sflag:s7] =	ssyncset.done $0x0  }
0x102: {  	[sflag:s7] =	ssyncadd.s32 $0xFFFFE000  }
0x103: {  	_ =	swait.ge [sflag:s8], $0x2000  }
0x104: {  	[sflag:s8] =	ssyncset.done $0x0  }
0x105: {  	[sflag:s8] =	ssyncadd.s32 $0xFFFFE000  }
0x106: {  	_ =	swait.ge [sflag:s9], $0x2000  }
0x107: {  	[sflag:s9] =	ssyncset.done $0x0  }
0x108: {  	[sflag:s9] =	ssyncadd.s32 $0xFFFFE000  }
0x109: {  	_ =	swait.ge [sflag:s10], $0x2000  }
0x10a: {  	[sflag:s10] =	ssyncset.done $0x0  }
0x10b: {  	[sflag:s10] =	ssyncadd.s32 $0xFFFFE000  }
0x10c: {  	[tilespmem:s26], [sflag:$0x1] =	stream.indirect.gather [spmem:s2], $0x40, s4, s31, $0xb8;
	[tilespmem:$0x1C480] =	vst v63  }
0x10d: {  	_ = 	snop  }
0x10e: {  	[tilespmem:s0], [sflag:$0x2] =	stream.indirect.gather [spmem:s2], $0x40, s31, s31, $0xb8;
	[tilespmem:$0x1C480] =	vst v63  }
0x10f: {  	_ = 	snop  }
0x110: {  	[tilespmem:s1], [sflag:$0x3] =	stream.indirect.gather [spmem:s2], $0x40, s13, s31, $0xb8;
	[tilespmem:$0x1C480] =	vst v63  }
.Ltmp1:
0x111: {  	(pc) =	sbr.rel @p0 .LBB2_4-.Ltmp1, $4  }
0x112: {  	[tilespmem:s6], [sflag:$0x4] =	stream.indirect.gather [spmem:s2], $0x40, s23, s31, $0xb8;
	[tilespmem:$0x1C480] =	vst v63  }
0x113: {  	s12 =	sadd.s32 $0xA40, s24  }
0x114: {  	[tilespmem:s29], [sflag:$0xA] =	stream.linear.gather [hbm4b:s12+s4], $0x200, $0x38;
	[tilespmem:$0x1C480] =	vst v63  }
0x115: {  	s11 =	sadd.s32 $0xA40, s11  }
0x116: {  	[tilespmem:s30], [sflag:$0xA] =	stream.linear.gather [hbm4b:s11+s4], $0x200, $0x38;
	[tilespmem:$0x1C480] =	vst v63  }
0x117: {  	_ =	swait.ge [sflag:s14], $0x2000  }
0x118: {  	[sflag:s14] =	ssyncset.done $0x0  }
0x119: {  	[sflag:s14] =	ssyncadd.s32 $0xFFFFE000  }
0x11a: {  	[spmem:s3] =	stream.indirect.scatter.add.f32 [tilespmem:s26], [sflag:$0x5], $0x40, s28, s31, $0xb8;
	[tilespmem:$0x1C480] =	vst v63  }
0x11b: {  	_ =	swait.ge [sflag:s15], $0x2000  }
0x11c: {  	[sflag:s15] =	ssyncset.done $0x0  }
0x11d: {  	[sflag:s15] =	ssyncadd.s32 $0xFFFFE000  }
0x11e: {  	[spmem:s3] =	stream.indirect.scatter.add.f32 [tilespmem:s0], [sflag:$0x6], $0x40, s22, s31, $0xb8;
	[tilespmem:$0x1C480] =	vst v63  }
0x11f: {  	_ =	swait.ge [sflag:s17], $0x2000  }
0x120: {  	[sflag:s17] =	ssyncset.done $0x0  }
0x121: {  	[sflag:s17] =	ssyncadd.s32 $0xFFFFE000  }
0x122: {  	[spmem:s3] =	stream.indirect.scatter.add.f32 [tilespmem:s1], [sflag:$0x7], $0x40, s5, s31, $0xb8;
	[tilespmem:$0x1C480] =	vst v63  }
0x123: {  	_ =	swait.ge [sflag:s19], $0x2000  }
0x124: {  	[sflag:s19] =	ssyncset.done $0x0  }
0x125: {  	s11 =	simm.s32 $0x580;
	[sflag:s19] =	ssyncadd.s32 $0xFFFFE000  }
0x126: {  	[spmem:s3] =	stream.indirect.scatter.add.f32 [tilespmem:s6], [sflag:$0x8], $0x40, s11, s31, $0xb8;
	[tilespmem:$0x1C480] =	vst v63  }
0x127: {  	_ =	swait.ge [sflag:s25], $0x200  }
0x128: {  	[sflag:s25] =	ssyncset.done $0x0  }
0x129: {  	[sflag:s25] =	ssyncadd.s32 $0xFFFFFE00  }
0x12a: {  	_ =	swait.ge [sflag:s25], $0x200  }
0x12b: {  	[sflag:s25] =	ssyncset.done $0x0  }
0x12c: {  	[sflag:s25] =	ssyncadd.s32 $0xFFFFFE00  }
0x12d: {  	_ =	swait.ge [sflag:s7], $0x2000  }
0x12e: {  	[sflag:s7] =	ssyncset.done $0x0  }
0x12f: {  	[sflag:s7] =	ssyncadd.s32 $0xFFFFE000  }
0x130: {  	_ =	swait.ge [sflag:s8], $0x2000  }
0x131: {  	[sflag:s8] =	ssyncset.done $0x0  }
0x132: {  	[sflag:s8] =	ssyncadd.s32 $0xFFFFE000  }
0x133: {  	_ =	swait.ge [sflag:s9], $0x2000  }
0x134: {  	[sflag:s9] =	ssyncset.done $0x0  }
0x135: {  	[sflag:s9] =	ssyncadd.s32 $0xFFFFE000  }
0x136: {  	_ =	swait.ge [sflag:s10], $0x2000  }
0x137: {  	[sflag:s10] =	ssyncset.done $0x0  }
0x138: {  	[sflag:s10] =	ssyncadd.s32 $0xFFFFE000  }
0x139: {  	[tilespmem:s26], [sflag:$0x1] =	stream.indirect.gather [spmem:s2], $0x40, s29, s31, $0xb8;
	[tilespmem:$0x1C480] =	vst v63  }
0x13a: {  	s12 =	simm.s32 $0x280  }
0x13b: {  	[tilespmem:s0], [sflag:$0x2] =	stream.indirect.gather [spmem:s2], $0x40, s12, s31, $0xb8;
	[tilespmem:$0x1C480] =	vst v63  }
0x13c: {  	s13 =	simm.s32 $0x300  }
0x13d: {  	[tilespmem:s1], [sflag:$0x3] =	stream.indirect.gather [spmem:s2], $0x40, s13, s31, $0xb8;
	[tilespmem:$0x1C480] =	vst v63  }
0x13e: {  	s18 =	simm.s32 $0x380  }
0x13f: {  	[tilespmem:s6], [sflag:$0x4] =	stream.indirect.gather [spmem:s2], $0x40, s18, s31, $0xb8;
	[tilespmem:$0x1C480] =	vst v63  }
0x140: {  	_ =	swait.ge [sflag:s14], $0x2000  }
0x141: {  	[sflag:s14] =	ssyncset.done $0x0  }
0x142: {  	[sflag:s14] =	ssyncadd.s32 $0xFFFFE000  }
0x143: {  	[spmem:s3] =	stream.indirect.scatter.add.f32 [tilespmem:s26], [sflag:$0x5], $0x40, s30, s31, $0xb8;
	[tilespmem:$0x1C480] =	vst v63  }
0x144: {  	_ =	swait.ge [sflag:s15], $0x2000  }
0x145: {  	[sflag:s15] =	ssyncset.done $0x0  }
0x146: {  	s22 =	simm.s32 $0x680;
	[sflag:s15] =	ssyncadd.s32 $0xFFFFE000  }
0x147: {  	[spmem:s3] =	stream.indirect.scatter.add.f32 [tilespmem:s0], [sflag:$0x6], $0x40, s22, s31, $0xb8;
	[tilespmem:$0x1C480] =	vst v63  }
0x148: {  	_ =	swait.ge [sflag:s17], $0x2000  }
0x149: {  	[sflag:s17] =	ssyncset.done $0x0  }
0x14a: {  	s23 =	simm.s32 $0x700;
	[sflag:s17] =	ssyncadd.s32 $0xFFFFE000  }
0x14b: {  	[spmem:s3] =	stream.indirect.scatter.add.f32 [tilespmem:s1], [sflag:$0x7], $0x40, s23, s31, $0xb8;
	[tilespmem:$0x1C480] =	vst v63  }
0x14c: {  	_ =	swait.ge [sflag:s19], $0x2000  }
0x14d: {  	[sflag:s19] =	ssyncset.done $0x0  }
0x14e: {  	s24 =	simm.s32 $0x780;
	[sflag:s19] =	ssyncadd.s32 $0xFFFFE000  }
0x14f: {  	[spmem:s3] =	stream.indirect.scatter.add.f32 [tilespmem:s6], [sflag:$0x8], $0x40, s24, s31, $0xb8;
	[tilespmem:$0x1C480] =	vst v63  }
0x150: {  	_ =	swait.ge [sflag:s7], $0x2000  }
0x151: {  	[sflag:s7] =	ssyncset.done $0x0  }
0x152: {  	[sflag:s7] =	ssyncadd.s32 $0xFFFFE000  }
0x153: {  	_ =	swait.ge [sflag:s8], $0x2000  }
0x154: {  	[sflag:s8] =	ssyncset.done $0x0  }
0x155: {  	[sflag:s8] =	ssyncadd.s32 $0xFFFFE000  }
0x156: {  	_ =	swait.ge [sflag:s9], $0x2000  }
0x157: {  	[sflag:s9] =	ssyncset.done $0x0  }
0x158: {  	[sflag:s9] =	ssyncadd.s32 $0xFFFFE000  }
0x159: {  	_ =	swait.ge [sflag:s10], $0x2000  }
0x15a: {  	[sflag:s10] =	ssyncset.done $0x0  }
0x15b: {  	s11 =	simm.s32 $0x0;
	s12 =	simm.s32 $0x100;
	[sflag:s10] =	ssyncadd.s32 $0xFFFFE000  }
0x15c: {  	s18 =	simm.s32 $0x0;
	s22 =	simm.s32 $0x500;
	[bflag:$0x0] =	sbarrier.arrive $0xFFFF  }
.LBB2_6:
0x15d: {  	p0 =	sne.s32 s12, $0x7F00;
	[tilespmem:s11+$0x164B0] =	vst v0;
	s24 =	smov.u32 s12;
	s12 =	sadd.s32 $0x100, s12  }
.Ltmp2:
0x15e: {  	[tilespmem:s11+$0x164A0] =	vst v0;
	(pc) =	sbr.rel @p0 .LBB2_6-.Ltmp2, $3  }
0x15f: {  	[tilespmem:s11+$0x16480] =	vst v0  }
0x160: {  	[tilespmem:s11+$0x16490] =	vst v0;
	_ =	sdelay $0x1  }
0x161: {  	s11 =	sshra.s32 s24, $0x2  }
0x162: {  	[tilespmem:s11+$0x164B0] =	vst v0  }
0x163: {  	[tilespmem:s11+$0x164A0] =	vst v0  }
0x164: {  	[tilespmem:s11+$0x16480] =	vst v0  }
0x165: {  	[tilespmem:s11+$0x16490] =	vst v0;
	s13 =	simm.s32 $0xB  }
.LBB2_8:
0x166: {  	s11 =	sshll.u32 s18, $0x7;
	s12 =	rddreg [dreg:$0xd]  }
0x167: {  	s24 =	sadd.s32 s12, s11  }
0x168: {  	s11 =	sshll.u32 s24, $0x6  }
0x169: {  	s23 =	sadd.s32 s11, s3  }
0x16a: {  	[tilespmem:s26], [sflag:$0xB] =	stream.linear.gather [spmem:s23], $0x2000, $0x38;
	[tilespmem:$0x1C480] =	vst v63  }
0x16b: {  	_ =	swait.ge [sflag:s13], $0x2000  }
0x16c: {  	[sflag:s13] =	ssyncset.done $0x0  }
0x16d: {  	s5 =	smov.u32 s11;
	s11 =	simm.s32 $0x0;
	[sflag:s13] =	ssyncadd.s32 $0xFFFFE000  }
0x16e: {  	s12 =	simm.s32 $0x100;
	v1 =	vld [tilespmem:s11+$0x14480]  }
.LBB2_9:
0x16f: {  	p0 =	sne.s32 s12, $0x7F00;
	v2 =	vld [tilespmem:$0x800];
	_ =	sdelay $0x4  }
0x170: {  	v1 =	vadd.f32 v2, v1;
	_ =	sdelay $0x1  }
0x171: {  	v1 =	vmax.f32 v1, $0.0e+00  }
0x172: {  	[tilespmem:s11+$0x14480] =	vst v1;
	v1 =	vld [tilespmem:s11+$0x14490]  }
0x173: {  	v2 =	vld [tilespmem:$0x810];
	_ =	sdelay $0x4  }
0x174: {  	v1 =	vadd.f32 v2, v1;
	_ =	sdelay $0x1  }
0x175: {  	v1 =	vmax.f32 v1, $0.0e+00  }
0x176: {  	[tilespmem:s11+$0x14490] =	vst v1;
	v1 =	vld [tilespmem:s11+$0x144A0]  }
0x177: {  	v2 =	vld [tilespmem:$0x820];
	_ =	sdelay $0x4  }
0x178: {  	v1 =	vadd.f32 v2, v1;
	_ =	sdelay $0x1  }
0x179: {  	v1 =	vmax.f32 v1, $0.0e+00  }
0x17a: {  	[tilespmem:s11+$0x144A0] =	vst v1;
	v1 =	vld [tilespmem:s11+$0x144B0]  }
0x17b: {  	v2 =	vld [tilespmem:$0x830];
	_ =	sdelay $0x3  }
.Ltmp3:
0x17c: {  	(pc) =	sbr.rel @p0 .LBB2_9-.Ltmp3, $3  }
0x17d: {  	v1 =	vadd.f32 v2, v1;
	_ =	sdelay $0x1  }
0x17e: {  	s13 =	sshra.s32 s12, $0x2;
	v2 =	vmax.f32 v1, $0.0e+00  }
0x17f: {  	s12 =	sadd.s32 $0x100, s12;
	v1 =	vld [tilespmem:s13+$0x14480];
	[tilespmem:s11+$0x144B0] =	vst v2;
	s11 =	smov.u32 s13  }
0x180: {  	v2 =	vld [tilespmem:$0x800];
	_ =	sdelay $0x4  }
0x181: {  	v1 =	vadd.f32 v2, v1;
	_ =	sdelay $0x1  }
0x182: {  	v1 =	vmax.f32 v1, $0.0e+00  }
0x183: {  	[tilespmem:s11+$0x14480] =	vst v1;
	v1 =	vld [tilespmem:s11+$0x14490]  }
0x184: {  	v2 =	vld [tilespmem:$0x810];
	_ =	sdelay $0x4  }
0x185: {  	v1 =	vadd.f32 v2, v1;
	_ =	sdelay $0x1  }
0x186: {  	v1 =	vmax.f32 v1, $0.0e+00  }
0x187: {  	[tilespmem:s11+$0x14490] =	vst v1;
	v1 =	vld [tilespmem:s11+$0x144A0]  }
0x188: {  	v2 =	vld [tilespmem:$0x820];
	_ =	sdelay $0x4  }
0x189: {  	v1 =	vadd.f32 v2, v1;
	_ =	sdelay $0x1  }
0x18a: {  	v1 =	vmax.f32 v1, $0.0e+00  }
0x18b: {  	[tilespmem:s11+$0x144A0] =	vst v1;
	v1 =	vld [tilespmem:s11+$0x144B0]  }
0x18c: {  	v2 =	vld [tilespmem:$0x830];
	_ =	sdelay $0x4  }
0x18d: {  	p0 =	sgt.u32 s24, $0x2690;
	v1 =	vadd.f32 v2, v1  }
0x18e: {  	p1 =	sgt.u32 @p0 s24, $0x270F  }
0x18f: {  	p1 =	por p1, !p0;
	v1 =	vmax.f32 v1, $0.0e+00  }
0x190: {  	s12 =	rddreg [dreg:$0xe];
	[tilespmem:s11+$0x144B0] =	vst v1;
	s11 =	simm.s32 @!p1 $0x14480  }
0x191: {  	[spmem:s12] =	stream.linear.scatter @!p1 [tilespmem:s11], [sflag:$0xB], $0x400, $0x38;
	[tilespmem:$0x1C480] =	vst v63  }
0x192: {  	s11 =	simm.s32 @!p1 $0xB  }
0x193: {  	_ =	swait.ge @!p1 [sflag:s11], $0x400  }
0x194: {  	[sflag:s11] =	ssyncset.done @!p1 $0x0  }
0x195: {  	s12 =	simm.s32 @!p0 $0x14480;
	[sflag:s11] =	ssyncadd.s32 @!p1 $0xFFFFFC00;
	s11 =	sadd.s32 @!p0 s5, s2  }
0x196: {  	[spmem:s11] =	stream.linear.scatter @!p0 [tilespmem:s12], [sflag:$0xB], $0x2000, $0x38;
	[tilespmem:$0x1C480] =	vst v63  }
0x197: {  	s11 =	simm.s32 @!p0 $0xB  }
0x198: {  	_ =	swait.ge @!p0 [sflag:s11], $0x2000  }
0x199: {  	s18 =	sadd.s32 $0x1, s18;
	[sflag:s11] =	ssyncset.done @!p0 $0x0  }
0x19a: {  	[sflag:s11] =	ssyncadd.s32 @!p0 $0xFFFFE000;
	p0 =	sne.s32 s18, $0x5  }
.Ltmp4:
0x19b: {  	s13 =	simm.s32 $0xB;
	(pc) =	sbr.rel @p0 .LBB2_8-.Ltmp4, $4  }
0x19c: {  	[spmem:s23] =	stream.linear.scatter [tilespmem:s0], [sflag:$0xB], $0x2000, $0x38;
	[tilespmem:$0x1C480] =	vst v63  }
0x19d: {  	_ =	swait.ge [sflag:s13], $0x2000  }
0x19e: {  	[sflag:s13] =	ssyncset.done $0x0  }
0x19f: {  	[sflag:s13] =	ssyncadd.s32 $0xFFFFE000  }
0x1a0: {  	[bflag:$0x0] =	sbarrier.arrive $0xFFFF  }
0x1a1: {  	s11 =	rddreg [dreg:$0x9]  }
0x1a2: {  	[tilespmem:s4], [sflag:$0xB] =	stream.linear.gather [hbm4b:s11+s4], $0x200, $0x38;
	[tilespmem:$0x1C480] =	vst v63  }
0x1a3: {  	_ =	swait.ge [sflag:s13], $0x200  }
0x1a4: {  	[sflag:s13] =	ssyncset.done $0x0  }
0x1a5: {  	s23 =	rddreg [dreg:$0xa];
	[sflag:s13] =	ssyncadd.s32 $0xFFFFFE00  }
0x1a6: {  	[tilespmem:s28], [sflag:$0xB] =	stream.linear.gather [hbm4b:s23+s4], $0x200, $0x38;
	[tilespmem:$0x1C480] =	vst v63  }
0x1a7: {  	_ =	swait.ge [sflag:s13], $0x200  }
0x1a8: {  	[sflag:s13] =	ssyncset.done $0x0  }
0x1a9: {  	s24 =	rddreg [dreg:$0xb];
	[sflag:s13] =	ssyncadd.s32 $0xFFFFFE00  }
0x1aa: {  	[tilespmem:s29], [sflag:$0xA] =	stream.linear.gather [hbm4b:s24+s4], $0x200, $0x38;
	[tilespmem:$0x1C480] =	vst v63  }
0x1ab: {  	s5 =	rddreg [dreg:$0xc]  }
0x1ac: {  	[tilespmem:s30], [sflag:$0xA] =	stream.linear.gather [hbm4b:s5+s4], $0x200, $0x38;
	[tilespmem:$0x1C480] =	vst v63  }
0x1ad: {  	_ = 	snop  }
0x1ae: {  	[tilespmem:s26], [sflag:$0x1] =	stream.indirect.gather [spmem:s2], $0x40, s4, s31, $0xb8;
	[tilespmem:$0x1C480] =	vst v63  }
0x1af: {  	_ = 	snop  }
0x1b0: {  	[tilespmem:s0], [sflag:$0x2] =	stream.indirect.gather [spmem:s2], $0x40, s31, s31, $0xb8;
	[tilespmem:$0x1C480] =	vst v63  }
0x1b1: {  	s18 =	simm.s32 $0x100  }
0x1b2: {  	[tilespmem:s1], [sflag:$0x3] =	stream.indirect.gather [spmem:s2], $0x40, s18, s31, $0xb8;
	[tilespmem:$0x1C480] =	vst v63  }
0x1b3: {  	s5 =	simm.s32 $0x180  }
0x1b4: {  	[tilespmem:s6], [sflag:$0x4] =	stream.indirect.gather [spmem:s2], $0x40, s5, s31, $0xb8;
	[tilespmem:$0x1C480] =	vst v63  }
0x1b5: {  	_ =	swait.ge [sflag:s14], $0x2000  }
0x1b6: {  	[sflag:s14] =	ssyncset.done $0x0  }
0x1b7: {  	[sflag:s14] =	ssyncadd.s32 $0xFFFFE000  }
0x1b8: {  	[spmem:s3] =	stream.indirect.scatter.add.f32 [tilespmem:s26], [sflag:$0x5], $0x40, s28, s31, $0xb8;
	[tilespmem:$0x1C480] =	vst v63  }
0x1b9: {  	_ =	swait.ge [sflag:s15], $0x2000  }
0x1ba: {  	[sflag:s15] =	ssyncset.done $0x0  }
0x1bb: {  	s24 =	simm.s32 $0x480;
	[sflag:s15] =	ssyncadd.s32 $0xFFFFE000  }
0x1bc: {  	[spmem:s3] =	stream.indirect.scatter.add.f32 [tilespmem:s0], [sflag:$0x6], $0x40, s24, s31, $0xb8;
	[tilespmem:$0x1C480] =	vst v63  }
0x1bd: {  	_ =	swait.ge [sflag:s17], $0x2000  }
0x1be: {  	[sflag:s17] =	ssyncset.done $0x0  }
0x1bf: {  	[sflag:s17] =	ssyncadd.s32 $0xFFFFE000  }
0x1c0: {  	[spmem:s3] =	stream.indirect.scatter.add.f32 [tilespmem:s1], [sflag:$0x7], $0x40, s22, s31, $0xb8;
	[tilespmem:$0x1C480] =	vst v63  }
0x1c1: {  	_ =	swait.ge [sflag:s19], $0x2000  }
0x1c2: {  	[sflag:s19] =	ssyncset.done $0x0  }
0x1c3: {  	s12 =	simm.s32 $0x580;
	[sflag:s19] =	ssyncadd.s32 $0xFFFFE000  }
0x1c4: {  	[spmem:s3] =	stream.indirect.scatter.add.f32 [tilespmem:s6], [sflag:$0x8], $0x40, s12, s31, $0xb8;
	[tilespmem:$0x1C480] =	vst v63  }
0x1c5: {  	_ =	swait.ge [sflag:s25], $0x200  }
0x1c6: {  	[sflag:s25] =	ssyncset.done $0x0  }
0x1c7: {  	[sflag:s25] =	ssyncadd.s32 $0xFFFFFE00  }
0x1c8: {  	_ =	swait.ge [sflag:s25], $0x200  }
0x1c9: {  	[sflag:s25] =	ssyncset.done $0x0  }
0x1ca: {  	[sflag:s25] =	ssyncadd.s32 $0xFFFFFE00  }
0x1cb: {  	_ =	swait.ge [sflag:s7], $0x2000  }
0x1cc: {  	[sflag:s7] =	ssyncset.done $0x0  }
0x1cd: {  	[sflag:s7] =	ssyncadd.s32 $0xFFFFE000  }
0x1ce: {  	_ =	swait.ge [sflag:s8], $0x2000  }
0x1cf: {  	[sflag:s8] =	ssyncset.done $0x0  }
0x1d0: {  	[sflag:s8] =	ssyncadd.s32 $0xFFFFE000  }
0x1d1: {  	_ =	swait.ge [sflag:s9], $0x2000  }
0x1d2: {  	[sflag:s9] =	ssyncset.done $0x0  }
0x1d3: {  	[sflag:s9] =	ssyncadd.s32 $0xFFFFE000  }
0x1d4: {  	_ =	swait.ge [sflag:s10], $0x2000  }
0x1d5: {  	[sflag:s10] =	ssyncset.done $0x0  }
0x1d6: {  	[sflag:s10] =	ssyncadd.s32 $0xFFFFE000  }
0x1d7: {  	[tilespmem:s26], [sflag:$0x1] =	stream.indirect.gather [spmem:s2], $0x40, s29, s31, $0xb8;
	[tilespmem:$0x1C480] =	vst v63  }
0x1d8: {  	s13 =	simm.s32 $0x280  }
0x1d9: {  	[tilespmem:s0], [sflag:$0x2] =	stream.indirect.gather [spmem:s2], $0x40, s13, s31, $0xb8;
	[tilespmem:$0x1C480] =	vst v63  }
0x1da: {  	s22 =	simm.s32 $0x300  }
0x1db: {  	[tilespmem:s1], [sflag:$0x3] =	stream.indirect.gather [spmem:s2], $0x40, s22, s31, $0xb8;
	[tilespmem:$0x1C480] =	vst v63  }
0x1dc: {  	s11 =	sadd.s32 $0xFFFFF680, s21;
	s23 =	simm.s32 $0x380  }
0x1dd: {  	[tilespmem:s6], [sflag:$0x4] =	stream.indirect.gather [spmem:s2], $0x40, s23, s31, $0xb8;
	[tilespmem:$0x1C480] =	vst v63  }
0x1de: {  	s12 =	sadd.s32 $0xA00, s11;
	s13 =	sadd.s32 $0xFFFFF680, s20  }
0x1df: {  	[tilespmem:s4], [sflag:$0x9] =	stream.linear.gather [hbm4b:s12+s4], $0x200, $0x38;
	[tilespmem:$0x1C480] =	vst v63  }
0x1e0: {  	s5 =	sadd.s32 $0xA00, s13  }
0x1e1: {  	[tilespmem:s28], [sflag:$0x9] =	stream.linear.gather [hbm4b:s5+s4], $0x200, $0x38;
	[tilespmem:$0x1C480] =	vst v63  }
0x1e2: {  	_ =	swait.ge [sflag:s14], $0x2000  }
0x1e3: {  	[sflag:s14] =	ssyncset.done $0x0  }
0x1e4: {  	[sflag:s14] =	ssyncadd.s32 $0xFFFFE000  }
0x1e5: {  	[spmem:s3] =	stream.indirect.scatter.add.f32 [tilespmem:s26], [sflag:$0x5], $0x40, s30, s31, $0xb8;
	[tilespmem:$0x1C480] =	vst v63  }
0x1e6: {  	_ =	swait.ge [sflag:s15], $0x2000  }
0x1e7: {  	[sflag:s15] =	ssyncset.done $0x0  }
0x1e8: {  	s12 =	simm.s32 $0x680;
	[sflag:s15] =	ssyncadd.s32 $0xFFFFE000  }
0x1e9: {  	[spmem:s3] =	stream.indirect.scatter.add.f32 [tilespmem:s0], [sflag:$0x6], $0x40, s12, s31, $0xb8;
	[tilespmem:$0x1C480] =	vst v63  }
0x1ea: {  	_ =	swait.ge [sflag:s17], $0x2000  }
0x1eb: {  	[sflag:s17] =	ssyncset.done $0x0  }
0x1ec: {  	s23 =	simm.s32 $0x700;
	[sflag:s17] =	ssyncadd.s32 $0xFFFFE000  }
0x1ed: {  	[spmem:s3] =	stream.indirect.scatter.add.f32 [tilespmem:s1], [sflag:$0x7], $0x40, s23, s31, $0xb8;
	[tilespmem:$0x1C480] =	vst v63  }
0x1ee: {  	_ =	swait.ge [sflag:s19], $0x2000  }
0x1ef: {  	[sflag:s19] =	ssyncset.done $0x0  }
0x1f0: {  	s23 =	simm.s32 $0x780;
	[sflag:s19] =	ssyncadd.s32 $0xFFFFE000  }
0x1f1: {  	[spmem:s3] =	stream.indirect.scatter.add.f32 [tilespmem:s6], [sflag:$0x8], $0x40, s23, s31, $0xb8;
	[tilespmem:$0x1C480] =	vst v63  }
0x1f2: {  	_ =	swait.ge [sflag:s16], $0x200  }
0x1f3: {  	[sflag:s16] =	ssyncset.done $0x0  }
0x1f4: {  	[sflag:s16] =	ssyncadd.s32 $0xFFFFFE00  }
0x1f5: {  	_ =	swait.ge [sflag:s16], $0x200  }
0x1f6: {  	[sflag:s16] =	ssyncset.done $0x0  }
0x1f7: {  	[sflag:s16] =	ssyncadd.s32 $0xFFFFFE00  }
0x1f8: {  	_ =	swait.ge [sflag:s7], $0x2000  }
0x1f9: {  	[sflag:s7] =	ssyncset.done $0x0  }
0x1fa: {  	[sflag:s7] =	ssyncadd.s32 $0xFFFFE000  }
0x1fb: {  	_ =	swait.ge [sflag:s8], $0x2000  }
0x1fc: {  	[sflag:s8] =	ssyncset.done $0x0  }
0x1fd: {  	[sflag:s8] =	ssyncadd.s32 $0xFFFFE000  }
0x1fe: {  	_ =	swait.ge [sflag:s9], $0x2000  }
0x1ff: {  	[sflag:s9] =	ssyncset.done $0x0  }
0x200: {  	[sflag:s9] =	ssyncadd.s32 $0xFFFFE000  }
0x201: {  	_ =	swait.ge [sflag:s10], $0x2000  }
0x202: {  	[sflag:s10] =	ssyncset.done $0x0  }
0x203: {  	[sflag:s10] =	ssyncadd.s32 $0xFFFFE000  }
0x204: {  	[tilespmem:s26], [sflag:$0x1] =	stream.indirect.gather [spmem:s2], $0x40, s4, s31, $0xb8;
	[tilespmem:$0x1C480] =	vst v63  }
0x205: {  	_ = 	snop  }
0x206: {  	[tilespmem:s0], [sflag:$0x2] =	stream.indirect.gather [spmem:s2], $0x40, s31, s31, $0xb8;
	[tilespmem:$0x1C480] =	vst v63  }
0x207: {  	_ = 	snop  }
0x208: {  	[tilespmem:s1], [sflag:$0x3] =	stream.indirect.gather [spmem:s2], $0x40, s18, s31, $0xb8;
	[tilespmem:$0x1C480] =	vst v63  }
0x209: {  	s11 =	sadd.s32 $0xA40, s11;
	s18 =	simm.s32 $0x180  }
0x20a: {  	[tilespmem:s6], [sflag:$0x4] =	stream.indirect.gather [spmem:s2], $0x40, s18, s31, $0xb8;
	[tilespmem:$0x1C480] =	vst v63  }
0x20b: {  	s22 =	simm.s32 $0x500;
	s5 =	simm.s32 $0x580;
	s23 =	simm.s32 $0x180  }
0x20c: {  	[tilespmem:s29], [sflag:$0xA] =	stream.linear.gather [hbm4b:s11+s4], $0x200, $0x38;
	[tilespmem:$0x1C480] =	vst v63  }
0x20d: {  	s18 =	simm.s32 $0xFFFFF700;
	s11 =	sadd.s32 $0xA40, s13;
	s13 =	simm.s32 $0x100  }
.LBB2_12:
0x20e: {  	[tilespmem:s30], [sflag:$0xA] =	stream.linear.gather [hbm4b:s11+s4], $0x200, $0x38;
	[tilespmem:$0x1C480] =	vst v63  }
0x20f: {  	s11 =	smov.u32 s18  }
0x210: {  	p0 =	sne.s32 s18, $0xFFFFFF80;
	s18 =	sadd.s32 $0x80, s18;
	_ =	swait.ge [sflag:s14], $0x2000  }
0x211: {  	[sflag:s14] =	ssyncset.done $0x0  }
0x212: {  	[sflag:s14] =	ssyncadd.s32 $0xFFFFE000  }
0x213: {  	[spmem:s3] =	stream.indirect.scatter.add.f32 [tilespmem:s26], [sflag:$0x5], $0x40, s28, s31, $0xb8;
	[tilespmem:$0x1C480] =	vst v63  }
0x214: {  	_ =	swait.ge [sflag:s15], $0x2000  }
0x215: {  	[sflag:s15] =	ssyncset.done $0x0  }
0x216: {  	[sflag:s15] =	ssyncadd.s32 $0xFFFFE000  }
0x217: {  	[spmem:s3] =	stream.indirect.scatter.add.f32 [tilespmem:s0], [sflag:$0x6], $0x40, s24, s31, $0xb8;
	[tilespmem:$0x1C480] =	vst v63  }
0x218: {  	_ =	swait.ge [sflag:s17], $0x2000  }
0x219: {  	[sflag:s17] =	ssyncset.done $0x0  }
0x21a: {  	[sflag:s17] =	ssyncadd.s32 $0xFFFFE000  }
0x21b: {  	[spmem:s3] =	stream.indirect.scatter.add.f32 [tilespmem:s1], [sflag:$0x7], $0x40, s22, s31, $0xb8;
	[tilespmem:$0x1C480] =	vst v63  }
0x21c: {  	_ =	swait.ge [sflag:s19], $0x2000  }
0x21d: {  	[sflag:s19] =	ssyncset.done $0x0  }
0x21e: {  	[sflag:s19] =	ssyncadd.s32 $0xFFFFE000  }
0x21f: {  	[spmem:s3] =	stream.indirect.scatter.add.f32 [tilespmem:s6], [sflag:$0x8], $0x40, s5, s31, $0xb8;
	[tilespmem:$0x1C480] =	vst v63  }
0x220: {  	_ =	swait.ge [sflag:s25], $0x200  }
0x221: {  	[sflag:s25] =	ssyncset.done $0x0  }
0x222: {  	[sflag:s25] =	ssyncadd.s32 $0xFFFFFE00  }
0x223: {  	_ =	swait.ge [sflag:s25], $0x200  }
0x224: {  	[sflag:s25] =	ssyncset.done $0x0  }
0x225: {  	[sflag:s25] =	ssyncadd.s32 $0xFFFFFE00  }
0x226: {  	_ =	swait.ge [sflag:s7], $0x2000  }
0x227: {  	[sflag:s7] =	ssyncset.done $0x0  }
0x228: {  	[sflag:s7] =	ssyncadd.s32 $0xFFFFE000  }
0x229: {  	_ =	swait.ge [sflag:s8], $0x2000  }
0x22a: {  	[sflag:s8] =	ssyncset.done $0x0  }
0x22b: {  	[sflag:s8] =	ssyncadd.s32 $0xFFFFE000  }
0x22c: {  	_ =	swait.ge [sflag:s9], $0x2000  }
0x22d: {  	[sflag:s9] =	ssyncset.done $0x0  }
0x22e: {  	[sflag:s9] =	ssyncadd.s32 $0xFFFFE000  }
0x22f: {  	_ =	swait.ge [sflag:s10], $0x2000  }
0x230: {  	[sflag:s10] =	ssyncset.done $0x0  }
0x231: {  	[sflag:s10] =	ssyncadd.s32 $0xFFFFE000  }
0x232: {  	[tilespmem:s26], [sflag:$0x1] =	stream.indirect.gather [spmem:s2], $0x40, s29, s31, $0xb8;
	[tilespmem:$0x1C480] =	vst v63  }
0x233: {  	s12 =	simm.s32 $0x280  }
0x234: {  	[tilespmem:s0], [sflag:$0x2] =	stream.indirect.gather [spmem:s2], $0x40, s12, s31, $0xb8;
	[tilespmem:$0x1C480] =	vst v63  }
0x235: {  	s12 =	simm.s32 $0x300  }
0x236: {  	[tilespmem:s1], [sflag:$0x3] =	stream.indirect.gather [spmem:s2], $0x40, s12, s31, $0xb8;
	[tilespmem:$0x1C480] =	vst v63  }
0x237: {  	s24 =	sadd.s32 s11, s21;
	s12 =	simm.s32 $0x380  }
0x238: {  	[tilespmem:s6], [sflag:$0x4] =	stream.indirect.gather [spmem:s2], $0x40, s12, s31, $0xb8;
	[tilespmem:$0x1C480] =	vst v63  }
0x239: {  	s11 =	sadd.s32 s11, s20;
	s12 =	sadd.s32 $0xA00, s24  }
0x23a: {  	[tilespmem:s4], [sflag:$0x9] =	stream.linear.gather [hbm4b:s12+s4], $0x200, $0x38;
	[tilespmem:$0x1C480] =	vst v63  }
0x23b: {  	s12 =	sadd.s32 $0xA00, s11  }
0x23c: {  	[tilespmem:s28], [sflag:$0x9] =	stream.linear.gather [hbm4b:s12+s4], $0x200, $0x38;
	[tilespmem:$0x1C480] =	vst v63  }
0x23d: {  	_ =	swait.ge [sflag:s14], $0x2000  }
0x23e: {  	[sflag:s14] =	ssyncset.done $0x0  }
0x23f: {  	[sflag:s14] =	ssyncadd.s32 $0xFFFFE000  }
0x240: {  	[spmem:s3] =	stream.indirect.scatter.add.f32 [tilespmem:s26], [sflag:$0x5], $0x40, s30, s31, $0xb8;
	[tilespmem:$0x1C480] =	vst v63  }
0x241: {  	_ =	swait.ge [sflag:s15], $0x2000  }
0x242: {  	[sflag:s15] =	ssyncset.done $0x0  }
0x243: {  	s12 =	simm.s32 $0x680;
	[sflag:s15] =	ssyncadd.s32 $0xFFFFE000  }
0x244: {  	[spmem:s3] =	stream.indirect.scatter.add.f32 [tilespmem:s0], [sflag:$0x6], $0x40, s12, s31, $0xb8;
	[tilespmem:$0x1C480] =	vst v63  }
0x245: {  	_ =	swait.ge [sflag:s17], $0x2000  }
0x246: {  	[sflag:s17] =	ssyncset.done $0x0  }
0x247: {  	s12 =	simm.s32 $0x700;
	[sflag:s17] =	ssyncadd.s32 $0xFFFFE000  }
0x248: {  	[spmem:s3] =	stream.indirect.scatter.add.f32 [tilespmem:s1], [sflag:$0x7], $0x40, s12, s31, $0xb8;
	[tilespmem:$0x1C480] =	vst v63  }
0x249: {  	_ =	swait.ge [sflag:s19], $0x2000  }
0x24a: {  	[sflag:s19] =	ssyncset.done $0x0  }
0x24b: {  	s12 =	simm.s32 $0x780;
	[sflag:s19] =	ssyncadd.s32 $0xFFFFE000  }
0x24c: {  	[spmem:s3] =	stream.indirect.scatter.add.f32 [tilespmem:s6], [sflag:$0x8], $0x40, s12, s31, $0xb8;
	[tilespmem:$0x1C480] =	vst v63  }
0x24d: {  	_ =	swait.ge [sflag:s16], $0x200  }
0x24e: {  	[sflag:s16] =	ssyncset.done $0x0  }
0x24f: {  	[sflag:s16] =	ssyncadd.s32 $0xFFFFFE00  }
0x250: {  	_ =	swait.ge [sflag:s16], $0x200  }
0x251: {  	[sflag:s16] =	ssyncset.done $0x0  }
0x252: {  	[sflag:s16] =	ssyncadd.s32 $0xFFFFFE00  }
0x253: {  	_ =	swait.ge [sflag:s7], $0x2000  }
0x254: {  	[sflag:s7] =	ssyncset.done $0x0  }
0x255: {  	[sflag:s7] =	ssyncadd.s32 $0xFFFFE000  }
0x256: {  	_ =	swait.ge [sflag:s8], $0x2000  }
0x257: {  	[sflag:s8] =	ssyncset.done $0x0  }
0x258: {  	[sflag:s8] =	ssyncadd.s32 $0xFFFFE000  }
0x259: {  	_ =	swait.ge [sflag:s9], $0x2000  }
0x25a: {  	[sflag:s9] =	ssyncset.done $0x0  }
0x25b: {  	[sflag:s9] =	ssyncadd.s32 $0xFFFFE000  }
0x25c: {  	_ =	swait.ge [sflag:s10], $0x2000  }
0x25d: {  	[sflag:s10] =	ssyncset.done $0x0  }
0x25e: {  	[sflag:s10] =	ssyncadd.s32 $0xFFFFE000  }
0x25f: {  	[tilespmem:s26], [sflag:$0x1] =	stream.indirect.gather [spmem:s2], $0x40, s4, s31, $0xb8;
	[tilespmem:$0x1C480] =	vst v63  }
0x260: {  	_ = 	snop  }
0x261: {  	[tilespmem:s0], [sflag:$0x2] =	stream.indirect.gather [spmem:s2], $0x40, s31, s31, $0xb8;
	[tilespmem:$0x1C480] =	vst v63  }
0x262: {  	_ = 	snop  }
0x263: {  	[tilespmem:s1], [sflag:$0x3] =	stream.indirect.gather [spmem:s2], $0x40, s13, s31, $0xb8;
	[tilespmem:$0x1C480] =	vst v63  }
.Ltmp5:
0x264: {  	(pc) =	sbr.rel @p0 .LBB2_12-.Ltmp5, $4  }
0x265: {  	[tilespmem:s6], [sflag:$0x4] =	stream.indirect.gather [spmem:s2], $0x40, s23, s31, $0xb8;
	[tilespmem:$0x1C480] =	vst v63  }
0x266: {  	s12 =	sadd.s32 $0xA40, s24;
	s24 =	simm.s32 $0x480  }
0x267: {  	[tilespmem:s29], [sflag:$0xA] =	stream.linear.gather [hbm4b:s12+s4], $0x200, $0x38;
	[tilespmem:$0x1C480] =	vst v63  }
0x268: {  	s11 =	sadd.s32 $0xA40, s11  }
0x269: {  	[tilespmem:s30], [sflag:$0xA] =	stream.linear.gather [hbm4b:s11+s4], $0x200, $0x38;
	[tilespmem:$0x1C480] =	vst v63  }
0x26a: {  	_ =	swait.ge [sflag:s14], $0x2000  }
0x26b: {  	[sflag:s14] =	ssyncset.done $0x0  }
0x26c: {  	[sflag:s14] =	ssyncadd.s32 $0xFFFFE000  }
0x26d: {  	[spmem:s3] =	stream.indirect.scatter.add.f32 [tilespmem:s26], [sflag:$0x5], $0x40, s28, s31, $0xb8;
	[tilespmem:$0x1C480] =	vst v63  }
0x26e: {  	_ =	swait.ge [sflag:s15], $0x2000  }
0x26f: {  	[sflag:s15] =	ssyncset.done $0x0  }
0x270: {  	[sflag:s15] =	ssyncadd.s32 $0xFFFFE000  }
0x271: {  	[spmem:s3] =	stream.indirect.scatter.add.f32 [tilespmem:s0], [sflag:$0x6], $0x40, s24, s31, $0xb8;
	[tilespmem:$0x1C480] =	vst v63  }
0x272: {  	_ =	swait.ge [sflag:s17], $0x2000  }
0x273: {  	[sflag:s17] =	ssyncset.done $0x0  }
0x274: {  	[sflag:s17] =	ssyncadd.s32 $0xFFFFE000  }
0x275: {  	[spmem:s3] =	stream.indirect.scatter.add.f32 [tilespmem:s1], [sflag:$0x7], $0x40, s22, s31, $0xb8;
	[tilespmem:$0x1C480] =	vst v63  }
0x276: {  	_ =	swait.ge [sflag:s19], $0x2000  }
0x277: {  	[sflag:s19] =	ssyncset.done $0x0  }
0x278: {  	[sflag:s19] =	ssyncadd.s32 $0xFFFFE000  }
0x279: {  	[spmem:s3] =	stream.indirect.scatter.add.f32 [tilespmem:s6], [sflag:$0x8], $0x40, s5, s31, $0xb8;
	[tilespmem:$0x1C480] =	vst v63  }
0x27a: {  	_ =	swait.ge [sflag:s25], $0x200  }
0x27b: {  	[sflag:s25] =	ssyncset.done $0x0  }
0x27c: {  	[sflag:s25] =	ssyncadd.s32 $0xFFFFFE00  }
0x27d: {  	_ =	swait.ge [sflag:s25], $0x200  }
0x27e: {  	[sflag:s25] =	ssyncset.done $0x0  }
0x27f: {  	[sflag:s25] =	ssyncadd.s32 $0xFFFFFE00  }
0x280: {  	_ =	swait.ge [sflag:s7], $0x2000  }
0x281: {  	[sflag:s7] =	ssyncset.done $0x0  }
0x282: {  	[sflag:s7] =	ssyncadd.s32 $0xFFFFE000  }
0x283: {  	_ =	swait.ge [sflag:s8], $0x2000  }
0x284: {  	[sflag:s8] =	ssyncset.done $0x0  }
0x285: {  	[sflag:s8] =	ssyncadd.s32 $0xFFFFE000  }
0x286: {  	_ =	swait.ge [sflag:s9], $0x2000  }
0x287: {  	[sflag:s9] =	ssyncset.done $0x0  }
0x288: {  	[sflag:s9] =	ssyncadd.s32 $0xFFFFE000  }
0x289: {  	_ =	swait.ge [sflag:s10], $0x2000  }
0x28a: {  	[sflag:s10] =	ssyncset.done $0x0  }
0x28b: {  	[sflag:s10] =	ssyncadd.s32 $0xFFFFE000  }
0x28c: {  	[tilespmem:s26], [sflag:$0x1] =	stream.indirect.gather [spmem:s2], $0x40, s29, s31, $0xb8;
	[tilespmem:$0x1C480] =	vst v63  }
0x28d: {  	s11 =	simm.s32 $0x280  }
0x28e: {  	[tilespmem:s0], [sflag:$0x2] =	stream.indirect.gather [spmem:s2], $0x40, s11, s31, $0xb8;
	[tilespmem:$0x1C480] =	vst v63  }
0x28f: {  	s12 =	simm.s32 $0x300  }
0x290: {  	[tilespmem:s1], [sflag:$0x3] =	stream.indirect.gather [spmem:s2], $0x40, s12, s31, $0xb8;
	[tilespmem:$0x1C480] =	vst v63  }
0x291: {  	s13 =	simm.s32 $0x380  }
0x292: {  	[tilespmem:s6], [sflag:$0x4] =	stream.indirect.gather [spmem:s2], $0x40, s13, s31, $0xb8;
	[tilespmem:$0x1C480] =	vst v63  }
0x293: {  	_ =	swait.ge [sflag:s14], $0x2000  }
0x294: {  	[sflag:s14] =	ssyncset.done $0x0  }
0x295: {  	[sflag:s14] =	ssyncadd.s32 $0xFFFFE000  }
0x296: {  	[spmem:s3] =	stream.indirect.scatter.add.f32 [tilespmem:s26], [sflag:$0x5], $0x40, s30, s31, $0xb8;
	[tilespmem:$0x1C480] =	vst v63  }
0x297: {  	_ =	swait.ge [sflag:s15], $0x2000  }
0x298: {  	[sflag:s15] =	ssyncset.done $0x0  }
0x299: {  	s18 =	simm.s32 $0x680;
	[sflag:s15] =	ssyncadd.s32 $0xFFFFE000  }
0x29a: {  	[spmem:s3] =	stream.indirect.scatter.add.f32 [tilespmem:s0], [sflag:$0x6], $0x40, s18, s31, $0xb8;
	[tilespmem:$0x1C480] =	vst v63  }
0x29b: {  	_ =	swait.ge [sflag:s17], $0x2000  }
0x29c: {  	[sflag:s17] =	ssyncset.done $0x0  }
0x29d: {  	s22 =	simm.s32 $0x700;
	[sflag:s17] =	ssyncadd.s32 $0xFFFFE000  }
0x29e: {  	[spmem:s3] =	stream.indirect.scatter.add.f32 [tilespmem:s1], [sflag:$0x7], $0x40, s22, s31, $0xb8;
	[tilespmem:$0x1C480] =	vst v63  }
0x29f: {  	_ =	swait.ge [sflag:s19], $0x2000  }
0x2a0: {  	[sflag:s19] =	ssyncset.done $0x0  }
0x2a1: {  	s23 =	simm.s32 $0x780;
	[sflag:s19] =	ssyncadd.s32 $0xFFFFE000  }
0x2a2: {  	[spmem:s3] =	stream.indirect.scatter.add.f32 [tilespmem:s6], [sflag:$0x8], $0x40, s23, s31, $0xb8;
	[tilespmem:$0x1C480] =	vst v63  }
0x2a3: {  	_ =	swait.ge [sflag:s7], $0x2000  }
0x2a4: {  	[sflag:s7] =	ssyncset.done $0x0  }
0x2a5: {  	[sflag:s7] =	ssyncadd.s32 $0xFFFFE000  }
0x2a6: {  	_ =	swait.ge [sflag:s8], $0x2000  }
0x2a7: {  	[sflag:s8] =	ssyncset.done $0x0  }
0x2a8: {  	[sflag:s8] =	ssyncadd.s32 $0xFFFFE000  }
0x2a9: {  	_ =	swait.ge [sflag:s9], $0x2000  }
0x2aa: {  	[sflag:s9] =	ssyncset.done $0x0  }
0x2ab: {  	[sflag:s9] =	ssyncadd.s32 $0xFFFFE000  }
0x2ac: {  	_ =	swait.ge [sflag:s10], $0x2000  }
0x2ad: {  	[sflag:s10] =	ssyncset.done $0x0  }
0x2ae: {  	[sflag:s10] =	ssyncadd.s32 $0xFFFFE000  }
0x2af: {  	[bflag:$0x0] =	sbarrier.arrive $0xFFFF  }
0x2b0: {  	s5 =	rddreg [dreg:$0xf]  }
0x2b1: {  	s12 =	rddreg [dreg:$0x16]  }
0x2b2: {  	s22 =	simm.s32 $0xB;
	s13 =	rddreg [dreg:$0x18]  }
0x2b3: {  	[hbm:s5], [sflag:s13] =	dma.local [spmem:s12], $0x1400  }
0x2b4: {  	_ =	swait.ge [sflag:s22], $0x1400  }
0x2b5: {  	s18 =	rddreg [dreg:$0x17]  }
0x2b6: {  	s23 =	rddreg [dreg:$0x10];
	s12 =	sadd.s32 $0x1, s18  }
0x2b7: {  	p0 =	sne.s32 s12, s23  }
.Ltmp6:
0x2b8: {  	_ = 	snop;
	(pc) =	sbr.rel @p0 .LBB2_1-.Ltmp6, $3  }
0x2b9: {  	_ =	sdelay $0x1  }
0x2ba: {  	s5 =	simm.s32 $0x280;
	[sflag:s22] =	ssyncset.done $0x0  }
0x2bb: {  	s13 =	simm.s32 $0x300;
	[sflag:s22] =	ssyncadd.s32 $0xFFFFEC00;
	s23 =	simm.s32 $0x180  }
0x2bc: {  	_ =	sfence.sel $0x180000  }
0x2bd: {  	[bflag:$0x0] =	sbarrier.arrive $0xFFFF  }
0x2be: {  	_ =	strace $0x90000047  }
0x2bf: {  	s0 =	stileid.u32;
	[bflag:$0x2] =	sbarrier.arrive $0xFFFF  }
0x2c0: {  	p0 =	sne.s32 s0, $0x0;
	s0 =	rddreg [dreg:$0x5]  }
0x2c1: {  	s0 =	sadd.s32 @!p0 $0x100000, s0  }
0x2c2: {  	[sflag:s0] =	ssyncadd.tile.s32 @!p0 $0x1;
	_ =	shalt  }
.Lfunc_end2:
_tile_overlayer_lowered:
.L_overlay_start_2:
0x2c3: {  	(tag) =	ssettag $0x2  }
0x2c4: {  	s0 =	rddreg [dreg:$0x0];
	s2 =	stileid.u32  }
0x2c5: {  	s1 =	rddreg [dreg:$0x1];
	p0 =	sne.s32 s2, $0x0  }
0x2c6: {  	s3 =	rddreg [dreg:$0x2];
	[bflag:$0x3] =	sbarrier.arrive $0xFFFF;
	s2 =	simm.s32 @!p0 $0x1C0B  }
0x2c7: {  	[timem:s3], [sflag:s2] =	dma.local @!p0 [hbm:s0], s1  }
0x2c8: {  	s0 =	simm.s32 @!p0 $0xB  }
0x2c9: {  	_ =	swait.ge @!p0 [sflag:s0], s1  }
0x2ca: {  	s1 =	ssub.s32 @!p0 $0x0, s1;
	[sflag:s0] =	ssyncset.done @!p0 $0x0  }
0x2cb: {  	[sflag:s0] =	ssyncadd.s32 @!p0 s1  }
0x2cc: {  	[bflag:$0x3] =	sbarrier.arrive $0xFFFF  }
0x2cd: {  	_ =	shalt  }

</sc_bundles>
